<compile_context>
chip_gen: v7x
topology: tpu7x:2x2x1
jax: 0.10.2.dev20260603
libtpu: 0.0.44.dev20260713+nightly
codegen_flags: <defaults>
</compile_context>

<pallas_src>
import functools

import jax
import jax.numpy as jnp
from jax import lax
from jax.experimental import pallas as pl
from jax.experimental.pallas import tpu as pltpu
from jax.experimental.pallas import tpu_sc as plsc

_D_MODEL = 2112
_MAX_LENGTH = 2048
_EMBED_DIM = _D_MODEL - _MAX_LENGTH
_LANES = 128
_NSLOT = 8



_GPW = 245
_CAP = 352


def _make_sc_gather(B, D):
    info = plsc.get_sparse_core_info()
    NC, NS = info.num_cores, info.num_subcores
    NW = NC * NS
    n_vregs = B // 16
    mesh = plsc.VectorSubcoreMesh(core_axis_name="c", subcore_axis_name="s")

    @functools.partial(
        pl.kernel,
        mesh=mesh,
        out_type=jax.ShapeDtypeStruct((B, D), jnp.float32),
        scratch_types=[
            pltpu.VMEM((B,), jnp.int32),
            pltpu.VMEM((_CAP,), jnp.int32),
            pltpu.VMEM((_CAP,), jnp.int32),
            pltpu.VMEM((256,), jnp.int32),
            pltpu.VMEM((256,), jnp.int32),
            pltpu.VMEM((_CAP,), jnp.int32),
            pltpu.VMEM((272,), jnp.int32),
            pltpu.VMEM((_NSLOT, D, _LANES), jnp.float32),
            pltpu.VMEM((_CAP, D), jnp.float32),
            pltpu.SemaphoreType.DMA((_NSLOT,)),
            pltpu.SemaphoreType.DMA,
        ],
        compiler_params=pltpu.CompilerParams(needs_layout_passes=False),
    )
    def gather_kernel(wt_hbm, idx_hbm, out_hbm, idx_all, mine_x, mine_t,
                      flags, csum, mine_o, glist, grp_v, crow_v, sem, osem):
        wid = lax.axis_index("s") * NC + lax.axis_index("c")
        glo = wid * _GPW
        lanes16 = lax.iota(jnp.int32, 16)
        pltpu.sync_copy(idx_hbm, idx_all)

        for v in range(_CAP // 16):
            mine_x[pl.ds(16 * v, 16)] = jnp.full((16,), -1, jnp.int32)
        for v in range(256 // 16):
            flags[pl.ds(16 * v, 16)] = jnp.zeros((16,), jnp.int32)
        for v in range(272 // 16):
            glist[pl.ds(16 * v, 16)] = jnp.full((16,), -3, jnp.int32)

        ones = jnp.ones((16,), jnp.int32)

        def scan_body(c2, off):
            for u in range(2):
                c = c2 * 2 + u
                v = idx_all[pl.ds(c * 16, 16)]
                rel = (v >> 7) - glo
                m = jnp.logical_and(rel >= 0, rel < _GPW)
                offc = jnp.minimum(off, _CAP - 16)
                plsc.store_compressed(mine_x.at[pl.ds(offc, 16)], v, mask=m)
                plsc.store_compressed(mine_t.at[pl.ds(offc, 16)],
                                      lanes16 + c * 16, mask=m)
                plsc.store_scatter(flags, [rel], ones, mask=m)
                off = off + plsc.all_reduce_population_count(m)[0]
            return off

        ntok = pl.loop(0, n_vregs // 2, init_carry=jnp.int32(0))(scan_body)
        ntok = jnp.minimum(ntok, _CAP)
        ng = jnp.int32(0)
        for c in range(256 // 16):
            fv = flags[pl.ds(16 * c, 16)]
            m = fv > 0
            plsc.store_compressed(glist.at[pl.ds(ng, 16)],
                                  lanes16 + 16 * c, mask=m)
            csum[pl.ds(16 * c, 16)] = plsc.cumsum(fv) + ng
            ng = ng + plsc.all_reduce_population_count(m)[0]
        nbatch = (ng + 3) >> 2

        for v in range(_CAP // 16):
            rel = (mine_x[pl.ds(16 * v, 16)] >> 7) - glo
            o = plsc.load_gather(csum, [jnp.maximum(rel, 0)]) - 1
            mine_o[pl.ds(16 * v, 16)] = jnp.where(rel >= 0, o, -1)

        def fire(rel_gid, slot):
            geff = jnp.maximum(rel_gid, 0)
            col0 = pl.multiple_of((glo + geff) * _LANES, _LANES)
            pltpu.async_copy(wt_hbm.at[:, pl.ds(col0, _LANES)],
                             grp_v.at[slot], sem.at[slot])

        def drain(slot):
            pltpu.make_async_copy(wt_hbm.at[:, pl.ds(0, _LANES)],
                                  grp_v.at[slot], sem.at[slot]).wait()

        def extract_batch(c):
            sbase = (c & 1) * 4

            def per_vreg(v):
                ov = mine_o[pl.ds(v * 16, 16)]
                m0 = (ov >> 2) == c
                xm = mine_x[pl.ds(v * 16, 16)]

                def ext_one(m):
                    l = plsc.all_reduce_ffs(m)[0]
                    lsp = jnp.broadcast_to(l, (16,))
                    xv = xm.at[lsp].get(mode="promise_in_bounds")[0]
                    slot = sbase + (
                        ov.at[lsp].get(mode="promise_in_bounds")[0] & 3)
                    row = v * 16 + l
                    lane = jnp.broadcast_to(xv & (_LANES - 1), (16,))
                    ssp = jnp.broadcast_to(slot, (16,))
                    for k in range(D // 16):
                        val = plsc.load_gather(
                            grp_v, [ssp, lanes16 + 16 * k, lane])
                        crow_v[row, pl.ds(16 * k, 16)] = val
                    return jnp.logical_and(m, lanes16 != l)

                lax.while_loop(jnp.any, ext_one, m0)

            pl.loop(0, _CAP // 16)(per_vreg)

        def fire_batch(c):
            w = glist[pl.ds(c * 4, 16)]

            @pl.when((c & 1) == 0)
            def _():
                for j in range(4):
                    fire(w[j], j)

            @pl.when((c & 1) == 1)
            def _():
                for j in range(4):
                    fire(w[j], 4 + j)

        @pl.when(nbatch > 0)
        def _():
            fire_batch(jnp.int32(0))

        @pl.when(nbatch > 1)
        def _():
            fire_batch(jnp.int32(1))

        def batch(c, _):
            @pl.when((c & 1) == 0)
            def _():
                for j in range(4):
                    drain(j)

            @pl.when((c & 1) == 1)
            def _():
                for j in range(4):
                    drain(4 + j)

            extract_batch(c)

            @pl.when(c + 2 < nbatch)
            def _():
                fire_batch(c + 2)
            return 0

        pl.loop(0, nbatch, init_carry=jnp.int32(0))(batch)

        def wout(r, _):
            base16 = (r >> 4) << 4
            win = mine_t[pl.ds(base16, 16)]
            tv = win.at[jnp.broadcast_to(r & 15, (16,))].get(
                mode="promise_in_bounds")[0]
            pltpu.async_copy(crow_v.at[pl.ds(r, 1)],
                             out_hbm.at[pl.ds(tv, 1)], osem)

            @pl.when(r >= 32)
            def _():
                pltpu.make_async_copy(crow_v.at[pl.ds(0, 1)],
                                      out_hbm.at[pl.ds(0, 1)], osem).wait()
            return 0

        pl.loop(0, ntok, init_carry=jnp.int32(0))(wout)

        def wdrain(r, _):
            pltpu.make_async_copy(crow_v.at[pl.ds(0, 1)],
                                  out_hbm.at[pl.ds(0, 1)], osem).wait()
            return 0

        pl.loop(0, jnp.minimum(ntok, 32), init_carry=jnp.int32(0))(wdrain)

    return gather_kernel



_CB = 528


def _pe_body(pos_ref, out_ref):
    j = pl.program_id(1)
    chan = lax.broadcasted_iota(jnp.int32, (_CB, _MAX_LENGTH), 0)
    target = chan + (j * _CB - _EMBED_DIM)
    out_ref[0] = (target == pos_ref[0]).astype(jnp.float32)


def _pe_write(pos3, batch, seq):
    grid = (batch, _D_MODEL // _CB)
    return pl.pallas_call(
        _pe_body,
        grid=grid,
        in_specs=[pl.BlockSpec((1, 1, seq), lambda b, j: (b, 0, 0))],
        out_specs=pl.BlockSpec((1, _CB, seq), lambda b, j: (b, j, 0)),
        out_shape=jax.ShapeDtypeStruct((batch, _D_MODEL, seq), jnp.float32),
    )(pos3)


def _tok_body(pe_ref, tok_ref, out_ref):
    del pe_ref
    row = lax.broadcasted_iota(jnp.int32, (_EMBED_DIM, _EMBED_DIM), 0)
    col = lax.broadcasted_iota(jnp.int32, (_EMBED_DIM, _EMBED_DIM), 1)
    eye = (row == col).astype(jnp.float32)
    out_ref[0] = lax.dot_general(eye, tok_ref[...],
                                 (((1,), (1,)), ((), ())),
                                 preferred_element_type=jnp.float32)


def _tok_write(pe, tok, batch, seq):
    return pl.pallas_call(
        _tok_body,
        grid=(batch,),
        in_specs=[
            pl.BlockSpec(memory_space=pl.ANY),
            pl.BlockSpec((seq, _EMBED_DIM), lambda b: (b, 0)),
        ],
        out_specs=pl.BlockSpec((1, _EMBED_DIM, seq), lambda b: (b, 0, 0)),
        out_shape=jax.ShapeDtypeStruct((batch, _D_MODEL, seq), jnp.float32),
        input_output_aliases={0: 0},
    )(pe, tok)


def kernel(x, pos, token_embed_weight):
    batch, seq = x.shape
    B = batch * seq
    x_flat = x.reshape(B).astype(jnp.int32)
    pos3 = pos.reshape(batch, 1, seq).astype(jnp.int32)
    w_t = token_embed_weight.T
    tok = _make_sc_gather(B, _EMBED_DIM)(w_t, x_flat)
    pe = _pe_write(pos3, batch, seq)
    out_t = _tok_write(pe, tok, batch, seq)
    return jnp.swapaxes(out_t, 1, 2)

# --- scband reference (transcript-rebuilt; emitter-appended) ---
"""Pipeline reference for scband-embedding-layer1-13821204758628 (READ-ONLY COPY).

The authoritative reference and input builder live on the scoring server;
editing this copy changes nothing except your own understanding.
"""

import jax, jax.numpy as jnp
import numpy as np

VOCAB = 1000000
D_MODEL = 2112
MAX_LENGTH = 2048
PAD_IDX = 0
EMBED_DIM = D_MODEL - MAX_LENGTH  # 64
BATCH = 4
SEQ_LEN = 2048


def setup_inputs(seed: int = 0) -> dict:
    key = jax.random.key(seed)
    k1, k2, k3 = jax.random.split(key, 3)
    x = jax.random.randint(k1, (BATCH, SEQ_LEN), 0, VOCAB)
    pos = jax.random.randint(k2, (BATCH, SEQ_LEN), 0, MAX_LENGTH)
    # xavier_uniform init for the embedding table, pad row zeroed (matches nn.init)
    bound = float(np.sqrt(6.0 / (VOCAB + EMBED_DIM)))
    w = jax.random.uniform(k3, (VOCAB, EMBED_DIM), dtype=jnp.float32,
                           minval=-bound, maxval=bound)
    w = w.at[PAD_IDX].set(0.0)
    return {"x": x, "pos": pos, "token_embed_weight": w}


def reference(x, pos, token_embed_weight):
    # x is integer token ids -> embedding gather path of the torch module
    tok = jnp.take(token_embed_weight, x, axis=0)              # [B, S, EMBED_DIM]
    pe = jax.nn.one_hot(pos, MAX_LENGTH, dtype=jnp.float32)    # [B, S, MAX_LENGTH]
    y = jnp.concatenate([tok, pe], axis=-1)                    # [B, S, D_MODEL]
    return y

if __name__ == "__main__":
    import jax
    _d = setup_inputs()
    print(jax.jit(kernel)(*tuple(_d.values())))

</pallas_src>

<mosaic_0001>
#map = affine_map<(d0, d1) -> (0, 0)>
#map1 = affine_map<(d0, d1) -> (0)>
module attributes {stable_mosaic.version = 14 : i64} {
  func.func @gather_kernel(%arg0: i32, %arg1: i32, %arg2: memref<64x1000000xf32, #tpu.memory_space<hbm>>, %arg3: memref<8192xi32, #tpu.memory_space<hbm>>, %arg4: memref<8192x64xf32, #tpu.memory_space<hbm>>, %arg5: memref<8192xi32, #tpu.memory_space<vmem>>, %arg6: memref<352xi32, #tpu.memory_space<vmem>>, %arg7: memref<352xi32, #tpu.memory_space<vmem>>, %arg8: memref<256xi32, #tpu.memory_space<vmem>>, %arg9: memref<256xi32, #tpu.memory_space<vmem>>, %arg10: memref<352xi32, #tpu.memory_space<vmem>>, %arg11: memref<272xi32, #tpu.memory_space<vmem>>, %arg12: memref<8x64x128xf32, #tpu.memory_space<vmem>>, %arg13: memref<352x64xf32, #tpu.memory_space<vmem>>, %arg14: memref<8x!tpu.dma_semaphore, #tpu.memory_space<semaphore_mem>>, %arg15: memref<!tpu.dma_semaphore, #tpu.memory_space<semaphore_mem>>) attributes {dimension_semantics = [#tpu.dimension_semantics<core_parallel>, #tpu.dimension_semantics<subcore_parallel>], iteration_bounds = array<i64: 2, 16>, scalar_prefetch = 0 : i64, scratch_operands = 11 : i64, tpu.core_type = #tpu.core_type<sc_vector_subcore>, window_params = [{transform_indices = #map}, {transform_indices = #map1}, {transform_indices = #map}]} {
    %mul3A = arith.constant 2 : i32
    %mul3A_0 = arith.muli %arg1, %mul3A : i32
    %add3A = arith.addi %mul3A_0, %arg0 : i32
    %mul3A_1 = arith.constant 245 : i32
    %mul3A_2 = arith.muli %add3A, %mul3A_1 : i32
    %iota3A = tpu.iota {dimensions = array<i32: 0>} : vector<16xi32>
    "tpu.region"() ({
      %run_scoped3A = tpu.sem_alloc : memref<!tpu.dma_semaphore, #tpu.memory_space<semaphore_mem>>
      tpu.enqueue_dma source(%arg3 : memref<8192xi32, #tpu.memory_space<hbm>>) target(%arg5 : memref<8192xi32, #tpu.memory_space<vmem>>) target_semaphore(%run_scoped3A : memref<!tpu.dma_semaphore, #tpu.memory_space<semaphore_mem>>)
      tpu.wait_dma2 semaphore(%run_scoped3A : memref<!tpu.dma_semaphore, #tpu.memory_space<semaphore_mem>>) src(%arg3 : memref<8192xi32, #tpu.memory_space<hbm>>) dst(%arg5 : memref<8192xi32, #tpu.memory_space<vmem>>)
      tpu.yield
    }) : () -> ()
    %broadcast_in_dim3A = arith.constant -1 : i32
    %broadcast_in_dim3A_3 = vector.broadcast %broadcast_in_dim3A : i32 to vector<16xi32>
    %swap3A = arith.constant 0 : index
    %swap3A_4 = tpu.vector_load %arg6[%swap3A] {strides = array<i32>} : memref<352xi32, #tpu.memory_space<vmem>>, vector<16xi32>,
    tpu.vector_store %arg6[%swap3A], %broadcast_in_dim3A_3 {strides = array<i32>} : memref<352xi32, #tpu.memory_space<vmem>>, vector<16xi32>,
    %broadcast_in_dim3A_5 = arith.constant -1 : i32
    %broadcast_in_dim3A_6 = vector.broadcast %broadcast_in_dim3A_5 : i32 to vector<16xi32>
    %swap3A_7 = arith.constant 16 : index
    %swap3A_8 = tpu.vector_load %arg6[%swap3A_7] {strides = array<i32>} : memref<352xi32, #tpu.memory_space<vmem>>, vector<16xi32>,
    tpu.vector_store %arg6[%swap3A_7], %broadcast_in_dim3A_6 {strides = array<i32>} : memref<352xi32, #tpu.memory_space<vmem>>, vector<16xi32>,
    %broadcast_in_dim3A_9 = arith.constant -1 : i32
    %broadcast_in_dim3A_10 = vector.broadcast %broadcast_in_dim3A_9 : i32 to vector<16xi32>
    %swap3A_11 = arith.constant 32 : index
    %swap3A_12 = tpu.vector_load %arg6[%swap3A_11] {strides = array<i32>} : memref<352xi32, #tpu.memory_space<vmem>>, vector<16xi32>,
    tpu.vector_store %arg6[%swap3A_11], %broadcast_in_dim3A_10 {strides = array<i32>} : memref<352xi32, #tpu.memory_space<vmem>>, vector<16xi32>,
    %broadcast_in_dim3A_13 = arith.constant -1 : i32
    %broadcast_in_dim3A_14 = vector.broadcast %broadcast_in_dim3A_13 : i32 to vector<16xi32>
    %swap3A_15 = arith.constant 48 : index
    %swap3A_16 = tpu.vector_load %arg6[%swap3A_15] {strides = array<i32>} : memref<352xi32, #tpu.memory_space<vmem>>, vector<16xi32>,
    tpu.vector_store %arg6[%swap3A_15], %broadcast_in_dim3A_14 {strides = array<i32>} : memref<352xi32, #tpu.memory_space<vmem>>, vector<16xi32>,
    %broadcast_in_dim3A_17 = arith.constant -1 : i32
    %broadcast_in_dim3A_18 = vector.broadcast %broadcast_in_dim3A_17 : i32 to vector<16xi32>
    %swap3A_19 = arith.constant 64 : index
    %swap3A_20 = tpu.vector_load %arg6[%swap3A_19] {strides = array<i32>} : memref<352xi32, #tpu.memory_space<vmem>>, vector<16xi32>,
    tpu.vector_store %arg6[%swap3A_19], %broadcast_in_dim3A_18 {strides = array<i32>} : memref<352xi32, #tpu.memory_space<vmem>>, vector<16xi32>,
    %broadcast_in_dim3A_21 = arith.constant -1 : i32
    %broadcast_in_dim3A_22 = vector.broadcast %broadcast_in_dim3A_21 : i32 to vector<16xi32>
    %swap3A_23 = arith.constant 80 : index
    %swap3A_24 = tpu.vector_load %arg6[%swap3A_23] {strides = array<i32>} : memref<352xi32, #tpu.memory_space<vmem>>, vector<16xi32>,
    tpu.vector_store %arg6[%swap3A_23], %broadcast_in_dim3A_22 {strides = array<i32>} : memref<352xi32, #tpu.memory_space<vmem>>, vector<16xi32>,
    %broadcast_in_dim3A_25 = arith.constant -1 : i32
    %broadcast_in_dim3A_26 = vector.broadcast %broadcast_in_dim3A_25 : i32 to vector<16xi32>
    %swap3A_27 = arith.constant 96 : index
    %swap3A_28 = tpu.vector_load %arg6[%swap3A_27] {strides = array<i32>} : memref<352xi32, #tpu.memory_space<vmem>>, vector<16xi32>,
    tpu.vector_store %arg6[%swap3A_27], %broadcast_in_dim3A_26 {strides = array<i32>} : memref<352xi32, #tpu.memory_space<vmem>>, vector<16xi32>,
    %broadcast_in_dim3A_29 = arith.constant -1 : i32
    %broadcast_in_dim3A_30 = vector.broadcast %broadcast_in_dim3A_29 : i32 to vector<16xi32>
    %swap3A_31 = arith.constant 112 : index
    %swap3A_32 = tpu.vector_load %arg6[%swap3A_31] {strides = array<i32>} : memref<352xi32, #tpu.memory_space<vmem>>, vector<16xi32>,
    tpu.vector_store %arg6[%swap3A_31], %broadcast_in_dim3A_30 {strides = array<i32>} : memref<352xi32, #tpu.memory_space<vmem>>, vector<16xi32>,
    %broadcast_in_dim3A_33 = arith.constant -1 : i32
    %broadcast_in_dim3A_34 = vector.broadcast %broadcast_in_dim3A_33 : i32 to vector<16xi32>
    %swap3A_35 = arith.constant 128 : index
    %swap3A_36 = tpu.vector_load %arg6[%swap3A_35] {strides = array<i32>} : memref<352xi32, #tpu.memory_space<vmem>>, vector<16xi32>,
    tpu.vector_store %arg6[%swap3A_35], %broadcast_in_dim3A_34 {strides = array<i32>} : memref<352xi32, #tpu.memory_space<vmem>>, vector<16xi32>,
    %broadcast_in_dim3A_37 = arith.constant -1 : i32
    %broadcast_in_dim3A_38 = vector.broadcast %broadcast_in_dim3A_37 : i32 to vector<16xi32>
    %swap3A_39 = arith.constant 144 : index
    %swap3A_40 = tpu.vector_load %arg6[%swap3A_39] {strides = array<i32>} : memref<352xi32, #tpu.memory_space<vmem>>, vector<16xi32>,
    tpu.vector_store %arg6[%swap3A_39], %broadcast_in_dim3A_38 {strides = array<i32>} : memref<352xi32, #tpu.memory_space<vmem>>, vector<16xi32>,
    %broadcast_in_dim3A_41 = arith.constant -1 : i32
    %broadcast_in_dim3A_42 = vector.broadcast %broadcast_in_dim3A_41 : i32 to vector<16xi32>
    %swap3A_43 = arith.constant 160 : index
    %swap3A_44 = tpu.vector_load %arg6[%swap3A_43] {strides = array<i32>} : memref<352xi32, #tpu.memory_space<vmem>>, vector<16xi32>,
    tpu.vector_store %arg6[%swap3A_43], %broadcast_in_dim3A_42 {strides = array<i32>} : memref<352xi32, #tpu.memory_space<vmem>>, vector<16xi32>,
    %broadcast_in_dim3A_45 = arith.constant -1 : i32
    %broadcast_in_dim3A_46 = vector.broadcast %broadcast_in_dim3A_45 : i32 to vector<16xi32>
    %swap3A_47 = arith.constant 176 : index
    %swap3A_48 = tpu.vector_load %arg6[%swap3A_47] {strides = array<i32>} : memref<352xi32, #tpu.memory_space<vmem>>, vector<16xi32>,
    tpu.vector_store %arg6[%swap3A_47], %broadcast_in_dim3A_46 {strides = array<i32>} : memref<352xi32, #tpu.memory_space<vmem>>, vector<16xi32>,
    %broadcast_in_dim3A_49 = arith.constant -1 : i32
    %broadcast_in_dim3A_50 = vector.broadcast %broadcast_in_dim3A_49 : i32 to vector<16xi32>
    %swap3A_51 = arith.constant 192 : index
    %swap3A_52 = tpu.vector_load %arg6[%swap3A_51] {strides = array<i32>} : memref<352xi32, #tpu.memory_space<vmem>>, vector<16xi32>,
    tpu.vector_store %arg6[%swap3A_51], %broadcast_in_dim3A_50 {strides = array<i32>} : memref<352xi32, #tpu.memory_space<vmem>>, vector<16xi32>,
    %broadcast_in_dim3A_53 = arith.constant -1 : i32
    %broadcast_in_dim3A_54 = vector.broadcast %broadcast_in_dim3A_53 : i32 to vector<16xi32>
    %swap3A_55 = arith.constant 208 : index
    %swap3A_56 = tpu.vector_load %arg6[%swap3A_55] {strides = array<i32>} : memref<352xi32, #tpu.memory_space<vmem>>, vector<16xi32>,
    tpu.vector_store %arg6[%swap3A_55], %broadcast_in_dim3A_54 {strides = array<i32>} : memref<352xi32, #tpu.memory_space<vmem>>, vector<16xi32>,
    %broadcast_in_dim3A_57 = arith.constant -1 : i32
    %broadcast_in_dim3A_58 = vector.broadcast %broadcast_in_dim3A_57 : i32 to vector<16xi32>
    %swap3A_59 = arith.constant 224 : index
    %swap3A_60 = tpu.vector_load %arg6[%swap3A_59] {strides = array<i32>} : memref<352xi32, #tpu.memory_space<vmem>>, vector<16xi32>,
    tpu.vector_store %arg6[%swap3A_59], %broadcast_in_dim3A_58 {strides = array<i32>} : memref<352xi32, #tpu.memory_space<vmem>>, vector<16xi32>,
    %broadcast_in_dim3A_61 = arith.constant -1 : i32
    %broadcast_in_dim3A_62 = vector.broadcast %broadcast_in_dim3A_61 : i32 to vector<16xi32>
    %swap3A_63 = arith.constant 240 : index
    %swap3A_64 = tpu.vector_load %arg6[%swap3A_63] {strides = array<i32>} : memref<352xi32, #tpu.memory_space<vmem>>, vector<16xi32>,
    tpu.vector_store %arg6[%swap3A_63], %broadcast_in_dim3A_62 {strides = array<i32>} : memref<352xi32, #tpu.memory_space<vmem>>, vector<16xi32>,
    %broadcast_in_dim3A_65 = arith.constant -1 : i32
    %broadcast_in_dim3A_66 = vector.broadcast %broadcast_in_dim3A_65 : i32 to vector<16xi32>
    %swap3A_67 = arith.constant 256 : index
    %swap3A_68 = tpu.vector_load %arg6[%swap3A_67] {strides = array<i32>} : memref<352xi32, #tpu.memory_space<vmem>>, vector<16xi32>,
    tpu.vector_store %arg6[%swap3A_67], %broadcast_in_dim3A_66 {strides = array<i32>} : memref<352xi32, #tpu.memory_space<vmem>>, vector<16xi32>,
    %broadcast_in_dim3A_69 = arith.constant -1 : i32
    %broadcast_in_dim3A_70 = vector.broadcast %broadcast_in_dim3A_69 : i32 to vector<16xi32>
    %swap3A_71 = arith.constant 272 : index
    %swap3A_72 = tpu.vector_load %arg6[%swap3A_71] {strides = array<i32>} : memref<352xi32, #tpu.memory_space<vmem>>, vector<16xi32>,
    tpu.vector_store %arg6[%swap3A_71], %broadcast_in_dim3A_70 {strides = array<i32>} : memref<352xi32, #tpu.memory_space<vmem>>, vector<16xi32>,
    %broadcast_in_dim3A_73 = arith.constant -1 : i32
    %broadcast_in_dim3A_74 = vector.broadcast %broadcast_in_dim3A_73 : i32 to vector<16xi32>
    %swap3A_75 = arith.constant 288 : index
    %swap3A_76 = tpu.vector_load %arg6[%swap3A_75] {strides = array<i32>} : memref<352xi32, #tpu.memory_space<vmem>>, vector<16xi32>,
    tpu.vector_store %arg6[%swap3A_75], %broadcast_in_dim3A_74 {strides = array<i32>} : memref<352xi32, #tpu.memory_space<vmem>>, vector<16xi32>,
    %broadcast_in_dim3A_77 = arith.constant -1 : i32
    %broadcast_in_dim3A_78 = vector.broadcast %broadcast_in_dim3A_77 : i32 to vector<16xi32>
    %swap3A_79 = arith.constant 304 : index
    %swap3A_80 = tpu.vector_load %arg6[%swap3A_79] {strides = array<i32>} : memref<352xi32, #tpu.memory_space<vmem>>, vector<16xi32>,
    tpu.vector_store %arg6[%swap3A_79], %broadcast_in_dim3A_78 {strides = array<i32>} : memref<352xi32, #tpu.memory_space<vmem>>, vector<16xi32>,
    %broadcast_in_dim3A_81 = arith.constant -1 : i32
    %broadcast_in_dim3A_82 = vector.broadcast %broadcast_in_dim3A_81 : i32 to vector<16xi32>
    %swap3A_83 = arith.constant 320 : index
    %swap3A_84 = tpu.vector_load %arg6[%swap3A_83] {strides = array<i32>} : memref<352xi32, #tpu.memory_space<vmem>>, vector<16xi32>,
    tpu.vector_store %arg6[%swap3A_83], %broadcast_in_dim3A_82 {strides = array<i32>} : memref<352xi32, #tpu.memory_space<vmem>>, vector<16xi32>,
    %broadcast_in_dim3A_85 = arith.constant -1 : i32
    %broadcast_in_dim3A_86 = vector.broadcast %broadcast_in_dim3A_85 : i32 to vector<16xi32>
    %swap3A_87 = arith.constant 336 : index
    %swap3A_88 = tpu.vector_load %arg6[%swap3A_87] {strides = array<i32>} : memref<352xi32, #tpu.memory_space<vmem>>, vector<16xi32>,
    tpu.vector_store %arg6[%swap3A_87], %broadcast_in_dim3A_86 {strides = array<i32>} : memref<352xi32, #tpu.memory_space<vmem>>, vector<16xi32>,
    %broadcast_in_dim3A_89 = arith.constant 0 : i32
    %broadcast_in_dim3A_90 = vector.broadcast %broadcast_in_dim3A_89 : i32 to vector<16xi32>
    %swap3A_91 = arith.constant 0 : index
    %swap3A_92 = tpu.vector_load %arg8[%swap3A_91] {strides = array<i32>} : memref<256xi32, #tpu.memory_space<vmem>>, vector<16xi32>,
    tpu.vector_store %arg8[%swap3A_91], %broadcast_in_dim3A_90 {strides = array<i32>} : memref<256xi32, #tpu.memory_space<vmem>>, vector<16xi32>,
    %broadcast_in_dim3A_93 = arith.constant 0 : i32
    %broadcast_in_dim3A_94 = vector.broadcast %broadcast_in_dim3A_93 : i32 to vector<16xi32>
    %swap3A_95 = arith.constant 16 : index
    %swap3A_96 = tpu.vector_load %arg8[%swap3A_95] {strides = array<i32>} : memref<256xi32, #tpu.memory_space<vmem>>, vector<16xi32>,
    tpu.vector_store %arg8[%swap3A_95], %broadcast_in_dim3A_94 {strides = array<i32>} : memref<256xi32, #tpu.memory_space<vmem>>, vector<16xi32>,
    %broadcast_in_dim3A_97 = arith.constant 0 : i32
    %broadcast_in_dim3A_98 = vector.broadcast %broadcast_in_dim3A_97 : i32 to vector<16xi32>
    %swap3A_99 = arith.constant 32 : index
    %swap3A_100 = tpu.vector_load %arg8[%swap3A_99] {strides = array<i32>} : memref<256xi32, #tpu.memory_space<vmem>>, vector<16xi32>,
    tpu.vector_store %arg8[%swap3A_99], %broadcast_in_dim3A_98 {strides = array<i32>} : memref<256xi32, #tpu.memory_space<vmem>>, vector<16xi32>,
    %broadcast_in_dim3A_101 = arith.constant 0 : i32
    %broadcast_in_dim3A_102 = vector.broadcast %broadcast_in_dim3A_101 : i32 to vector<16xi32>
    %swap3A_103 = arith.constant 48 : index
    %swap3A_104 = tpu.vector_load %arg8[%swap3A_103] {strides = array<i32>} : memref<256xi32, #tpu.memory_space<vmem>>, vector<16xi32>,
    tpu.vector_store %arg8[%swap3A_103], %broadcast_in_dim3A_102 {strides = array<i32>} : memref<256xi32, #tpu.memory_space<vmem>>, vector<16xi32>,
    %broadcast_in_dim3A_105 = arith.constant 0 : i32
    %broadcast_in_dim3A_106 = vector.broadcast %broadcast_in_dim3A_105 : i32 to vector<16xi32>
    %swap3A_107 = arith.constant 64 : index
    %swap3A_108 = tpu.vector_load %arg8[%swap3A_107] {strides = array<i32>} : memref<256xi32, #tpu.memory_space<vmem>>, vector<16xi32>,
    tpu.vector_store %arg8[%swap3A_107], %broadcast_in_dim3A_106 {strides = array<i32>} : memref<256xi32, #tpu.memory_space<vmem>>, vector<16xi32>,
    %broadcast_in_dim3A_109 = arith.constant 0 : i32
    %broadcast_in_dim3A_110 = vector.broadcast %broadcast_in_dim3A_109 : i32 to vector<16xi32>
    %swap3A_111 = arith.constant 80 : index
    %swap3A_112 = tpu.vector_load %arg8[%swap3A_111] {strides = array<i32>} : memref<256xi32, #tpu.memory_space<vmem>>, vector<16xi32>,
    tpu.vector_store %arg8[%swap3A_111], %broadcast_in_dim3A_110 {strides = array<i32>} : memref<256xi32, #tpu.memory_space<vmem>>, vector<16xi32>,
    %broadcast_in_dim3A_113 = arith.constant 0 : i32
    %broadcast_in_dim3A_114 = vector.broadcast %broadcast_in_dim3A_113 : i32 to vector<16xi32>
    %swap3A_115 = arith.constant 96 : index
    %swap3A_116 = tpu.vector_load %arg8[%swap3A_115] {strides = array<i32>} : memref<256xi32, #tpu.memory_space<vmem>>, vector<16xi32>,
    tpu.vector_store %arg8[%swap3A_115], %broadcast_in_dim3A_114 {strides = array<i32>} : memref<256xi32, #tpu.memory_space<vmem>>, vector<16xi32>,
    %broadcast_in_dim3A_117 = arith.constant 0 : i32
    %broadcast_in_dim3A_118 = vector.broadcast %broadcast_in_dim3A_117 : i32 to vector<16xi32>
    %swap3A_119 = arith.constant 112 : index
    %swap3A_120 = tpu.vector_load %arg8[%swap3A_119] {strides = array<i32>} : memref<256xi32, #tpu.memory_space<vmem>>, vector<16xi32>,
    tpu.vector_store %arg8[%swap3A_119], %broadcast_in_dim3A_118 {strides = array<i32>} : memref<256xi32, #tpu.memory_space<vmem>>, vector<16xi32>,
    %broadcast_in_dim3A_121 = arith.constant 0 : i32
    %broadcast_in_dim3A_122 = vector.broadcast %broadcast_in_dim3A_121 : i32 to vector<16xi32>
    %swap3A_123 = arith.constant 128 : index
    %swap3A_124 = tpu.vector_load %arg8[%swap3A_123] {strides = array<i32>} : memref<256xi32, #tpu.memory_space<vmem>>, vector<16xi32>,
    tpu.vector_store %arg8[%swap3A_123], %broadcast_in_dim3A_122 {strides = array<i32>} : memref<256xi32, #tpu.memory_space<vmem>>, vector<16xi32>,
    %broadcast_in_dim3A_125 = arith.constant 0 : i32
    %broadcast_in_dim3A_126 = vector.broadcast %broadcast_in_dim3A_125 : i32 to vector<16xi32>
    %swap3A_127 = arith.constant 144 : index
    %swap3A_128 = tpu.vector_load %arg8[%swap3A_127] {strides = array<i32>} : memref<256xi32, #tpu.memory_space<vmem>>, vector<16xi32>,
    tpu.vector_store %arg8[%swap3A_127], %broadcast_in_dim3A_126 {strides = array<i32>} : memref<256xi32, #tpu.memory_space<vmem>>, vector<16xi32>,
    %broadcast_in_dim3A_129 = arith.constant 0 : i32
    %broadcast_in_dim3A_130 = vector.broadcast %broadcast_in_dim3A_129 : i32 to vector<16xi32>
    %swap3A_131 = arith.constant 160 : index
    %swap3A_132 = tpu.vector_load %arg8[%swap3A_131] {strides = array<i32>} : memref<256xi32, #tpu.memory_space<vmem>>, vector<16xi32>,
    tpu.vector_store %arg8[%swap3A_131], %broadcast_in_dim3A_130 {strides = array<i32>} : memref<256xi32, #tpu.memory_space<vmem>>, vector<16xi32>,
    %broadcast_in_dim3A_133 = arith.constant 0 : i32
    %broadcast_in_dim3A_134 = vector.broadcast %broadcast_in_dim3A_133 : i32 to vector<16xi32>
    %swap3A_135 = arith.constant 176 : index
    %swap3A_136 = tpu.vector_load %arg8[%swap3A_135] {strides = array<i32>} : memref<256xi32, #tpu.memory_space<vmem>>, vector<16xi32>,
    tpu.vector_store %arg8[%swap3A_135], %broadcast_in_dim3A_134 {strides = array<i32>} : memref<256xi32, #tpu.memory_space<vmem>>, vector<16xi32>,
    %broadcast_in_dim3A_137 = arith.constant 0 : i32
    %broadcast_in_dim3A_138 = vector.broadcast %broadcast_in_dim3A_137 : i32 to vector<16xi32>
    %swap3A_139 = arith.constant 192 : index
    %swap3A_140 = tpu.vector_load %arg8[%swap3A_139] {strides = array<i32>} : memref<256xi32, #tpu.memory_space<vmem>>, vector<16xi32>,
    tpu.vector_store %arg8[%swap3A_139], %broadcast_in_dim3A_138 {strides = array<i32>} : memref<256xi32, #tpu.memory_space<vmem>>, vector<16xi32>,
    %broadcast_in_dim3A_141 = arith.constant 0 : i32
    %broadcast_in_dim3A_142 = vector.broadcast %broadcast_in_dim3A_141 : i32 to vector<16xi32>
    %swap3A_143 = arith.constant 208 : index
    %swap3A_144 = tpu.vector_load %arg8[%swap3A_143] {strides = array<i32>} : memref<256xi32, #tpu.memory_space<vmem>>, vector<16xi32>,
    tpu.vector_store %arg8[%swap3A_143], %broadcast_in_dim3A_142 {strides = array<i32>} : memref<256xi32, #tpu.memory_space<vmem>>, vector<16xi32>,
    %broadcast_in_dim3A_145 = arith.constant 0 : i32
    %broadcast_in_dim3A_146 = vector.broadcast %broadcast_in_dim3A_145 : i32 to vector<16xi32>
    %swap3A_147 = arith.constant 224 : index
    %swap3A_148 = tpu.vector_load %arg8[%swap3A_147] {strides = array<i32>} : memref<256xi32, #tpu.memory_space<vmem>>, vector<16xi32>,
    tpu.vector_store %arg8[%swap3A_147], %broadcast_in_dim3A_146 {strides = array<i32>} : memref<256xi32, #tpu.memory_space<vmem>>, vector<16xi32>,
    %broadcast_in_dim3A_149 = arith.constant 0 : i32
    %broadcast_in_dim3A_150 = vector.broadcast %broadcast_in_dim3A_149 : i32 to vector<16xi32>
    %swap3A_151 = arith.constant 240 : index
    %swap3A_152 = tpu.vector_load %arg8[%swap3A_151] {strides = array<i32>} : memref<256xi32, #tpu.memory_space<vmem>>, vector<16xi32>,
    tpu.vector_store %arg8[%swap3A_151], %broadcast_in_dim3A_150 {strides = array<i32>} : memref<256xi32, #tpu.memory_space<vmem>>, vector<16xi32>,
    %broadcast_in_dim3A_153 = arith.constant -3 : i32
    %broadcast_in_dim3A_154 = vector.broadcast %broadcast_in_dim3A_153 : i32 to vector<16xi32>
    %swap3A_155 = arith.constant 0 : index
    %swap3A_156 = tpu.vector_load %arg11[%swap3A_155] {strides = array<i32>} : memref<272xi32, #tpu.memory_space<vmem>>, vector<16xi32>,
    tpu.vector_store %arg11[%swap3A_155], %broadcast_in_dim3A_154 {strides = array<i32>} : memref<272xi32, #tpu.memory_space<vmem>>, vector<16xi32>,
    %broadcast_in_dim3A_157 = arith.constant -3 : i32
    %broadcast_in_dim3A_158 = vector.broadcast %broadcast_in_dim3A_157 : i32 to vector<16xi32>
    %swap3A_159 = arith.constant 16 : index
    %swap3A_160 = tpu.vector_load %arg11[%swap3A_159] {strides = array<i32>} : memref<272xi32, #tpu.memory_space<vmem>>, vector<16xi32>,
    tpu.vector_store %arg11[%swap3A_159], %broadcast_in_dim3A_158 {strides = array<i32>} : memref<272xi32, #tpu.memory_space<vmem>>, vector<16xi32>,
    %broadcast_in_dim3A_161 = arith.constant -3 : i32
    %broadcast_in_dim3A_162 = vector.broadcast %broadcast_in_dim3A_161 : i32 to vector<16xi32>
    %swap3A_163 = arith.constant 32 : index
    %swap3A_164 = tpu.vector_load %arg11[%swap3A_163] {strides = array<i32>} : memref<272xi32, #tpu.memory_space<vmem>>, vector<16xi32>,
    tpu.vector_store %arg11[%swap3A_163], %broadcast_in_dim3A_162 {strides = array<i32>} : memref<272xi32, #tpu.memory_space<vmem>>, vector<16xi32>,
    %broadcast_in_dim3A_165 = arith.constant -3 : i32
    %broadcast_in_dim3A_166 = vector.broadcast %broadcast_in_dim3A_165 : i32 to vector<16xi32>
    %swap3A_167 = arith.constant 48 : index
    %swap3A_168 = tpu.vector_load %arg11[%swap3A_167] {strides = array<i32>} : memref<272xi32, #tpu.memory_space<vmem>>, vector<16xi32>,
    tpu.vector_store %arg11[%swap3A_167], %broadcast_in_dim3A_166 {strides = array<i32>} : memref<272xi32, #tpu.memory_space<vmem>>, vector<16xi32>,
    %broadcast_in_dim3A_169 = arith.constant -3 : i32
    %broadcast_in_dim3A_170 = vector.broadcast %broadcast_in_dim3A_169 : i32 to vector<16xi32>
    %swap3A_171 = arith.constant 64 : index
    %swap3A_172 = tpu.vector_load %arg11[%swap3A_171] {strides = array<i32>} : memref<272xi32, #tpu.memory_space<vmem>>, vector<16xi32>,
    tpu.vector_store %arg11[%swap3A_171], %broadcast_in_dim3A_170 {strides = array<i32>} : memref<272xi32, #tpu.memory_space<vmem>>, vector<16xi32>,
    %broadcast_in_dim3A_173 = arith.constant -3 : i32
    %broadcast_in_dim3A_174 = vector.broadcast %broadcast_in_dim3A_173 : i32 to vector<16xi32>
    %swap3A_175 = arith.constant 80 : index
    %swap3A_176 = tpu.vector_load %arg11[%swap3A_175] {strides = array<i32>} : memref<272xi32, #tpu.memory_space<vmem>>, vector<16xi32>,
    tpu.vector_store %arg11[%swap3A_175], %broadcast_in_dim3A_174 {strides = array<i32>} : memref<272xi32, #tpu.memory_space<vmem>>, vector<16xi32>,
    %broadcast_in_dim3A_177 = arith.constant -3 : i32
    %broadcast_in_dim3A_178 = vector.broadcast %broadcast_in_dim3A_177 : i32 to vector<16xi32>
    %swap3A_179 = arith.constant 96 : index
    %swap3A_180 = tpu.vector_load %arg11[%swap3A_179] {strides = array<i32>} : memref<272xi32, #tpu.memory_space<vmem>>, vector<16xi32>,
    tpu.vector_store %arg11[%swap3A_179], %broadcast_in_dim3A_178 {strides = array<i32>} : memref<272xi32, #tpu.memory_space<vmem>>, vector<16xi32>,
    %broadcast_in_dim3A_181 = arith.constant -3 : i32
    %broadcast_in_dim3A_182 = vector.broadcast %broadcast_in_dim3A_181 : i32 to vector<16xi32>
    %swap3A_183 = arith.constant 112 : index
    %swap3A_184 = tpu.vector_load %arg11[%swap3A_183] {strides = array<i32>} : memref<272xi32, #tpu.memory_space<vmem>>, vector<16xi32>,
    tpu.vector_store %arg11[%swap3A_183], %broadcast_in_dim3A_182 {strides = array<i32>} : memref<272xi32, #tpu.memory_space<vmem>>, vector<16xi32>,
    %broadcast_in_dim3A_185 = arith.constant -3 : i32
    %broadcast_in_dim3A_186 = vector.broadcast %broadcast_in_dim3A_185 : i32 to vector<16xi32>
    %swap3A_187 = arith.constant 128 : index
    %swap3A_188 = tpu.vector_load %arg11[%swap3A_187] {strides = array<i32>} : memref<272xi32, #tpu.memory_space<vmem>>, vector<16xi32>,
    tpu.vector_store %arg11[%swap3A_187], %broadcast_in_dim3A_186 {strides = array<i32>} : memref<272xi32, #tpu.memory_space<vmem>>, vector<16xi32>,
    %broadcast_in_dim3A_189 = arith.constant -3 : i32
    %broadcast_in_dim3A_190 = vector.broadcast %broadcast_in_dim3A_189 : i32 to vector<16xi32>
    %swap3A_191 = arith.constant 144 : index
    %swap3A_192 = tpu.vector_load %arg11[%swap3A_191] {strides = array<i32>} : memref<272xi32, #tpu.memory_space<vmem>>, vector<16xi32>,
    tpu.vector_store %arg11[%swap3A_191], %broadcast_in_dim3A_190 {strides = array<i32>} : memref<272xi32, #tpu.memory_space<vmem>>, vector<16xi32>,
    %broadcast_in_dim3A_193 = arith.constant -3 : i32
    %broadcast_in_dim3A_194 = vector.broadcast %broadcast_in_dim3A_193 : i32 to vector<16xi32>
    %swap3A_195 = arith.constant 160 : index
    %swap3A_196 = tpu.vector_load %arg11[%swap3A_195] {strides = array<i32>} : memref<272xi32, #tpu.memory_space<vmem>>, vector<16xi32>,
    tpu.vector_store %arg11[%swap3A_195], %broadcast_in_dim3A_194 {strides = array<i32>} : memref<272xi32, #tpu.memory_space<vmem>>, vector<16xi32>,
    %broadcast_in_dim3A_197 = arith.constant -3 : i32
    %broadcast_in_dim3A_198 = vector.broadcast %broadcast_in_dim3A_197 : i32 to vector<16xi32>
    %swap3A_199 = arith.constant 176 : index
    %swap3A_200 = tpu.vector_load %arg11[%swap3A_199] {strides = array<i32>} : memref<272xi32, #tpu.memory_space<vmem>>, vector<16xi32>,
    tpu.vector_store %arg11[%swap3A_199], %broadcast_in_dim3A_198 {strides = array<i32>} : memref<272xi32, #tpu.memory_space<vmem>>, vector<16xi32>,
    %broadcast_in_dim3A_201 = arith.constant -3 : i32
    %broadcast_in_dim3A_202 = vector.broadcast %broadcast_in_dim3A_201 : i32 to vector<16xi32>
    %swap3A_203 = arith.constant 192 : index
    %swap3A_204 = tpu.vector_load %arg11[%swap3A_203] {strides = array<i32>} : memref<272xi32, #tpu.memory_space<vmem>>, vector<16xi32>,
    tpu.vector_store %arg11[%swap3A_203], %broadcast_in_dim3A_202 {strides = array<i32>} : memref<272xi32, #tpu.memory_space<vmem>>, vector<16xi32>,
    %broadcast_in_dim3A_205 = arith.constant -3 : i32
    %broadcast_in_dim3A_206 = vector.broadcast %broadcast_in_dim3A_205 : i32 to vector<16xi32>
    %swap3A_207 = arith.constant 208 : index
    %swap3A_208 = tpu.vector_load %arg11[%swap3A_207] {strides = array<i32>} : memref<272xi32, #tpu.memory_space<vmem>>, vector<16xi32>,
    tpu.vector_store %arg11[%swap3A_207], %broadcast_in_dim3A_206 {strides = array<i32>} : memref<272xi32, #tpu.memory_space<vmem>>, vector<16xi32>,
    %broadcast_in_dim3A_209 = arith.constant -3 : i32
    %broadcast_in_dim3A_210 = vector.broadcast %broadcast_in_dim3A_209 : i32 to vector<16xi32>
    %swap3A_211 = arith.constant 224 : index
    %swap3A_212 = tpu.vector_load %arg11[%swap3A_211] {strides = array<i32>} : memref<272xi32, #tpu.memory_space<vmem>>, vector<16xi32>,
    tpu.vector_store %arg11[%swap3A_211], %broadcast_in_dim3A_210 {strides = array<i32>} : memref<272xi32, #tpu.memory_space<vmem>>, vector<16xi32>,
    %broadcast_in_dim3A_213 = arith.constant -3 : i32
    %broadcast_in_dim3A_214 = vector.broadcast %broadcast_in_dim3A_213 : i32 to vector<16xi32>
    %swap3A_215 = arith.constant 240 : index
    %swap3A_216 = tpu.vector_load %arg11[%swap3A_215] {strides = array<i32>} : memref<272xi32, #tpu.memory_space<vmem>>, vector<16xi32>,
    tpu.vector_store %arg11[%swap3A_215], %broadcast_in_dim3A_214 {strides = array<i32>} : memref<272xi32, #tpu.memory_space<vmem>>, vector<16xi32>,
    %broadcast_in_dim3A_217 = arith.constant -3 : i32
    %broadcast_in_dim3A_218 = vector.broadcast %broadcast_in_dim3A_217 : i32 to vector<16xi32>
    %swap3A_219 = arith.constant 256 : index
    %swap3A_220 = tpu.vector_load %arg11[%swap3A_219] {strides = array<i32>} : memref<272xi32, #tpu.memory_space<vmem>>, vector<16xi32>,
    tpu.vector_store %arg11[%swap3A_219], %broadcast_in_dim3A_218 {strides = array<i32>} : memref<272xi32, #tpu.memory_space<vmem>>, vector<16xi32>,
    %broadcast_in_dim3A_221 = arith.constant 1 : i32
    %broadcast_in_dim3A_222 = vector.broadcast %broadcast_in_dim3A_221 : i32 to vector<16xi32>
    %scan3A = arith.constant 0 : i32
    %scan3A_223 = arith.constant 0 : i32
    %scan3A_224 = arith.constant 256 : i32
    %scan3A_225 = arith.addi %scan3A_223, %scan3A_224 : i32
    %scan3A_226 = arith.constant 1 : i32
    %scan3A_227 = scf.for %scan3A_1118 = %scan3A_223 to %scan3A_225 step %scan3A_226 iter_args(%scan3A_1119 = %scan3A) -> (i32)  : i32 {
      %mul3A_1120 = arith.constant 1 : i32
      %mul3A_1121 = arith.muli %scan3A_1118, %mul3A_1120 : i32
      %add3A_1122 = arith.constant 0 : i32
      %add3A_1123 = arith.addi %add3A_1122, %mul3A_1121 : i32
      %mul3A_1124 = arith.constant 2 : i32
      %mul3A_1125 = arith.muli %add3A_1123, %mul3A_1124 : i32
      %add3A_1126 = arith.constant 0 : i32
      %add3A_1127 = arith.addi %mul3A_1125, %add3A_1126 : i32
      %mul3A_1128 = arith.constant 16 : i32
      %mul3A_1129 = arith.muli %add3A_1127, %mul3A_1128 : i32
      %get3A_1130 = arith.index_cast %mul3A_1129 : i32 to index
      %get3A_1131 = tpu.vector_load %arg5[%get3A_1130] {strides = array<i32>} : memref<8192xi32, #tpu.memory_space<vmem>>, vector<16xi32>,
      %shift_right_arithmetic3A_1132 = arith.constant 7 : i32
      %shift_right_arithmetic3A_1133 = vector.broadcast %shift_right_arithmetic3A_1132 : i32 to vector<16xi32>
      %shift_right_arithmetic3A_1134 = arith.shrsi %get3A_1131, %shift_right_arithmetic3A_1133 : vector<16xi32>
      %sub3A_1135 = vector.broadcast %mul3A_2 : i32 to vector<16xi32>
      %sub3A_1136 = arith.subi %shift_right_arithmetic3A_1134, %sub3A_1135 : vector<16xi32>
      %ge3A_1137 = arith.constant 0 : i32
      %ge3A_1138 = vector.broadcast %ge3A_1137 : i32 to vector<16xi32>
      %ge3A_1139 = arith.cmpi sge, %sub3A_1136, %ge3A_1138 : vector<16xi32>
      %lt3A = arith.constant 245 : i32
      %lt3A_1140 = vector.broadcast %lt3A : i32 to vector<16xi32>
      %lt3A_1141 = arith.cmpi slt, %sub3A_1136, %lt3A_1140 : vector<16xi32>
      %and3A = arith.andi %ge3A_1139, %lt3A_1141 : vector<16xi1>
      %min3A_1142 = arith.constant 336 : i32
      %min3A_1143 = arith.minsi %scan3A_1119, %min3A_1142 : i32
      %swap3A_1144 = arith.index_cast %min3A_1143 : i32 to index
      %swap3A_1145 = tpu.vector_load %arg6[%swap3A_1144] masked %and3A {strides = array<i32>} : memref<352xi32, #tpu.memory_space<vmem>>, vector<16xi32>, vector<16xi1>
      tpu.vector_store %arg6[%swap3A_1144], %get3A_1131 masked %and3A {strides = array<i32>} : memref<352xi32, #tpu.memory_space<vmem>>, vector<16xi32>, vector<16xi1>
      %mul3A_1146 = arith.constant 16 : i32
      %mul3A_1147 = arith.muli %add3A_1127, %mul3A_1146 : i32
      %add3A_1148 = vector.broadcast %mul3A_1147 : i32 to vector<16xi32>
      %add3A_1149 = arith.addi %iota3A, %add3A_1148 : vector<16xi32>
      %swap3A_1150 = arith.index_cast %min3A_1143 : i32 to index
      %swap3A_1151 = tpu.vector_load %arg7[%swap3A_1150] masked %and3A {strides = array<i32>} : memref<352xi32, #tpu.memory_space<vmem>>, vector<16xi32>, vector<16xi1>
      tpu.vector_store %arg7[%swap3A_1150], %add3A_1149 masked %and3A {strides = array<i32>} : memref<352xi32, #tpu.memory_space<vmem>>, vector<16xi32>, vector<16xi1>
      tpu.vector_store_idx %arg8[%sub3A_1136], %broadcast_in_dim3A_222 masked %and3A : memref<256xi32, #tpu.memory_space<vmem>>[vector<16xi32>], vector<16xi32>, vector<16xi1>
      %all_reduce_population_count3A_1152 = tpu.all_reduce %and3A {dim = 0 : i64, kind = #tpu.reduction_kind<sum>} : vector<16xi1> -> vector<16xi32>
      %slice3A_1153 = vector.extract_strided_slice %all_reduce_population_count3A_1152 {offsets = [0], sizes = [1], strides = [1]} : vector<16xi32> to vector<1xi32>
      %squeeze3A_1154 = vector.extract %slice3A_1153[0] : i32 from vector<1xi32>
      %add3A_1155 = arith.addi %scan3A_1119, %squeeze3A_1154 : i32
      %mul3A_1156 = arith.constant 2 : i32
      %mul3A_1157 = arith.muli %add3A_1123, %mul3A_1156 : i32
      %add3A_1158 = arith.constant 1 : i32
      %add3A_1159 = arith.addi %mul3A_1157, %add3A_1158 : i32
      %mul3A_1160 = arith.constant 16 : i32
      %mul3A_1161 = arith.muli %add3A_1159, %mul3A_1160 : i32
      %get3A_1162 = arith.index_cast %mul3A_1161 : i32 to index
      %get3A_1163 = tpu.vector_load %arg5[%get3A_1162] {strides = array<i32>} : memref<8192xi32, #tpu.memory_space<vmem>>, vector<16xi32>,
      %shift_right_arithmetic3A_1164 = arith.constant 7 : i32
      %shift_right_arithmetic3A_1165 = vector.broadcast %shift_right_arithmetic3A_1164 : i32 to vector<16xi32>
      %shift_right_arithmetic3A_1166 = arith.shrsi %get3A_1163, %shift_right_arithmetic3A_1165 : vector<16xi32>
      %sub3A_1167 = vector.broadcast %mul3A_2 : i32 to vector<16xi32>
      %sub3A_1168 = arith.subi %shift_right_arithmetic3A_1166, %sub3A_1167 : vector<16xi32>
      %ge3A_1169 = arith.constant 0 : i32
      %ge3A_1170 = vector.broadcast %ge3A_1169 : i32 to vector<16xi32>
      %ge3A_1171 = arith.cmpi sge, %sub3A_1168, %ge3A_1170 : vector<16xi32>
      %lt3A_1172 = arith.constant 245 : i32
      %lt3A_1173 = vector.broadcast %lt3A_1172 : i32 to vector<16xi32>
      %lt3A_1174 = arith.cmpi slt, %sub3A_1168, %lt3A_1173 : vector<16xi32>
      %and3A_1175 = arith.andi %ge3A_1171, %lt3A_1174 : vector<16xi1>
      %min3A_1176 = arith.constant 336 : i32
      %min3A_1177 = arith.minsi %add3A_1155, %min3A_1176 : i32
      %swap3A_1178 = arith.index_cast %min3A_1177 : i32 to index
      %swap3A_1179 = tpu.vector_load %arg6[%swap3A_1178] masked %and3A_1175 {strides = array<i32>} : memref<352xi32, #tpu.memory_space<vmem>>, vector<16xi32>, vector<16xi1>
      tpu.vector_store %arg6[%swap3A_1178], %get3A_1163 masked %and3A_1175 {strides = array<i32>} : memref<352xi32, #tpu.memory_space<vmem>>, vector<16xi32>, vector<16xi1>
      %mul3A_1180 = arith.constant 16 : i32
      %mul3A_1181 = arith.muli %add3A_1159, %mul3A_1180 : i32
      %add3A_1182 = vector.broadcast %mul3A_1181 : i32 to vector<16xi32>
      %add3A_1183 = arith.addi %iota3A, %add3A_1182 : vector<16xi32>
      %swap3A_1184 = arith.index_cast %min3A_1177 : i32 to index
      %swap3A_1185 = tpu.vector_load %arg7[%swap3A_1184] masked %and3A_1175 {strides = array<i32>} : memref<352xi32, #tpu.memory_space<vmem>>, vector<16xi32>, vector<16xi1>
      tpu.vector_store %arg7[%swap3A_1184], %add3A_1183 masked %and3A_1175 {strides = array<i32>} : memref<352xi32, #tpu.memory_space<vmem>>, vector<16xi32>, vector<16xi1>
      tpu.vector_store_idx %arg8[%sub3A_1168], %broadcast_in_dim3A_222 masked %and3A_1175 : memref<256xi32, #tpu.memory_space<vmem>>[vector<16xi32>], vector<16xi32>, vector<16xi1>
      %all_reduce_population_count3A_1186 = tpu.all_reduce %and3A_1175 {dim = 0 : i64, kind = #tpu.reduction_kind<sum>} : vector<16xi1> -> vector<16xi32>
      %slice3A_1187 = vector.extract_strided_slice %all_reduce_population_count3A_1186 {offsets = [0], sizes = [1], strides = [1]} : vector<16xi32> to vector<1xi32>
      %squeeze3A_1188 = vector.extract %slice3A_1187[0] : i32 from vector<1xi32>
      %add3A_1189 = arith.addi %add3A_1155, %squeeze3A_1188 : i32
      scf.yield %add3A_1189 : i32
    }
    %scan3A_228 = arith.constant 256 : i32
    %min3A = arith.constant 352 : i32
    %min3A_229 = arith.minsi %scan3A_227, %min3A : i32
    %get3A = arith.constant 0 : index
    %get3A_230 = tpu.vector_load %arg8[%get3A] {strides = array<i32>} : memref<256xi32, #tpu.memory_space<vmem>>, vector<16xi32>,
    %gt3A = arith.constant 0 : i32
    %gt3A_231 = vector.broadcast %gt3A : i32 to vector<16xi32>
    %gt3A_232 = arith.cmpi sgt, %get3A_230, %gt3A_231 : vector<16xi32>
    %add3A_233 = arith.constant 0 : i32
    %add3A_234 = vector.broadcast %add3A_233 : i32 to vector<16xi32>
    %add3A_235 = arith.addi %iota3A, %add3A_234 : vector<16xi32>
    %swap3A_236 = arith.constant 0 : i32
    %swap3A_237 = arith.index_cast %swap3A_236 : i32 to index
    %swap3A_238 = tpu.vector_load %arg11[%swap3A_237] masked %gt3A_232 {strides = array<i32>} : memref<272xi32, #tpu.memory_space<vmem>>, vector<16xi32>, vector<16xi1>
    tpu.vector_store %arg11[%swap3A_237], %add3A_235 masked %gt3A_232 {strides = array<i32>} : memref<272xi32, #tpu.memory_space<vmem>>, vector<16xi32>, vector<16xi1>
    %broadcast_in_dim3A_239 = arith.constant true
    %broadcast_in_dim3A_240 = vector.broadcast %broadcast_in_dim3A_239 : i1 to vector<16xi1>
    %masked_cumsum3A = tpu.scan <sum>, %get3A_230 masked %broadcast_in_dim3A_240 : vector<16xi32>, vector<16xi1> -> vector<16xi32>
    %add3A_241 = arith.constant 0 : i32
    %add3A_242 = vector.broadcast %add3A_241 : i32 to vector<16xi32>
    %add3A_243 = arith.addi %masked_cumsum3A, %add3A_242 : vector<16xi32>
    %swap3A_244 = arith.constant 0 : index
    %swap3A_245 = tpu.vector_load %arg9[%swap3A_244] {strides = array<i32>} : memref<256xi32, #tpu.memory_space<vmem>>, vector<16xi32>,
    tpu.vector_store %arg9[%swap3A_244], %add3A_243 {strides = array<i32>} : memref<256xi32, #tpu.memory_space<vmem>>, vector<16xi32>,
    %all_reduce_population_count3A = tpu.all_reduce %gt3A_232 {dim = 0 : i64, kind = #tpu.reduction_kind<sum>} : vector<16xi1> -> vector<16xi32>
    %slice3A = vector.extract_strided_slice %all_reduce_population_count3A {offsets = [0], sizes = [1], strides = [1]} : vector<16xi32> to vector<1xi32>
    %squeeze3A = vector.extract %slice3A[0] : i32 from vector<1xi32>
    %add3A_246 = arith.constant 0 : i32
    %add3A_247 = arith.addi %add3A_246, %squeeze3A : i32
    %get3A_248 = arith.constant 16 : index
    %get3A_249 = tpu.vector_load %arg8[%get3A_248] {strides = array<i32>} : memref<256xi32, #tpu.memory_space<vmem>>, vector<16xi32>,
    %gt3A_250 = arith.constant 0 : i32
    %gt3A_251 = vector.broadcast %gt3A_250 : i32 to vector<16xi32>
    %gt3A_252 = arith.cmpi sgt, %get3A_249, %gt3A_251 : vector<16xi32>
    %add3A_253 = arith.constant 16 : i32
    %add3A_254 = vector.broadcast %add3A_253 : i32 to vector<16xi32>
    %add3A_255 = arith.addi %iota3A, %add3A_254 : vector<16xi32>
    %swap3A_256 = arith.index_cast %add3A_247 : i32 to index
    %swap3A_257 = tpu.vector_load %arg11[%swap3A_256] masked %gt3A_252 {strides = array<i32>} : memref<272xi32, #tpu.memory_space<vmem>>, vector<16xi32>, vector<16xi1>
    tpu.vector_store %arg11[%swap3A_256], %add3A_255 masked %gt3A_252 {strides = array<i32>} : memref<272xi32, #tpu.memory_space<vmem>>, vector<16xi32>, vector<16xi1>
    %broadcast_in_dim3A_258 = arith.constant true
    %broadcast_in_dim3A_259 = vector.broadcast %broadcast_in_dim3A_258 : i1 to vector<16xi1>
    %masked_cumsum3A_260 = tpu.scan <sum>, %get3A_249 masked %broadcast_in_dim3A_259 : vector<16xi32>, vector<16xi1> -> vector<16xi32>
    %add3A_261 = vector.broadcast %add3A_247 : i32 to vector<16xi32>
    %add3A_262 = arith.addi %masked_cumsum3A_260, %add3A_261 : vector<16xi32>
    %swap3A_263 = arith.constant 16 : index
    %swap3A_264 = tpu.vector_load %arg9[%swap3A_263] {strides = array<i32>} : memref<256xi32, #tpu.memory_space<vmem>>, vector<16xi32>,
    tpu.vector_store %arg9[%swap3A_263], %add3A_262 {strides = array<i32>} : memref<256xi32, #tpu.memory_space<vmem>>, vector<16xi32>,
    %all_reduce_population_count3A_265 = tpu.all_reduce %gt3A_252 {dim = 0 : i64, kind = #tpu.reduction_kind<sum>} : vector<16xi1> -> vector<16xi32>
    %slice3A_266 = vector.extract_strided_slice %all_reduce_population_count3A_265 {offsets = [0], sizes = [1], strides = [1]} : vector<16xi32> to vector<1xi32>
    %squeeze3A_267 = vector.extract %slice3A_266[0] : i32 from vector<1xi32>
    %add3A_268 = arith.addi %add3A_247, %squeeze3A_267 : i32
    %get3A_269 = arith.constant 32 : index
    %get3A_270 = tpu.vector_load %arg8[%get3A_269] {strides = array<i32>} : memref<256xi32, #tpu.memory_space<vmem>>, vector<16xi32>,
    %gt3A_271 = arith.constant 0 : i32
    %gt3A_272 = vector.broadcast %gt3A_271 : i32 to vector<16xi32>
    %gt3A_273 = arith.cmpi sgt, %get3A_270, %gt3A_272 : vector<16xi32>
    %add3A_274 = arith.constant 32 : i32
    %add3A_275 = vector.broadcast %add3A_274 : i32 to vector<16xi32>
    %add3A_276 = arith.addi %iota3A, %add3A_275 : vector<16xi32>
    %swap3A_277 = arith.index_cast %add3A_268 : i32 to index
    %swap3A_278 = tpu.vector_load %arg11[%swap3A_277] masked %gt3A_273 {strides = array<i32>} : memref<272xi32, #tpu.memory_space<vmem>>, vector<16xi32>, vector<16xi1>
    tpu.vector_store %arg11[%swap3A_277], %add3A_276 masked %gt3A_273 {strides = array<i32>} : memref<272xi32, #tpu.memory_space<vmem>>, vector<16xi32>, vector<16xi1>
    %broadcast_in_dim3A_279 = arith.constant true
    %broadcast_in_dim3A_280 = vector.broadcast %broadcast_in_dim3A_279 : i1 to vector<16xi1>
    %masked_cumsum3A_281 = tpu.scan <sum>, %get3A_270 masked %broadcast_in_dim3A_280 : vector<16xi32>, vector<16xi1> -> vector<16xi32>
    %add3A_282 = vector.broadcast %add3A_268 : i32 to vector<16xi32>
    %add3A_283 = arith.addi %masked_cumsum3A_281, %add3A_282 : vector<16xi32>
    %swap3A_284 = arith.constant 32 : index
    %swap3A_285 = tpu.vector_load %arg9[%swap3A_284] {strides = array<i32>} : memref<256xi32, #tpu.memory_space<vmem>>, vector<16xi32>,
    tpu.vector_store %arg9[%swap3A_284], %add3A_283 {strides = array<i32>} : memref<256xi32, #tpu.memory_space<vmem>>, vector<16xi32>,
    %all_reduce_population_count3A_286 = tpu.all_reduce %gt3A_273 {dim = 0 : i64, kind = #tpu.reduction_kind<sum>} : vector<16xi1> -> vector<16xi32>
    %slice3A_287 = vector.extract_strided_slice %all_reduce_population_count3A_286 {offsets = [0], sizes = [1], strides = [1]} : vector<16xi32> to vector<1xi32>
    %squeeze3A_288 = vector.extract %slice3A_287[0] : i32 from vector<1xi32>
    %add3A_289 = arith.addi %add3A_268, %squeeze3A_288 : i32
    %get3A_290 = arith.constant 48 : index
    %get3A_291 = tpu.vector_load %arg8[%get3A_290] {strides = array<i32>} : memref<256xi32, #tpu.memory_space<vmem>>, vector<16xi32>,
    %gt3A_292 = arith.constant 0 : i32
    %gt3A_293 = vector.broadcast %gt3A_292 : i32 to vector<16xi32>
    %gt3A_294 = arith.cmpi sgt, %get3A_291, %gt3A_293 : vector<16xi32>
    %add3A_295 = arith.constant 48 : i32
    %add3A_296 = vector.broadcast %add3A_295 : i32 to vector<16xi32>
    %add3A_297 = arith.addi %iota3A, %add3A_296 : vector<16xi32>
    %swap3A_298 = arith.index_cast %add3A_289 : i32 to index
    %swap3A_299 = tpu.vector_load %arg11[%swap3A_298] masked %gt3A_294 {strides = array<i32>} : memref<272xi32, #tpu.memory_space<vmem>>, vector<16xi32>, vector<16xi1>
    tpu.vector_store %arg11[%swap3A_298], %add3A_297 masked %gt3A_294 {strides = array<i32>} : memref<272xi32, #tpu.memory_space<vmem>>, vector<16xi32>, vector<16xi1>
    %broadcast_in_dim3A_300 = arith.constant true
    %broadcast_in_dim3A_301 = vector.broadcast %broadcast_in_dim3A_300 : i1 to vector<16xi1>
    %masked_cumsum3A_302 = tpu.scan <sum>, %get3A_291 masked %broadcast_in_dim3A_301 : vector<16xi32>, vector<16xi1> -> vector<16xi32>
    %add3A_303 = vector.broadcast %add3A_289 : i32 to vector<16xi32>
    %add3A_304 = arith.addi %masked_cumsum3A_302, %add3A_303 : vector<16xi32>
    %swap3A_305 = arith.constant 48 : index
    %swap3A_306 = tpu.vector_load %arg9[%swap3A_305] {strides = array<i32>} : memref<256xi32, #tpu.memory_space<vmem>>, vector<16xi32>,
    tpu.vector_store %arg9[%swap3A_305], %add3A_304 {strides = array<i32>} : memref<256xi32, #tpu.memory_space<vmem>>, vector<16xi32>,
    %all_reduce_population_count3A_307 = tpu.all_reduce %gt3A_294 {dim = 0 : i64, kind = #tpu.reduction_kind<sum>} : vector<16xi1> -> vector<16xi32>
    %slice3A_308 = vector.extract_strided_slice %all_reduce_population_count3A_307 {offsets = [0], sizes = [1], strides = [1]} : vector<16xi32> to vector<1xi32>
    %squeeze3A_309 = vector.extract %slice3A_308[0] : i32 from vector<1xi32>
    %add3A_310 = arith.addi %add3A_289, %squeeze3A_309 : i32
    %get3A_311 = arith.constant 64 : index
    %get3A_312 = tpu.vector_load %arg8[%get3A_311] {strides = array<i32>} : memref<256xi32, #tpu.memory_space<vmem>>, vector<16xi32>,
    %gt3A_313 = arith.constant 0 : i32
    %gt3A_314 = vector.broadcast %gt3A_313 : i32 to vector<16xi32>
    %gt3A_315 = arith.cmpi sgt, %get3A_312, %gt3A_314 : vector<16xi32>
    %add3A_316 = arith.constant 64 : i32
    %add3A_317 = vector.broadcast %add3A_316 : i32 to vector<16xi32>
    %add3A_318 = arith.addi %iota3A, %add3A_317 : vector<16xi32>
    %swap3A_319 = arith.index_cast %add3A_310 : i32 to index
    %swap3A_320 = tpu.vector_load %arg11[%swap3A_319] masked %gt3A_315 {strides = array<i32>} : memref<272xi32, #tpu.memory_space<vmem>>, vector<16xi32>, vector<16xi1>
    tpu.vector_store %arg11[%swap3A_319], %add3A_318 masked %gt3A_315 {strides = array<i32>} : memref<272xi32, #tpu.memory_space<vmem>>, vector<16xi32>, vector<16xi1>
    %broadcast_in_dim3A_321 = arith.constant true
    %broadcast_in_dim3A_322 = vector.broadcast %broadcast_in_dim3A_321 : i1 to vector<16xi1>
    %masked_cumsum3A_323 = tpu.scan <sum>, %get3A_312 masked %broadcast_in_dim3A_322 : vector<16xi32>, vector<16xi1> -> vector<16xi32>
    %add3A_324 = vector.broadcast %add3A_310 : i32 to vector<16xi32>
    %add3A_325 = arith.addi %masked_cumsum3A_323, %add3A_324 : vector<16xi32>
    %swap3A_326 = arith.constant 64 : index
    %swap3A_327 = tpu.vector_load %arg9[%swap3A_326] {strides = array<i32>} : memref<256xi32, #tpu.memory_space<vmem>>, vector<16xi32>,
    tpu.vector_store %arg9[%swap3A_326], %add3A_325 {strides = array<i32>} : memref<256xi32, #tpu.memory_space<vmem>>, vector<16xi32>,
    %all_reduce_population_count3A_328 = tpu.all_reduce %gt3A_315 {dim = 0 : i64, kind = #tpu.reduction_kind<sum>} : vector<16xi1> -> vector<16xi32>
    %slice3A_329 = vector.extract_strided_slice %all_reduce_population_count3A_328 {offsets = [0], sizes = [1], strides = [1]} : vector<16xi32> to vector<1xi32>
    %squeeze3A_330 = vector.extract %slice3A_329[0] : i32 from vector<1xi32>
    %add3A_331 = arith.addi %add3A_310, %squeeze3A_330 : i32
    %get3A_332 = arith.constant 80 : index
    %get3A_333 = tpu.vector_load %arg8[%get3A_332] {strides = array<i32>} : memref<256xi32, #tpu.memory_space<vmem>>, vector<16xi32>,
    %gt3A_334 = arith.constant 0 : i32
    %gt3A_335 = vector.broadcast %gt3A_334 : i32 to vector<16xi32>
    %gt3A_336 = arith.cmpi sgt, %get3A_333, %gt3A_335 : vector<16xi32>
    %add3A_337 = arith.constant 80 : i32
    %add3A_338 = vector.broadcast %add3A_337 : i32 to vector<16xi32>
    %add3A_339 = arith.addi %iota3A, %add3A_338 : vector<16xi32>
    %swap3A_340 = arith.index_cast %add3A_331 : i32 to index
    %swap3A_341 = tpu.vector_load %arg11[%swap3A_340] masked %gt3A_336 {strides = array<i32>} : memref<272xi32, #tpu.memory_space<vmem>>, vector<16xi32>, vector<16xi1>
    tpu.vector_store %arg11[%swap3A_340], %add3A_339 masked %gt3A_336 {strides = array<i32>} : memref<272xi32, #tpu.memory_space<vmem>>, vector<16xi32>, vector<16xi1>
    %broadcast_in_dim3A_342 = arith.constant true
    %broadcast_in_dim3A_343 = vector.broadcast %broadcast_in_dim3A_342 : i1 to vector<16xi1>
    %masked_cumsum3A_344 = tpu.scan <sum>, %get3A_333 masked %broadcast_in_dim3A_343 : vector<16xi32>, vector<16xi1> -> vector<16xi32>
    %add3A_345 = vector.broadcast %add3A_331 : i32 to vector<16xi32>
    %add3A_346 = arith.addi %masked_cumsum3A_344, %add3A_345 : vector<16xi32>
    %swap3A_347 = arith.constant 80 : index
    %swap3A_348 = tpu.vector_load %arg9[%swap3A_347] {strides = array<i32>} : memref<256xi32, #tpu.memory_space<vmem>>, vector<16xi32>,
    tpu.vector_store %arg9[%swap3A_347], %add3A_346 {strides = array<i32>} : memref<256xi32, #tpu.memory_space<vmem>>, vector<16xi32>,
    %all_reduce_population_count3A_349 = tpu.all_reduce %gt3A_336 {dim = 0 : i64, kind = #tpu.reduction_kind<sum>} : vector<16xi1> -> vector<16xi32>
    %slice3A_350 = vector.extract_strided_slice %all_reduce_population_count3A_349 {offsets = [0], sizes = [1], strides = [1]} : vector<16xi32> to vector<1xi32>
    %squeeze3A_351 = vector.extract %slice3A_350[0] : i32 from vector<1xi32>
    %add3A_352 = arith.addi %add3A_331, %squeeze3A_351 : i32
    %get3A_353 = arith.constant 96 : index
    %get3A_354 = tpu.vector_load %arg8[%get3A_353] {strides = array<i32>} : memref<256xi32, #tpu.memory_space<vmem>>, vector<16xi32>,
    %gt3A_355 = arith.constant 0 : i32
    %gt3A_356 = vector.broadcast %gt3A_355 : i32 to vector<16xi32>
    %gt3A_357 = arith.cmpi sgt, %get3A_354, %gt3A_356 : vector<16xi32>
    %add3A_358 = arith.constant 96 : i32
    %add3A_359 = vector.broadcast %add3A_358 : i32 to vector<16xi32>
    %add3A_360 = arith.addi %iota3A, %add3A_359 : vector<16xi32>
    %swap3A_361 = arith.index_cast %add3A_352 : i32 to index
    %swap3A_362 = tpu.vector_load %arg11[%swap3A_361] masked %gt3A_357 {strides = array<i32>} : memref<272xi32, #tpu.memory_space<vmem>>, vector<16xi32>, vector<16xi1>
    tpu.vector_store %arg11[%swap3A_361], %add3A_360 masked %gt3A_357 {strides = array<i32>} : memref<272xi32, #tpu.memory_space<vmem>>, vector<16xi32>, vector<16xi1>
    %broadcast_in_dim3A_363 = arith.constant true
    %broadcast_in_dim3A_364 = vector.broadcast %broadcast_in_dim3A_363 : i1 to vector<16xi1>
    %masked_cumsum3A_365 = tpu.scan <sum>, %get3A_354 masked %broadcast_in_dim3A_364 : vector<16xi32>, vector<16xi1> -> vector<16xi32>
    %add3A_366 = vector.broadcast %add3A_352 : i32 to vector<16xi32>
    %add3A_367 = arith.addi %masked_cumsum3A_365, %add3A_366 : vector<16xi32>
    %swap3A_368 = arith.constant 96 : index
    %swap3A_369 = tpu.vector_load %arg9[%swap3A_368] {strides = array<i32>} : memref<256xi32, #tpu.memory_space<vmem>>, vector<16xi32>,
    tpu.vector_store %arg9[%swap3A_368], %add3A_367 {strides = array<i32>} : memref<256xi32, #tpu.memory_space<vmem>>, vector<16xi32>,
    %all_reduce_population_count3A_370 = tpu.all_reduce %gt3A_357 {dim = 0 : i64, kind = #tpu.reduction_kind<sum>} : vector<16xi1> -> vector<16xi32>
    %slice3A_371 = vector.extract_strided_slice %all_reduce_population_count3A_370 {offsets = [0], sizes = [1], strides = [1]} : vector<16xi32> to vector<1xi32>
    %squeeze3A_372 = vector.extract %slice3A_371[0] : i32 from vector<1xi32>
    %add3A_373 = arith.addi %add3A_352, %squeeze3A_372 : i32
    %get3A_374 = arith.constant 112 : index
    %get3A_375 = tpu.vector_load %arg8[%get3A_374] {strides = array<i32>} : memref<256xi32, #tpu.memory_space<vmem>>, vector<16xi32>,
    %gt3A_376 = arith.constant 0 : i32
    %gt3A_377 = vector.broadcast %gt3A_376 : i32 to vector<16xi32>
    %gt3A_378 = arith.cmpi sgt, %get3A_375, %gt3A_377 : vector<16xi32>
    %add3A_379 = arith.constant 112 : i32
    %add3A_380 = vector.broadcast %add3A_379 : i32 to vector<16xi32>
    %add3A_381 = arith.addi %iota3A, %add3A_380 : vector<16xi32>
    %swap3A_382 = arith.index_cast %add3A_373 : i32 to index
    %swap3A_383 = tpu.vector_load %arg11[%swap3A_382] masked %gt3A_378 {strides = array<i32>} : memref<272xi32, #tpu.memory_space<vmem>>, vector<16xi32>, vector<16xi1>
    tpu.vector_store %arg11[%swap3A_382], %add3A_381 masked %gt3A_378 {strides = array<i32>} : memref<272xi32, #tpu.memory_space<vmem>>, vector<16xi32>, vector<16xi1>
    %broadcast_in_dim3A_384 = arith.constant true
    %broadcast_in_dim3A_385 = vector.broadcast %broadcast_in_dim3A_384 : i1 to vector<16xi1>
    %masked_cumsum3A_386 = tpu.scan <sum>, %get3A_375 masked %broadcast_in_dim3A_385 : vector<16xi32>, vector<16xi1> -> vector<16xi32>
    %add3A_387 = vector.broadcast %add3A_373 : i32 to vector<16xi32>
    %add3A_388 = arith.addi %masked_cumsum3A_386, %add3A_387 : vector<16xi32>
    %swap3A_389 = arith.constant 112 : index
    %swap3A_390 = tpu.vector_load %arg9[%swap3A_389] {strides = array<i32>} : memref<256xi32, #tpu.memory_space<vmem>>, vector<16xi32>,
    tpu.vector_store %arg9[%swap3A_389], %add3A_388 {strides = array<i32>} : memref<256xi32, #tpu.memory_space<vmem>>, vector<16xi32>,
    %all_reduce_population_count3A_391 = tpu.all_reduce %gt3A_378 {dim = 0 : i64, kind = #tpu.reduction_kind<sum>} : vector<16xi1> -> vector<16xi32>
    %slice3A_392 = vector.extract_strided_slice %all_reduce_population_count3A_391 {offsets = [0], sizes = [1], strides = [1]} : vector<16xi32> to vector<1xi32>
    %squeeze3A_393 = vector.extract %slice3A_392[0] : i32 from vector<1xi32>
    %add3A_394 = arith.addi %add3A_373, %squeeze3A_393 : i32
    %get3A_395 = arith.constant 128 : index
    %get3A_396 = tpu.vector_load %arg8[%get3A_395] {strides = array<i32>} : memref<256xi32, #tpu.memory_space<vmem>>, vector<16xi32>,
    %gt3A_397 = arith.constant 0 : i32
    %gt3A_398 = vector.broadcast %gt3A_397 : i32 to vector<16xi32>
    %gt3A_399 = arith.cmpi sgt, %get3A_396, %gt3A_398 : vector<16xi32>
    %add3A_400 = arith.constant 128 : i32
    %add3A_401 = vector.broadcast %add3A_400 : i32 to vector<16xi32>
    %add3A_402 = arith.addi %iota3A, %add3A_401 : vector<16xi32>
    %swap3A_403 = arith.index_cast %add3A_394 : i32 to index
    %swap3A_404 = tpu.vector_load %arg11[%swap3A_403] masked %gt3A_399 {strides = array<i32>} : memref<272xi32, #tpu.memory_space<vmem>>, vector<16xi32>, vector<16xi1>
    tpu.vector_store %arg11[%swap3A_403], %add3A_402 masked %gt3A_399 {strides = array<i32>} : memref<272xi32, #tpu.memory_space<vmem>>, vector<16xi32>, vector<16xi1>
    %broadcast_in_dim3A_405 = arith.constant true
    %broadcast_in_dim3A_406 = vector.broadcast %broadcast_in_dim3A_405 : i1 to vector<16xi1>
    %masked_cumsum3A_407 = tpu.scan <sum>, %get3A_396 masked %broadcast_in_dim3A_406 : vector<16xi32>, vector<16xi1> -> vector<16xi32>
    %add3A_408 = vector.broadcast %add3A_394 : i32 to vector<16xi32>
    %add3A_409 = arith.addi %masked_cumsum3A_407, %add3A_408 : vector<16xi32>
    %swap3A_410 = arith.constant 128 : index
    %swap3A_411 = tpu.vector_load %arg9[%swap3A_410] {strides = array<i32>} : memref<256xi32, #tpu.memory_space<vmem>>, vector<16xi32>,
    tpu.vector_store %arg9[%swap3A_410], %add3A_409 {strides = array<i32>} : memref<256xi32, #tpu.memory_space<vmem>>, vector<16xi32>,
    %all_reduce_population_count3A_412 = tpu.all_reduce %gt3A_399 {dim = 0 : i64, kind = #tpu.reduction_kind<sum>} : vector<16xi1> -> vector<16xi32>
    %slice3A_413 = vector.extract_strided_slice %all_reduce_population_count3A_412 {offsets = [0], sizes = [1], strides = [1]} : vector<16xi32> to vector<1xi32>
    %squeeze3A_414 = vector.extract %slice3A_413[0] : i32 from vector<1xi32>
    %add3A_415 = arith.addi %add3A_394, %squeeze3A_414 : i32
    %get3A_416 = arith.constant 144 : index
    %get3A_417 = tpu.vector_load %arg8[%get3A_416] {strides = array<i32>} : memref<256xi32, #tpu.memory_space<vmem>>, vector<16xi32>,
    %gt3A_418 = arith.constant 0 : i32
    %gt3A_419 = vector.broadcast %gt3A_418 : i32 to vector<16xi32>
    %gt3A_420 = arith.cmpi sgt, %get3A_417, %gt3A_419 : vector<16xi32>
    %add3A_421 = arith.constant 144 : i32
    %add3A_422 = vector.broadcast %add3A_421 : i32 to vector<16xi32>
    %add3A_423 = arith.addi %iota3A, %add3A_422 : vector<16xi32>
    %swap3A_424 = arith.index_cast %add3A_415 : i32 to index
    %swap3A_425 = tpu.vector_load %arg11[%swap3A_424] masked %gt3A_420 {strides = array<i32>} : memref<272xi32, #tpu.memory_space<vmem>>, vector<16xi32>, vector<16xi1>
    tpu.vector_store %arg11[%swap3A_424], %add3A_423 masked %gt3A_420 {strides = array<i32>} : memref<272xi32, #tpu.memory_space<vmem>>, vector<16xi32>, vector<16xi1>
    %broadcast_in_dim3A_426 = arith.constant true
    %broadcast_in_dim3A_427 = vector.broadcast %broadcast_in_dim3A_426 : i1 to vector<16xi1>
    %masked_cumsum3A_428 = tpu.scan <sum>, %get3A_417 masked %broadcast_in_dim3A_427 : vector<16xi32>, vector<16xi1> -> vector<16xi32>
    %add3A_429 = vector.broadcast %add3A_415 : i32 to vector<16xi32>
    %add3A_430 = arith.addi %masked_cumsum3A_428, %add3A_429 : vector<16xi32>
    %swap3A_431 = arith.constant 144 : index
    %swap3A_432 = tpu.vector_load %arg9[%swap3A_431] {strides = array<i32>} : memref<256xi32, #tpu.memory_space<vmem>>, vector<16xi32>,
    tpu.vector_store %arg9[%swap3A_431], %add3A_430 {strides = array<i32>} : memref<256xi32, #tpu.memory_space<vmem>>, vector<16xi32>,
    %all_reduce_population_count3A_433 = tpu.all_reduce %gt3A_420 {dim = 0 : i64, kind = #tpu.reduction_kind<sum>} : vector<16xi1> -> vector<16xi32>
    %slice3A_434 = vector.extract_strided_slice %all_reduce_population_count3A_433 {offsets = [0], sizes = [1], strides = [1]} : vector<16xi32> to vector<1xi32>
    %squeeze3A_435 = vector.extract %slice3A_434[0] : i32 from vector<1xi32>
    %add3A_436 = arith.addi %add3A_415, %squeeze3A_435 : i32
    %get3A_437 = arith.constant 160 : index
    %get3A_438 = tpu.vector_load %arg8[%get3A_437] {strides = array<i32>} : memref<256xi32, #tpu.memory_space<vmem>>, vector<16xi32>,
    %gt3A_439 = arith.constant 0 : i32
    %gt3A_440 = vector.broadcast %gt3A_439 : i32 to vector<16xi32>
    %gt3A_441 = arith.cmpi sgt, %get3A_438, %gt3A_440 : vector<16xi32>
    %add3A_442 = arith.constant 160 : i32
    %add3A_443 = vector.broadcast %add3A_442 : i32 to vector<16xi32>
    %add3A_444 = arith.addi %iota3A, %add3A_443 : vector<16xi32>
    %swap3A_445 = arith.index_cast %add3A_436 : i32 to index
    %swap3A_446 = tpu.vector_load %arg11[%swap3A_445] masked %gt3A_441 {strides = array<i32>} : memref<272xi32, #tpu.memory_space<vmem>>, vector<16xi32>, vector<16xi1>
    tpu.vector_store %arg11[%swap3A_445], %add3A_444 masked %gt3A_441 {strides = array<i32>} : memref<272xi32, #tpu.memory_space<vmem>>, vector<16xi32>, vector<16xi1>
    %broadcast_in_dim3A_447 = arith.constant true
    %broadcast_in_dim3A_448 = vector.broadcast %broadcast_in_dim3A_447 : i1 to vector<16xi1>
    %masked_cumsum3A_449 = tpu.scan <sum>, %get3A_438 masked %broadcast_in_dim3A_448 : vector<16xi32>, vector<16xi1> -> vector<16xi32>
    %add3A_450 = vector.broadcast %add3A_436 : i32 to vector<16xi32>
    %add3A_451 = arith.addi %masked_cumsum3A_449, %add3A_450 : vector<16xi32>
    %swap3A_452 = arith.constant 160 : index
    %swap3A_453 = tpu.vector_load %arg9[%swap3A_452] {strides = array<i32>} : memref<256xi32, #tpu.memory_space<vmem>>, vector<16xi32>,
    tpu.vector_store %arg9[%swap3A_452], %add3A_451 {strides = array<i32>} : memref<256xi32, #tpu.memory_space<vmem>>, vector<16xi32>,
    %all_reduce_population_count3A_454 = tpu.all_reduce %gt3A_441 {dim = 0 : i64, kind = #tpu.reduction_kind<sum>} : vector<16xi1> -> vector<16xi32>
    %slice3A_455 = vector.extract_strided_slice %all_reduce_population_count3A_454 {offsets = [0], sizes = [1], strides = [1]} : vector<16xi32> to vector<1xi32>
    %squeeze3A_456 = vector.extract %slice3A_455[0] : i32 from vector<1xi32>
    %add3A_457 = arith.addi %add3A_436, %squeeze3A_456 : i32
    %get3A_458 = arith.constant 176 : index
    %get3A_459 = tpu.vector_load %arg8[%get3A_458] {strides = array<i32>} : memref<256xi32, #tpu.memory_space<vmem>>, vector<16xi32>,
    %gt3A_460 = arith.constant 0 : i32
    %gt3A_461 = vector.broadcast %gt3A_460 : i32 to vector<16xi32>
    %gt3A_462 = arith.cmpi sgt, %get3A_459, %gt3A_461 : vector<16xi32>
    %add3A_463 = arith.constant 176 : i32
    %add3A_464 = vector.broadcast %add3A_463 : i32 to vector<16xi32>
    %add3A_465 = arith.addi %iota3A, %add3A_464 : vector<16xi32>
    %swap3A_466 = arith.index_cast %add3A_457 : i32 to index
    %swap3A_467 = tpu.vector_load %arg11[%swap3A_466] masked %gt3A_462 {strides = array<i32>} : memref<272xi32, #tpu.memory_space<vmem>>, vector<16xi32>, vector<16xi1>
    tpu.vector_store %arg11[%swap3A_466], %add3A_465 masked %gt3A_462 {strides = array<i32>} : memref<272xi32, #tpu.memory_space<vmem>>, vector<16xi32>, vector<16xi1>
    %broadcast_in_dim3A_468 = arith.constant true
    %broadcast_in_dim3A_469 = vector.broadcast %broadcast_in_dim3A_468 : i1 to vector<16xi1>
    %masked_cumsum3A_470 = tpu.scan <sum>, %get3A_459 masked %broadcast_in_dim3A_469 : vector<16xi32>, vector<16xi1> -> vector<16xi32>
    %add3A_471 = vector.broadcast %add3A_457 : i32 to vector<16xi32>
    %add3A_472 = arith.addi %masked_cumsum3A_470, %add3A_471 : vector<16xi32>
    %swap3A_473 = arith.constant 176 : index
    %swap3A_474 = tpu.vector_load %arg9[%swap3A_473] {strides = array<i32>} : memref<256xi32, #tpu.memory_space<vmem>>, vector<16xi32>,
    tpu.vector_store %arg9[%swap3A_473], %add3A_472 {strides = array<i32>} : memref<256xi32, #tpu.memory_space<vmem>>, vector<16xi32>,
    %all_reduce_population_count3A_475 = tpu.all_reduce %gt3A_462 {dim = 0 : i64, kind = #tpu.reduction_kind<sum>} : vector<16xi1> -> vector<16xi32>
    %slice3A_476 = vector.extract_strided_slice %all_reduce_population_count3A_475 {offsets = [0], sizes = [1], strides = [1]} : vector<16xi32> to vector<1xi32>
    %squeeze3A_477 = vector.extract %slice3A_476[0] : i32 from vector<1xi32>
    %add3A_478 = arith.addi %add3A_457, %squeeze3A_477 : i32
    %get3A_479 = arith.constant 192 : index
    %get3A_480 = tpu.vector_load %arg8[%get3A_479] {strides = array<i32>} : memref<256xi32, #tpu.memory_space<vmem>>, vector<16xi32>,
    %gt3A_481 = arith.constant 0 : i32
    %gt3A_482 = vector.broadcast %gt3A_481 : i32 to vector<16xi32>
    %gt3A_483 = arith.cmpi sgt, %get3A_480, %gt3A_482 : vector<16xi32>
    %add3A_484 = arith.constant 192 : i32
    %add3A_485 = vector.broadcast %add3A_484 : i32 to vector<16xi32>
    %add3A_486 = arith.addi %iota3A, %add3A_485 : vector<16xi32>
    %swap3A_487 = arith.index_cast %add3A_478 : i32 to index
    %swap3A_488 = tpu.vector_load %arg11[%swap3A_487] masked %gt3A_483 {strides = array<i32>} : memref<272xi32, #tpu.memory_space<vmem>>, vector<16xi32>, vector<16xi1>
    tpu.vector_store %arg11[%swap3A_487], %add3A_486 masked %gt3A_483 {strides = array<i32>} : memref<272xi32, #tpu.memory_space<vmem>>, vector<16xi32>, vector<16xi1>
    %broadcast_in_dim3A_489 = arith.constant true
    %broadcast_in_dim3A_490 = vector.broadcast %broadcast_in_dim3A_489 : i1 to vector<16xi1>
    %masked_cumsum3A_491 = tpu.scan <sum>, %get3A_480 masked %broadcast_in_dim3A_490 : vector<16xi32>, vector<16xi1> -> vector<16xi32>
    %add3A_492 = vector.broadcast %add3A_478 : i32 to vector<16xi32>
    %add3A_493 = arith.addi %masked_cumsum3A_491, %add3A_492 : vector<16xi32>
    %swap3A_494 = arith.constant 192 : index
    %swap3A_495 = tpu.vector_load %arg9[%swap3A_494] {strides = array<i32>} : memref<256xi32, #tpu.memory_space<vmem>>, vector<16xi32>,
    tpu.vector_store %arg9[%swap3A_494], %add3A_493 {strides = array<i32>} : memref<256xi32, #tpu.memory_space<vmem>>, vector<16xi32>,
    %all_reduce_population_count3A_496 = tpu.all_reduce %gt3A_483 {dim = 0 : i64, kind = #tpu.reduction_kind<sum>} : vector<16xi1> -> vector<16xi32>
    %slice3A_497 = vector.extract_strided_slice %all_reduce_population_count3A_496 {offsets = [0], sizes = [1], strides = [1]} : vector<16xi32> to vector<1xi32>
    %squeeze3A_498 = vector.extract %slice3A_497[0] : i32 from vector<1xi32>
    %add3A_499 = arith.addi %add3A_478, %squeeze3A_498 : i32
    %get3A_500 = arith.constant 208 : index
    %get3A_501 = tpu.vector_load %arg8[%get3A_500] {strides = array<i32>} : memref<256xi32, #tpu.memory_space<vmem>>, vector<16xi32>,
    %gt3A_502 = arith.constant 0 : i32
    %gt3A_503 = vector.broadcast %gt3A_502 : i32 to vector<16xi32>
    %gt3A_504 = arith.cmpi sgt, %get3A_501, %gt3A_503 : vector<16xi32>
    %add3A_505 = arith.constant 208 : i32
    %add3A_506 = vector.broadcast %add3A_505 : i32 to vector<16xi32>
    %add3A_507 = arith.addi %iota3A, %add3A_506 : vector<16xi32>
    %swap3A_508 = arith.index_cast %add3A_499 : i32 to index
    %swap3A_509 = tpu.vector_load %arg11[%swap3A_508] masked %gt3A_504 {strides = array<i32>} : memref<272xi32, #tpu.memory_space<vmem>>, vector<16xi32>, vector<16xi1>
    tpu.vector_store %arg11[%swap3A_508], %add3A_507 masked %gt3A_504 {strides = array<i32>} : memref<272xi32, #tpu.memory_space<vmem>>, vector<16xi32>, vector<16xi1>
    %broadcast_in_dim3A_510 = arith.constant true
    %broadcast_in_dim3A_511 = vector.broadcast %broadcast_in_dim3A_510 : i1 to vector<16xi1>
    %masked_cumsum3A_512 = tpu.scan <sum>, %get3A_501 masked %broadcast_in_dim3A_511 : vector<16xi32>, vector<16xi1> -> vector<16xi32>
    %add3A_513 = vector.broadcast %add3A_499 : i32 to vector<16xi32>
    %add3A_514 = arith.addi %masked_cumsum3A_512, %add3A_513 : vector<16xi32>
    %swap3A_515 = arith.constant 208 : index
    %swap3A_516 = tpu.vector_load %arg9[%swap3A_515] {strides = array<i32>} : memref<256xi32, #tpu.memory_space<vmem>>, vector<16xi32>,
    tpu.vector_store %arg9[%swap3A_515], %add3A_514 {strides = array<i32>} : memref<256xi32, #tpu.memory_space<vmem>>, vector<16xi32>,
    %all_reduce_population_count3A_517 = tpu.all_reduce %gt3A_504 {dim = 0 : i64, kind = #tpu.reduction_kind<sum>} : vector<16xi1> -> vector<16xi32>
    %slice3A_518 = vector.extract_strided_slice %all_reduce_population_count3A_517 {offsets = [0], sizes = [1], strides = [1]} : vector<16xi32> to vector<1xi32>
    %squeeze3A_519 = vector.extract %slice3A_518[0] : i32 from vector<1xi32>
    %add3A_520 = arith.addi %add3A_499, %squeeze3A_519 : i32
    %get3A_521 = arith.constant 224 : index
    %get3A_522 = tpu.vector_load %arg8[%get3A_521] {strides = array<i32>} : memref<256xi32, #tpu.memory_space<vmem>>, vector<16xi32>,
    %gt3A_523 = arith.constant 0 : i32
    %gt3A_524 = vector.broadcast %gt3A_523 : i32 to vector<16xi32>
    %gt3A_525 = arith.cmpi sgt, %get3A_522, %gt3A_524 : vector<16xi32>
    %add3A_526 = arith.constant 224 : i32
    %add3A_527 = vector.broadcast %add3A_526 : i32 to vector<16xi32>
    %add3A_528 = arith.addi %iota3A, %add3A_527 : vector<16xi32>
    %swap3A_529 = arith.index_cast %add3A_520 : i32 to index
    %swap3A_530 = tpu.vector_load %arg11[%swap3A_529] masked %gt3A_525 {strides = array<i32>} : memref<272xi32, #tpu.memory_space<vmem>>, vector<16xi32>, vector<16xi1>
    tpu.vector_store %arg11[%swap3A_529], %add3A_528 masked %gt3A_525 {strides = array<i32>} : memref<272xi32, #tpu.memory_space<vmem>>, vector<16xi32>, vector<16xi1>
    %broadcast_in_dim3A_531 = arith.constant true
    %broadcast_in_dim3A_532 = vector.broadcast %broadcast_in_dim3A_531 : i1 to vector<16xi1>
    %masked_cumsum3A_533 = tpu.scan <sum>, %get3A_522 masked %broadcast_in_dim3A_532 : vector<16xi32>, vector<16xi1> -> vector<16xi32>
    %add3A_534 = vector.broadcast %add3A_520 : i32 to vector<16xi32>
    %add3A_535 = arith.addi %masked_cumsum3A_533, %add3A_534 : vector<16xi32>
    %swap3A_536 = arith.constant 224 : index
    %swap3A_537 = tpu.vector_load %arg9[%swap3A_536] {strides = array<i32>} : memref<256xi32, #tpu.memory_space<vmem>>, vector<16xi32>,
    tpu.vector_store %arg9[%swap3A_536], %add3A_535 {strides = array<i32>} : memref<256xi32, #tpu.memory_space<vmem>>, vector<16xi32>,
    %all_reduce_population_count3A_538 = tpu.all_reduce %gt3A_525 {dim = 0 : i64, kind = #tpu.reduction_kind<sum>} : vector<16xi1> -> vector<16xi32>
    %slice3A_539 = vector.extract_strided_slice %all_reduce_population_count3A_538 {offsets = [0], sizes = [1], strides = [1]} : vector<16xi32> to vector<1xi32>
    %squeeze3A_540 = vector.extract %slice3A_539[0] : i32 from vector<1xi32>
    %add3A_541 = arith.addi %add3A_520, %squeeze3A_540 : i32
    %get3A_542 = arith.constant 240 : index
    %get3A_543 = tpu.vector_load %arg8[%get3A_542] {strides = array<i32>} : memref<256xi32, #tpu.memory_space<vmem>>, vector<16xi32>,
    %gt3A_544 = arith.constant 0 : i32
    %gt3A_545 = vector.broadcast %gt3A_544 : i32 to vector<16xi32>
    %gt3A_546 = arith.cmpi sgt, %get3A_543, %gt3A_545 : vector<16xi32>
    %add3A_547 = arith.constant 240 : i32
    %add3A_548 = vector.broadcast %add3A_547 : i32 to vector<16xi32>
    %add3A_549 = arith.addi %iota3A, %add3A_548 : vector<16xi32>
    %swap3A_550 = arith.index_cast %add3A_541 : i32 to index
    %swap3A_551 = tpu.vector_load %arg11[%swap3A_550] masked %gt3A_546 {strides = array<i32>} : memref<272xi32, #tpu.memory_space<vmem>>, vector<16xi32>, vector<16xi1>
    tpu.vector_store %arg11[%swap3A_550], %add3A_549 masked %gt3A_546 {strides = array<i32>} : memref<272xi32, #tpu.memory_space<vmem>>, vector<16xi32>, vector<16xi1>
    %broadcast_in_dim3A_552 = arith.constant true
    %broadcast_in_dim3A_553 = vector.broadcast %broadcast_in_dim3A_552 : i1 to vector<16xi1>
    %masked_cumsum3A_554 = tpu.scan <sum>, %get3A_543 masked %broadcast_in_dim3A_553 : vector<16xi32>, vector<16xi1> -> vector<16xi32>
    %add3A_555 = vector.broadcast %add3A_541 : i32 to vector<16xi32>
    %add3A_556 = arith.addi %masked_cumsum3A_554, %add3A_555 : vector<16xi32>
    %swap3A_557 = arith.constant 240 : index
    %swap3A_558 = tpu.vector_load %arg9[%swap3A_557] {strides = array<i32>} : memref<256xi32, #tpu.memory_space<vmem>>, vector<16xi32>,
    tpu.vector_store %arg9[%swap3A_557], %add3A_556 {strides = array<i32>} : memref<256xi32, #tpu.memory_space<vmem>>, vector<16xi32>,
    %all_reduce_population_count3A_559 = tpu.all_reduce %gt3A_546 {dim = 0 : i64, kind = #tpu.reduction_kind<sum>} : vector<16xi1> -> vector<16xi32>
    %slice3A_560 = vector.extract_strided_slice %all_reduce_population_count3A_559 {offsets = [0], sizes = [1], strides = [1]} : vector<16xi32> to vector<1xi32>
    %squeeze3A_561 = vector.extract %slice3A_560[0] : i32 from vector<1xi32>
    %add3A_562 = arith.addi %add3A_541, %squeeze3A_561 : i32
    %add3A_563 = arith.constant 3 : i32
    %add3A_564 = arith.addi %add3A_562, %add3A_563 : i32
    %shift_right_arithmetic3A = arith.constant 2 : i32
    %shift_right_arithmetic3A_565 = arith.shrsi %add3A_564, %shift_right_arithmetic3A : i32
    %get3A_566 = arith.constant 0 : index
    %get3A_567 = tpu.vector_load %arg6[%get3A_566] {strides = array<i32>} : memref<352xi32, #tpu.memory_space<vmem>>, vector<16xi32>,
    %shift_right_arithmetic3A_568 = arith.constant 7 : i32
    %shift_right_arithmetic3A_569 = vector.broadcast %shift_right_arithmetic3A_568 : i32 to vector<16xi32>
    %shift_right_arithmetic3A_570 = arith.shrsi %get3A_567, %shift_right_arithmetic3A_569 : vector<16xi32>
    %sub3A = vector.broadcast %mul3A_2 : i32 to vector<16xi32>
    %sub3A_571 = arith.subi %shift_right_arithmetic3A_570, %sub3A : vector<16xi32>
    %max3A = arith.constant 0 : i32
    %max3A_572 = vector.broadcast %max3A : i32 to vector<16xi32>
    %max3A_573 = arith.maxsi %sub3A_571, %max3A_572 : vector<16xi32>
    %gather3A = tpu.vector_load_idx %arg9[%max3A_573] : memref<256xi32, #tpu.memory_space<vmem>>[vector<16xi32>], vector<16xi32>,
    %sub3A_574 = arith.constant 1 : i32
    %sub3A_575 = vector.broadcast %sub3A_574 : i32 to vector<16xi32>
    %sub3A_576 = arith.subi %gather3A, %sub3A_575 : vector<16xi32>
    %ge3A = arith.constant 0 : i32
    %ge3A_577 = vector.broadcast %ge3A : i32 to vector<16xi32>
    %ge3A_578 = arith.cmpi sge, %sub3A_571, %ge3A_577 : vector<16xi32>
    %jit3A = arith.constant -1 : i32
    %broadcast_in_dim3A_579 = vector.broadcast %jit3A : i32 to vector<16xi32>
    %select_n3A = arith.select %ge3A_578, %sub3A_576, %broadcast_in_dim3A_579 : vector<16xi1>, vector<16xi32>
    %swap3A_580 = arith.constant 0 : index
    %swap3A_581 = tpu.vector_load %arg10[%swap3A_580] {strides = array<i32>} : memref<352xi32, #tpu.memory_space<vmem>>, vector<16xi32>,
    tpu.vector_store %arg10[%swap3A_580], %select_n3A {strides = array<i32>} : memref<352xi32, #tpu.memory_space<vmem>>, vector<16xi32>,
    %get3A_582 = arith.constant 16 : index
    %get3A_583 = tpu.vector_load %arg6[%get3A_582] {strides = array<i32>} : memref<352xi32, #tpu.memory_space<vmem>>, vector<16xi32>,
    %shift_right_arithmetic3A_584 = arith.constant 7 : i32
    %shift_right_arithmetic3A_585 = vector.broadcast %shift_right_arithmetic3A_584 : i32 to vector<16xi32>
    %shift_right_arithmetic3A_586 = arith.shrsi %get3A_583, %shift_right_arithmetic3A_585 : vector<16xi32>
    %sub3A_587 = vector.broadcast %mul3A_2 : i32 to vector<16xi32>
    %sub3A_588 = arith.subi %shift_right_arithmetic3A_586, %sub3A_587 : vector<16xi32>
    %max3A_589 = arith.constant 0 : i32
    %max3A_590 = vector.broadcast %max3A_589 : i32 to vector<16xi32>
    %max3A_591 = arith.maxsi %sub3A_588, %max3A_590 : vector<16xi32>
    %gather3A_592 = tpu.vector_load_idx %arg9[%max3A_591] : memref<256xi32, #tpu.memory_space<vmem>>[vector<16xi32>], vector<16xi32>,
    %sub3A_593 = arith.constant 1 : i32
    %sub3A_594 = vector.broadcast %sub3A_593 : i32 to vector<16xi32>
    %sub3A_595 = arith.subi %gather3A_592, %sub3A_594 : vector<16xi32>
    %ge3A_596 = arith.constant 0 : i32
    %ge3A_597 = vector.broadcast %ge3A_596 : i32 to vector<16xi32>
    %ge3A_598 = arith.cmpi sge, %sub3A_588, %ge3A_597 : vector<16xi32>
    %jit3A_599 = arith.constant -1 : i32
    %broadcast_in_dim3A_600 = vector.broadcast %jit3A_599 : i32 to vector<16xi32>
    %select_n3A_601 = arith.select %ge3A_598, %sub3A_595, %broadcast_in_dim3A_600 : vector<16xi1>, vector<16xi32>
    %swap3A_602 = arith.constant 16 : index
    %swap3A_603 = tpu.vector_load %arg10[%swap3A_602] {strides = array<i32>} : memref<352xi32, #tpu.memory_space<vmem>>, vector<16xi32>,
    tpu.vector_store %arg10[%swap3A_602], %select_n3A_601 {strides = array<i32>} : memref<352xi32, #tpu.memory_space<vmem>>, vector<16xi32>,
    %get3A_604 = arith.constant 32 : index
    %get3A_605 = tpu.vector_load %arg6[%get3A_604] {strides = array<i32>} : memref<352xi32, #tpu.memory_space<vmem>>, vector<16xi32>,
    %shift_right_arithmetic3A_606 = arith.constant 7 : i32
    %shift_right_arithmetic3A_607 = vector.broadcast %shift_right_arithmetic3A_606 : i32 to vector<16xi32>
    %shift_right_arithmetic3A_608 = arith.shrsi %get3A_605, %shift_right_arithmetic3A_607 : vector<16xi32>
    %sub3A_609 = vector.broadcast %mul3A_2 : i32 to vector<16xi32>
    %sub3A_610 = arith.subi %shift_right_arithmetic3A_608, %sub3A_609 : vector<16xi32>
    %max3A_611 = arith.constant 0 : i32
    %max3A_612 = vector.broadcast %max3A_611 : i32 to vector<16xi32>
    %max3A_613 = arith.maxsi %sub3A_610, %max3A_612 : vector<16xi32>
    %gather3A_614 = tpu.vector_load_idx %arg9[%max3A_613] : memref<256xi32, #tpu.memory_space<vmem>>[vector<16xi32>], vector<16xi32>,
    %sub3A_615 = arith.constant 1 : i32
    %sub3A_616 = vector.broadcast %sub3A_615 : i32 to vector<16xi32>
    %sub3A_617 = arith.subi %gather3A_614, %sub3A_616 : vector<16xi32>
    %ge3A_618 = arith.constant 0 : i32
    %ge3A_619 = vector.broadcast %ge3A_618 : i32 to vector<16xi32>
    %ge3A_620 = arith.cmpi sge, %sub3A_610, %ge3A_619 : vector<16xi32>
    %jit3A_621 = arith.constant -1 : i32
    %broadcast_in_dim3A_622 = vector.broadcast %jit3A_621 : i32 to vector<16xi32>
    %select_n3A_623 = arith.select %ge3A_620, %sub3A_617, %broadcast_in_dim3A_622 : vector<16xi1>, vector<16xi32>
    %swap3A_624 = arith.constant 32 : index
    %swap3A_625 = tpu.vector_load %arg10[%swap3A_624] {strides = array<i32>} : memref<352xi32, #tpu.memory_space<vmem>>, vector<16xi32>,
    tpu.vector_store %arg10[%swap3A_624], %select_n3A_623 {strides = array<i32>} : memref<352xi32, #tpu.memory_space<vmem>>, vector<16xi32>,
    %get3A_626 = arith.constant 48 : index
    %get3A_627 = tpu.vector_load %arg6[%get3A_626] {strides = array<i32>} : memref<352xi32, #tpu.memory_space<vmem>>, vector<16xi32>,
    %shift_right_arithmetic3A_628 = arith.constant 7 : i32
    %shift_right_arithmetic3A_629 = vector.broadcast %shift_right_arithmetic3A_628 : i32 to vector<16xi32>
    %shift_right_arithmetic3A_630 = arith.shrsi %get3A_627, %shift_right_arithmetic3A_629 : vector<16xi32>
    %sub3A_631 = vector.broadcast %mul3A_2 : i32 to vector<16xi32>
    %sub3A_632 = arith.subi %shift_right_arithmetic3A_630, %sub3A_631 : vector<16xi32>
    %max3A_633 = arith.constant 0 : i32
    %max3A_634 = vector.broadcast %max3A_633 : i32 to vector<16xi32>
    %max3A_635 = arith.maxsi %sub3A_632, %max3A_634 : vector<16xi32>
    %gather3A_636 = tpu.vector_load_idx %arg9[%max3A_635] : memref<256xi32, #tpu.memory_space<vmem>>[vector<16xi32>], vector<16xi32>,
    %sub3A_637 = arith.constant 1 : i32
    %sub3A_638 = vector.broadcast %sub3A_637 : i32 to vector<16xi32>
    %sub3A_639 = arith.subi %gather3A_636, %sub3A_638 : vector<16xi32>
    %ge3A_640 = arith.constant 0 : i32
    %ge3A_641 = vector.broadcast %ge3A_640 : i32 to vector<16xi32>
    %ge3A_642 = arith.cmpi sge, %sub3A_632, %ge3A_641 : vector<16xi32>
    %jit3A_643 = arith.constant -1 : i32
    %broadcast_in_dim3A_644 = vector.broadcast %jit3A_643 : i32 to vector<16xi32>
    %select_n3A_645 = arith.select %ge3A_642, %sub3A_639, %broadcast_in_dim3A_644 : vector<16xi1>, vector<16xi32>
    %swap3A_646 = arith.constant 48 : index
    %swap3A_647 = tpu.vector_load %arg10[%swap3A_646] {strides = array<i32>} : memref<352xi32, #tpu.memory_space<vmem>>, vector<16xi32>,
    tpu.vector_store %arg10[%swap3A_646], %select_n3A_645 {strides = array<i32>} : memref<352xi32, #tpu.memory_space<vmem>>, vector<16xi32>,
    %get3A_648 = arith.constant 64 : index
    %get3A_649 = tpu.vector_load %arg6[%get3A_648] {strides = array<i32>} : memref<352xi32, #tpu.memory_space<vmem>>, vector<16xi32>,
    %shift_right_arithmetic3A_650 = arith.constant 7 : i32
    %shift_right_arithmetic3A_651 = vector.broadcast %shift_right_arithmetic3A_650 : i32 to vector<16xi32>
    %shift_right_arithmetic3A_652 = arith.shrsi %get3A_649, %shift_right_arithmetic3A_651 : vector<16xi32>
    %sub3A_653 = vector.broadcast %mul3A_2 : i32 to vector<16xi32>
    %sub3A_654 = arith.subi %shift_right_arithmetic3A_652, %sub3A_653 : vector<16xi32>
    %max3A_655 = arith.constant 0 : i32
    %max3A_656 = vector.broadcast %max3A_655 : i32 to vector<16xi32>
    %max3A_657 = arith.maxsi %sub3A_654, %max3A_656 : vector<16xi32>
    %gather3A_658 = tpu.vector_load_idx %arg9[%max3A_657] : memref<256xi32, #tpu.memory_space<vmem>>[vector<16xi32>], vector<16xi32>,
    %sub3A_659 = arith.constant 1 : i32
    %sub3A_660 = vector.broadcast %sub3A_659 : i32 to vector<16xi32>
    %sub3A_661 = arith.subi %gather3A_658, %sub3A_660 : vector<16xi32>
    %ge3A_662 = arith.constant 0 : i32
    %ge3A_663 = vector.broadcast %ge3A_662 : i32 to vector<16xi32>
    %ge3A_664 = arith.cmpi sge, %sub3A_654, %ge3A_663 : vector<16xi32>
    %jit3A_665 = arith.constant -1 : i32
    %broadcast_in_dim3A_666 = vector.broadcast %jit3A_665 : i32 to vector<16xi32>
    %select_n3A_667 = arith.select %ge3A_664, %sub3A_661, %broadcast_in_dim3A_666 : vector<16xi1>, vector<16xi32>
    %swap3A_668 = arith.constant 64 : index
    %swap3A_669 = tpu.vector_load %arg10[%swap3A_668] {strides = array<i32>} : memref<352xi32, #tpu.memory_space<vmem>>, vector<16xi32>,
    tpu.vector_store %arg10[%swap3A_668], %select_n3A_667 {strides = array<i32>} : memref<352xi32, #tpu.memory_space<vmem>>, vector<16xi32>,
    %get3A_670 = arith.constant 80 : index
    %get3A_671 = tpu.vector_load %arg6[%get3A_670] {strides = array<i32>} : memref<352xi32, #tpu.memory_space<vmem>>, vector<16xi32>,
    %shift_right_arithmetic3A_672 = arith.constant 7 : i32
    %shift_right_arithmetic3A_673 = vector.broadcast %shift_right_arithmetic3A_672 : i32 to vector<16xi32>
    %shift_right_arithmetic3A_674 = arith.shrsi %get3A_671, %shift_right_arithmetic3A_673 : vector<16xi32>
    %sub3A_675 = vector.broadcast %mul3A_2 : i32 to vector<16xi32>
    %sub3A_676 = arith.subi %shift_right_arithmetic3A_674, %sub3A_675 : vector<16xi32>
    %max3A_677 = arith.constant 0 : i32
    %max3A_678 = vector.broadcast %max3A_677 : i32 to vector<16xi32>
    %max3A_679 = arith.maxsi %sub3A_676, %max3A_678 : vector<16xi32>
    %gather3A_680 = tpu.vector_load_idx %arg9[%max3A_679] : memref<256xi32, #tpu.memory_space<vmem>>[vector<16xi32>], vector<16xi32>,
    %sub3A_681 = arith.constant 1 : i32
    %sub3A_682 = vector.broadcast %sub3A_681 : i32 to vector<16xi32>
    %sub3A_683 = arith.subi %gather3A_680, %sub3A_682 : vector<16xi32>
    %ge3A_684 = arith.constant 0 : i32
    %ge3A_685 = vector.broadcast %ge3A_684 : i32 to vector<16xi32>
    %ge3A_686 = arith.cmpi sge, %sub3A_676, %ge3A_685 : vector<16xi32>
    %jit3A_687 = arith.constant -1 : i32
    %broadcast_in_dim3A_688 = vector.broadcast %jit3A_687 : i32 to vector<16xi32>
    %select_n3A_689 = arith.select %ge3A_686, %sub3A_683, %broadcast_in_dim3A_688 : vector<16xi1>, vector<16xi32>
    %swap3A_690 = arith.constant 80 : index
    %swap3A_691 = tpu.vector_load %arg10[%swap3A_690] {strides = array<i32>} : memref<352xi32, #tpu.memory_space<vmem>>, vector<16xi32>,
    tpu.vector_store %arg10[%swap3A_690], %select_n3A_689 {strides = array<i32>} : memref<352xi32, #tpu.memory_space<vmem>>, vector<16xi32>,
    %get3A_692 = arith.constant 96 : index
    %get3A_693 = tpu.vector_load %arg6[%get3A_692] {strides = array<i32>} : memref<352xi32, #tpu.memory_space<vmem>>, vector<16xi32>,
    %shift_right_arithmetic3A_694 = arith.constant 7 : i32
    %shift_right_arithmetic3A_695 = vector.broadcast %shift_right_arithmetic3A_694 : i32 to vector<16xi32>
    %shift_right_arithmetic3A_696 = arith.shrsi %get3A_693, %shift_right_arithmetic3A_695 : vector<16xi32>
    %sub3A_697 = vector.broadcast %mul3A_2 : i32 to vector<16xi32>
    %sub3A_698 = arith.subi %shift_right_arithmetic3A_696, %sub3A_697 : vector<16xi32>
    %max3A_699 = arith.constant 0 : i32
    %max3A_700 = vector.broadcast %max3A_699 : i32 to vector<16xi32>
    %max3A_701 = arith.maxsi %sub3A_698, %max3A_700 : vector<16xi32>
    %gather3A_702 = tpu.vector_load_idx %arg9[%max3A_701] : memref<256xi32, #tpu.memory_space<vmem>>[vector<16xi32>], vector<16xi32>,
    %sub3A_703 = arith.constant 1 : i32
    %sub3A_704 = vector.broadcast %sub3A_703 : i32 to vector<16xi32>
    %sub3A_705 = arith.subi %gather3A_702, %sub3A_704 : vector<16xi32>
    %ge3A_706 = arith.constant 0 : i32
    %ge3A_707 = vector.broadcast %ge3A_706 : i32 to vector<16xi32>
    %ge3A_708 = arith.cmpi sge, %sub3A_698, %ge3A_707 : vector<16xi32>
    %jit3A_709 = arith.constant -1 : i32
    %broadcast_in_dim3A_710 = vector.broadcast %jit3A_709 : i32 to vector<16xi32>
    %select_n3A_711 = arith.select %ge3A_708, %sub3A_705, %broadcast_in_dim3A_710 : vector<16xi1>, vector<16xi32>
    %swap3A_712 = arith.constant 96 : index
    %swap3A_713 = tpu.vector_load %arg10[%swap3A_712] {strides = array<i32>} : memref<352xi32, #tpu.memory_space<vmem>>, vector<16xi32>,
    tpu.vector_store %arg10[%swap3A_712], %select_n3A_711 {strides = array<i32>} : memref<352xi32, #tpu.memory_space<vmem>>, vector<16xi32>,
    %get3A_714 = arith.constant 112 : index
    %get3A_715 = tpu.vector_load %arg6[%get3A_714] {strides = array<i32>} : memref<352xi32, #tpu.memory_space<vmem>>, vector<16xi32>,
    %shift_right_arithmetic3A_716 = arith.constant 7 : i32
    %shift_right_arithmetic3A_717 = vector.broadcast %shift_right_arithmetic3A_716 : i32 to vector<16xi32>
    %shift_right_arithmetic3A_718 = arith.shrsi %get3A_715, %shift_right_arithmetic3A_717 : vector<16xi32>
    %sub3A_719 = vector.broadcast %mul3A_2 : i32 to vector<16xi32>
    %sub3A_720 = arith.subi %shift_right_arithmetic3A_718, %sub3A_719 : vector<16xi32>
    %max3A_721 = arith.constant 0 : i32
    %max3A_722 = vector.broadcast %max3A_721 : i32 to vector<16xi32>
    %max3A_723 = arith.maxsi %sub3A_720, %max3A_722 : vector<16xi32>
    %gather3A_724 = tpu.vector_load_idx %arg9[%max3A_723] : memref<256xi32, #tpu.memory_space<vmem>>[vector<16xi32>], vector<16xi32>,
    %sub3A_725 = arith.constant 1 : i32
    %sub3A_726 = vector.broadcast %sub3A_725 : i32 to vector<16xi32>
    %sub3A_727 = arith.subi %gather3A_724, %sub3A_726 : vector<16xi32>
    %ge3A_728 = arith.constant 0 : i32
    %ge3A_729 = vector.broadcast %ge3A_728 : i32 to vector<16xi32>
    %ge3A_730 = arith.cmpi sge, %sub3A_720, %ge3A_729 : vector<16xi32>
    %jit3A_731 = arith.constant -1 : i32
    %broadcast_in_dim3A_732 = vector.broadcast %jit3A_731 : i32 to vector<16xi32>
    %select_n3A_733 = arith.select %ge3A_730, %sub3A_727, %broadcast_in_dim3A_732 : vector<16xi1>, vector<16xi32>
    %swap3A_734 = arith.constant 112 : index
    %swap3A_735 = tpu.vector_load %arg10[%swap3A_734] {strides = array<i32>} : memref<352xi32, #tpu.memory_space<vmem>>, vector<16xi32>,
    tpu.vector_store %arg10[%swap3A_734], %select_n3A_733 {strides = array<i32>} : memref<352xi32, #tpu.memory_space<vmem>>, vector<16xi32>,
    %get3A_736 = arith.constant 128 : index
    %get3A_737 = tpu.vector_load %arg6[%get3A_736] {strides = array<i32>} : memref<352xi32, #tpu.memory_space<vmem>>, vector<16xi32>,
    %shift_right_arithmetic3A_738 = arith.constant 7 : i32
    %shift_right_arithmetic3A_739 = vector.broadcast %shift_right_arithmetic3A_738 : i32 to vector<16xi32>
    %shift_right_arithmetic3A_740 = arith.shrsi %get3A_737, %shift_right_arithmetic3A_739 : vector<16xi32>
    %sub3A_741 = vector.broadcast %mul3A_2 : i32 to vector<16xi32>
    %sub3A_742 = arith.subi %shift_right_arithmetic3A_740, %sub3A_741 : vector<16xi32>
    %max3A_743 = arith.constant 0 : i32
    %max3A_744 = vector.broadcast %max3A_743 : i32 to vector<16xi32>
    %max3A_745 = arith.maxsi %sub3A_742, %max3A_744 : vector<16xi32>
    %gather3A_746 = tpu.vector_load_idx %arg9[%max3A_745] : memref<256xi32, #tpu.memory_space<vmem>>[vector<16xi32>], vector<16xi32>,
    %sub3A_747 = arith.constant 1 : i32
    %sub3A_748 = vector.broadcast %sub3A_747 : i32 to vector<16xi32>
    %sub3A_749 = arith.subi %gather3A_746, %sub3A_748 : vector<16xi32>
    %ge3A_750 = arith.constant 0 : i32
    %ge3A_751 = vector.broadcast %ge3A_750 : i32 to vector<16xi32>
    %ge3A_752 = arith.cmpi sge, %sub3A_742, %ge3A_751 : vector<16xi32>
    %jit3A_753 = arith.constant -1 : i32
    %broadcast_in_dim3A_754 = vector.broadcast %jit3A_753 : i32 to vector<16xi32>
    %select_n3A_755 = arith.select %ge3A_752, %sub3A_749, %broadcast_in_dim3A_754 : vector<16xi1>, vector<16xi32>
    %swap3A_756 = arith.constant 128 : index
    %swap3A_757 = tpu.vector_load %arg10[%swap3A_756] {strides = array<i32>} : memref<352xi32, #tpu.memory_space<vmem>>, vector<16xi32>,
    tpu.vector_store %arg10[%swap3A_756], %select_n3A_755 {strides = array<i32>} : memref<352xi32, #tpu.memory_space<vmem>>, vector<16xi32>,
    %get3A_758 = arith.constant 144 : index
    %get3A_759 = tpu.vector_load %arg6[%get3A_758] {strides = array<i32>} : memref<352xi32, #tpu.memory_space<vmem>>, vector<16xi32>,
    %shift_right_arithmetic3A_760 = arith.constant 7 : i32
    %shift_right_arithmetic3A_761 = vector.broadcast %shift_right_arithmetic3A_760 : i32 to vector<16xi32>
    %shift_right_arithmetic3A_762 = arith.shrsi %get3A_759, %shift_right_arithmetic3A_761 : vector<16xi32>
    %sub3A_763 = vector.broadcast %mul3A_2 : i32 to vector<16xi32>
    %sub3A_764 = arith.subi %shift_right_arithmetic3A_762, %sub3A_763 : vector<16xi32>
    %max3A_765 = arith.constant 0 : i32
    %max3A_766 = vector.broadcast %max3A_765 : i32 to vector<16xi32>
    %max3A_767 = arith.maxsi %sub3A_764, %max3A_766 : vector<16xi32>
    %gather3A_768 = tpu.vector_load_idx %arg9[%max3A_767] : memref<256xi32, #tpu.memory_space<vmem>>[vector<16xi32>], vector<16xi32>,
    %sub3A_769 = arith.constant 1 : i32
    %sub3A_770 = vector.broadcast %sub3A_769 : i32 to vector<16xi32>
    %sub3A_771 = arith.subi %gather3A_768, %sub3A_770 : vector<16xi32>
    %ge3A_772 = arith.constant 0 : i32
    %ge3A_773 = vector.broadcast %ge3A_772 : i32 to vector<16xi32>
    %ge3A_774 = arith.cmpi sge, %sub3A_764, %ge3A_773 : vector<16xi32>
    %jit3A_775 = arith.constant -1 : i32
    %broadcast_in_dim3A_776 = vector.broadcast %jit3A_775 : i32 to vector<16xi32>
    %select_n3A_777 = arith.select %ge3A_774, %sub3A_771, %broadcast_in_dim3A_776 : vector<16xi1>, vector<16xi32>
    %swap3A_778 = arith.constant 144 : index
    %swap3A_779 = tpu.vector_load %arg10[%swap3A_778] {strides = array<i32>} : memref<352xi32, #tpu.memory_space<vmem>>, vector<16xi32>,
    tpu.vector_store %arg10[%swap3A_778], %select_n3A_777 {strides = array<i32>} : memref<352xi32, #tpu.memory_space<vmem>>, vector<16xi32>,
    %get3A_780 = arith.constant 160 : index
    %get3A_781 = tpu.vector_load %arg6[%get3A_780] {strides = array<i32>} : memref<352xi32, #tpu.memory_space<vmem>>, vector<16xi32>,
    %shift_right_arithmetic3A_782 = arith.constant 7 : i32
    %shift_right_arithmetic3A_783 = vector.broadcast %shift_right_arithmetic3A_782 : i32 to vector<16xi32>
    %shift_right_arithmetic3A_784 = arith.shrsi %get3A_781, %shift_right_arithmetic3A_783 : vector<16xi32>
    %sub3A_785 = vector.broadcast %mul3A_2 : i32 to vector<16xi32>
    %sub3A_786 = arith.subi %shift_right_arithmetic3A_784, %sub3A_785 : vector<16xi32>
    %max3A_787 = arith.constant 0 : i32
    %max3A_788 = vector.broadcast %max3A_787 : i32 to vector<16xi32>
    %max3A_789 = arith.maxsi %sub3A_786, %max3A_788 : vector<16xi32>
    %gather3A_790 = tpu.vector_load_idx %arg9[%max3A_789] : memref<256xi32, #tpu.memory_space<vmem>>[vector<16xi32>], vector<16xi32>,
    %sub3A_791 = arith.constant 1 : i32
    %sub3A_792 = vector.broadcast %sub3A_791 : i32 to vector<16xi32>
    %sub3A_793 = arith.subi %gather3A_790, %sub3A_792 : vector<16xi32>
    %ge3A_794 = arith.constant 0 : i32
    %ge3A_795 = vector.broadcast %ge3A_794 : i32 to vector<16xi32>
    %ge3A_796 = arith.cmpi sge, %sub3A_786, %ge3A_795 : vector<16xi32>
    %jit3A_797 = arith.constant -1 : i32
    %broadcast_in_dim3A_798 = vector.broadcast %jit3A_797 : i32 to vector<16xi32>
    %select_n3A_799 = arith.select %ge3A_796, %sub3A_793, %broadcast_in_dim3A_798 : vector<16xi1>, vector<16xi32>
    %swap3A_800 = arith.constant 160 : index
    %swap3A_801 = tpu.vector_load %arg10[%swap3A_800] {strides = array<i32>} : memref<352xi32, #tpu.memory_space<vmem>>, vector<16xi32>,
    tpu.vector_store %arg10[%swap3A_800], %select_n3A_799 {strides = array<i32>} : memref<352xi32, #tpu.memory_space<vmem>>, vector<16xi32>,
    %get3A_802 = arith.constant 176 : index
    %get3A_803 = tpu.vector_load %arg6[%get3A_802] {strides = array<i32>} : memref<352xi32, #tpu.memory_space<vmem>>, vector<16xi32>,
    %shift_right_arithmetic3A_804 = arith.constant 7 : i32
    %shift_right_arithmetic3A_805 = vector.broadcast %shift_right_arithmetic3A_804 : i32 to vector<16xi32>
    %shift_right_arithmetic3A_806 = arith.shrsi %get3A_803, %shift_right_arithmetic3A_805 : vector<16xi32>
    %sub3A_807 = vector.broadcast %mul3A_2 : i32 to vector<16xi32>
    %sub3A_808 = arith.subi %shift_right_arithmetic3A_806, %sub3A_807 : vector<16xi32>
    %max3A_809 = arith.constant 0 : i32
    %max3A_810 = vector.broadcast %max3A_809 : i32 to vector<16xi32>
    %max3A_811 = arith.maxsi %sub3A_808, %max3A_810 : vector<16xi32>
    %gather3A_812 = tpu.vector_load_idx %arg9[%max3A_811] : memref<256xi32, #tpu.memory_space<vmem>>[vector<16xi32>], vector<16xi32>,
    %sub3A_813 = arith.constant 1 : i32
    %sub3A_814 = vector.broadcast %sub3A_813 : i32 to vector<16xi32>
    %sub3A_815 = arith.subi %gather3A_812, %sub3A_814 : vector<16xi32>
    %ge3A_816 = arith.constant 0 : i32
    %ge3A_817 = vector.broadcast %ge3A_816 : i32 to vector<16xi32>
    %ge3A_818 = arith.cmpi sge, %sub3A_808, %ge3A_817 : vector<16xi32>
    %jit3A_819 = arith.constant -1 : i32
    %broadcast_in_dim3A_820 = vector.broadcast %jit3A_819 : i32 to vector<16xi32>
    %select_n3A_821 = arith.select %ge3A_818, %sub3A_815, %broadcast_in_dim3A_820 : vector<16xi1>, vector<16xi32>
    %swap3A_822 = arith.constant 176 : index
    %swap3A_823 = tpu.vector_load %arg10[%swap3A_822] {strides = array<i32>} : memref<352xi32, #tpu.memory_space<vmem>>, vector<16xi32>,
    tpu.vector_store %arg10[%swap3A_822], %select_n3A_821 {strides = array<i32>} : memref<352xi32, #tpu.memory_space<vmem>>, vector<16xi32>,
    %get3A_824 = arith.constant 192 : index
    %get3A_825 = tpu.vector_load %arg6[%get3A_824] {strides = array<i32>} : memref<352xi32, #tpu.memory_space<vmem>>, vector<16xi32>,
    %shift_right_arithmetic3A_826 = arith.constant 7 : i32
    %shift_right_arithmetic3A_827 = vector.broadcast %shift_right_arithmetic3A_826 : i32 to vector<16xi32>
    %shift_right_arithmetic3A_828 = arith.shrsi %get3A_825, %shift_right_arithmetic3A_827 : vector<16xi32>
    %sub3A_829 = vector.broadcast %mul3A_2 : i32 to vector<16xi32>
    %sub3A_830 = arith.subi %shift_right_arithmetic3A_828, %sub3A_829 : vector<16xi32>
    %max3A_831 = arith.constant 0 : i32
    %max3A_832 = vector.broadcast %max3A_831 : i32 to vector<16xi32>
    %max3A_833 = arith.maxsi %sub3A_830, %max3A_832 : vector<16xi32>
    %gather3A_834 = tpu.vector_load_idx %arg9[%max3A_833] : memref<256xi32, #tpu.memory_space<vmem>>[vector<16xi32>], vector<16xi32>,
    %sub3A_835 = arith.constant 1 : i32
    %sub3A_836 = vector.broadcast %sub3A_835 : i32 to vector<16xi32>
    %sub3A_837 = arith.subi %gather3A_834, %sub3A_836 : vector<16xi32>
    %ge3A_838 = arith.constant 0 : i32
    %ge3A_839 = vector.broadcast %ge3A_838 : i32 to vector<16xi32>
    %ge3A_840 = arith.cmpi sge, %sub3A_830, %ge3A_839 : vector<16xi32>
    %jit3A_841 = arith.constant -1 : i32
    %broadcast_in_dim3A_842 = vector.broadcast %jit3A_841 : i32 to vector<16xi32>
    %select_n3A_843 = arith.select %ge3A_840, %sub3A_837, %broadcast_in_dim3A_842 : vector<16xi1>, vector<16xi32>
    %swap3A_844 = arith.constant 192 : index
    %swap3A_845 = tpu.vector_load %arg10[%swap3A_844] {strides = array<i32>} : memref<352xi32, #tpu.memory_space<vmem>>, vector<16xi32>,
    tpu.vector_store %arg10[%swap3A_844], %select_n3A_843 {strides = array<i32>} : memref<352xi32, #tpu.memory_space<vmem>>, vector<16xi32>,
    %get3A_846 = arith.constant 208 : index
    %get3A_847 = tpu.vector_load %arg6[%get3A_846] {strides = array<i32>} : memref<352xi32, #tpu.memory_space<vmem>>, vector<16xi32>,
    %shift_right_arithmetic3A_848 = arith.constant 7 : i32
    %shift_right_arithmetic3A_849 = vector.broadcast %shift_right_arithmetic3A_848 : i32 to vector<16xi32>
    %shift_right_arithmetic3A_850 = arith.shrsi %get3A_847, %shift_right_arithmetic3A_849 : vector<16xi32>
    %sub3A_851 = vector.broadcast %mul3A_2 : i32 to vector<16xi32>
    %sub3A_852 = arith.subi %shift_right_arithmetic3A_850, %sub3A_851 : vector<16xi32>
    %max3A_853 = arith.constant 0 : i32
    %max3A_854 = vector.broadcast %max3A_853 : i32 to vector<16xi32>
    %max3A_855 = arith.maxsi %sub3A_852, %max3A_854 : vector<16xi32>
    %gather3A_856 = tpu.vector_load_idx %arg9[%max3A_855] : memref<256xi32, #tpu.memory_space<vmem>>[vector<16xi32>], vector<16xi32>,
    %sub3A_857 = arith.constant 1 : i32
    %sub3A_858 = vector.broadcast %sub3A_857 : i32 to vector<16xi32>
    %sub3A_859 = arith.subi %gather3A_856, %sub3A_858 : vector<16xi32>
    %ge3A_860 = arith.constant 0 : i32
    %ge3A_861 = vector.broadcast %ge3A_860 : i32 to vector<16xi32>
    %ge3A_862 = arith.cmpi sge, %sub3A_852, %ge3A_861 : vector<16xi32>
    %jit3A_863 = arith.constant -1 : i32
    %broadcast_in_dim3A_864 = vector.broadcast %jit3A_863 : i32 to vector<16xi32>
    %select_n3A_865 = arith.select %ge3A_862, %sub3A_859, %broadcast_in_dim3A_864 : vector<16xi1>, vector<16xi32>
    %swap3A_866 = arith.constant 208 : index
    %swap3A_867 = tpu.vector_load %arg10[%swap3A_866] {strides = array<i32>} : memref<352xi32, #tpu.memory_space<vmem>>, vector<16xi32>,
    tpu.vector_store %arg10[%swap3A_866], %select_n3A_865 {strides = array<i32>} : memref<352xi32, #tpu.memory_space<vmem>>, vector<16xi32>,
    %get3A_868 = arith.constant 224 : index
    %get3A_869 = tpu.vector_load %arg6[%get3A_868] {strides = array<i32>} : memref<352xi32, #tpu.memory_space<vmem>>, vector<16xi32>,
    %shift_right_arithmetic3A_870 = arith.constant 7 : i32
    %shift_right_arithmetic3A_871 = vector.broadcast %shift_right_arithmetic3A_870 : i32 to vector<16xi32>
    %shift_right_arithmetic3A_872 = arith.shrsi %get3A_869, %shift_right_arithmetic3A_871 : vector<16xi32>
    %sub3A_873 = vector.broadcast %mul3A_2 : i32 to vector<16xi32>
    %sub3A_874 = arith.subi %shift_right_arithmetic3A_872, %sub3A_873 : vector<16xi32>
    %max3A_875 = arith.constant 0 : i32
    %max3A_876 = vector.broadcast %max3A_875 : i32 to vector<16xi32>
    %max3A_877 = arith.maxsi %sub3A_874, %max3A_876 : vector<16xi32>
    %gather3A_878 = tpu.vector_load_idx %arg9[%max3A_877] : memref<256xi32, #tpu.memory_space<vmem>>[vector<16xi32>], vector<16xi32>,
    %sub3A_879 = arith.constant 1 : i32
    %sub3A_880 = vector.broadcast %sub3A_879 : i32 to vector<16xi32>
    %sub3A_881 = arith.subi %gather3A_878, %sub3A_880 : vector<16xi32>
    %ge3A_882 = arith.constant 0 : i32
    %ge3A_883 = vector.broadcast %ge3A_882 : i32 to vector<16xi32>
    %ge3A_884 = arith.cmpi sge, %sub3A_874, %ge3A_883 : vector<16xi32>
    %jit3A_885 = arith.constant -1 : i32
    %broadcast_in_dim3A_886 = vector.broadcast %jit3A_885 : i32 to vector<16xi32>
    %select_n3A_887 = arith.select %ge3A_884, %sub3A_881, %broadcast_in_dim3A_886 : vector<16xi1>, vector<16xi32>
    %swap3A_888 = arith.constant 224 : index
    %swap3A_889 = tpu.vector_load %arg10[%swap3A_888] {strides = array<i32>} : memref<352xi32, #tpu.memory_space<vmem>>, vector<16xi32>,
    tpu.vector_store %arg10[%swap3A_888], %select_n3A_887 {strides = array<i32>} : memref<352xi32, #tpu.memory_space<vmem>>, vector<16xi32>,
    %get3A_890 = arith.constant 240 : index
    %get3A_891 = tpu.vector_load %arg6[%get3A_890] {strides = array<i32>} : memref<352xi32, #tpu.memory_space<vmem>>, vector<16xi32>,
    %shift_right_arithmetic3A_892 = arith.constant 7 : i32
    %shift_right_arithmetic3A_893 = vector.broadcast %shift_right_arithmetic3A_892 : i32 to vector<16xi32>
    %shift_right_arithmetic3A_894 = arith.shrsi %get3A_891, %shift_right_arithmetic3A_893 : vector<16xi32>
    %sub3A_895 = vector.broadcast %mul3A_2 : i32 to vector<16xi32>
    %sub3A_896 = arith.subi %shift_right_arithmetic3A_894, %sub3A_895 : vector<16xi32>
    %max3A_897 = arith.constant 0 : i32
    %max3A_898 = vector.broadcast %max3A_897 : i32 to vector<16xi32>
    %max3A_899 = arith.maxsi %sub3A_896, %max3A_898 : vector<16xi32>
    %gather3A_900 = tpu.vector_load_idx %arg9[%max3A_899] : memref<256xi32, #tpu.memory_space<vmem>>[vector<16xi32>], vector<16xi32>,
    %sub3A_901 = arith.constant 1 : i32
    %sub3A_902 = vector.broadcast %sub3A_901 : i32 to vector<16xi32>
    %sub3A_903 = arith.subi %gather3A_900, %sub3A_902 : vector<16xi32>
    %ge3A_904 = arith.constant 0 : i32
    %ge3A_905 = vector.broadcast %ge3A_904 : i32 to vector<16xi32>
    %ge3A_906 = arith.cmpi sge, %sub3A_896, %ge3A_905 : vector<16xi32>
    %jit3A_907 = arith.constant -1 : i32
    %broadcast_in_dim3A_908 = vector.broadcast %jit3A_907 : i32 to vector<16xi32>
    %select_n3A_909 = arith.select %ge3A_906, %sub3A_903, %broadcast_in_dim3A_908 : vector<16xi1>, vector<16xi32>
    %swap3A_910 = arith.constant 240 : index
    %swap3A_911 = tpu.vector_load %arg10[%swap3A_910] {strides = array<i32>} : memref<352xi32, #tpu.memory_space<vmem>>, vector<16xi32>,
    tpu.vector_store %arg10[%swap3A_910], %select_n3A_909 {strides = array<i32>} : memref<352xi32, #tpu.memory_space<vmem>>, vector<16xi32>,
    %get3A_912 = arith.constant 256 : index
    %get3A_913 = tpu.vector_load %arg6[%get3A_912] {strides = array<i32>} : memref<352xi32, #tpu.memory_space<vmem>>, vector<16xi32>,
    %shift_right_arithmetic3A_914 = arith.constant 7 : i32
    %shift_right_arithmetic3A_915 = vector.broadcast %shift_right_arithmetic3A_914 : i32 to vector<16xi32>
    %shift_right_arithmetic3A_916 = arith.shrsi %get3A_913, %shift_right_arithmetic3A_915 : vector<16xi32>
    %sub3A_917 = vector.broadcast %mul3A_2 : i32 to vector<16xi32>
    %sub3A_918 = arith.subi %shift_right_arithmetic3A_916, %sub3A_917 : vector<16xi32>
    %max3A_919 = arith.constant 0 : i32
    %max3A_920 = vector.broadcast %max3A_919 : i32 to vector<16xi32>
    %max3A_921 = arith.maxsi %sub3A_918, %max3A_920 : vector<16xi32>
    %gather3A_922 = tpu.vector_load_idx %arg9[%max3A_921] : memref<256xi32, #tpu.memory_space<vmem>>[vector<16xi32>], vector<16xi32>,
    %sub3A_923 = arith.constant 1 : i32
    %sub3A_924 = vector.broadcast %sub3A_923 : i32 to vector<16xi32>
    %sub3A_925 = arith.subi %gather3A_922, %sub3A_924 : vector<16xi32>
    %ge3A_926 = arith.constant 0 : i32
    %ge3A_927 = vector.broadcast %ge3A_926 : i32 to vector<16xi32>
    %ge3A_928 = arith.cmpi sge, %sub3A_918, %ge3A_927 : vector<16xi32>
    %jit3A_929 = arith.constant -1 : i32
    %broadcast_in_dim3A_930 = vector.broadcast %jit3A_929 : i32 to vector<16xi32>
    %select_n3A_931 = arith.select %ge3A_928, %sub3A_925, %broadcast_in_dim3A_930 : vector<16xi1>, vector<16xi32>
    %swap3A_932 = arith.constant 256 : index
    %swap3A_933 = tpu.vector_load %arg10[%swap3A_932] {strides = array<i32>} : memref<352xi32, #tpu.memory_space<vmem>>, vector<16xi32>,
    tpu.vector_store %arg10[%swap3A_932], %select_n3A_931 {strides = array<i32>} : memref<352xi32, #tpu.memory_space<vmem>>, vector<16xi32>,
    %get3A_934 = arith.constant 272 : index
    %get3A_935 = tpu.vector_load %arg6[%get3A_934] {strides = array<i32>} : memref<352xi32, #tpu.memory_space<vmem>>, vector<16xi32>,
    %shift_right_arithmetic3A_936 = arith.constant 7 : i32
    %shift_right_arithmetic3A_937 = vector.broadcast %shift_right_arithmetic3A_936 : i32 to vector<16xi32>
    %shift_right_arithmetic3A_938 = arith.shrsi %get3A_935, %shift_right_arithmetic3A_937 : vector<16xi32>
    %sub3A_939 = vector.broadcast %mul3A_2 : i32 to vector<16xi32>
    %sub3A_940 = arith.subi %shift_right_arithmetic3A_938, %sub3A_939 : vector<16xi32>
    %max3A_941 = arith.constant 0 : i32
    %max3A_942 = vector.broadcast %max3A_941 : i32 to vector<16xi32>
    %max3A_943 = arith.maxsi %sub3A_940, %max3A_942 : vector<16xi32>
    %gather3A_944 = tpu.vector_load_idx %arg9[%max3A_943] : memref<256xi32, #tpu.memory_space<vmem>>[vector<16xi32>], vector<16xi32>,
    %sub3A_945 = arith.constant 1 : i32
    %sub3A_946 = vector.broadcast %sub3A_945 : i32 to vector<16xi32>
    %sub3A_947 = arith.subi %gather3A_944, %sub3A_946 : vector<16xi32>
    %ge3A_948 = arith.constant 0 : i32
    %ge3A_949 = vector.broadcast %ge3A_948 : i32 to vector<16xi32>
    %ge3A_950 = arith.cmpi sge, %sub3A_940, %ge3A_949 : vector<16xi32>
    %jit3A_951 = arith.constant -1 : i32
    %broadcast_in_dim3A_952 = vector.broadcast %jit3A_951 : i32 to vector<16xi32>
    %select_n3A_953 = arith.select %ge3A_950, %sub3A_947, %broadcast_in_dim3A_952 : vector<16xi1>, vector<16xi32>
    %swap3A_954 = arith.constant 272 : index
    %swap3A_955 = tpu.vector_load %arg10[%swap3A_954] {strides = array<i32>} : memref<352xi32, #tpu.memory_space<vmem>>, vector<16xi32>,
    tpu.vector_store %arg10[%swap3A_954], %select_n3A_953 {strides = array<i32>} : memref<352xi32, #tpu.memory_space<vmem>>, vector<16xi32>,
    %get3A_956 = arith.constant 288 : index
    %get3A_957 = tpu.vector_load %arg6[%get3A_956] {strides = array<i32>} : memref<352xi32, #tpu.memory_space<vmem>>, vector<16xi32>,
    %shift_right_arithmetic3A_958 = arith.constant 7 : i32
    %shift_right_arithmetic3A_959 = vector.broadcast %shift_right_arithmetic3A_958 : i32 to vector<16xi32>
    %shift_right_arithmetic3A_960 = arith.shrsi %get3A_957, %shift_right_arithmetic3A_959 : vector<16xi32>
    %sub3A_961 = vector.broadcast %mul3A_2 : i32 to vector<16xi32>
    %sub3A_962 = arith.subi %shift_right_arithmetic3A_960, %sub3A_961 : vector<16xi32>
    %max3A_963 = arith.constant 0 : i32
    %max3A_964 = vector.broadcast %max3A_963 : i32 to vector<16xi32>
    %max3A_965 = arith.maxsi %sub3A_962, %max3A_964 : vector<16xi32>
    %gather3A_966 = tpu.vector_load_idx %arg9[%max3A_965] : memref<256xi32, #tpu.memory_space<vmem>>[vector<16xi32>], vector<16xi32>,
    %sub3A_967 = arith.constant 1 : i32
    %sub3A_968 = vector.broadcast %sub3A_967 : i32 to vector<16xi32>
    %sub3A_969 = arith.subi %gather3A_966, %sub3A_968 : vector<16xi32>
    %ge3A_970 = arith.constant 0 : i32
    %ge3A_971 = vector.broadcast %ge3A_970 : i32 to vector<16xi32>
    %ge3A_972 = arith.cmpi sge, %sub3A_962, %ge3A_971 : vector<16xi32>
    %jit3A_973 = arith.constant -1 : i32
    %broadcast_in_dim3A_974 = vector.broadcast %jit3A_973 : i32 to vector<16xi32>
    %select_n3A_975 = arith.select %ge3A_972, %sub3A_969, %broadcast_in_dim3A_974 : vector<16xi1>, vector<16xi32>
    %swap3A_976 = arith.constant 288 : index
    %swap3A_977 = tpu.vector_load %arg10[%swap3A_976] {strides = array<i32>} : memref<352xi32, #tpu.memory_space<vmem>>, vector<16xi32>,
    tpu.vector_store %arg10[%swap3A_976], %select_n3A_975 {strides = array<i32>} : memref<352xi32, #tpu.memory_space<vmem>>, vector<16xi32>,
    %get3A_978 = arith.constant 304 : index
    %get3A_979 = tpu.vector_load %arg6[%get3A_978] {strides = array<i32>} : memref<352xi32, #tpu.memory_space<vmem>>, vector<16xi32>,
    %shift_right_arithmetic3A_980 = arith.constant 7 : i32
    %shift_right_arithmetic3A_981 = vector.broadcast %shift_right_arithmetic3A_980 : i32 to vector<16xi32>
    %shift_right_arithmetic3A_982 = arith.shrsi %get3A_979, %shift_right_arithmetic3A_981 : vector<16xi32>
    %sub3A_983 = vector.broadcast %mul3A_2 : i32 to vector<16xi32>
    %sub3A_984 = arith.subi %shift_right_arithmetic3A_982, %sub3A_983 : vector<16xi32>
    %max3A_985 = arith.constant 0 : i32
    %max3A_986 = vector.broadcast %max3A_985 : i32 to vector<16xi32>
    %max3A_987 = arith.maxsi %sub3A_984, %max3A_986 : vector<16xi32>
    %gather3A_988 = tpu.vector_load_idx %arg9[%max3A_987] : memref<256xi32, #tpu.memory_space<vmem>>[vector<16xi32>], vector<16xi32>,
    %sub3A_989 = arith.constant 1 : i32
    %sub3A_990 = vector.broadcast %sub3A_989 : i32 to vector<16xi32>
    %sub3A_991 = arith.subi %gather3A_988, %sub3A_990 : vector<16xi32>
    %ge3A_992 = arith.constant 0 : i32
    %ge3A_993 = vector.broadcast %ge3A_992 : i32 to vector<16xi32>
    %ge3A_994 = arith.cmpi sge, %sub3A_984, %ge3A_993 : vector<16xi32>
    %jit3A_995 = arith.constant -1 : i32
    %broadcast_in_dim3A_996 = vector.broadcast %jit3A_995 : i32 to vector<16xi32>
    %select_n3A_997 = arith.select %ge3A_994, %sub3A_991, %broadcast_in_dim3A_996 : vector<16xi1>, vector<16xi32>
    %swap3A_998 = arith.constant 304 : index
    %swap3A_999 = tpu.vector_load %arg10[%swap3A_998] {strides = array<i32>} : memref<352xi32, #tpu.memory_space<vmem>>, vector<16xi32>,
    tpu.vector_store %arg10[%swap3A_998], %select_n3A_997 {strides = array<i32>} : memref<352xi32, #tpu.memory_space<vmem>>, vector<16xi32>,
    %get3A_1000 = arith.constant 320 : index
    %get3A_1001 = tpu.vector_load %arg6[%get3A_1000] {strides = array<i32>} : memref<352xi32, #tpu.memory_space<vmem>>, vector<16xi32>,
    %shift_right_arithmetic3A_1002 = arith.constant 7 : i32
    %shift_right_arithmetic3A_1003 = vector.broadcast %shift_right_arithmetic3A_1002 : i32 to vector<16xi32>
    %shift_right_arithmetic3A_1004 = arith.shrsi %get3A_1001, %shift_right_arithmetic3A_1003 : vector<16xi32>
    %sub3A_1005 = vector.broadcast %mul3A_2 : i32 to vector<16xi32>
    %sub3A_1006 = arith.subi %shift_right_arithmetic3A_1004, %sub3A_1005 : vector<16xi32>
    %max3A_1007 = arith.constant 0 : i32
    %max3A_1008 = vector.broadcast %max3A_1007 : i32 to vector<16xi32>
    %max3A_1009 = arith.maxsi %sub3A_1006, %max3A_1008 : vector<16xi32>
    %gather3A_1010 = tpu.vector_load_idx %arg9[%max3A_1009] : memref<256xi32, #tpu.memory_space<vmem>>[vector<16xi32>], vector<16xi32>,
    %sub3A_1011 = arith.constant 1 : i32
    %sub3A_1012 = vector.broadcast %sub3A_1011 : i32 to vector<16xi32>
    %sub3A_1013 = arith.subi %gather3A_1010, %sub3A_1012 : vector<16xi32>
    %ge3A_1014 = arith.constant 0 : i32
    %ge3A_1015 = vector.broadcast %ge3A_1014 : i32 to vector<16xi32>
    %ge3A_1016 = arith.cmpi sge, %sub3A_1006, %ge3A_1015 : vector<16xi32>
    %jit3A_1017 = arith.constant -1 : i32
    %broadcast_in_dim3A_1018 = vector.broadcast %jit3A_1017 : i32 to vector<16xi32>
    %select_n3A_1019 = arith.select %ge3A_1016, %sub3A_1013, %broadcast_in_dim3A_1018 : vector<16xi1>, vector<16xi32>
    %swap3A_1020 = arith.constant 320 : index
    %swap3A_1021 = tpu.vector_load %arg10[%swap3A_1020] {strides = array<i32>} : memref<352xi32, #tpu.memory_space<vmem>>, vector<16xi32>,
    tpu.vector_store %arg10[%swap3A_1020], %select_n3A_1019 {strides = array<i32>} : memref<352xi32, #tpu.memory_space<vmem>>, vector<16xi32>,
    %get3A_1022 = arith.constant 336 : index
    %get3A_1023 = tpu.vector_load %arg6[%get3A_1022] {strides = array<i32>} : memref<352xi32, #tpu.memory_space<vmem>>, vector<16xi32>,
    %shift_right_arithmetic3A_1024 = arith.constant 7 : i32
    %shift_right_arithmetic3A_1025 = vector.broadcast %shift_right_arithmetic3A_1024 : i32 to vector<16xi32>
    %shift_right_arithmetic3A_1026 = arith.shrsi %get3A_1023, %shift_right_arithmetic3A_1025 : vector<16xi32>
    %sub3A_1027 = vector.broadcast %mul3A_2 : i32 to vector<16xi32>
    %sub3A_1028 = arith.subi %shift_right_arithmetic3A_1026, %sub3A_1027 : vector<16xi32>
    %max3A_1029 = arith.constant 0 : i32
    %max3A_1030 = vector.broadcast %max3A_1029 : i32 to vector<16xi32>
    %max3A_1031 = arith.maxsi %sub3A_1028, %max3A_1030 : vector<16xi32>
    %gather3A_1032 = tpu.vector_load_idx %arg9[%max3A_1031] : memref<256xi32, #tpu.memory_space<vmem>>[vector<16xi32>], vector<16xi32>,
    %sub3A_1033 = arith.constant 1 : i32
    %sub3A_1034 = vector.broadcast %sub3A_1033 : i32 to vector<16xi32>
    %sub3A_1035 = arith.subi %gather3A_1032, %sub3A_1034 : vector<16xi32>
    %ge3A_1036 = arith.constant 0 : i32
    %ge3A_1037 = vector.broadcast %ge3A_1036 : i32 to vector<16xi32>
    %ge3A_1038 = arith.cmpi sge, %sub3A_1028, %ge3A_1037 : vector<16xi32>
    %jit3A_1039 = arith.constant -1 : i32
    %broadcast_in_dim3A_1040 = vector.broadcast %jit3A_1039 : i32 to vector<16xi32>
    %select_n3A_1041 = arith.select %ge3A_1038, %sub3A_1035, %broadcast_in_dim3A_1040 : vector<16xi1>, vector<16xi32>
    %swap3A_1042 = arith.constant 336 : index
    %swap3A_1043 = tpu.vector_load %arg10[%swap3A_1042] {strides = array<i32>} : memref<352xi32, #tpu.memory_space<vmem>>, vector<16xi32>,
    tpu.vector_store %arg10[%swap3A_1042], %select_n3A_1041 {strides = array<i32>} : memref<352xi32, #tpu.memory_space<vmem>>, vector<16xi32>,
    %gt3A_1044 = arith.constant 0 : i32
    %gt3A_1045 = arith.cmpi sgt, %shift_right_arithmetic3A_565, %gt3A_1044 : i32
    %convert_element_type3A = arith.extui %gt3A_1045 : i1 to i32
    %cond3A = arith.constant 0 : i32
    %cond3A_1046 = arith.cmpi ne, %convert_element_type3A, %cond3A : i32
    scf.if %cond3A_1046 {
      %mul3A_1118 = arith.constant 0 : i32
      %mul3A_1119 = arith.constant 4 : i32
      %mul3A_1120 = arith.muli %mul3A_1118, %mul3A_1119 : i32
      %get3A_1121 = arith.index_cast %mul3A_1120 : i32 to index
      %get3A_1122 = tpu.vector_load %arg11[%get3A_1121] {strides = array<i32>} : memref<272xi32, #tpu.memory_space<vmem>>, vector<16xi32>,
      %and3A = arith.constant 0 : i32
      %and3A_1123 = arith.constant 1 : i32
      %and3A_1124 = arith.andi %and3A, %and3A_1123 : i32
      %eq3A = arith.constant 0 : i32
      %eq3A_1125 = arith.cmpi eq, %and3A_1124, %eq3A : i32
      %convert_element_type3A_1126 = arith.extui %eq3A_1125 : i1 to i32
      %cond3A_1127 = arith.constant 0 : i32
      %cond3A_1128 = arith.cmpi ne, %convert_element_type3A_1126, %cond3A_1127 : i32
      scf.if %cond3A_1128 {
        %slice3A_1137 = vector.extract_strided_slice %get3A_1122 {offsets = [0], sizes = [1], strides = [1]} : vector<16xi32> to vector<1xi32>
        %squeeze3A_1138 = vector.extract %slice3A_1137[0] : i32 from vector<1xi32>
        %max3A_1139 = arith.constant 0 : i32
        %max3A_1140 = arith.maxsi %squeeze3A_1138, %max3A_1139 : i32
        %add3A_1141 = arith.addi %mul3A_2, %max3A_1140 : i32
        %mul3A_1142 = arith.constant 128 : i32
        %mul3A_1143 = arith.muli %add3A_1141, %mul3A_1142 : i32
        %multiple_of3A = tpu.assume_multiple %mul3A_1143, 128 : i32
        %dma_start3A = arith.constant 0 : i32
        %dma_start3A_1144 = arith.constant 0 : i32
        %dma_start3A_1145 = arith.constant 0 : i32
        %dma_start3A_1146 = arith.constant 0 : i32
        %dma_start3A_1147 = tpu.memref_slice %arg12[%dma_start3A, %dma_start3A_1145, %dma_start3A_1146] : memref<8x64x128xf32, #tpu.memory_space<vmem>> -> memref<1x64x128xf32, #tpu.memory_space<vmem>>
        %dma_start3A_1148 = tpu.memref_squeeze %dma_start3A_1147 : memref<1x64x128xf32, #tpu.memory_space<vmem>> -> memref<64x128xf32, #tpu.memory_space<vmem>>
        %dma_start3A_1149 = arith.constant 0 : i32
        %dma_start3A_1150 = tpu.memref_slice %arg2[%dma_start3A_1149, %multiple_of3A] : memref<64x1000000xf32, #tpu.memory_space<hbm>> -> memref<64x128xf32, #tpu.memory_space<hbm>>
        %dma_start3A_1151 = tpu.memref_slice %arg14[%dma_start3A_1144] : memref<8x!tpu.dma_semaphore, #tpu.memory_space<semaphore_mem>> -> memref<1x!tpu.dma_semaphore, #tpu.memory_space<semaphore_mem>>
        %dma_start3A_1152 = tpu.memref_squeeze %dma_start3A_1151 : memref<1x!tpu.dma_semaphore, #tpu.memory_space<semaphore_mem>> -> memref<!tpu.dma_semaphore, #tpu.memory_space<semaphore_mem>>
        %dma_start3A_1153 = arith.constant 0 : i32
        %dma_start3A_1154 = arith.constant 0 : i32
        %dma_start3A_1155 = tpu.memref_slice %arg12[%dma_start3A, %dma_start3A_1153, %dma_start3A_1154] : memref<8x64x128xf32, #tpu.memory_space<vmem>> -> memref<1x64x128xf32, #tpu.memory_space<vmem>>
        %dma_start3A_1156 = tpu.memref_squeeze %dma_start3A_1155 : memref<1x64x128xf32, #tpu.memory_space<vmem>> -> memref<64x128xf32, #tpu.memory_space<vmem>>
        %dma_start3A_1157 = arith.constant 0 : i32
        %dma_start3A_1158 = tpu.memref_slice %arg2[%dma_start3A_1157, %multiple_of3A] : memref<64x1000000xf32, #tpu.memory_space<hbm>> -> memref<64x128xf32, #tpu.memory_space<hbm>>
        tpu.enqueue_dma source(%dma_start3A_1158 : memref<64x128xf32, #tpu.memory_space<hbm>>) target(%dma_start3A_1156 : memref<64x128xf32, #tpu.memory_space<vmem>>) target_semaphore(%dma_start3A_1152 : memref<!tpu.dma_semaphore, #tpu.memory_space<semaphore_mem>>)
        %slice3A_1159 = vector.extract_strided_slice %get3A_1122 {offsets = [1], sizes = [1], strides = [1]} : vector<16xi32> to vector<1xi32>
        %squeeze3A_1160 = vector.extract %slice3A_1159[0] : i32 from vector<1xi32>
        %max3A_1161 = arith.constant 0 : i32
        %max3A_1162 = arith.maxsi %squeeze3A_1160, %max3A_1161 : i32
        %add3A_1163 = arith.addi %mul3A_2, %max3A_1162 : i32
        %mul3A_1164 = arith.constant 128 : i32
        %mul3A_1165 = arith.muli %add3A_1163, %mul3A_1164 : i32
        %multiple_of3A_1166 = tpu.assume_multiple %mul3A_1165, 128 : i32
        %dma_start3A_1167 = arith.constant 1 : i32
        %dma_start3A_1168 = arith.constant 1 : i32
        %dma_start3A_1169 = arith.constant 0 : i32
        %dma_start3A_1170 = arith.constant 0 : i32
        %dma_start3A_1171 = tpu.memref_slice %arg12[%dma_start3A_1167, %dma_start3A_1169, %dma_start3A_1170] : memref<8x64x128xf32, #tpu.memory_space<vmem>> -> memref<1x64x128xf32, #tpu.memory_space<vmem>>
        %dma_start3A_1172 = tpu.memref_squeeze %dma_start3A_1171 : memref<1x64x128xf32, #tpu.memory_space<vmem>> -> memref<64x128xf32, #tpu.memory_space<vmem>>
        %dma_start3A_1173 = arith.constant 0 : i32
        %dma_start3A_1174 = tpu.memref_slice %arg2[%dma_start3A_1173, %multiple_of3A_1166] : memref<64x1000000xf32, #tpu.memory_space<hbm>> -> memref<64x128xf32, #tpu.memory_space<hbm>>
        %dma_start3A_1175 = tpu.memref_slice %arg14[%dma_start3A_1168] : memref<8x!tpu.dma_semaphore, #tpu.memory_space<semaphore_mem>> -> memref<1x!tpu.dma_semaphore, #tpu.memory_space<semaphore_mem>>
        %dma_start3A_1176 = tpu.memref_squeeze %dma_start3A_1175 : memref<1x!tpu.dma_semaphore, #tpu.memory_space<semaphore_mem>> -> memref<!tpu.dma_semaphore, #tpu.memory_space<semaphore_mem>>
        %dma_start3A_1177 = arith.constant 0 : i32
        %dma_start3A_1178 = arith.constant 0 : i32
        %dma_start3A_1179 = tpu.memref_slice %arg12[%dma_start3A_1167, %dma_start3A_1177, %dma_start3A_1178] : memref<8x64x128xf32, #tpu.memory_space<vmem>> -> memref<1x64x128xf32, #tpu.memory_space<vmem>>
        %dma_start3A_1180 = tpu.memref_squeeze %dma_start3A_1179 : memref<1x64x128xf32, #tpu.memory_space<vmem>> -> memref<64x128xf32, #tpu.memory_space<vmem>>
        %dma_start3A_1181 = arith.constant 0 : i32
        %dma_start3A_1182 = tpu.memref_slice %arg2[%dma_start3A_1181, %multiple_of3A_1166] : memref<64x1000000xf32, #tpu.memory_space<hbm>> -> memref<64x128xf32, #tpu.memory_space<hbm>>
        tpu.enqueue_dma source(%dma_start3A_1182 : memref<64x128xf32, #tpu.memory_space<hbm>>) target(%dma_start3A_1180 : memref<64x128xf32, #tpu.memory_space<vmem>>) target_semaphore(%dma_start3A_1176 : memref<!tpu.dma_semaphore, #tpu.memory_space<semaphore_mem>>)
        %slice3A_1183 = vector.extract_strided_slice %get3A_1122 {offsets = [2], sizes = [1], strides = [1]} : vector<16xi32> to vector<1xi32>
        %squeeze3A_1184 = vector.extract %slice3A_1183[0] : i32 from vector<1xi32>
        %max3A_1185 = arith.constant 0 : i32
        %max3A_1186 = arith.maxsi %squeeze3A_1184, %max3A_1185 : i32
        %add3A_1187 = arith.addi %mul3A_2, %max3A_1186 : i32
        %mul3A_1188 = arith.constant 128 : i32
        %mul3A_1189 = arith.muli %add3A_1187, %mul3A_1188 : i32
        %multiple_of3A_1190 = tpu.assume_multiple %mul3A_1189, 128 : i32
        %dma_start3A_1191 = arith.constant 2 : i32
        %dma_start3A_1192 = arith.constant 2 : i32
        %dma_start3A_1193 = arith.constant 0 : i32
        %dma_start3A_1194 = arith.constant 0 : i32
        %dma_start3A_1195 = tpu.memref_slice %arg12[%dma_start3A_1191, %dma_start3A_1193, %dma_start3A_1194] : memref<8x64x128xf32, #tpu.memory_space<vmem>> -> memref<1x64x128xf32, #tpu.memory_space<vmem>>
        %dma_start3A_1196 = tpu.memref_squeeze %dma_start3A_1195 : memref<1x64x128xf32, #tpu.memory_space<vmem>> -> memref<64x128xf32, #tpu.memory_space<vmem>>
        %dma_start3A_1197 = arith.constant 0 : i32
        %dma_start3A_1198 = tpu.memref_slice %arg2[%dma_start3A_1197, %multiple_of3A_1190] : memref<64x1000000xf32, #tpu.memory_space<hbm>> -> memref<64x128xf32, #tpu.memory_space<hbm>>
        %dma_start3A_1199 = tpu.memref_slice %arg14[%dma_start3A_1192] : memref<8x!tpu.dma_semaphore, #tpu.memory_space<semaphore_mem>> -> memref<1x!tpu.dma_semaphore, #tpu.memory_space<semaphore_mem>>
        %dma_start3A_1200 = tpu.memref_squeeze %dma_start3A_1199 : memref<1x!tpu.dma_semaphore, #tpu.memory_space<semaphore_mem>> -> memref<!tpu.dma_semaphore, #tpu.memory_space<semaphore_mem>>
        %dma_start3A_1201 = arith.constant 0 : i32
        %dma_start3A_1202 = arith.constant 0 : i32
        %dma_start3A_1203 = tpu.memref_slice %arg12[%dma_start3A_1191, %dma_start3A_1201, %dma_start3A_1202] : memref<8x64x128xf32, #tpu.memory_space<vmem>> -> memref<1x64x128xf32, #tpu.memory_space<vmem>>
        %dma_start3A_1204 = tpu.memref_squeeze %dma_start3A_1203 : memref<1x64x128xf32, #tpu.memory_space<vmem>> -> memref<64x128xf32, #tpu.memory_space<vmem>>
        %dma_start3A_1205 = arith.constant 0 : i32
        %dma_start3A_1206 = tpu.memref_slice %arg2[%dma_start3A_1205, %multiple_of3A_1190] : memref<64x1000000xf32, #tpu.memory_space<hbm>> -> memref<64x128xf32, #tpu.memory_space<hbm>>
        tpu.enqueue_dma source(%dma_start3A_1206 : memref<64x128xf32, #tpu.memory_space<hbm>>) target(%dma_start3A_1204 : memref<64x128xf32, #tpu.memory_space<vmem>>) target_semaphore(%dma_start3A_1200 : memref<!tpu.dma_semaphore, #tpu.memory_space<semaphore_mem>>)
        %slice3A_1207 = vector.extract_strided_slice %get3A_1122 {offsets = [3], sizes = [1], strides = [1]} : vector<16xi32> to vector<1xi32>
        %squeeze3A_1208 = vector.extract %slice3A_1207[0] : i32 from vector<1xi32>
        %max3A_1209 = arith.constant 0 : i32
        %max3A_1210 = arith.maxsi %squeeze3A_1208, %max3A_1209 : i32
        %add3A_1211 = arith.addi %mul3A_2, %max3A_1210 : i32
        %mul3A_1212 = arith.constant 128 : i32
        %mul3A_1213 = arith.muli %add3A_1211, %mul3A_1212 : i32
        %multiple_of3A_1214 = tpu.assume_multiple %mul3A_1213, 128 : i32
        %dma_start3A_1215 = arith.constant 3 : i32
        %dma_start3A_1216 = arith.constant 3 : i32
        %dma_start3A_1217 = arith.constant 0 : i32
        %dma_start3A_1218 = arith.constant 0 : i32
        %dma_start3A_1219 = tpu.memref_slice %arg12[%dma_start3A_1215, %dma_start3A_1217, %dma_start3A_1218] : memref<8x64x128xf32, #tpu.memory_space<vmem>> -> memref<1x64x128xf32, #tpu.memory_space<vmem>>
        %dma_start3A_1220 = tpu.memref_squeeze %dma_start3A_1219 : memref<1x64x128xf32, #tpu.memory_space<vmem>> -> memref<64x128xf32, #tpu.memory_space<vmem>>
        %dma_start3A_1221 = arith.constant 0 : i32
        %dma_start3A_1222 = tpu.memref_slice %arg2[%dma_start3A_1221, %multiple_of3A_1214] : memref<64x1000000xf32, #tpu.memory_space<hbm>> -> memref<64x128xf32, #tpu.memory_space<hbm>>
        %dma_start3A_1223 = tpu.memref_slice %arg14[%dma_start3A_1216] : memref<8x!tpu.dma_semaphore, #tpu.memory_space<semaphore_mem>> -> memref<1x!tpu.dma_semaphore, #tpu.memory_space<semaphore_mem>>
        %dma_start3A_1224 = tpu.memref_squeeze %dma_start3A_1223 : memref<1x!tpu.dma_semaphore, #tpu.memory_space<semaphore_mem>> -> memref<!tpu.dma_semaphore, #tpu.memory_space<semaphore_mem>>
        %dma_start3A_1225 = arith.constant 0 : i32
        %dma_start3A_1226 = arith.constant 0 : i32
        %dma_start3A_1227 = tpu.memref_slice %arg12[%dma_start3A_1215, %dma_start3A_1225, %dma_start3A_1226] : memref<8x64x128xf32, #tpu.memory_space<vmem>> -> memref<1x64x128xf32, #tpu.memory_space<vmem>>
        %dma_start3A_1228 = tpu.memref_squeeze %dma_start3A_1227 : memref<1x64x128xf32, #tpu.memory_space<vmem>> -> memref<64x128xf32, #tpu.memory_space<vmem>>
        %dma_start3A_1229 = arith.constant 0 : i32
        %dma_start3A_1230 = tpu.memref_slice %arg2[%dma_start3A_1229, %multiple_of3A_1214] : memref<64x1000000xf32, #tpu.memory_space<hbm>> -> memref<64x128xf32, #tpu.memory_space<hbm>>
        tpu.enqueue_dma source(%dma_start3A_1230 : memref<64x128xf32, #tpu.memory_space<hbm>>) target(%dma_start3A_1228 : memref<64x128xf32, #tpu.memory_space<vmem>>) target_semaphore(%dma_start3A_1224 : memref<!tpu.dma_semaphore, #tpu.memory_space<semaphore_mem>>)
      } else {
      }
      %and3A_1129 = arith.constant 0 : i32
      %and3A_1130 = arith.constant 1 : i32
      %and3A_1131 = arith.andi %and3A_1129, %and3A_1130 : i32
      %eq3A_1132 = arith.constant 1 : i32
      %eq3A_1133 = arith.cmpi eq, %and3A_1131, %eq3A_1132 : i32
      %convert_element_type3A_1134 = arith.extui %eq3A_1133 : i1 to i32
      %cond3A_1135 = arith.constant 0 : i32
      %cond3A_1136 = arith.cmpi ne, %convert_element_type3A_1134, %cond3A_1135 : i32
      scf.if %cond3A_1136 {
        %slice3A_1137 = vector.extract_strided_slice %get3A_1122 {offsets = [0], sizes = [1], strides = [1]} : vector<16xi32> to vector<1xi32>
        %squeeze3A_1138 = vector.extract %slice3A_1137[0] : i32 from vector<1xi32>
        %max3A_1139 = arith.constant 0 : i32
        %max3A_1140 = arith.maxsi %squeeze3A_1138, %max3A_1139 : i32
        %add3A_1141 = arith.addi %mul3A_2, %max3A_1140 : i32
        %mul3A_1142 = arith.constant 128 : i32
        %mul3A_1143 = arith.muli %add3A_1141, %mul3A_1142 : i32
        %multiple_of3A = tpu.assume_multiple %mul3A_1143, 128 : i32
        %dma_start3A = arith.constant 4 : i32
        %dma_start3A_1144 = arith.constant 4 : i32
        %dma_start3A_1145 = arith.constant 0 : i32
        %dma_start3A_1146 = arith.constant 0 : i32
        %dma_start3A_1147 = tpu.memref_slice %arg12[%dma_start3A, %dma_start3A_1145, %dma_start3A_1146] : memref<8x64x128xf32, #tpu.memory_space<vmem>> -> memref<1x64x128xf32, #tpu.memory_space<vmem>>
        %dma_start3A_1148 = tpu.memref_squeeze %dma_start3A_1147 : memref<1x64x128xf32, #tpu.memory_space<vmem>> -> memref<64x128xf32, #tpu.memory_space<vmem>>
        %dma_start3A_1149 = arith.constant 0 : i32
        %dma_start3A_1150 = tpu.memref_slice %arg2[%dma_start3A_1149, %multiple_of3A] : memref<64x1000000xf32, #tpu.memory_space<hbm>> -> memref<64x128xf32, #tpu.memory_space<hbm>>
        %dma_start3A_1151 = tpu.memref_slice %arg14[%dma_start3A_1144] : memref<8x!tpu.dma_semaphore, #tpu.memory_space<semaphore_mem>> -> memref<1x!tpu.dma_semaphore, #tpu.memory_space<semaphore_mem>>
        %dma_start3A_1152 = tpu.memref_squeeze %dma_start3A_1151 : memref<1x!tpu.dma_semaphore, #tpu.memory_space<semaphore_mem>> -> memref<!tpu.dma_semaphore, #tpu.memory_space<semaphore_mem>>
        %dma_start3A_1153 = arith.constant 0 : i32
        %dma_start3A_1154 = arith.constant 0 : i32
        %dma_start3A_1155 = tpu.memref_slice %arg12[%dma_start3A, %dma_start3A_1153, %dma_start3A_1154] : memref<8x64x128xf32, #tpu.memory_space<vmem>> -> memref<1x64x128xf32, #tpu.memory_space<vmem>>
        %dma_start3A_1156 = tpu.memref_squeeze %dma_start3A_1155 : memref<1x64x128xf32, #tpu.memory_space<vmem>> -> memref<64x128xf32, #tpu.memory_space<vmem>>
        %dma_start3A_1157 = arith.constant 0 : i32
        %dma_start3A_1158 = tpu.memref_slice %arg2[%dma_start3A_1157, %multiple_of3A] : memref<64x1000000xf32, #tpu.memory_space<hbm>> -> memref<64x128xf32, #tpu.memory_space<hbm>>
        tpu.enqueue_dma source(%dma_start3A_1158 : memref<64x128xf32, #tpu.memory_space<hbm>>) target(%dma_start3A_1156 : memref<64x128xf32, #tpu.memory_space<vmem>>) target_semaphore(%dma_start3A_1152 : memref<!tpu.dma_semaphore, #tpu.memory_space<semaphore_mem>>)
        %slice3A_1159 = vector.extract_strided_slice %get3A_1122 {offsets = [1], sizes = [1], strides = [1]} : vector<16xi32> to vector<1xi32>
        %squeeze3A_1160 = vector.extract %slice3A_1159[0] : i32 from vector<1xi32>
        %max3A_1161 = arith.constant 0 : i32
        %max3A_1162 = arith.maxsi %squeeze3A_1160, %max3A_1161 : i32
        %add3A_1163 = arith.addi %mul3A_2, %max3A_1162 : i32
        %mul3A_1164 = arith.constant 128 : i32
        %mul3A_1165 = arith.muli %add3A_1163, %mul3A_1164 : i32
        %multiple_of3A_1166 = tpu.assume_multiple %mul3A_1165, 128 : i32
        %dma_start3A_1167 = arith.constant 5 : i32
        %dma_start3A_1168 = arith.constant 5 : i32
        %dma_start3A_1169 = arith.constant 0 : i32
        %dma_start3A_1170 = arith.constant 0 : i32
        %dma_start3A_1171 = tpu.memref_slice %arg12[%dma_start3A_1167, %dma_start3A_1169, %dma_start3A_1170] : memref<8x64x128xf32, #tpu.memory_space<vmem>> -> memref<1x64x128xf32, #tpu.memory_space<vmem>>
        %dma_start3A_1172 = tpu.memref_squeeze %dma_start3A_1171 : memref<1x64x128xf32, #tpu.memory_space<vmem>> -> memref<64x128xf32, #tpu.memory_space<vmem>>
        %dma_start3A_1173 = arith.constant 0 : i32
        %dma_start3A_1174 = tpu.memref_slice %arg2[%dma_start3A_1173, %multiple_of3A_1166] : memref<64x1000000xf32, #tpu.memory_space<hbm>> -> memref<64x128xf32, #tpu.memory_space<hbm>>
        %dma_start3A_1175 = tpu.memref_slice %arg14[%dma_start3A_1168] : memref<8x!tpu.dma_semaphore, #tpu.memory_space<semaphore_mem>> -> memref<1x!tpu.dma_semaphore, #tpu.memory_space<semaphore_mem>>
        %dma_start3A_1176 = tpu.memref_squeeze %dma_start3A_1175 : memref<1x!tpu.dma_semaphore, #tpu.memory_space<semaphore_mem>> -> memref<!tpu.dma_semaphore, #tpu.memory_space<semaphore_mem>>
        %dma_start3A_1177 = arith.constant 0 : i32
        %dma_start3A_1178 = arith.constant 0 : i32
        %dma_start3A_1179 = tpu.memref_slice %arg12[%dma_start3A_1167, %dma_start3A_1177, %dma_start3A_1178] : memref<8x64x128xf32, #tpu.memory_space<vmem>> -> memref<1x64x128xf32, #tpu.memory_space<vmem>>
        %dma_start3A_1180 = tpu.memref_squeeze %dma_start3A_1179 : memref<1x64x128xf32, #tpu.memory_space<vmem>> -> memref<64x128xf32, #tpu.memory_space<vmem>>
        %dma_start3A_1181 = arith.constant 0 : i32
        %dma_start3A_1182 = tpu.memref_slice %arg2[%dma_start3A_1181, %multiple_of3A_1166] : memref<64x1000000xf32, #tpu.memory_space<hbm>> -> memref<64x128xf32, #tpu.memory_space<hbm>>
        tpu.enqueue_dma source(%dma_start3A_1182 : memref<64x128xf32, #tpu.memory_space<hbm>>) target(%dma_start3A_1180 : memref<64x128xf32, #tpu.memory_space<vmem>>) target_semaphore(%dma_start3A_1176 : memref<!tpu.dma_semaphore, #tpu.memory_space<semaphore_mem>>)
        %slice3A_1183 = vector.extract_strided_slice %get3A_1122 {offsets = [2], sizes = [1], strides = [1]} : vector<16xi32> to vector<1xi32>
        %squeeze3A_1184 = vector.extract %slice3A_1183[0] : i32 from vector<1xi32>
        %max3A_1185 = arith.constant 0 : i32
        %max3A_1186 = arith.maxsi %squeeze3A_1184, %max3A_1185 : i32
        %add3A_1187 = arith.addi %mul3A_2, %max3A_1186 : i32
        %mul3A_1188 = arith.constant 128 : i32
        %mul3A_1189 = arith.muli %add3A_1187, %mul3A_1188 : i32
        %multiple_of3A_1190 = tpu.assume_multiple %mul3A_1189, 128 : i32
        %dma_start3A_1191 = arith.constant 6 : i32
        %dma_start3A_1192 = arith.constant 6 : i32
        %dma_start3A_1193 = arith.constant 0 : i32
        %dma_start3A_1194 = arith.constant 0 : i32
        %dma_start3A_1195 = tpu.memref_slice %arg12[%dma_start3A_1191, %dma_start3A_1193, %dma_start3A_1194] : memref<8x64x128xf32, #tpu.memory_space<vmem>> -> memref<1x64x128xf32, #tpu.memory_space<vmem>>
        %dma_start3A_1196 = tpu.memref_squeeze %dma_start3A_1195 : memref<1x64x128xf32, #tpu.memory_space<vmem>> -> memref<64x128xf32, #tpu.memory_space<vmem>>
        %dma_start3A_1197 = arith.constant 0 : i32
        %dma_start3A_1198 = tpu.memref_slice %arg2[%dma_start3A_1197, %multiple_of3A_1190] : memref<64x1000000xf32, #tpu.memory_space<hbm>> -> memref<64x128xf32, #tpu.memory_space<hbm>>
        %dma_start3A_1199 = tpu.memref_slice %arg14[%dma_start3A_1192] : memref<8x!tpu.dma_semaphore, #tpu.memory_space<semaphore_mem>> -> memref<1x!tpu.dma_semaphore, #tpu.memory_space<semaphore_mem>>
        %dma_start3A_1200 = tpu.memref_squeeze %dma_start3A_1199 : memref<1x!tpu.dma_semaphore, #tpu.memory_space<semaphore_mem>> -> memref<!tpu.dma_semaphore, #tpu.memory_space<semaphore_mem>>
        %dma_start3A_1201 = arith.constant 0 : i32
        %dma_start3A_1202 = arith.constant 0 : i32
        %dma_start3A_1203 = tpu.memref_slice %arg12[%dma_start3A_1191, %dma_start3A_1201, %dma_start3A_1202] : memref<8x64x128xf32, #tpu.memory_space<vmem>> -> memref<1x64x128xf32, #tpu.memory_space<vmem>>
        %dma_start3A_1204 = tpu.memref_squeeze %dma_start3A_1203 : memref<1x64x128xf32, #tpu.memory_space<vmem>> -> memref<64x128xf32, #tpu.memory_space<vmem>>
        %dma_start3A_1205 = arith.constant 0 : i32
        %dma_start3A_1206 = tpu.memref_slice %arg2[%dma_start3A_1205, %multiple_of3A_1190] : memref<64x1000000xf32, #tpu.memory_space<hbm>> -> memref<64x128xf32, #tpu.memory_space<hbm>>
        tpu.enqueue_dma source(%dma_start3A_1206 : memref<64x128xf32, #tpu.memory_space<hbm>>) target(%dma_start3A_1204 : memref<64x128xf32, #tpu.memory_space<vmem>>) target_semaphore(%dma_start3A_1200 : memref<!tpu.dma_semaphore, #tpu.memory_space<semaphore_mem>>)
        %slice3A_1207 = vector.extract_strided_slice %get3A_1122 {offsets = [3], sizes = [1], strides = [1]} : vector<16xi32> to vector<1xi32>
        %squeeze3A_1208 = vector.extract %slice3A_1207[0] : i32 from vector<1xi32>
        %max3A_1209 = arith.constant 0 : i32
        %max3A_1210 = arith.maxsi %squeeze3A_1208, %max3A_1209 : i32
        %add3A_1211 = arith.addi %mul3A_2, %max3A_1210 : i32
        %mul3A_1212 = arith.constant 128 : i32
        %mul3A_1213 = arith.muli %add3A_1211, %mul3A_1212 : i32
        %multiple_of3A_1214 = tpu.assume_multiple %mul3A_1213, 128 : i32
        %dma_start3A_1215 = arith.constant 7 : i32
        %dma_start3A_1216 = arith.constant 7 : i32
        %dma_start3A_1217 = arith.constant 0 : i32
        %dma_start3A_1218 = arith.constant 0 : i32
        %dma_start3A_1219 = tpu.memref_slice %arg12[%dma_start3A_1215, %dma_start3A_1217, %dma_start3A_1218] : memref<8x64x128xf32, #tpu.memory_space<vmem>> -> memref<1x64x128xf32, #tpu.memory_space<vmem>>
        %dma_start3A_1220 = tpu.memref_squeeze %dma_start3A_1219 : memref<1x64x128xf32, #tpu.memory_space<vmem>> -> memref<64x128xf32, #tpu.memory_space<vmem>>
        %dma_start3A_1221 = arith.constant 0 : i32
        %dma_start3A_1222 = tpu.memref_slice %arg2[%dma_start3A_1221, %multiple_of3A_1214] : memref<64x1000000xf32, #tpu.memory_space<hbm>> -> memref<64x128xf32, #tpu.memory_space<hbm>>
        %dma_start3A_1223 = tpu.memref_slice %arg14[%dma_start3A_1216] : memref<8x!tpu.dma_semaphore, #tpu.memory_space<semaphore_mem>> -> memref<1x!tpu.dma_semaphore, #tpu.memory_space<semaphore_mem>>
        %dma_start3A_1224 = tpu.memref_squeeze %dma_start3A_1223 : memref<1x!tpu.dma_semaphore, #tpu.memory_space<semaphore_mem>> -> memref<!tpu.dma_semaphore, #tpu.memory_space<semaphore_mem>>
        %dma_start3A_1225 = arith.constant 0 : i32
        %dma_start3A_1226 = arith.constant 0 : i32
        %dma_start3A_1227 = tpu.memref_slice %arg12[%dma_start3A_1215, %dma_start3A_1225, %dma_start3A_1226] : memref<8x64x128xf32, #tpu.memory_space<vmem>> -> memref<1x64x128xf32, #tpu.memory_space<vmem>>
        %dma_start3A_1228 = tpu.memref_squeeze %dma_start3A_1227 : memref<1x64x128xf32, #tpu.memory_space<vmem>> -> memref<64x128xf32, #tpu.memory_space<vmem>>
        %dma_start3A_1229 = arith.constant 0 : i32
        %dma_start3A_1230 = tpu.memref_slice %arg2[%dma_start3A_1229, %multiple_of3A_1214] : memref<64x1000000xf32, #tpu.memory_space<hbm>> -> memref<64x128xf32, #tpu.memory_space<hbm>>
        tpu.enqueue_dma source(%dma_start3A_1230 : memref<64x128xf32, #tpu.memory_space<hbm>>) target(%dma_start3A_1228 : memref<64x128xf32, #tpu.memory_space<vmem>>) target_semaphore(%dma_start3A_1224 : memref<!tpu.dma_semaphore, #tpu.memory_space<semaphore_mem>>)
      } else {
      }
    } else {
    }
    %gt3A_1047 = arith.constant 1 : i32
    %gt3A_1048 = arith.cmpi sgt, %shift_right_arithmetic3A_565, %gt3A_1047 : i32
    %convert_element_type3A_1049 = arith.extui %gt3A_1048 : i1 to i32
    %cond3A_1050 = arith.constant 0 : i32
    %cond3A_1051 = arith.cmpi ne, %convert_element_type3A_1049, %cond3A_1050 : i32
    scf.if %cond3A_1051 {
      %mul3A_1118 = arith.constant 1 : i32
      %mul3A_1119 = arith.constant 4 : i32
      %mul3A_1120 = arith.muli %mul3A_1118, %mul3A_1119 : i32
      %get3A_1121 = arith.index_cast %mul3A_1120 : i32 to index
      %get3A_1122 = tpu.vector_load %arg11[%get3A_1121] {strides = array<i32>} : memref<272xi32, #tpu.memory_space<vmem>>, vector<16xi32>,
      %and3A = arith.constant 1 : i32
      %and3A_1123 = arith.constant 1 : i32
      %and3A_1124 = arith.andi %and3A, %and3A_1123 : i32
      %eq3A = arith.constant 0 : i32
      %eq3A_1125 = arith.cmpi eq, %and3A_1124, %eq3A : i32
      %convert_element_type3A_1126 = arith.extui %eq3A_1125 : i1 to i32
      %cond3A_1127 = arith.constant 0 : i32
      %cond3A_1128 = arith.cmpi ne, %convert_element_type3A_1126, %cond3A_1127 : i32
      scf.if %cond3A_1128 {
        %slice3A_1137 = vector.extract_strided_slice %get3A_1122 {offsets = [0], sizes = [1], strides = [1]} : vector<16xi32> to vector<1xi32>
        %squeeze3A_1138 = vector.extract %slice3A_1137[0] : i32 from vector<1xi32>
        %max3A_1139 = arith.constant 0 : i32
        %max3A_1140 = arith.maxsi %squeeze3A_1138, %max3A_1139 : i32
        %add3A_1141 = arith.addi %mul3A_2, %max3A_1140 : i32
        %mul3A_1142 = arith.constant 128 : i32
        %mul3A_1143 = arith.muli %add3A_1141, %mul3A_1142 : i32
        %multiple_of3A = tpu.assume_multiple %mul3A_1143, 128 : i32
        %dma_start3A = arith.constant 0 : i32
        %dma_start3A_1144 = arith.constant 0 : i32
        %dma_start3A_1145 = arith.constant 0 : i32
        %dma_start3A_1146 = arith.constant 0 : i32
        %dma_start3A_1147 = tpu.memref_slice %arg12[%dma_start3A, %dma_start3A_1145, %dma_start3A_1146] : memref<8x64x128xf32, #tpu.memory_space<vmem>> -> memref<1x64x128xf32, #tpu.memory_space<vmem>>
        %dma_start3A_1148 = tpu.memref_squeeze %dma_start3A_1147 : memref<1x64x128xf32, #tpu.memory_space<vmem>> -> memref<64x128xf32, #tpu.memory_space<vmem>>
        %dma_start3A_1149 = arith.constant 0 : i32
        %dma_start3A_1150 = tpu.memref_slice %arg2[%dma_start3A_1149, %multiple_of3A] : memref<64x1000000xf32, #tpu.memory_space<hbm>> -> memref<64x128xf32, #tpu.memory_space<hbm>>
        %dma_start3A_1151 = tpu.memref_slice %arg14[%dma_start3A_1144] : memref<8x!tpu.dma_semaphore, #tpu.memory_space<semaphore_mem>> -> memref<1x!tpu.dma_semaphore, #tpu.memory_space<semaphore_mem>>
        %dma_start3A_1152 = tpu.memref_squeeze %dma_start3A_1151 : memref<1x!tpu.dma_semaphore, #tpu.memory_space<semaphore_mem>> -> memref<!tpu.dma_semaphore, #tpu.memory_space<semaphore_mem>>
        %dma_start3A_1153 = arith.constant 0 : i32
        %dma_start3A_1154 = arith.constant 0 : i32
        %dma_start3A_1155 = tpu.memref_slice %arg12[%dma_start3A, %dma_start3A_1153, %dma_start3A_1154] : memref<8x64x128xf32, #tpu.memory_space<vmem>> -> memref<1x64x128xf32, #tpu.memory_space<vmem>>
        %dma_start3A_1156 = tpu.memref_squeeze %dma_start3A_1155 : memref<1x64x128xf32, #tpu.memory_space<vmem>> -> memref<64x128xf32, #tpu.memory_space<vmem>>
        %dma_start3A_1157 = arith.constant 0 : i32
        %dma_start3A_1158 = tpu.memref_slice %arg2[%dma_start3A_1157, %multiple_of3A] : memref<64x1000000xf32, #tpu.memory_space<hbm>> -> memref<64x128xf32, #tpu.memory_space<hbm>>
        tpu.enqueue_dma source(%dma_start3A_1158 : memref<64x128xf32, #tpu.memory_space<hbm>>) target(%dma_start3A_1156 : memref<64x128xf32, #tpu.memory_space<vmem>>) target_semaphore(%dma_start3A_1152 : memref<!tpu.dma_semaphore, #tpu.memory_space<semaphore_mem>>)
        %slice3A_1159 = vector.extract_strided_slice %get3A_1122 {offsets = [1], sizes = [1], strides = [1]} : vector<16xi32> to vector<1xi32>
        %squeeze3A_1160 = vector.extract %slice3A_1159[0] : i32 from vector<1xi32>
        %max3A_1161 = arith.constant 0 : i32
        %max3A_1162 = arith.maxsi %squeeze3A_1160, %max3A_1161 : i32
        %add3A_1163 = arith.addi %mul3A_2, %max3A_1162 : i32
        %mul3A_1164 = arith.constant 128 : i32
        %mul3A_1165 = arith.muli %add3A_1163, %mul3A_1164 : i32
        %multiple_of3A_1166 = tpu.assume_multiple %mul3A_1165, 128 : i32
        %dma_start3A_1167 = arith.constant 1 : i32
        %dma_start3A_1168 = arith.constant 1 : i32
        %dma_start3A_1169 = arith.constant 0 : i32
        %dma_start3A_1170 = arith.constant 0 : i32
        %dma_start3A_1171 = tpu.memref_slice %arg12[%dma_start3A_1167, %dma_start3A_1169, %dma_start3A_1170] : memref<8x64x128xf32, #tpu.memory_space<vmem>> -> memref<1x64x128xf32, #tpu.memory_space<vmem>>
        %dma_start3A_1172 = tpu.memref_squeeze %dma_start3A_1171 : memref<1x64x128xf32, #tpu.memory_space<vmem>> -> memref<64x128xf32, #tpu.memory_space<vmem>>
        %dma_start3A_1173 = arith.constant 0 : i32
        %dma_start3A_1174 = tpu.memref_slice %arg2[%dma_start3A_1173, %multiple_of3A_1166] : memref<64x1000000xf32, #tpu.memory_space<hbm>> -> memref<64x128xf32, #tpu.memory_space<hbm>>
        %dma_start3A_1175 = tpu.memref_slice %arg14[%dma_start3A_1168] : memref<8x!tpu.dma_semaphore, #tpu.memory_space<semaphore_mem>> -> memref<1x!tpu.dma_semaphore, #tpu.memory_space<semaphore_mem>>
        %dma_start3A_1176 = tpu.memref_squeeze %dma_start3A_1175 : memref<1x!tpu.dma_semaphore, #tpu.memory_space<semaphore_mem>> -> memref<!tpu.dma_semaphore, #tpu.memory_space<semaphore_mem>>
        %dma_start3A_1177 = arith.constant 0 : i32
        %dma_start3A_1178 = arith.constant 0 : i32
        %dma_start3A_1179 = tpu.memref_slice %arg12[%dma_start3A_1167, %dma_start3A_1177, %dma_start3A_1178] : memref<8x64x128xf32, #tpu.memory_space<vmem>> -> memref<1x64x128xf32, #tpu.memory_space<vmem>>
        %dma_start3A_1180 = tpu.memref_squeeze %dma_start3A_1179 : memref<1x64x128xf32, #tpu.memory_space<vmem>> -> memref<64x128xf32, #tpu.memory_space<vmem>>
        %dma_start3A_1181 = arith.constant 0 : i32
        %dma_start3A_1182 = tpu.memref_slice %arg2[%dma_start3A_1181, %multiple_of3A_1166] : memref<64x1000000xf32, #tpu.memory_space<hbm>> -> memref<64x128xf32, #tpu.memory_space<hbm>>
        tpu.enqueue_dma source(%dma_start3A_1182 : memref<64x128xf32, #tpu.memory_space<hbm>>) target(%dma_start3A_1180 : memref<64x128xf32, #tpu.memory_space<vmem>>) target_semaphore(%dma_start3A_1176 : memref<!tpu.dma_semaphore, #tpu.memory_space<semaphore_mem>>)
        %slice3A_1183 = vector.extract_strided_slice %get3A_1122 {offsets = [2], sizes = [1], strides = [1]} : vector<16xi32> to vector<1xi32>
        %squeeze3A_1184 = vector.extract %slice3A_1183[0] : i32 from vector<1xi32>
        %max3A_1185 = arith.constant 0 : i32
        %max3A_1186 = arith.maxsi %squeeze3A_1184, %max3A_1185 : i32
        %add3A_1187 = arith.addi %mul3A_2, %max3A_1186 : i32
        %mul3A_1188 = arith.constant 128 : i32
        %mul3A_1189 = arith.muli %add3A_1187, %mul3A_1188 : i32
        %multiple_of3A_1190 = tpu.assume_multiple %mul3A_1189, 128 : i32
        %dma_start3A_1191 = arith.constant 2 : i32
        %dma_start3A_1192 = arith.constant 2 : i32
        %dma_start3A_1193 = arith.constant 0 : i32
        %dma_start3A_1194 = arith.constant 0 : i32
        %dma_start3A_1195 = tpu.memref_slice %arg12[%dma_start3A_1191, %dma_start3A_1193, %dma_start3A_1194] : memref<8x64x128xf32, #tpu.memory_space<vmem>> -> memref<1x64x128xf32, #tpu.memory_space<vmem>>
        %dma_start3A_1196 = tpu.memref_squeeze %dma_start3A_1195 : memref<1x64x128xf32, #tpu.memory_space<vmem>> -> memref<64x128xf32, #tpu.memory_space<vmem>>
        %dma_start3A_1197 = arith.constant 0 : i32
        %dma_start3A_1198 = tpu.memref_slice %arg2[%dma_start3A_1197, %multiple_of3A_1190] : memref<64x1000000xf32, #tpu.memory_space<hbm>> -> memref<64x128xf32, #tpu.memory_space<hbm>>
        %dma_start3A_1199 = tpu.memref_slice %arg14[%dma_start3A_1192] : memref<8x!tpu.dma_semaphore, #tpu.memory_space<semaphore_mem>> -> memref<1x!tpu.dma_semaphore, #tpu.memory_space<semaphore_mem>>
        %dma_start3A_1200 = tpu.memref_squeeze %dma_start3A_1199 : memref<1x!tpu.dma_semaphore, #tpu.memory_space<semaphore_mem>> -> memref<!tpu.dma_semaphore, #tpu.memory_space<semaphore_mem>>
        %dma_start3A_1201 = arith.constant 0 : i32
        %dma_start3A_1202 = arith.constant 0 : i32
        %dma_start3A_1203 = tpu.memref_slice %arg12[%dma_start3A_1191, %dma_start3A_1201, %dma_start3A_1202] : memref<8x64x128xf32, #tpu.memory_space<vmem>> -> memref<1x64x128xf32, #tpu.memory_space<vmem>>
        %dma_start3A_1204 = tpu.memref_squeeze %dma_start3A_1203 : memref<1x64x128xf32, #tpu.memory_space<vmem>> -> memref<64x128xf32, #tpu.memory_space<vmem>>
        %dma_start3A_1205 = arith.constant 0 : i32
        %dma_start3A_1206 = tpu.memref_slice %arg2[%dma_start3A_1205, %multiple_of3A_1190] : memref<64x1000000xf32, #tpu.memory_space<hbm>> -> memref<64x128xf32, #tpu.memory_space<hbm>>
        tpu.enqueue_dma source(%dma_start3A_1206 : memref<64x128xf32, #tpu.memory_space<hbm>>) target(%dma_start3A_1204 : memref<64x128xf32, #tpu.memory_space<vmem>>) target_semaphore(%dma_start3A_1200 : memref<!tpu.dma_semaphore, #tpu.memory_space<semaphore_mem>>)
        %slice3A_1207 = vector.extract_strided_slice %get3A_1122 {offsets = [3], sizes = [1], strides = [1]} : vector<16xi32> to vector<1xi32>
        %squeeze3A_1208 = vector.extract %slice3A_1207[0] : i32 from vector<1xi32>
        %max3A_1209 = arith.constant 0 : i32
        %max3A_1210 = arith.maxsi %squeeze3A_1208, %max3A_1209 : i32
        %add3A_1211 = arith.addi %mul3A_2, %max3A_1210 : i32
        %mul3A_1212 = arith.constant 128 : i32
        %mul3A_1213 = arith.muli %add3A_1211, %mul3A_1212 : i32
        %multiple_of3A_1214 = tpu.assume_multiple %mul3A_1213, 128 : i32
        %dma_start3A_1215 = arith.constant 3 : i32
        %dma_start3A_1216 = arith.constant 3 : i32
        %dma_start3A_1217 = arith.constant 0 : i32
        %dma_start3A_1218 = arith.constant 0 : i32
        %dma_start3A_1219 = tpu.memref_slice %arg12[%dma_start3A_1215, %dma_start3A_1217, %dma_start3A_1218] : memref<8x64x128xf32, #tpu.memory_space<vmem>> -> memref<1x64x128xf32, #tpu.memory_space<vmem>>
        %dma_start3A_1220 = tpu.memref_squeeze %dma_start3A_1219 : memref<1x64x128xf32, #tpu.memory_space<vmem>> -> memref<64x128xf32, #tpu.memory_space<vmem>>
        %dma_start3A_1221 = arith.constant 0 : i32
        %dma_start3A_1222 = tpu.memref_slice %arg2[%dma_start3A_1221, %multiple_of3A_1214] : memref<64x1000000xf32, #tpu.memory_space<hbm>> -> memref<64x128xf32, #tpu.memory_space<hbm>>
        %dma_start3A_1223 = tpu.memref_slice %arg14[%dma_start3A_1216] : memref<8x!tpu.dma_semaphore, #tpu.memory_space<semaphore_mem>> -> memref<1x!tpu.dma_semaphore, #tpu.memory_space<semaphore_mem>>
        %dma_start3A_1224 = tpu.memref_squeeze %dma_start3A_1223 : memref<1x!tpu.dma_semaphore, #tpu.memory_space<semaphore_mem>> -> memref<!tpu.dma_semaphore, #tpu.memory_space<semaphore_mem>>
        %dma_start3A_1225 = arith.constant 0 : i32
        %dma_start3A_1226 = arith.constant 0 : i32
        %dma_start3A_1227 = tpu.memref_slice %arg12[%dma_start3A_1215, %dma_start3A_1225, %dma_start3A_1226] : memref<8x64x128xf32, #tpu.memory_space<vmem>> -> memref<1x64x128xf32, #tpu.memory_space<vmem>>
        %dma_start3A_1228 = tpu.memref_squeeze %dma_start3A_1227 : memref<1x64x128xf32, #tpu.memory_space<vmem>> -> memref<64x128xf32, #tpu.memory_space<vmem>>
        %dma_start3A_1229 = arith.constant 0 : i32
        %dma_start3A_1230 = tpu.memref_slice %arg2[%dma_start3A_1229, %multiple_of3A_1214] : memref<64x1000000xf32, #tpu.memory_space<hbm>> -> memref<64x128xf32, #tpu.memory_space<hbm>>
        tpu.enqueue_dma source(%dma_start3A_1230 : memref<64x128xf32, #tpu.memory_space<hbm>>) target(%dma_start3A_1228 : memref<64x128xf32, #tpu.memory_space<vmem>>) target_semaphore(%dma_start3A_1224 : memref<!tpu.dma_semaphore, #tpu.memory_space<semaphore_mem>>)
      } else {
      }
      %and3A_1129 = arith.constant 1 : i32
      %and3A_1130 = arith.constant 1 : i32
      %and3A_1131 = arith.andi %and3A_1129, %and3A_1130 : i32
      %eq3A_1132 = arith.constant 1 : i32
      %eq3A_1133 = arith.cmpi eq, %and3A_1131, %eq3A_1132 : i32
      %convert_element_type3A_1134 = arith.extui %eq3A_1133 : i1 to i32
      %cond3A_1135 = arith.constant 0 : i32
      %cond3A_1136 = arith.cmpi ne, %convert_element_type3A_1134, %cond3A_1135 : i32
      scf.if %cond3A_1136 {
        %slice3A_1137 = vector.extract_strided_slice %get3A_1122 {offsets = [0], sizes = [1], strides = [1]} : vector<16xi32> to vector<1xi32>
        %squeeze3A_1138 = vector.extract %slice3A_1137[0] : i32 from vector<1xi32>
        %max3A_1139 = arith.constant 0 : i32
        %max3A_1140 = arith.maxsi %squeeze3A_1138, %max3A_1139 : i32
        %add3A_1141 = arith.addi %mul3A_2, %max3A_1140 : i32
        %mul3A_1142 = arith.constant 128 : i32
        %mul3A_1143 = arith.muli %add3A_1141, %mul3A_1142 : i32
        %multiple_of3A = tpu.assume_multiple %mul3A_1143, 128 : i32
        %dma_start3A = arith.constant 4 : i32
        %dma_start3A_1144 = arith.constant 4 : i32
        %dma_start3A_1145 = arith.constant 0 : i32
        %dma_start3A_1146 = arith.constant 0 : i32
        %dma_start3A_1147 = tpu.memref_slice %arg12[%dma_start3A, %dma_start3A_1145, %dma_start3A_1146] : memref<8x64x128xf32, #tpu.memory_space<vmem>> -> memref<1x64x128xf32, #tpu.memory_space<vmem>>
        %dma_start3A_1148 = tpu.memref_squeeze %dma_start3A_1147 : memref<1x64x128xf32, #tpu.memory_space<vmem>> -> memref<64x128xf32, #tpu.memory_space<vmem>>
        %dma_start3A_1149 = arith.constant 0 : i32
        %dma_start3A_1150 = tpu.memref_slice %arg2[%dma_start3A_1149, %multiple_of3A] : memref<64x1000000xf32, #tpu.memory_space<hbm>> -> memref<64x128xf32, #tpu.memory_space<hbm>>
        %dma_start3A_1151 = tpu.memref_slice %arg14[%dma_start3A_1144] : memref<8x!tpu.dma_semaphore, #tpu.memory_space<semaphore_mem>> -> memref<1x!tpu.dma_semaphore, #tpu.memory_space<semaphore_mem>>
        %dma_start3A_1152 = tpu.memref_squeeze %dma_start3A_1151 : memref<1x!tpu.dma_semaphore, #tpu.memory_space<semaphore_mem>> -> memref<!tpu.dma_semaphore, #tpu.memory_space<semaphore_mem>>
        %dma_start3A_1153 = arith.constant 0 : i32
        %dma_start3A_1154 = arith.constant 0 : i32
        %dma_start3A_1155 = tpu.memref_slice %arg12[%dma_start3A, %dma_start3A_1153, %dma_start3A_1154] : memref<8x64x128xf32, #tpu.memory_space<vmem>> -> memref<1x64x128xf32, #tpu.memory_space<vmem>>
        %dma_start3A_1156 = tpu.memref_squeeze %dma_start3A_1155 : memref<1x64x128xf32, #tpu.memory_space<vmem>> -> memref<64x128xf32, #tpu.memory_space<vmem>>
        %dma_start3A_1157 = arith.constant 0 : i32
        %dma_start3A_1158 = tpu.memref_slice %arg2[%dma_start3A_1157, %multiple_of3A] : memref<64x1000000xf32, #tpu.memory_space<hbm>> -> memref<64x128xf32, #tpu.memory_space<hbm>>
        tpu.enqueue_dma source(%dma_start3A_1158 : memref<64x128xf32, #tpu.memory_space<hbm>>) target(%dma_start3A_1156 : memref<64x128xf32, #tpu.memory_space<vmem>>) target_semaphore(%dma_start3A_1152 : memref<!tpu.dma_semaphore, #tpu.memory_space<semaphore_mem>>)
        %slice3A_1159 = vector.extract_strided_slice %get3A_1122 {offsets = [1], sizes = [1], strides = [1]} : vector<16xi32> to vector<1xi32>
        %squeeze3A_1160 = vector.extract %slice3A_1159[0] : i32 from vector<1xi32>
        %max3A_1161 = arith.constant 0 : i32
        %max3A_1162 = arith.maxsi %squeeze3A_1160, %max3A_1161 : i32
        %add3A_1163 = arith.addi %mul3A_2, %max3A_1162 : i32
        %mul3A_1164 = arith.constant 128 : i32
        %mul3A_1165 = arith.muli %add3A_1163, %mul3A_1164 : i32
        %multiple_of3A_1166 = tpu.assume_multiple %mul3A_1165, 128 : i32
        %dma_start3A_1167 = arith.constant 5 : i32
        %dma_start3A_1168 = arith.constant 5 : i32
        %dma_start3A_1169 = arith.constant 0 : i32
        %dma_start3A_1170 = arith.constant 0 : i32
        %dma_start3A_1171 = tpu.memref_slice %arg12[%dma_start3A_1167, %dma_start3A_1169, %dma_start3A_1170] : memref<8x64x128xf32, #tpu.memory_space<vmem>> -> memref<1x64x128xf32, #tpu.memory_space<vmem>>
        %dma_start3A_1172 = tpu.memref_squeeze %dma_start3A_1171 : memref<1x64x128xf32, #tpu.memory_space<vmem>> -> memref<64x128xf32, #tpu.memory_space<vmem>>
        %dma_start3A_1173 = arith.constant 0 : i32
        %dma_start3A_1174 = tpu.memref_slice %arg2[%dma_start3A_1173, %multiple_of3A_1166] : memref<64x1000000xf32, #tpu.memory_space<hbm>> -> memref<64x128xf32, #tpu.memory_space<hbm>>
        %dma_start3A_1175 = tpu.memref_slice %arg14[%dma_start3A_1168] : memref<8x!tpu.dma_semaphore, #tpu.memory_space<semaphore_mem>> -> memref<1x!tpu.dma_semaphore, #tpu.memory_space<semaphore_mem>>
        %dma_start3A_1176 = tpu.memref_squeeze %dma_start3A_1175 : memref<1x!tpu.dma_semaphore, #tpu.memory_space<semaphore_mem>> -> memref<!tpu.dma_semaphore, #tpu.memory_space<semaphore_mem>>
        %dma_start3A_1177 = arith.constant 0 : i32
        %dma_start3A_1178 = arith.constant 0 : i32
        %dma_start3A_1179 = tpu.memref_slice %arg12[%dma_start3A_1167, %dma_start3A_1177, %dma_start3A_1178] : memref<8x64x128xf32, #tpu.memory_space<vmem>> -> memref<1x64x128xf32, #tpu.memory_space<vmem>>
        %dma_start3A_1180 = tpu.memref_squeeze %dma_start3A_1179 : memref<1x64x128xf32, #tpu.memory_space<vmem>> -> memref<64x128xf32, #tpu.memory_space<vmem>>
        %dma_start3A_1181 = arith.constant 0 : i32
        %dma_start3A_1182 = tpu.memref_slice %arg2[%dma_start3A_1181, %multiple_of3A_1166] : memref<64x1000000xf32, #tpu.memory_space<hbm>> -> memref<64x128xf32, #tpu.memory_space<hbm>>
        tpu.enqueue_dma source(%dma_start3A_1182 : memref<64x128xf32, #tpu.memory_space<hbm>>) target(%dma_start3A_1180 : memref<64x128xf32, #tpu.memory_space<vmem>>) target_semaphore(%dma_start3A_1176 : memref<!tpu.dma_semaphore, #tpu.memory_space<semaphore_mem>>)
        %slice3A_1183 = vector.extract_strided_slice %get3A_1122 {offsets = [2], sizes = [1], strides = [1]} : vector<16xi32> to vector<1xi32>
        %squeeze3A_1184 = vector.extract %slice3A_1183[0] : i32 from vector<1xi32>
        %max3A_1185 = arith.constant 0 : i32
        %max3A_1186 = arith.maxsi %squeeze3A_1184, %max3A_1185 : i32
        %add3A_1187 = arith.addi %mul3A_2, %max3A_1186 : i32
        %mul3A_1188 = arith.constant 128 : i32
        %mul3A_1189 = arith.muli %add3A_1187, %mul3A_1188 : i32
        %multiple_of3A_1190 = tpu.assume_multiple %mul3A_1189, 128 : i32
        %dma_start3A_1191 = arith.constant 6 : i32
        %dma_start3A_1192 = arith.constant 6 : i32
        %dma_start3A_1193 = arith.constant 0 : i32
        %dma_start3A_1194 = arith.constant 0 : i32
        %dma_start3A_1195 = tpu.memref_slice %arg12[%dma_start3A_1191, %dma_start3A_1193, %dma_start3A_1194] : memref<8x64x128xf32, #tpu.memory_space<vmem>> -> memref<1x64x128xf32, #tpu.memory_space<vmem>>
        %dma_start3A_1196 = tpu.memref_squeeze %dma_start3A_1195 : memref<1x64x128xf32, #tpu.memory_space<vmem>> -> memref<64x128xf32, #tpu.memory_space<vmem>>
        %dma_start3A_1197 = arith.constant 0 : i32
        %dma_start3A_1198 = tpu.memref_slice %arg2[%dma_start3A_1197, %multiple_of3A_1190] : memref<64x1000000xf32, #tpu.memory_space<hbm>> -> memref<64x128xf32, #tpu.memory_space<hbm>>
        %dma_start3A_1199 = tpu.memref_slice %arg14[%dma_start3A_1192] : memref<8x!tpu.dma_semaphore, #tpu.memory_space<semaphore_mem>> -> memref<1x!tpu.dma_semaphore, #tpu.memory_space<semaphore_mem>>
        %dma_start3A_1200 = tpu.memref_squeeze %dma_start3A_1199 : memref<1x!tpu.dma_semaphore, #tpu.memory_space<semaphore_mem>> -> memref<!tpu.dma_semaphore, #tpu.memory_space<semaphore_mem>>
        %dma_start3A_1201 = arith.constant 0 : i32
        %dma_start3A_1202 = arith.constant 0 : i32
        %dma_start3A_1203 = tpu.memref_slice %arg12[%dma_start3A_1191, %dma_start3A_1201, %dma_start3A_1202] : memref<8x64x128xf32, #tpu.memory_space<vmem>> -> memref<1x64x128xf32, #tpu.memory_space<vmem>>
        %dma_start3A_1204 = tpu.memref_squeeze %dma_start3A_1203 : memref<1x64x128xf32, #tpu.memory_space<vmem>> -> memref<64x128xf32, #tpu.memory_space<vmem>>
        %dma_start3A_1205 = arith.constant 0 : i32
        %dma_start3A_1206 = tpu.memref_slice %arg2[%dma_start3A_1205, %multiple_of3A_1190] : memref<64x1000000xf32, #tpu.memory_space<hbm>> -> memref<64x128xf32, #tpu.memory_space<hbm>>
        tpu.enqueue_dma source(%dma_start3A_1206 : memref<64x128xf32, #tpu.memory_space<hbm>>) target(%dma_start3A_1204 : memref<64x128xf32, #tpu.memory_space<vmem>>) target_semaphore(%dma_start3A_1200 : memref<!tpu.dma_semaphore, #tpu.memory_space<semaphore_mem>>)
        %slice3A_1207 = vector.extract_strided_slice %get3A_1122 {offsets = [3], sizes = [1], strides = [1]} : vector<16xi32> to vector<1xi32>
        %squeeze3A_1208 = vector.extract %slice3A_1207[0] : i32 from vector<1xi32>
        %max3A_1209 = arith.constant 0 : i32
        %max3A_1210 = arith.maxsi %squeeze3A_1208, %max3A_1209 : i32
        %add3A_1211 = arith.addi %mul3A_2, %max3A_1210 : i32
        %mul3A_1212 = arith.constant 128 : i32
        %mul3A_1213 = arith.muli %add3A_1211, %mul3A_1212 : i32
        %multiple_of3A_1214 = tpu.assume_multiple %mul3A_1213, 128 : i32
        %dma_start3A_1215 = arith.constant 7 : i32
        %dma_start3A_1216 = arith.constant 7 : i32
        %dma_start3A_1217 = arith.constant 0 : i32
        %dma_start3A_1218 = arith.constant 0 : i32
        %dma_start3A_1219 = tpu.memref_slice %arg12[%dma_start3A_1215, %dma_start3A_1217, %dma_start3A_1218] : memref<8x64x128xf32, #tpu.memory_space<vmem>> -> memref<1x64x128xf32, #tpu.memory_space<vmem>>
        %dma_start3A_1220 = tpu.memref_squeeze %dma_start3A_1219 : memref<1x64x128xf32, #tpu.memory_space<vmem>> -> memref<64x128xf32, #tpu.memory_space<vmem>>
        %dma_start3A_1221 = arith.constant 0 : i32
        %dma_start3A_1222 = tpu.memref_slice %arg2[%dma_start3A_1221, %multiple_of3A_1214] : memref<64x1000000xf32, #tpu.memory_space<hbm>> -> memref<64x128xf32, #tpu.memory_space<hbm>>
        %dma_start3A_1223 = tpu.memref_slice %arg14[%dma_start3A_1216] : memref<8x!tpu.dma_semaphore, #tpu.memory_space<semaphore_mem>> -> memref<1x!tpu.dma_semaphore, #tpu.memory_space<semaphore_mem>>
        %dma_start3A_1224 = tpu.memref_squeeze %dma_start3A_1223 : memref<1x!tpu.dma_semaphore, #tpu.memory_space<semaphore_mem>> -> memref<!tpu.dma_semaphore, #tpu.memory_space<semaphore_mem>>
        %dma_start3A_1225 = arith.constant 0 : i32
        %dma_start3A_1226 = arith.constant 0 : i32
        %dma_start3A_1227 = tpu.memref_slice %arg12[%dma_start3A_1215, %dma_start3A_1225, %dma_start3A_1226] : memref<8x64x128xf32, #tpu.memory_space<vmem>> -> memref<1x64x128xf32, #tpu.memory_space<vmem>>
        %dma_start3A_1228 = tpu.memref_squeeze %dma_start3A_1227 : memref<1x64x128xf32, #tpu.memory_space<vmem>> -> memref<64x128xf32, #tpu.memory_space<vmem>>
        %dma_start3A_1229 = arith.constant 0 : i32
        %dma_start3A_1230 = tpu.memref_slice %arg2[%dma_start3A_1229, %multiple_of3A_1214] : memref<64x1000000xf32, #tpu.memory_space<hbm>> -> memref<64x128xf32, #tpu.memory_space<hbm>>
        tpu.enqueue_dma source(%dma_start3A_1230 : memref<64x128xf32, #tpu.memory_space<hbm>>) target(%dma_start3A_1228 : memref<64x128xf32, #tpu.memory_space<vmem>>) target_semaphore(%dma_start3A_1224 : memref<!tpu.dma_semaphore, #tpu.memory_space<semaphore_mem>>)
      } else {
      }
    } else {
    }
    %sub3A_1052 = arith.constant 0 : i32
    %sub3A_1053 = arith.subi %shift_right_arithmetic3A_565, %sub3A_1052 : i32
    %sub3A_1054 = arith.constant 1 : i32
    %sub3A_1055 = arith.constant 1 : i32
    %sub3A_1056 = arith.subi %sub3A_1054, %sub3A_1055 : i32
    %add3A_1057 = arith.addi %sub3A_1053, %sub3A_1056 : i32
    %div3A = arith.constant 1 : i32
    %div3A_1058 = arith.divsi %add3A_1057, %div3A : i32
    %while3A = arith.constant 1 : i32
    %while3A_1059 = arith.constant 0 : i32
    %while3A_1060 = arith.constant 0 : i32
    %while3A_1061 = arith.constant 0 : i32
    %while3A_1062 = arith.subi %div3A_1058, %while3A_1060 : i32
    %while3A_1063 = arith.addi %while3A_1060, %while3A_1062 : i32
    %while3A_1064 = arith.constant 1 : i32
    %while3A_1065 = arith.divsi %while3A_1062, %while3A_1064 : i32
    %while3A_1066 = arith.muli %while3A_1065, %while3A_1064 : i32
    %while3A_1067 = arith.addi %while3A_1060, %while3A_1066 : i32
    %while3A_1068 = arith.constant 1 : i32
    %while3A_1069 = scf.for %while3A_1118 = %while3A_1060 to %while3A_1067 step %while3A_1068 iter_args(%while3A_1119 = %while3A_1061) -> (i32)  : i32 {
      %mul3A_1120 = arith.muli %while3A_1118, %while3A : i32
      %add3A_1121 = arith.addi %while3A_1059, %mul3A_1120 : i32
      %and3A = arith.constant 1 : i32
      %and3A_1122 = arith.andi %add3A_1121, %and3A : i32
      %eq3A = arith.constant 0 : i32
      %eq3A_1123 = arith.cmpi eq, %and3A_1122, %eq3A : i32
      %convert_element_type3A_1124 = arith.extui %eq3A_1123 : i1 to i32
      %cond3A_1125 = arith.constant 0 : i32
      %cond3A_1126 = arith.cmpi ne, %convert_element_type3A_1124, %cond3A_1125 : i32
      scf.if %cond3A_1126 {
        %dma_wait3A = arith.constant 0 : i32
        %dma_wait3A_1149 = arith.constant 0 : i32
        %dma_wait3A_1150 = arith.constant 0 : i32
        %dma_wait3A_1151 = arith.constant 0 : i32
        %dma_wait3A_1152 = tpu.memref_slice %arg12[%dma_wait3A, %dma_wait3A_1150, %dma_wait3A_1151] : memref<8x64x128xf32, #tpu.memory_space<vmem>> -> memref<1x64x128xf32, #tpu.memory_space<vmem>>
        %dma_wait3A_1153 = tpu.memref_squeeze %dma_wait3A_1152 : memref<1x64x128xf32, #tpu.memory_space<vmem>> -> memref<64x128xf32, #tpu.memory_space<vmem>>
        %dma_wait3A_1154 = arith.constant 0 : i32
        %dma_wait3A_1155 = arith.constant 0 : i32
        %dma_wait3A_1156 = tpu.memref_slice %arg2[%dma_wait3A_1154, %dma_wait3A_1155] : memref<64x1000000xf32, #tpu.memory_space<hbm>> -> memref<64x128xf32, #tpu.memory_space<hbm>>
        %dma_wait3A_1157 = tpu.memref_slice %arg14[%dma_wait3A_1149] : memref<8x!tpu.dma_semaphore, #tpu.memory_space<semaphore_mem>> -> memref<1x!tpu.dma_semaphore, #tpu.memory_space<semaphore_mem>>
        %dma_wait3A_1158 = tpu.memref_squeeze %dma_wait3A_1157 : memref<1x!tpu.dma_semaphore, #tpu.memory_space<semaphore_mem>> -> memref<!tpu.dma_semaphore, #tpu.memory_space<semaphore_mem>>
        %dma_wait3A_1159 = arith.constant 0 : i32
        %dma_wait3A_1160 = arith.constant 0 : i32
        %dma_wait3A_1161 = tpu.memref_slice %arg12[%dma_wait3A, %dma_wait3A_1159, %dma_wait3A_1160] : memref<8x64x128xf32, #tpu.memory_space<vmem>> -> memref<1x64x128xf32, #tpu.memory_space<vmem>>
        %dma_wait3A_1162 = tpu.memref_squeeze %dma_wait3A_1161 : memref<1x64x128xf32, #tpu.memory_space<vmem>> -> memref<64x128xf32, #tpu.memory_space<vmem>>
        %dma_wait3A_1163 = arith.constant 0 : i32
        %dma_wait3A_1164 = arith.constant 0 : i32
        %dma_wait3A_1165 = tpu.memref_slice %arg2[%dma_wait3A_1163, %dma_wait3A_1164] : memref<64x1000000xf32, #tpu.memory_space<hbm>> -> memref<64x128xf32, #tpu.memory_space<hbm>>
        tpu.wait_dma2 semaphore(%dma_wait3A_1158 : memref<!tpu.dma_semaphore, #tpu.memory_space<semaphore_mem>>) src(%dma_wait3A_1165 : memref<64x128xf32, #tpu.memory_space<hbm>>) dst(%dma_wait3A_1162 : memref<64x128xf32, #tpu.memory_space<vmem>>)
        %dma_wait3A_1166 = arith.constant 1 : i32
        %dma_wait3A_1167 = arith.constant 1 : i32
        %dma_wait3A_1168 = arith.constant 0 : i32
        %dma_wait3A_1169 = arith.constant 0 : i32
        %dma_wait3A_1170 = tpu.memref_slice %arg12[%dma_wait3A_1166, %dma_wait3A_1168, %dma_wait3A_1169] : memref<8x64x128xf32, #tpu.memory_space<vmem>> -> memref<1x64x128xf32, #tpu.memory_space<vmem>>
        %dma_wait3A_1171 = tpu.memref_squeeze %dma_wait3A_1170 : memref<1x64x128xf32, #tpu.memory_space<vmem>> -> memref<64x128xf32, #tpu.memory_space<vmem>>
        %dma_wait3A_1172 = arith.constant 0 : i32
        %dma_wait3A_1173 = arith.constant 0 : i32
        %dma_wait3A_1174 = tpu.memref_slice %arg2[%dma_wait3A_1172, %dma_wait3A_1173] : memref<64x1000000xf32, #tpu.memory_space<hbm>> -> memref<64x128xf32, #tpu.memory_space<hbm>>
        %dma_wait3A_1175 = tpu.memref_slice %arg14[%dma_wait3A_1167] : memref<8x!tpu.dma_semaphore, #tpu.memory_space<semaphore_mem>> -> memref<1x!tpu.dma_semaphore, #tpu.memory_space<semaphore_mem>>
        %dma_wait3A_1176 = tpu.memref_squeeze %dma_wait3A_1175 : memref<1x!tpu.dma_semaphore, #tpu.memory_space<semaphore_mem>> -> memref<!tpu.dma_semaphore, #tpu.memory_space<semaphore_mem>>
        %dma_wait3A_1177 = arith.constant 0 : i32
        %dma_wait3A_1178 = arith.constant 0 : i32
        %dma_wait3A_1179 = tpu.memref_slice %arg12[%dma_wait3A_1166, %dma_wait3A_1177, %dma_wait3A_1178] : memref<8x64x128xf32, #tpu.memory_space<vmem>> -> memref<1x64x128xf32, #tpu.memory_space<vmem>>
        %dma_wait3A_1180 = tpu.memref_squeeze %dma_wait3A_1179 : memref<1x64x128xf32, #tpu.memory_space<vmem>> -> memref<64x128xf32, #tpu.memory_space<vmem>>
        %dma_wait3A_1181 = arith.constant 0 : i32
        %dma_wait3A_1182 = arith.constant 0 : i32
        %dma_wait3A_1183 = tpu.memref_slice %arg2[%dma_wait3A_1181, %dma_wait3A_1182] : memref<64x1000000xf32, #tpu.memory_space<hbm>> -> memref<64x128xf32, #tpu.memory_space<hbm>>
        tpu.wait_dma2 semaphore(%dma_wait3A_1176 : memref<!tpu.dma_semaphore, #tpu.memory_space<semaphore_mem>>) src(%dma_wait3A_1183 : memref<64x128xf32, #tpu.memory_space<hbm>>) dst(%dma_wait3A_1180 : memref<64x128xf32, #tpu.memory_space<vmem>>)
        %dma_wait3A_1184 = arith.constant 2 : i32
        %dma_wait3A_1185 = arith.constant 2 : i32
        %dma_wait3A_1186 = arith.constant 0 : i32
        %dma_wait3A_1187 = arith.constant 0 : i32
        %dma_wait3A_1188 = tpu.memref_slice %arg12[%dma_wait3A_1184, %dma_wait3A_1186, %dma_wait3A_1187] : memref<8x64x128xf32, #tpu.memory_space<vmem>> -> memref<1x64x128xf32, #tpu.memory_space<vmem>>
        %dma_wait3A_1189 = tpu.memref_squeeze %dma_wait3A_1188 : memref<1x64x128xf32, #tpu.memory_space<vmem>> -> memref<64x128xf32, #tpu.memory_space<vmem>>
        %dma_wait3A_1190 = arith.constant 0 : i32
        %dma_wait3A_1191 = arith.constant 0 : i32
        %dma_wait3A_1192 = tpu.memref_slice %arg2[%dma_wait3A_1190, %dma_wait3A_1191] : memref<64x1000000xf32, #tpu.memory_space<hbm>> -> memref<64x128xf32, #tpu.memory_space<hbm>>
        %dma_wait3A_1193 = tpu.memref_slice %arg14[%dma_wait3A_1185] : memref<8x!tpu.dma_semaphore, #tpu.memory_space<semaphore_mem>> -> memref<1x!tpu.dma_semaphore, #tpu.memory_space<semaphore_mem>>
        %dma_wait3A_1194 = tpu.memref_squeeze %dma_wait3A_1193 : memref<1x!tpu.dma_semaphore, #tpu.memory_space<semaphore_mem>> -> memref<!tpu.dma_semaphore, #tpu.memory_space<semaphore_mem>>
        %dma_wait3A_1195 = arith.constant 0 : i32
        %dma_wait3A_1196 = arith.constant 0 : i32
        %dma_wait3A_1197 = tpu.memref_slice %arg12[%dma_wait3A_1184, %dma_wait3A_1195, %dma_wait3A_1196] : memref<8x64x128xf32, #tpu.memory_space<vmem>> -> memref<1x64x128xf32, #tpu.memory_space<vmem>>
        %dma_wait3A_1198 = tpu.memref_squeeze %dma_wait3A_1197 : memref<1x64x128xf32, #tpu.memory_space<vmem>> -> memref<64x128xf32, #tpu.memory_space<vmem>>
        %dma_wait3A_1199 = arith.constant 0 : i32
        %dma_wait3A_1200 = arith.constant 0 : i32
        %dma_wait3A_1201 = tpu.memref_slice %arg2[%dma_wait3A_1199, %dma_wait3A_1200] : memref<64x1000000xf32, #tpu.memory_space<hbm>> -> memref<64x128xf32, #tpu.memory_space<hbm>>
        tpu.wait_dma2 semaphore(%dma_wait3A_1194 : memref<!tpu.dma_semaphore, #tpu.memory_space<semaphore_mem>>) src(%dma_wait3A_1201 : memref<64x128xf32, #tpu.memory_space<hbm>>) dst(%dma_wait3A_1198 : memref<64x128xf32, #tpu.memory_space<vmem>>)
        %dma_wait3A_1202 = arith.constant 3 : i32
        %dma_wait3A_1203 = arith.constant 3 : i32
        %dma_wait3A_1204 = arith.constant 0 : i32
        %dma_wait3A_1205 = arith.constant 0 : i32
        %dma_wait3A_1206 = tpu.memref_slice %arg12[%dma_wait3A_1202, %dma_wait3A_1204, %dma_wait3A_1205] : memref<8x64x128xf32, #tpu.memory_space<vmem>> -> memref<1x64x128xf32, #tpu.memory_space<vmem>>
        %dma_wait3A_1207 = tpu.memref_squeeze %dma_wait3A_1206 : memref<1x64x128xf32, #tpu.memory_space<vmem>> -> memref<64x128xf32, #tpu.memory_space<vmem>>
        %dma_wait3A_1208 = arith.constant 0 : i32
        %dma_wait3A_1209 = arith.constant 0 : i32
        %dma_wait3A_1210 = tpu.memref_slice %arg2[%dma_wait3A_1208, %dma_wait3A_1209] : memref<64x1000000xf32, #tpu.memory_space<hbm>> -> memref<64x128xf32, #tpu.memory_space<hbm>>
        %dma_wait3A_1211 = tpu.memref_slice %arg14[%dma_wait3A_1203] : memref<8x!tpu.dma_semaphore, #tpu.memory_space<semaphore_mem>> -> memref<1x!tpu.dma_semaphore, #tpu.memory_space<semaphore_mem>>
        %dma_wait3A_1212 = tpu.memref_squeeze %dma_wait3A_1211 : memref<1x!tpu.dma_semaphore, #tpu.memory_space<semaphore_mem>> -> memref<!tpu.dma_semaphore, #tpu.memory_space<semaphore_mem>>
        %dma_wait3A_1213 = arith.constant 0 : i32
        %dma_wait3A_1214 = arith.constant 0 : i32
        %dma_wait3A_1215 = tpu.memref_slice %arg12[%dma_wait3A_1202, %dma_wait3A_1213, %dma_wait3A_1214] : memref<8x64x128xf32, #tpu.memory_space<vmem>> -> memref<1x64x128xf32, #tpu.memory_space<vmem>>
        %dma_wait3A_1216 = tpu.memref_squeeze %dma_wait3A_1215 : memref<1x64x128xf32, #tpu.memory_space<vmem>> -> memref<64x128xf32, #tpu.memory_space<vmem>>
        %dma_wait3A_1217 = arith.constant 0 : i32
        %dma_wait3A_1218 = arith.constant 0 : i32
        %dma_wait3A_1219 = tpu.memref_slice %arg2[%dma_wait3A_1217, %dma_wait3A_1218] : memref<64x1000000xf32, #tpu.memory_space<hbm>> -> memref<64x128xf32, #tpu.memory_space<hbm>>
        tpu.wait_dma2 semaphore(%dma_wait3A_1212 : memref<!tpu.dma_semaphore, #tpu.memory_space<semaphore_mem>>) src(%dma_wait3A_1219 : memref<64x128xf32, #tpu.memory_space<hbm>>) dst(%dma_wait3A_1216 : memref<64x128xf32, #tpu.memory_space<vmem>>)
      } else {
      }
      %and3A_1127 = arith.constant 1 : i32
      %and3A_1128 = arith.andi %add3A_1121, %and3A_1127 : i32
      %eq3A_1129 = arith.constant 1 : i32
      %eq3A_1130 = arith.cmpi eq, %and3A_1128, %eq3A_1129 : i32
      %convert_element_type3A_1131 = arith.extui %eq3A_1130 : i1 to i32
      %cond3A_1132 = arith.constant 0 : i32
      %cond3A_1133 = arith.cmpi ne, %convert_element_type3A_1131, %cond3A_1132 : i32
      scf.if %cond3A_1133 {
        %dma_wait3A = arith.constant 4 : i32
        %dma_wait3A_1149 = arith.constant 4 : i32
        %dma_wait3A_1150 = arith.constant 0 : i32
        %dma_wait3A_1151 = arith.constant 0 : i32
        %dma_wait3A_1152 = tpu.memref_slice %arg12[%dma_wait3A, %dma_wait3A_1150, %dma_wait3A_1151] : memref<8x64x128xf32, #tpu.memory_space<vmem>> -> memref<1x64x128xf32, #tpu.memory_space<vmem>>
        %dma_wait3A_1153 = tpu.memref_squeeze %dma_wait3A_1152 : memref<1x64x128xf32, #tpu.memory_space<vmem>> -> memref<64x128xf32, #tpu.memory_space<vmem>>
        %dma_wait3A_1154 = arith.constant 0 : i32
        %dma_wait3A_1155 = arith.constant 0 : i32
        %dma_wait3A_1156 = tpu.memref_slice %arg2[%dma_wait3A_1154, %dma_wait3A_1155] : memref<64x1000000xf32, #tpu.memory_space<hbm>> -> memref<64x128xf32, #tpu.memory_space<hbm>>
        %dma_wait3A_1157 = tpu.memref_slice %arg14[%dma_wait3A_1149] : memref<8x!tpu.dma_semaphore, #tpu.memory_space<semaphore_mem>> -> memref<1x!tpu.dma_semaphore, #tpu.memory_space<semaphore_mem>>
        %dma_wait3A_1158 = tpu.memref_squeeze %dma_wait3A_1157 : memref<1x!tpu.dma_semaphore, #tpu.memory_space<semaphore_mem>> -> memref<!tpu.dma_semaphore, #tpu.memory_space<semaphore_mem>>
        %dma_wait3A_1159 = arith.constant 0 : i32
        %dma_wait3A_1160 = arith.constant 0 : i32
        %dma_wait3A_1161 = tpu.memref_slice %arg12[%dma_wait3A, %dma_wait3A_1159, %dma_wait3A_1160] : memref<8x64x128xf32, #tpu.memory_space<vmem>> -> memref<1x64x128xf32, #tpu.memory_space<vmem>>
        %dma_wait3A_1162 = tpu.memref_squeeze %dma_wait3A_1161 : memref<1x64x128xf32, #tpu.memory_space<vmem>> -> memref<64x128xf32, #tpu.memory_space<vmem>>
        %dma_wait3A_1163 = arith.constant 0 : i32
        %dma_wait3A_1164 = arith.constant 0 : i32
        %dma_wait3A_1165 = tpu.memref_slice %arg2[%dma_wait3A_1163, %dma_wait3A_1164] : memref<64x1000000xf32, #tpu.memory_space<hbm>> -> memref<64x128xf32, #tpu.memory_space<hbm>>
        tpu.wait_dma2 semaphore(%dma_wait3A_1158 : memref<!tpu.dma_semaphore, #tpu.memory_space<semaphore_mem>>) src(%dma_wait3A_1165 : memref<64x128xf32, #tpu.memory_space<hbm>>) dst(%dma_wait3A_1162 : memref<64x128xf32, #tpu.memory_space<vmem>>)
        %dma_wait3A_1166 = arith.constant 5 : i32
        %dma_wait3A_1167 = arith.constant 5 : i32
        %dma_wait3A_1168 = arith.constant 0 : i32
        %dma_wait3A_1169 = arith.constant 0 : i32
        %dma_wait3A_1170 = tpu.memref_slice %arg12[%dma_wait3A_1166, %dma_wait3A_1168, %dma_wait3A_1169] : memref<8x64x128xf32, #tpu.memory_space<vmem>> -> memref<1x64x128xf32, #tpu.memory_space<vmem>>
        %dma_wait3A_1171 = tpu.memref_squeeze %dma_wait3A_1170 : memref<1x64x128xf32, #tpu.memory_space<vmem>> -> memref<64x128xf32, #tpu.memory_space<vmem>>
        %dma_wait3A_1172 = arith.constant 0 : i32
        %dma_wait3A_1173 = arith.constant 0 : i32
        %dma_wait3A_1174 = tpu.memref_slice %arg2[%dma_wait3A_1172, %dma_wait3A_1173] : memref<64x1000000xf32, #tpu.memory_space<hbm>> -> memref<64x128xf32, #tpu.memory_space<hbm>>
        %dma_wait3A_1175 = tpu.memref_slice %arg14[%dma_wait3A_1167] : memref<8x!tpu.dma_semaphore, #tpu.memory_space<semaphore_mem>> -> memref<1x!tpu.dma_semaphore, #tpu.memory_space<semaphore_mem>>
        %dma_wait3A_1176 = tpu.memref_squeeze %dma_wait3A_1175 : memref<1x!tpu.dma_semaphore, #tpu.memory_space<semaphore_mem>> -> memref<!tpu.dma_semaphore, #tpu.memory_space<semaphore_mem>>
        %dma_wait3A_1177 = arith.constant 0 : i32
        %dma_wait3A_1178 = arith.constant 0 : i32
        %dma_wait3A_1179 = tpu.memref_slice %arg12[%dma_wait3A_1166, %dma_wait3A_1177, %dma_wait3A_1178] : memref<8x64x128xf32, #tpu.memory_space<vmem>> -> memref<1x64x128xf32, #tpu.memory_space<vmem>>
        %dma_wait3A_1180 = tpu.memref_squeeze %dma_wait3A_1179 : memref<1x64x128xf32, #tpu.memory_space<vmem>> -> memref<64x128xf32, #tpu.memory_space<vmem>>
        %dma_wait3A_1181 = arith.constant 0 : i32
        %dma_wait3A_1182 = arith.constant 0 : i32
        %dma_wait3A_1183 = tpu.memref_slice %arg2[%dma_wait3A_1181, %dma_wait3A_1182] : memref<64x1000000xf32, #tpu.memory_space<hbm>> -> memref<64x128xf32, #tpu.memory_space<hbm>>
        tpu.wait_dma2 semaphore(%dma_wait3A_1176 : memref<!tpu.dma_semaphore, #tpu.memory_space<semaphore_mem>>) src(%dma_wait3A_1183 : memref<64x128xf32, #tpu.memory_space<hbm>>) dst(%dma_wait3A_1180 : memref<64x128xf32, #tpu.memory_space<vmem>>)
        %dma_wait3A_1184 = arith.constant 6 : i32
        %dma_wait3A_1185 = arith.constant 6 : i32
        %dma_wait3A_1186 = arith.constant 0 : i32
        %dma_wait3A_1187 = arith.constant 0 : i32
        %dma_wait3A_1188 = tpu.memref_slice %arg12[%dma_wait3A_1184, %dma_wait3A_1186, %dma_wait3A_1187] : memref<8x64x128xf32, #tpu.memory_space<vmem>> -> memref<1x64x128xf32, #tpu.memory_space<vmem>>
        %dma_wait3A_1189 = tpu.memref_squeeze %dma_wait3A_1188 : memref<1x64x128xf32, #tpu.memory_space<vmem>> -> memref<64x128xf32, #tpu.memory_space<vmem>>
        %dma_wait3A_1190 = arith.constant 0 : i32
        %dma_wait3A_1191 = arith.constant 0 : i32
        %dma_wait3A_1192 = tpu.memref_slice %arg2[%dma_wait3A_1190, %dma_wait3A_1191] : memref<64x1000000xf32, #tpu.memory_space<hbm>> -> memref<64x128xf32, #tpu.memory_space<hbm>>
        %dma_wait3A_1193 = tpu.memref_slice %arg14[%dma_wait3A_1185] : memref<8x!tpu.dma_semaphore, #tpu.memory_space<semaphore_mem>> -> memref<1x!tpu.dma_semaphore, #tpu.memory_space<semaphore_mem>>
        %dma_wait3A_1194 = tpu.memref_squeeze %dma_wait3A_1193 : memref<1x!tpu.dma_semaphore, #tpu.memory_space<semaphore_mem>> -> memref<!tpu.dma_semaphore, #tpu.memory_space<semaphore_mem>>
        %dma_wait3A_1195 = arith.constant 0 : i32
        %dma_wait3A_1196 = arith.constant 0 : i32
        %dma_wait3A_1197 = tpu.memref_slice %arg12[%dma_wait3A_1184, %dma_wait3A_1195, %dma_wait3A_1196] : memref<8x64x128xf32, #tpu.memory_space<vmem>> -> memref<1x64x128xf32, #tpu.memory_space<vmem>>
        %dma_wait3A_1198 = tpu.memref_squeeze %dma_wait3A_1197 : memref<1x64x128xf32, #tpu.memory_space<vmem>> -> memref<64x128xf32, #tpu.memory_space<vmem>>
        %dma_wait3A_1199 = arith.constant 0 : i32
        %dma_wait3A_1200 = arith.constant 0 : i32
        %dma_wait3A_1201 = tpu.memref_slice %arg2[%dma_wait3A_1199, %dma_wait3A_1200] : memref<64x1000000xf32, #tpu.memory_space<hbm>> -> memref<64x128xf32, #tpu.memory_space<hbm>>
        tpu.wait_dma2 semaphore(%dma_wait3A_1194 : memref<!tpu.dma_semaphore, #tpu.memory_space<semaphore_mem>>) src(%dma_wait3A_1201 : memref<64x128xf32, #tpu.memory_space<hbm>>) dst(%dma_wait3A_1198 : memref<64x128xf32, #tpu.memory_space<vmem>>)
        %dma_wait3A_1202 = arith.constant 7 : i32
        %dma_wait3A_1203 = arith.constant 7 : i32
        %dma_wait3A_1204 = arith.constant 0 : i32
        %dma_wait3A_1205 = arith.constant 0 : i32
        %dma_wait3A_1206 = tpu.memref_slice %arg12[%dma_wait3A_1202, %dma_wait3A_1204, %dma_wait3A_1205] : memref<8x64x128xf32, #tpu.memory_space<vmem>> -> memref<1x64x128xf32, #tpu.memory_space<vmem>>
        %dma_wait3A_1207 = tpu.memref_squeeze %dma_wait3A_1206 : memref<1x64x128xf32, #tpu.memory_space<vmem>> -> memref<64x128xf32, #tpu.memory_space<vmem>>
        %dma_wait3A_1208 = arith.constant 0 : i32
        %dma_wait3A_1209 = arith.constant 0 : i32
        %dma_wait3A_1210 = tpu.memref_slice %arg2[%dma_wait3A_1208, %dma_wait3A_1209] : memref<64x1000000xf32, #tpu.memory_space<hbm>> -> memref<64x128xf32, #tpu.memory_space<hbm>>
        %dma_wait3A_1211 = tpu.memref_slice %arg14[%dma_wait3A_1203] : memref<8x!tpu.dma_semaphore, #tpu.memory_space<semaphore_mem>> -> memref<1x!tpu.dma_semaphore, #tpu.memory_space<semaphore_mem>>
        %dma_wait3A_1212 = tpu.memref_squeeze %dma_wait3A_1211 : memref<1x!tpu.dma_semaphore, #tpu.memory_space<semaphore_mem>> -> memref<!tpu.dma_semaphore, #tpu.memory_space<semaphore_mem>>
        %dma_wait3A_1213 = arith.constant 0 : i32
        %dma_wait3A_1214 = arith.constant 0 : i32
        %dma_wait3A_1215 = tpu.memref_slice %arg12[%dma_wait3A_1202, %dma_wait3A_1213, %dma_wait3A_1214] : memref<8x64x128xf32, #tpu.memory_space<vmem>> -> memref<1x64x128xf32, #tpu.memory_space<vmem>>
        %dma_wait3A_1216 = tpu.memref_squeeze %dma_wait3A_1215 : memref<1x64x128xf32, #tpu.memory_space<vmem>> -> memref<64x128xf32, #tpu.memory_space<vmem>>
        %dma_wait3A_1217 = arith.constant 0 : i32
        %dma_wait3A_1218 = arith.constant 0 : i32
        %dma_wait3A_1219 = tpu.memref_slice %arg2[%dma_wait3A_1217, %dma_wait3A_1218] : memref<64x1000000xf32, #tpu.memory_space<hbm>> -> memref<64x128xf32, #tpu.memory_space<hbm>>
        tpu.wait_dma2 semaphore(%dma_wait3A_1212 : memref<!tpu.dma_semaphore, #tpu.memory_space<semaphore_mem>>) src(%dma_wait3A_1219 : memref<64x128xf32, #tpu.memory_space<hbm>>) dst(%dma_wait3A_1216 : memref<64x128xf32, #tpu.memory_space<vmem>>)
      } else {
      }
      %and3A_1134 = arith.constant 1 : i32
      %and3A_1135 = arith.andi %add3A_1121, %and3A_1134 : i32
      %mul3A_1136 = arith.constant 4 : i32
      %mul3A_1137 = arith.muli %and3A_1135, %mul3A_1136 : i32
      %scan3A_1138 = arith.constant 0 : i32
      %scan3A_1139 = arith.constant 22 : i32
      %scan3A_1140 = arith.addi %scan3A_1138, %scan3A_1139 : i32
      %scan3A_1141 = arith.constant 1 : i32
      scf.for %scan3A_1149 = %scan3A_1138 to %scan3A_1140 step %scan3A_1141  : i32 {
        %mul3A_1150 = arith.constant 1 : i32
        %mul3A_1151 = arith.muli %scan3A_1149, %mul3A_1150 : i32
        %add3A_1152 = arith.constant 0 : i32
        %add3A_1153 = arith.addi %add3A_1152, %mul3A_1151 : i32
        %mul3A_1154 = arith.constant 16 : i32
        %mul3A_1155 = arith.muli %add3A_1153, %mul3A_1154 : i32
        %get3A_1156 = arith.index_cast %mul3A_1155 : i32 to index
        %get3A_1157 = tpu.vector_load %arg10[%get3A_1156] {strides = array<i32>} : memref<352xi32, #tpu.memory_space<vmem>>, vector<16xi32>,
        %shift_right_arithmetic3A_1158 = arith.constant 2 : i32
        %shift_right_arithmetic3A_1159 = vector.broadcast %shift_right_arithmetic3A_1158 : i32 to vector<16xi32>
        %shift_right_arithmetic3A_1160 = arith.shrsi %get3A_1157, %shift_right_arithmetic3A_1159 : vector<16xi32>
        %eq3A_1161 = vector.broadcast %add3A_1121 : i32 to vector<16xi32>
        %eq3A_1162 = arith.cmpi eq, %shift_right_arithmetic3A_1160, %eq3A_1161 : vector<16xi32>
        %mul3A_1163 = arith.constant 16 : i32
        %mul3A_1164 = arith.muli %add3A_1153, %mul3A_1163 : i32
        %get3A_1165 = arith.index_cast %mul3A_1164 : i32 to index
        %get3A_1166 = tpu.vector_load %arg6[%get3A_1165] {strides = array<i32>} : memref<352xi32, #tpu.memory_space<vmem>>, vector<16xi32>,
        %while3A_1167 = scf.while (%while3A_1168 = %eq3A_1162) : (vector<16xi1>) -> vector<16xi1> {
          %reduce_or3A = arith.constant 1.000000e+00 : f32
          %reduce_or3A_1169 = arith.constant 0.000000e+00 : f32
          %reduce_or3A_1170 = vector.broadcast %reduce_or3A : f32 to vector<16xf32>
          %reduce_or3A_1171 = vector.broadcast %reduce_or3A_1169 : f32 to vector<16xf32>
          %reduce_or3A_1172 = arith.select %while3A_1168, %reduce_or3A_1170, %reduce_or3A_1171 : vector<16xi1>, vector<16xf32>
          %reduce_or3A_1173 = arith.constant true
          %reduce_or3A_1174 = vector.broadcast %reduce_or3A_1173 : i1 to vector<16xi1>
          %reduce_or3A_1175 = tpu.scan <max>, %reduce_or3A_1172 masked %reduce_or3A_1174 : vector<16xf32>, vector<16xi1> -> vector<16xf32>
          %reduce_or3A_1176 = vector.extract %reduce_or3A_1175[15] : f32 from vector<16xf32>
          %reduce_or3A_1177 = arith.constant 0.000000e+00 : f32
          %reduce_or3A_1178 = arith.cmpf ogt, %reduce_or3A_1176, %reduce_or3A_1177 : f32
          scf.condition(%reduce_or3A_1178) %while3A_1168 : vector<16xi1>
        } do {
        ^bb0(%while3A_1168: vector<16xi1>):
          %all_reduce_ffs3A = tpu.all_reduce %while3A_1168 {dim = 0 : i64, kind = #tpu.reduction_kind<find_first_set>} : vector<16xi1> -> vector<16xi32>
          %slice3A_1169 = vector.extract_strided_slice %all_reduce_ffs3A {offsets = [0], sizes = [1], strides = [1]} : vector<16xi32> to vector<1xi32>
          %squeeze3A_1170 = vector.extract %slice3A_1169[0] : i32 from vector<1xi32>
          %broadcast_in_dim3A_1171 = vector.broadcast %squeeze3A_1170 : i32 to vector<16xi32>
          %lt3A_1172 = arith.constant 0 : i32
          %lt3A_1173 = vector.broadcast %lt3A_1172 : i32 to vector<16xi32>
          %lt3A_1174 = arith.cmpi slt, %broadcast_in_dim3A_1171, %lt3A_1173 : vector<16xi32>
          %add3A_1175 = arith.constant 16 : i32
          %add3A_1176 = vector.broadcast %add3A_1175 : i32 to vector<16xi32>
          %add3A_1177 = arith.addi %broadcast_in_dim3A_1171, %add3A_1176 : vector<16xi32>
          %select_n3A_1178 = arith.select %lt3A_1174, %add3A_1177, %broadcast_in_dim3A_1171 : vector<16xi1>, vector<16xi32>
          %broadcast_in_dim3A_1179 = vector.shape_cast %select_n3A_1178 : vector<16xi32> to vector<16x1xi32>
          %gather3A_1180 = vector.shape_cast %broadcast_in_dim3A_1179 : vector<16x1xi32> to vector<16xi32>
          %gather3A_1181 = tpu.dynamic_gather %get3A_1166[%gather3A_1180] in [0] : vector<16xi32>, vector<16xi32> -> vector<16xi32>
          %slice3A_1182 = vector.extract_strided_slice %gather3A_1181 {offsets = [0], sizes = [1], strides = [1]} : vector<16xi32> to vector<1xi32>
          %squeeze3A_1183 = vector.extract %slice3A_1182[0] : i32 from vector<1xi32>
          %lt3A_1184 = arith.constant 0 : i32
          %lt3A_1185 = vector.broadcast %lt3A_1184 : i32 to vector<16xi32>
          %lt3A_1186 = arith.cmpi slt, %broadcast_in_dim3A_1171, %lt3A_1185 : vector<16xi32>
          %add3A_1187 = arith.constant 16 : i32
          %add3A_1188 = vector.broadcast %add3A_1187 : i32 to vector<16xi32>
          %add3A_1189 = arith.addi %broadcast_in_dim3A_1171, %add3A_1188 : vector<16xi32>
          %select_n3A_1190 = arith.select %lt3A_1186, %add3A_1189, %broadcast_in_dim3A_1171 : vector<16xi1>, vector<16xi32>
          %broadcast_in_dim3A_1191 = vector.shape_cast %select_n3A_1190 : vector<16xi32> to vector<16x1xi32>
          %gather3A_1192 = vector.shape_cast %broadcast_in_dim3A_1191 : vector<16x1xi32> to vector<16xi32>
          %gather3A_1193 = tpu.dynamic_gather %get3A_1157[%gather3A_1192] in [0] : vector<16xi32>, vector<16xi32> -> vector<16xi32>
          %slice3A_1194 = vector.extract_strided_slice %gather3A_1193 {offsets = [0], sizes = [1], strides = [1]} : vector<16xi32> to vector<1xi32>
          %squeeze3A_1195 = vector.extract %slice3A_1194[0] : i32 from vector<1xi32>
          %and3A_1196 = arith.constant 3 : i32
          %and3A_1197 = arith.andi %squeeze3A_1195, %and3A_1196 : i32
          %add3A_1198 = arith.addi %mul3A_1137, %and3A_1197 : i32
          %mul3A_1199 = arith.constant 16 : i32
          %mul3A_1200 = arith.muli %add3A_1153, %mul3A_1199 : i32
          %add3A_1201 = arith.addi %mul3A_1200, %squeeze3A_1170 : i32
          %and3A_1202 = arith.constant 127 : i32
          %and3A_1203 = arith.andi %squeeze3A_1183, %and3A_1202 : i32
          %broadcast_in_dim3A_1204 = vector.broadcast %and3A_1203 : i32 to vector<16xi32>
          %broadcast_in_dim3A_1205 = vector.broadcast %add3A_1198 : i32 to vector<16xi32>
          %add3A_1206 = arith.constant 0 : i32
          %add3A_1207 = vector.broadcast %add3A_1206 : i32 to vector<16xi32>
          %add3A_1208 = arith.addi %iota3A, %add3A_1207 : vector<16xi32>
          %gather3A_1209 = tpu.vector_load_idx %arg12[%broadcast_in_dim3A_1205, %add3A_1208, %broadcast_in_dim3A_1204] : memref<8x64x128xf32, #tpu.memory_space<vmem>>[vector<16xi32>, vector<16xi32>, vector<16xi32>], vector<16xf32>,
          %swap3A_1210 = arith.index_cast %add3A_1201 : i32 to index
          %swap3A_1211 = arith.constant 0 : index
          %swap3A_1212 = tpu.vector_load %arg13[%swap3A_1210, %swap3A_1211] {strides = array<i32>} : memref<352x64xf32, #tpu.memory_space<vmem>>, vector<16xf32>,
          tpu.vector_store %arg13[%swap3A_1210, %swap3A_1211], %gather3A_1209 {strides = array<i32>} : memref<352x64xf32, #tpu.memory_space<vmem>>, vector<16xf32>,
          %add3A_1213 = arith.constant 16 : i32
          %add3A_1214 = vector.broadcast %add3A_1213 : i32 to vector<16xi32>
          %add3A_1215 = arith.addi %iota3A, %add3A_1214 : vector<16xi32>
          %gather3A_1216 = tpu.vector_load_idx %arg12[%broadcast_in_dim3A_1205, %add3A_1215, %broadcast_in_dim3A_1204] : memref<8x64x128xf32, #tpu.memory_space<vmem>>[vector<16xi32>, vector<16xi32>, vector<16xi32>], vector<16xf32>,
          %swap3A_1217 = arith.index_cast %add3A_1201 : i32 to index
          %swap3A_1218 = arith.constant 16 : index
          %swap3A_1219 = tpu.vector_load %arg13[%swap3A_1217, %swap3A_1218] {strides = array<i32>} : memref<352x64xf32, #tpu.memory_space<vmem>>, vector<16xf32>,
          tpu.vector_store %arg13[%swap3A_1217, %swap3A_1218], %gather3A_1216 {strides = array<i32>} : memref<352x64xf32, #tpu.memory_space<vmem>>, vector<16xf32>,
          %add3A_1220 = arith.constant 32 : i32
          %add3A_1221 = vector.broadcast %add3A_1220 : i32 to vector<16xi32>
          %add3A_1222 = arith.addi %iota3A, %add3A_1221 : vector<16xi32>
          %gather3A_1223 = tpu.vector_load_idx %arg12[%broadcast_in_dim3A_1205, %add3A_1222, %broadcast_in_dim3A_1204] : memref<8x64x128xf32, #tpu.memory_space<vmem>>[vector<16xi32>, vector<16xi32>, vector<16xi32>], vector<16xf32>,
          %swap3A_1224 = arith.index_cast %add3A_1201 : i32 to index
          %swap3A_1225 = arith.constant 32 : index
          %swap3A_1226 = tpu.vector_load %arg13[%swap3A_1224, %swap3A_1225] {strides = array<i32>} : memref<352x64xf32, #tpu.memory_space<vmem>>, vector<16xf32>,
          tpu.vector_store %arg13[%swap3A_1224, %swap3A_1225], %gather3A_1223 {strides = array<i32>} : memref<352x64xf32, #tpu.memory_space<vmem>>, vector<16xf32>,
          %add3A_1227 = arith.constant 48 : i32
          %add3A_1228 = vector.broadcast %add3A_1227 : i32 to vector<16xi32>
          %add3A_1229 = arith.addi %iota3A, %add3A_1228 : vector<16xi32>
          %gather3A_1230 = tpu.vector_load_idx %arg12[%broadcast_in_dim3A_1205, %add3A_1229, %broadcast_in_dim3A_1204] : memref<8x64x128xf32, #tpu.memory_space<vmem>>[vector<16xi32>, vector<16xi32>, vector<16xi32>], vector<16xf32>,
          %swap3A_1231 = arith.index_cast %add3A_1201 : i32 to index
          %swap3A_1232 = arith.constant 48 : index
          %swap3A_1233 = tpu.vector_load %arg13[%swap3A_1231, %swap3A_1232] {strides = array<i32>} : memref<352x64xf32, #tpu.memory_space<vmem>>, vector<16xf32>,
          tpu.vector_store %arg13[%swap3A_1231, %swap3A_1232], %gather3A_1230 {strides = array<i32>} : memref<352x64xf32, #tpu.memory_space<vmem>>, vector<16xf32>,
          %ne3A = vector.broadcast %squeeze3A_1170 : i32 to vector<16xi32>
          %ne3A_1234 = arith.cmpi ne, %iota3A, %ne3A : vector<16xi32>
          %and3A_1235 = arith.andi %while3A_1168, %ne3A_1234 : vector<16xi1>
          scf.yield %and3A_1235 : vector<16xi1>
        }
      }
      %scan3A_1142 = arith.constant 22 : i32
      %add3A_1143 = arith.constant 2 : i32
      %add3A_1144 = arith.addi %add3A_1121, %add3A_1143 : i32
      %lt3A = arith.cmpi slt, %add3A_1144, %shift_right_arithmetic3A_565 : i32
      %convert_element_type3A_1145 = arith.extui %lt3A : i1 to i32
      %cond3A_1146 = arith.constant 0 : i32
      %cond3A_1147 = arith.cmpi ne, %convert_element_type3A_1145, %cond3A_1146 : i32
      scf.if %cond3A_1147 {
        %add3A_1149 = arith.constant 2 : i32
        %add3A_1150 = arith.addi %add3A_1121, %add3A_1149 : i32
        %mul3A_1151 = arith.constant 4 : i32
        %mul3A_1152 = arith.muli %add3A_1150, %mul3A_1151 : i32
        %get3A_1153 = arith.index_cast %mul3A_1152 : i32 to index
        %get3A_1154 = tpu.vector_load %arg11[%get3A_1153] {strides = array<i32>} : memref<272xi32, #tpu.memory_space<vmem>>, vector<16xi32>,
        %and3A_1155 = arith.constant 1 : i32
        %and3A_1156 = arith.andi %add3A_1150, %and3A_1155 : i32
        %eq3A_1157 = arith.constant 0 : i32
        %eq3A_1158 = arith.cmpi eq, %and3A_1156, %eq3A_1157 : i32
        %convert_element_type3A_1159 = arith.extui %eq3A_1158 : i1 to i32
        %cond3A_1160 = arith.constant 0 : i32
        %cond3A_1161 = arith.cmpi ne, %convert_element_type3A_1159, %cond3A_1160 : i32
        scf.if %cond3A_1161 {
          %slice3A_1169 = vector.extract_strided_slice %get3A_1154 {offsets = [0], sizes = [1], strides = [1]} : vector<16xi32> to vector<1xi32>
          %squeeze3A_1170 = vector.extract %slice3A_1169[0] : i32 from vector<1xi32>
          %max3A_1171 = arith.constant 0 : i32
          %max3A_1172 = arith.maxsi %squeeze3A_1170, %max3A_1171 : i32
          %add3A_1173 = arith.addi %mul3A_2, %max3A_1172 : i32
          %mul3A_1174 = arith.constant 128 : i32
          %mul3A_1175 = arith.muli %add3A_1173, %mul3A_1174 : i32
          %multiple_of3A = tpu.assume_multiple %mul3A_1175, 128 : i32
          %dma_start3A = arith.constant 0 : i32
          %dma_start3A_1176 = arith.constant 0 : i32
          %dma_start3A_1177 = arith.constant 0 : i32
          %dma_start3A_1178 = arith.constant 0 : i32
          %dma_start3A_1179 = tpu.memref_slice %arg12[%dma_start3A, %dma_start3A_1177, %dma_start3A_1178] : memref<8x64x128xf32, #tpu.memory_space<vmem>> -> memref<1x64x128xf32, #tpu.memory_space<vmem>>
          %dma_start3A_1180 = tpu.memref_squeeze %dma_start3A_1179 : memref<1x64x128xf32, #tpu.memory_space<vmem>> -> memref<64x128xf32, #tpu.memory_space<vmem>>
          %dma_start3A_1181 = arith.constant 0 : i32
          %dma_start3A_1182 = tpu.memref_slice %arg2[%dma_start3A_1181, %multiple_of3A] : memref<64x1000000xf32, #tpu.memory_space<hbm>> -> memref<64x128xf32, #tpu.memory_space<hbm>>
          %dma_start3A_1183 = tpu.memref_slice %arg14[%dma_start3A_1176] : memref<8x!tpu.dma_semaphore, #tpu.memory_space<semaphore_mem>> -> memref<1x!tpu.dma_semaphore, #tpu.memory_space<semaphore_mem>>
          %dma_start3A_1184 = tpu.memref_squeeze %dma_start3A_1183 : memref<1x!tpu.dma_semaphore, #tpu.memory_space<semaphore_mem>> -> memref<!tpu.dma_semaphore, #tpu.memory_space<semaphore_mem>>
          %dma_start3A_1185 = arith.constant 0 : i32
          %dma_start3A_1186 = arith.constant 0 : i32
          %dma_start3A_1187 = tpu.memref_slice %arg12[%dma_start3A, %dma_start3A_1185, %dma_start3A_1186] : memref<8x64x128xf32, #tpu.memory_space<vmem>> -> memref<1x64x128xf32, #tpu.memory_space<vmem>>
          %dma_start3A_1188 = tpu.memref_squeeze %dma_start3A_1187 : memref<1x64x128xf32, #tpu.memory_space<vmem>> -> memref<64x128xf32, #tpu.memory_space<vmem>>
          %dma_start3A_1189 = arith.constant 0 : i32
          %dma_start3A_1190 = tpu.memref_slice %arg2[%dma_start3A_1189, %multiple_of3A] : memref<64x1000000xf32, #tpu.memory_space<hbm>> -> memref<64x128xf32, #tpu.memory_space<hbm>>
          tpu.enqueue_dma source(%dma_start3A_1190 : memref<64x128xf32, #tpu.memory_space<hbm>>) target(%dma_start3A_1188 : memref<64x128xf32, #tpu.memory_space<vmem>>) target_semaphore(%dma_start3A_1184 : memref<!tpu.dma_semaphore, #tpu.memory_space<semaphore_mem>>)
          %slice3A_1191 = vector.extract_strided_slice %get3A_1154 {offsets = [1], sizes = [1], strides = [1]} : vector<16xi32> to vector<1xi32>
          %squeeze3A_1192 = vector.extract %slice3A_1191[0] : i32 from vector<1xi32>
          %max3A_1193 = arith.constant 0 : i32
          %max3A_1194 = arith.maxsi %squeeze3A_1192, %max3A_1193 : i32
          %add3A_1195 = arith.addi %mul3A_2, %max3A_1194 : i32
          %mul3A_1196 = arith.constant 128 : i32
          %mul3A_1197 = arith.muli %add3A_1195, %mul3A_1196 : i32
          %multiple_of3A_1198 = tpu.assume_multiple %mul3A_1197, 128 : i32
          %dma_start3A_1199 = arith.constant 1 : i32
          %dma_start3A_1200 = arith.constant 1 : i32
          %dma_start3A_1201 = arith.constant 0 : i32
          %dma_start3A_1202 = arith.constant 0 : i32
          %dma_start3A_1203 = tpu.memref_slice %arg12[%dma_start3A_1199, %dma_start3A_1201, %dma_start3A_1202] : memref<8x64x128xf32, #tpu.memory_space<vmem>> -> memref<1x64x128xf32, #tpu.memory_space<vmem>>
          %dma_start3A_1204 = tpu.memref_squeeze %dma_start3A_1203 : memref<1x64x128xf32, #tpu.memory_space<vmem>> -> memref<64x128xf32, #tpu.memory_space<vmem>>
          %dma_start3A_1205 = arith.constant 0 : i32
          %dma_start3A_1206 = tpu.memref_slice %arg2[%dma_start3A_1205, %multiple_of3A_1198] : memref<64x1000000xf32, #tpu.memory_space<hbm>> -> memref<64x128xf32, #tpu.memory_space<hbm>>
          %dma_start3A_1207 = tpu.memref_slice %arg14[%dma_start3A_1200] : memref<8x!tpu.dma_semaphore, #tpu.memory_space<semaphore_mem>> -> memref<1x!tpu.dma_semaphore, #tpu.memory_space<semaphore_mem>>
          %dma_start3A_1208 = tpu.memref_squeeze %dma_start3A_1207 : memref<1x!tpu.dma_semaphore, #tpu.memory_space<semaphore_mem>> -> memref<!tpu.dma_semaphore, #tpu.memory_space<semaphore_mem>>
          %dma_start3A_1209 = arith.constant 0 : i32
          %dma_start3A_1210 = arith.constant 0 : i32
          %dma_start3A_1211 = tpu.memref_slice %arg12[%dma_start3A_1199, %dma_start3A_1209, %dma_start3A_1210] : memref<8x64x128xf32, #tpu.memory_space<vmem>> -> memref<1x64x128xf32, #tpu.memory_space<vmem>>
          %dma_start3A_1212 = tpu.memref_squeeze %dma_start3A_1211 : memref<1x64x128xf32, #tpu.memory_space<vmem>> -> memref<64x128xf32, #tpu.memory_space<vmem>>
          %dma_start3A_1213 = arith.constant 0 : i32
          %dma_start3A_1214 = tpu.memref_slice %arg2[%dma_start3A_1213, %multiple_of3A_1198] : memref<64x1000000xf32, #tpu.memory_space<hbm>> -> memref<64x128xf32, #tpu.memory_space<hbm>>
          tpu.enqueue_dma source(%dma_start3A_1214 : memref<64x128xf32, #tpu.memory_space<hbm>>) target(%dma_start3A_1212 : memref<64x128xf32, #tpu.memory_space<vmem>>) target_semaphore(%dma_start3A_1208 : memref<!tpu.dma_semaphore, #tpu.memory_space<semaphore_mem>>)
          %slice3A_1215 = vector.extract_strided_slice %get3A_1154 {offsets = [2], sizes = [1], strides = [1]} : vector<16xi32> to vector<1xi32>
          %squeeze3A_1216 = vector.extract %slice3A_1215[0] : i32 from vector<1xi32>
          %max3A_1217 = arith.constant 0 : i32
          %max3A_1218 = arith.maxsi %squeeze3A_1216, %max3A_1217 : i32
          %add3A_1219 = arith.addi %mul3A_2, %max3A_1218 : i32
          %mul3A_1220 = arith.constant 128 : i32
          %mul3A_1221 = arith.muli %add3A_1219, %mul3A_1220 : i32
          %multiple_of3A_1222 = tpu.assume_multiple %mul3A_1221, 128 : i32
          %dma_start3A_1223 = arith.constant 2 : i32
          %dma_start3A_1224 = arith.constant 2 : i32
          %dma_start3A_1225 = arith.constant 0 : i32
          %dma_start3A_1226 = arith.constant 0 : i32
          %dma_start3A_1227 = tpu.memref_slice %arg12[%dma_start3A_1223, %dma_start3A_1225, %dma_start3A_1226] : memref<8x64x128xf32, #tpu.memory_space<vmem>> -> memref<1x64x128xf32, #tpu.memory_space<vmem>>
          %dma_start3A_1228 = tpu.memref_squeeze %dma_start3A_1227 : memref<1x64x128xf32, #tpu.memory_space<vmem>> -> memref<64x128xf32, #tpu.memory_space<vmem>>
          %dma_start3A_1229 = arith.constant 0 : i32
          %dma_start3A_1230 = tpu.memref_slice %arg2[%dma_start3A_1229, %multiple_of3A_1222] : memref<64x1000000xf32, #tpu.memory_space<hbm>> -> memref<64x128xf32, #tpu.memory_space<hbm>>
          %dma_start3A_1231 = tpu.memref_slice %arg14[%dma_start3A_1224] : memref<8x!tpu.dma_semaphore, #tpu.memory_space<semaphore_mem>> -> memref<1x!tpu.dma_semaphore, #tpu.memory_space<semaphore_mem>>
          %dma_start3A_1232 = tpu.memref_squeeze %dma_start3A_1231 : memref<1x!tpu.dma_semaphore, #tpu.memory_space<semaphore_mem>> -> memref<!tpu.dma_semaphore, #tpu.memory_space<semaphore_mem>>
          %dma_start3A_1233 = arith.constant 0 : i32
          %dma_start3A_1234 = arith.constant 0 : i32
          %dma_start3A_1235 = tpu.memref_slice %arg12[%dma_start3A_1223, %dma_start3A_1233, %dma_start3A_1234] : memref<8x64x128xf32, #tpu.memory_space<vmem>> -> memref<1x64x128xf32, #tpu.memory_space<vmem>>
          %dma_start3A_1236 = tpu.memref_squeeze %dma_start3A_1235 : memref<1x64x128xf32, #tpu.memory_space<vmem>> -> memref<64x128xf32, #tpu.memory_space<vmem>>
          %dma_start3A_1237 = arith.constant 0 : i32
          %dma_start3A_1238 = tpu.memref_slice %arg2[%dma_start3A_1237, %multiple_of3A_1222] : memref<64x1000000xf32, #tpu.memory_space<hbm>> -> memref<64x128xf32, #tpu.memory_space<hbm>>
          tpu.enqueue_dma source(%dma_start3A_1238 : memref<64x128xf32, #tpu.memory_space<hbm>>) target(%dma_start3A_1236 : memref<64x128xf32, #tpu.memory_space<vmem>>) target_semaphore(%dma_start3A_1232 : memref<!tpu.dma_semaphore, #tpu.memory_space<semaphore_mem>>)
          %slice3A_1239 = vector.extract_strided_slice %get3A_1154 {offsets = [3], sizes = [1], strides = [1]} : vector<16xi32> to vector<1xi32>
          %squeeze3A_1240 = vector.extract %slice3A_1239[0] : i32 from vector<1xi32>
          %max3A_1241 = arith.constant 0 : i32
          %max3A_1242 = arith.maxsi %squeeze3A_1240, %max3A_1241 : i32
          %add3A_1243 = arith.addi %mul3A_2, %max3A_1242 : i32
          %mul3A_1244 = arith.constant 128 : i32
          %mul3A_1245 = arith.muli %add3A_1243, %mul3A_1244 : i32
          %multiple_of3A_1246 = tpu.assume_multiple %mul3A_1245, 128 : i32
          %dma_start3A_1247 = arith.constant 3 : i32
          %dma_start3A_1248 = arith.constant 3 : i32
          %dma_start3A_1249 = arith.constant 0 : i32
          %dma_start3A_1250 = arith.constant 0 : i32
          %dma_start3A_1251 = tpu.memref_slice %arg12[%dma_start3A_1247, %dma_start3A_1249, %dma_start3A_1250] : memref<8x64x128xf32, #tpu.memory_space<vmem>> -> memref<1x64x128xf32, #tpu.memory_space<vmem>>
          %dma_start3A_1252 = tpu.memref_squeeze %dma_start3A_1251 : memref<1x64x128xf32, #tpu.memory_space<vmem>> -> memref<64x128xf32, #tpu.memory_space<vmem>>
          %dma_start3A_1253 = arith.constant 0 : i32
          %dma_start3A_1254 = tpu.memref_slice %arg2[%dma_start3A_1253, %multiple_of3A_1246] : memref<64x1000000xf32, #tpu.memory_space<hbm>> -> memref<64x128xf32, #tpu.memory_space<hbm>>
          %dma_start3A_1255 = tpu.memref_slice %arg14[%dma_start3A_1248] : memref<8x!tpu.dma_semaphore, #tpu.memory_space<semaphore_mem>> -> memref<1x!tpu.dma_semaphore, #tpu.memory_space<semaphore_mem>>
          %dma_start3A_1256 = tpu.memref_squeeze %dma_start3A_1255 : memref<1x!tpu.dma_semaphore, #tpu.memory_space<semaphore_mem>> -> memref<!tpu.dma_semaphore, #tpu.memory_space<semaphore_mem>>
          %dma_start3A_1257 = arith.constant 0 : i32
          %dma_start3A_1258 = arith.constant 0 : i32
          %dma_start3A_1259 = tpu.memref_slice %arg12[%dma_start3A_1247, %dma_start3A_1257, %dma_start3A_1258] : memref<8x64x128xf32, #tpu.memory_space<vmem>> -> memref<1x64x128xf32, #tpu.memory_space<vmem>>
          %dma_start3A_1260 = tpu.memref_squeeze %dma_start3A_1259 : memref<1x64x128xf32, #tpu.memory_space<vmem>> -> memref<64x128xf32, #tpu.memory_space<vmem>>
          %dma_start3A_1261 = arith.constant 0 : i32
          %dma_start3A_1262 = tpu.memref_slice %arg2[%dma_start3A_1261, %multiple_of3A_1246] : memref<64x1000000xf32, #tpu.memory_space<hbm>> -> memref<64x128xf32, #tpu.memory_space<hbm>>
          tpu.enqueue_dma source(%dma_start3A_1262 : memref<64x128xf32, #tpu.memory_space<hbm>>) target(%dma_start3A_1260 : memref<64x128xf32, #tpu.memory_space<vmem>>) target_semaphore(%dma_start3A_1256 : memref<!tpu.dma_semaphore, #tpu.memory_space<semaphore_mem>>)
        } else {
        }
        %and3A_1162 = arith.constant 1 : i32
        %and3A_1163 = arith.andi %add3A_1150, %and3A_1162 : i32
        %eq3A_1164 = arith.constant 1 : i32
        %eq3A_1165 = arith.cmpi eq, %and3A_1163, %eq3A_1164 : i32
        %convert_element_type3A_1166 = arith.extui %eq3A_1165 : i1 to i32
        %cond3A_1167 = arith.constant 0 : i32
        %cond3A_1168 = arith.cmpi ne, %convert_element_type3A_1166, %cond3A_1167 : i32
        scf.if %cond3A_1168 {
          %slice3A_1169 = vector.extract_strided_slice %get3A_1154 {offsets = [0], sizes = [1], strides = [1]} : vector<16xi32> to vector<1xi32>
          %squeeze3A_1170 = vector.extract %slice3A_1169[0] : i32 from vector<1xi32>
          %max3A_1171 = arith.constant 0 : i32
          %max3A_1172 = arith.maxsi %squeeze3A_1170, %max3A_1171 : i32
          %add3A_1173 = arith.addi %mul3A_2, %max3A_1172 : i32
          %mul3A_1174 = arith.constant 128 : i32
          %mul3A_1175 = arith.muli %add3A_1173, %mul3A_1174 : i32
          %multiple_of3A = tpu.assume_multiple %mul3A_1175, 128 : i32
          %dma_start3A = arith.constant 4 : i32
          %dma_start3A_1176 = arith.constant 4 : i32
          %dma_start3A_1177 = arith.constant 0 : i32
          %dma_start3A_1178 = arith.constant 0 : i32
          %dma_start3A_1179 = tpu.memref_slice %arg12[%dma_start3A, %dma_start3A_1177, %dma_start3A_1178] : memref<8x64x128xf32, #tpu.memory_space<vmem>> -> memref<1x64x128xf32, #tpu.memory_space<vmem>>
          %dma_start3A_1180 = tpu.memref_squeeze %dma_start3A_1179 : memref<1x64x128xf32, #tpu.memory_space<vmem>> -> memref<64x128xf32, #tpu.memory_space<vmem>>
          %dma_start3A_1181 = arith.constant 0 : i32
          %dma_start3A_1182 = tpu.memref_slice %arg2[%dma_start3A_1181, %multiple_of3A] : memref<64x1000000xf32, #tpu.memory_space<hbm>> -> memref<64x128xf32, #tpu.memory_space<hbm>>
          %dma_start3A_1183 = tpu.memref_slice %arg14[%dma_start3A_1176] : memref<8x!tpu.dma_semaphore, #tpu.memory_space<semaphore_mem>> -> memref<1x!tpu.dma_semaphore, #tpu.memory_space<semaphore_mem>>
          %dma_start3A_1184 = tpu.memref_squeeze %dma_start3A_1183 : memref<1x!tpu.dma_semaphore, #tpu.memory_space<semaphore_mem>> -> memref<!tpu.dma_semaphore, #tpu.memory_space<semaphore_mem>>
          %dma_start3A_1185 = arith.constant 0 : i32
          %dma_start3A_1186 = arith.constant 0 : i32
          %dma_start3A_1187 = tpu.memref_slice %arg12[%dma_start3A, %dma_start3A_1185, %dma_start3A_1186] : memref<8x64x128xf32, #tpu.memory_space<vmem>> -> memref<1x64x128xf32, #tpu.memory_space<vmem>>
          %dma_start3A_1188 = tpu.memref_squeeze %dma_start3A_1187 : memref<1x64x128xf32, #tpu.memory_space<vmem>> -> memref<64x128xf32, #tpu.memory_space<vmem>>
          %dma_start3A_1189 = arith.constant 0 : i32
          %dma_start3A_1190 = tpu.memref_slice %arg2[%dma_start3A_1189, %multiple_of3A] : memref<64x1000000xf32, #tpu.memory_space<hbm>> -> memref<64x128xf32, #tpu.memory_space<hbm>>
          tpu.enqueue_dma source(%dma_start3A_1190 : memref<64x128xf32, #tpu.memory_space<hbm>>) target(%dma_start3A_1188 : memref<64x128xf32, #tpu.memory_space<vmem>>) target_semaphore(%dma_start3A_1184 : memref<!tpu.dma_semaphore, #tpu.memory_space<semaphore_mem>>)
          %slice3A_1191 = vector.extract_strided_slice %get3A_1154 {offsets = [1], sizes = [1], strides = [1]} : vector<16xi32> to vector<1xi32>
          %squeeze3A_1192 = vector.extract %slice3A_1191[0] : i32 from vector<1xi32>
          %max3A_1193 = arith.constant 0 : i32
          %max3A_1194 = arith.maxsi %squeeze3A_1192, %max3A_1193 : i32
          %add3A_1195 = arith.addi %mul3A_2, %max3A_1194 : i32
          %mul3A_1196 = arith.constant 128 : i32
          %mul3A_1197 = arith.muli %add3A_1195, %mul3A_1196 : i32
          %multiple_of3A_1198 = tpu.assume_multiple %mul3A_1197, 128 : i32
          %dma_start3A_1199 = arith.constant 5 : i32
          %dma_start3A_1200 = arith.constant 5 : i32
          %dma_start3A_1201 = arith.constant 0 : i32
          %dma_start3A_1202 = arith.constant 0 : i32
          %dma_start3A_1203 = tpu.memref_slice %arg12[%dma_start3A_1199, %dma_start3A_1201, %dma_start3A_1202] : memref<8x64x128xf32, #tpu.memory_space<vmem>> -> memref<1x64x128xf32, #tpu.memory_space<vmem>>
          %dma_start3A_1204 = tpu.memref_squeeze %dma_start3A_1203 : memref<1x64x128xf32, #tpu.memory_space<vmem>> -> memref<64x128xf32, #tpu.memory_space<vmem>>
          %dma_start3A_1205 = arith.constant 0 : i32
          %dma_start3A_1206 = tpu.memref_slice %arg2[%dma_start3A_1205, %multiple_of3A_1198] : memref<64x1000000xf32, #tpu.memory_space<hbm>> -> memref<64x128xf32, #tpu.memory_space<hbm>>
          %dma_start3A_1207 = tpu.memref_slice %arg14[%dma_start3A_1200] : memref<8x!tpu.dma_semaphore, #tpu.memory_space<semaphore_mem>> -> memref<1x!tpu.dma_semaphore, #tpu.memory_space<semaphore_mem>>
          %dma_start3A_1208 = tpu.memref_squeeze %dma_start3A_1207 : memref<1x!tpu.dma_semaphore, #tpu.memory_space<semaphore_mem>> -> memref<!tpu.dma_semaphore, #tpu.memory_space<semaphore_mem>>
          %dma_start3A_1209 = arith.constant 0 : i32
          %dma_start3A_1210 = arith.constant 0 : i32
          %dma_start3A_1211 = tpu.memref_slice %arg12[%dma_start3A_1199, %dma_start3A_1209, %dma_start3A_1210] : memref<8x64x128xf32, #tpu.memory_space<vmem>> -> memref<1x64x128xf32, #tpu.memory_space<vmem>>
          %dma_start3A_1212 = tpu.memref_squeeze %dma_start3A_1211 : memref<1x64x128xf32, #tpu.memory_space<vmem>> -> memref<64x128xf32, #tpu.memory_space<vmem>>
          %dma_start3A_1213 = arith.constant 0 : i32
          %dma_start3A_1214 = tpu.memref_slice %arg2[%dma_start3A_1213, %multiple_of3A_1198] : memref<64x1000000xf32, #tpu.memory_space<hbm>> -> memref<64x128xf32, #tpu.memory_space<hbm>>
          tpu.enqueue_dma source(%dma_start3A_1214 : memref<64x128xf32, #tpu.memory_space<hbm>>) target(%dma_start3A_1212 : memref<64x128xf32, #tpu.memory_space<vmem>>) target_semaphore(%dma_start3A_1208 : memref<!tpu.dma_semaphore, #tpu.memory_space<semaphore_mem>>)
          %slice3A_1215 = vector.extract_strided_slice %get3A_1154 {offsets = [2], sizes = [1], strides = [1]} : vector<16xi32> to vector<1xi32>
          %squeeze3A_1216 = vector.extract %slice3A_1215[0] : i32 from vector<1xi32>
          %max3A_1217 = arith.constant 0 : i32
          %max3A_1218 = arith.maxsi %squeeze3A_1216, %max3A_1217 : i32
          %add3A_1219 = arith.addi %mul3A_2, %max3A_1218 : i32
          %mul3A_1220 = arith.constant 128 : i32
          %mul3A_1221 = arith.muli %add3A_1219, %mul3A_1220 : i32
          %multiple_of3A_1222 = tpu.assume_multiple %mul3A_1221, 128 : i32
          %dma_start3A_1223 = arith.constant 6 : i32
          %dma_start3A_1224 = arith.constant 6 : i32
          %dma_start3A_1225 = arith.constant 0 : i32
          %dma_start3A_1226 = arith.constant 0 : i32
          %dma_start3A_1227 = tpu.memref_slice %arg12[%dma_start3A_1223, %dma_start3A_1225, %dma_start3A_1226] : memref<8x64x128xf32, #tpu.memory_space<vmem>> -> memref<1x64x128xf32, #tpu.memory_space<vmem>>
          %dma_start3A_1228 = tpu.memref_squeeze %dma_start3A_1227 : memref<1x64x128xf32, #tpu.memory_space<vmem>> -> memref<64x128xf32, #tpu.memory_space<vmem>>
          %dma_start3A_1229 = arith.constant 0 : i32
          %dma_start3A_1230 = tpu.memref_slice %arg2[%dma_start3A_1229, %multiple_of3A_1222] : memref<64x1000000xf32, #tpu.memory_space<hbm>> -> memref<64x128xf32, #tpu.memory_space<hbm>>
          %dma_start3A_1231 = tpu.memref_slice %arg14[%dma_start3A_1224] : memref<8x!tpu.dma_semaphore, #tpu.memory_space<semaphore_mem>> -> memref<1x!tpu.dma_semaphore, #tpu.memory_space<semaphore_mem>>
          %dma_start3A_1232 = tpu.memref_squeeze %dma_start3A_1231 : memref<1x!tpu.dma_semaphore, #tpu.memory_space<semaphore_mem>> -> memref<!tpu.dma_semaphore, #tpu.memory_space<semaphore_mem>>
          %dma_start3A_1233 = arith.constant 0 : i32
          %dma_start3A_1234 = arith.constant 0 : i32
          %dma_start3A_1235 = tpu.memref_slice %arg12[%dma_start3A_1223, %dma_start3A_1233, %dma_start3A_1234] : memref<8x64x128xf32, #tpu.memory_space<vmem>> -> memref<1x64x128xf32, #tpu.memory_space<vmem>>
          %dma_start3A_1236 = tpu.memref_squeeze %dma_start3A_1235 : memref<1x64x128xf32, #tpu.memory_space<vmem>> -> memref<64x128xf32, #tpu.memory_space<vmem>>
          %dma_start3A_1237 = arith.constant 0 : i32
          %dma_start3A_1238 = tpu.memref_slice %arg2[%dma_start3A_1237, %multiple_of3A_1222] : memref<64x1000000xf32, #tpu.memory_space<hbm>> -> memref<64x128xf32, #tpu.memory_space<hbm>>
          tpu.enqueue_dma source(%dma_start3A_1238 : memref<64x128xf32, #tpu.memory_space<hbm>>) target(%dma_start3A_1236 : memref<64x128xf32, #tpu.memory_space<vmem>>) target_semaphore(%dma_start3A_1232 : memref<!tpu.dma_semaphore, #tpu.memory_space<semaphore_mem>>)
          %slice3A_1239 = vector.extract_strided_slice %get3A_1154 {offsets = [3], sizes = [1], strides = [1]} : vector<16xi32> to vector<1xi32>
          %squeeze3A_1240 = vector.extract %slice3A_1239[0] : i32 from vector<1xi32>
          %max3A_1241 = arith.constant 0 : i32
          %max3A_1242 = arith.maxsi %squeeze3A_1240, %max3A_1241 : i32
          %add3A_1243 = arith.addi %mul3A_2, %max3A_1242 : i32
          %mul3A_1244 = arith.constant 128 : i32
          %mul3A_1245 = arith.muli %add3A_1243, %mul3A_1244 : i32
          %multiple_of3A_1246 = tpu.assume_multiple %mul3A_1245, 128 : i32
          %dma_start3A_1247 = arith.constant 7 : i32
          %dma_start3A_1248 = arith.constant 7 : i32
          %dma_start3A_1249 = arith.constant 0 : i32
          %dma_start3A_1250 = arith.constant 0 : i32
          %dma_start3A_1251 = tpu.memref_slice %arg12[%dma_start3A_1247, %dma_start3A_1249, %dma_start3A_1250] : memref<8x64x128xf32, #tpu.memory_space<vmem>> -> memref<1x64x128xf32, #tpu.memory_space<vmem>>
          %dma_start3A_1252 = tpu.memref_squeeze %dma_start3A_1251 : memref<1x64x128xf32, #tpu.memory_space<vmem>> -> memref<64x128xf32, #tpu.memory_space<vmem>>
          %dma_start3A_1253 = arith.constant 0 : i32
          %dma_start3A_1254 = tpu.memref_slice %arg2[%dma_start3A_1253, %multiple_of3A_1246] : memref<64x1000000xf32, #tpu.memory_space<hbm>> -> memref<64x128xf32, #tpu.memory_space<hbm>>
          %dma_start3A_1255 = tpu.memref_slice %arg14[%dma_start3A_1248] : memref<8x!tpu.dma_semaphore, #tpu.memory_space<semaphore_mem>> -> memref<1x!tpu.dma_semaphore, #tpu.memory_space<semaphore_mem>>
          %dma_start3A_1256 = tpu.memref_squeeze %dma_start3A_1255 : memref<1x!tpu.dma_semaphore, #tpu.memory_space<semaphore_mem>> -> memref<!tpu.dma_semaphore, #tpu.memory_space<semaphore_mem>>
          %dma_start3A_1257 = arith.constant 0 : i32
          %dma_start3A_1258 = arith.constant 0 : i32
          %dma_start3A_1259 = tpu.memref_slice %arg12[%dma_start3A_1247, %dma_start3A_1257, %dma_start3A_1258] : memref<8x64x128xf32, #tpu.memory_space<vmem>> -> memref<1x64x128xf32, #tpu.memory_space<vmem>>
          %dma_start3A_1260 = tpu.memref_squeeze %dma_start3A_1259 : memref<1x64x128xf32, #tpu.memory_space<vmem>> -> memref<64x128xf32, #tpu.memory_space<vmem>>
          %dma_start3A_1261 = arith.constant 0 : i32
          %dma_start3A_1262 = tpu.memref_slice %arg2[%dma_start3A_1261, %multiple_of3A_1246] : memref<64x1000000xf32, #tpu.memory_space<hbm>> -> memref<64x128xf32, #tpu.memory_space<hbm>>
          tpu.enqueue_dma source(%dma_start3A_1262 : memref<64x128xf32, #tpu.memory_space<hbm>>) target(%dma_start3A_1260 : memref<64x128xf32, #tpu.memory_space<vmem>>) target_semaphore(%dma_start3A_1256 : memref<!tpu.dma_semaphore, #tpu.memory_space<semaphore_mem>>)
        } else {
        }
      } else {
      }
      %while3A_1148 = arith.constant 0 : i32
      scf.yield %while3A_1148 : i32
    }
    %while3A_1070 = arith.constant 1 : i32
    %while3A_1071 = scf.for %while3A_1118 = %while3A_1067 to %while3A_1063 step %while3A_1070 iter_args(%while3A_1119 = %while3A_1069) -> (i32)  : i32 {
      %mul3A_1120 = arith.muli %while3A_1118, %while3A : i32
      %add3A_1121 = arith.addi %while3A_1059, %mul3A_1120 : i32
      %and3A = arith.constant 1 : i32
      %and3A_1122 = arith.andi %add3A_1121, %and3A : i32
      %eq3A = arith.constant 0 : i32
      %eq3A_1123 = arith.cmpi eq, %and3A_1122, %eq3A : i32
      %convert_element_type3A_1124 = arith.extui %eq3A_1123 : i1 to i32
      %cond3A_1125 = arith.constant 0 : i32
      %cond3A_1126 = arith.cmpi ne, %convert_element_type3A_1124, %cond3A_1125 : i32
      scf.if %cond3A_1126 {
        %dma_wait3A = arith.constant 0 : i32
        %dma_wait3A_1149 = arith.constant 0 : i32
        %dma_wait3A_1150 = arith.constant 0 : i32
        %dma_wait3A_1151 = arith.constant 0 : i32
        %dma_wait3A_1152 = tpu.memref_slice %arg12[%dma_wait3A, %dma_wait3A_1150, %dma_wait3A_1151] : memref<8x64x128xf32, #tpu.memory_space<vmem>> -> memref<1x64x128xf32, #tpu.memory_space<vmem>>
        %dma_wait3A_1153 = tpu.memref_squeeze %dma_wait3A_1152 : memref<1x64x128xf32, #tpu.memory_space<vmem>> -> memref<64x128xf32, #tpu.memory_space<vmem>>
        %dma_wait3A_1154 = arith.constant 0 : i32
        %dma_wait3A_1155 = arith.constant 0 : i32
        %dma_wait3A_1156 = tpu.memref_slice %arg2[%dma_wait3A_1154, %dma_wait3A_1155] : memref<64x1000000xf32, #tpu.memory_space<hbm>> -> memref<64x128xf32, #tpu.memory_space<hbm>>
        %dma_wait3A_1157 = tpu.memref_slice %arg14[%dma_wait3A_1149] : memref<8x!tpu.dma_semaphore, #tpu.memory_space<semaphore_mem>> -> memref<1x!tpu.dma_semaphore, #tpu.memory_space<semaphore_mem>>
        %dma_wait3A_1158 = tpu.memref_squeeze %dma_wait3A_1157 : memref<1x!tpu.dma_semaphore, #tpu.memory_space<semaphore_mem>> -> memref<!tpu.dma_semaphore, #tpu.memory_space<semaphore_mem>>
        %dma_wait3A_1159 = arith.constant 0 : i32
        %dma_wait3A_1160 = arith.constant 0 : i32
        %dma_wait3A_1161 = tpu.memref_slice %arg12[%dma_wait3A, %dma_wait3A_1159, %dma_wait3A_1160] : memref<8x64x128xf32, #tpu.memory_space<vmem>> -> memref<1x64x128xf32, #tpu.memory_space<vmem>>
        %dma_wait3A_1162 = tpu.memref_squeeze %dma_wait3A_1161 : memref<1x64x128xf32, #tpu.memory_space<vmem>> -> memref<64x128xf32, #tpu.memory_space<vmem>>
        %dma_wait3A_1163 = arith.constant 0 : i32
        %dma_wait3A_1164 = arith.constant 0 : i32
        %dma_wait3A_1165 = tpu.memref_slice %arg2[%dma_wait3A_1163, %dma_wait3A_1164] : memref<64x1000000xf32, #tpu.memory_space<hbm>> -> memref<64x128xf32, #tpu.memory_space<hbm>>
        tpu.wait_dma2 semaphore(%dma_wait3A_1158 : memref<!tpu.dma_semaphore, #tpu.memory_space<semaphore_mem>>) src(%dma_wait3A_1165 : memref<64x128xf32, #tpu.memory_space<hbm>>) dst(%dma_wait3A_1162 : memref<64x128xf32, #tpu.memory_space<vmem>>)
        %dma_wait3A_1166 = arith.constant 1 : i32
        %dma_wait3A_1167 = arith.constant 1 : i32
        %dma_wait3A_1168 = arith.constant 0 : i32
        %dma_wait3A_1169 = arith.constant 0 : i32
        %dma_wait3A_1170 = tpu.memref_slice %arg12[%dma_wait3A_1166, %dma_wait3A_1168, %dma_wait3A_1169] : memref<8x64x128xf32, #tpu.memory_space<vmem>> -> memref<1x64x128xf32, #tpu.memory_space<vmem>>
        %dma_wait3A_1171 = tpu.memref_squeeze %dma_wait3A_1170 : memref<1x64x128xf32, #tpu.memory_space<vmem>> -> memref<64x128xf32, #tpu.memory_space<vmem>>
        %dma_wait3A_1172 = arith.constant 0 : i32
        %dma_wait3A_1173 = arith.constant 0 : i32
        %dma_wait3A_1174 = tpu.memref_slice %arg2[%dma_wait3A_1172, %dma_wait3A_1173] : memref<64x1000000xf32, #tpu.memory_space<hbm>> -> memref<64x128xf32, #tpu.memory_space<hbm>>
        %dma_wait3A_1175 = tpu.memref_slice %arg14[%dma_wait3A_1167] : memref<8x!tpu.dma_semaphore, #tpu.memory_space<semaphore_mem>> -> memref<1x!tpu.dma_semaphore, #tpu.memory_space<semaphore_mem>>
        %dma_wait3A_1176 = tpu.memref_squeeze %dma_wait3A_1175 : memref<1x!tpu.dma_semaphore, #tpu.memory_space<semaphore_mem>> -> memref<!tpu.dma_semaphore, #tpu.memory_space<semaphore_mem>>
        %dma_wait3A_1177 = arith.constant 0 : i32
        %dma_wait3A_1178 = arith.constant 0 : i32
        %dma_wait3A_1179 = tpu.memref_slice %arg12[%dma_wait3A_1166, %dma_wait3A_1177, %dma_wait3A_1178] : memref<8x64x128xf32, #tpu.memory_space<vmem>> -> memref<1x64x128xf32, #tpu.memory_space<vmem>>
        %dma_wait3A_1180 = tpu.memref_squeeze %dma_wait3A_1179 : memref<1x64x128xf32, #tpu.memory_space<vmem>> -> memref<64x128xf32, #tpu.memory_space<vmem>>
        %dma_wait3A_1181 = arith.constant 0 : i32
        %dma_wait3A_1182 = arith.constant 0 : i32
        %dma_wait3A_1183 = tpu.memref_slice %arg2[%dma_wait3A_1181, %dma_wait3A_1182] : memref<64x1000000xf32, #tpu.memory_space<hbm>> -> memref<64x128xf32, #tpu.memory_space<hbm>>
        tpu.wait_dma2 semaphore(%dma_wait3A_1176 : memref<!tpu.dma_semaphore, #tpu.memory_space<semaphore_mem>>) src(%dma_wait3A_1183 : memref<64x128xf32, #tpu.memory_space<hbm>>) dst(%dma_wait3A_1180 : memref<64x128xf32, #tpu.memory_space<vmem>>)
        %dma_wait3A_1184 = arith.constant 2 : i32
        %dma_wait3A_1185 = arith.constant 2 : i32
        %dma_wait3A_1186 = arith.constant 0 : i32
        %dma_wait3A_1187 = arith.constant 0 : i32
        %dma_wait3A_1188 = tpu.memref_slice %arg12[%dma_wait3A_1184, %dma_wait3A_1186, %dma_wait3A_1187] : memref<8x64x128xf32, #tpu.memory_space<vmem>> -> memref<1x64x128xf32, #tpu.memory_space<vmem>>
        %dma_wait3A_1189 = tpu.memref_squeeze %dma_wait3A_1188 : memref<1x64x128xf32, #tpu.memory_space<vmem>> -> memref<64x128xf32, #tpu.memory_space<vmem>>
        %dma_wait3A_1190 = arith.constant 0 : i32
        %dma_wait3A_1191 = arith.constant 0 : i32
        %dma_wait3A_1192 = tpu.memref_slice %arg2[%dma_wait3A_1190, %dma_wait3A_1191] : memref<64x1000000xf32, #tpu.memory_space<hbm>> -> memref<64x128xf32, #tpu.memory_space<hbm>>
        %dma_wait3A_1193 = tpu.memref_slice %arg14[%dma_wait3A_1185] : memref<8x!tpu.dma_semaphore, #tpu.memory_space<semaphore_mem>> -> memref<1x!tpu.dma_semaphore, #tpu.memory_space<semaphore_mem>>
        %dma_wait3A_1194 = tpu.memref_squeeze %dma_wait3A_1193 : memref<1x!tpu.dma_semaphore, #tpu.memory_space<semaphore_mem>> -> memref<!tpu.dma_semaphore, #tpu.memory_space<semaphore_mem>>
        %dma_wait3A_1195 = arith.constant 0 : i32
        %dma_wait3A_1196 = arith.constant 0 : i32
        %dma_wait3A_1197 = tpu.memref_slice %arg12[%dma_wait3A_1184, %dma_wait3A_1195, %dma_wait3A_1196] : memref<8x64x128xf32, #tpu.memory_space<vmem>> -> memref<1x64x128xf32, #tpu.memory_space<vmem>>
        %dma_wait3A_1198 = tpu.memref_squeeze %dma_wait3A_1197 : memref<1x64x128xf32, #tpu.memory_space<vmem>> -> memref<64x128xf32, #tpu.memory_space<vmem>>
        %dma_wait3A_1199 = arith.constant 0 : i32
        %dma_wait3A_1200 = arith.constant 0 : i32
        %dma_wait3A_1201 = tpu.memref_slice %arg2[%dma_wait3A_1199, %dma_wait3A_1200] : memref<64x1000000xf32, #tpu.memory_space<hbm>> -> memref<64x128xf32, #tpu.memory_space<hbm>>
        tpu.wait_dma2 semaphore(%dma_wait3A_1194 : memref<!tpu.dma_semaphore, #tpu.memory_space<semaphore_mem>>) src(%dma_wait3A_1201 : memref<64x128xf32, #tpu.memory_space<hbm>>) dst(%dma_wait3A_1198 : memref<64x128xf32, #tpu.memory_space<vmem>>)
        %dma_wait3A_1202 = arith.constant 3 : i32
        %dma_wait3A_1203 = arith.constant 3 : i32
        %dma_wait3A_1204 = arith.constant 0 : i32
        %dma_wait3A_1205 = arith.constant 0 : i32
        %dma_wait3A_1206 = tpu.memref_slice %arg12[%dma_wait3A_1202, %dma_wait3A_1204, %dma_wait3A_1205] : memref<8x64x128xf32, #tpu.memory_space<vmem>> -> memref<1x64x128xf32, #tpu.memory_space<vmem>>
        %dma_wait3A_1207 = tpu.memref_squeeze %dma_wait3A_1206 : memref<1x64x128xf32, #tpu.memory_space<vmem>> -> memref<64x128xf32, #tpu.memory_space<vmem>>
        %dma_wait3A_1208 = arith.constant 0 : i32
        %dma_wait3A_1209 = arith.constant 0 : i32
        %dma_wait3A_1210 = tpu.memref_slice %arg2[%dma_wait3A_1208, %dma_wait3A_1209] : memref<64x1000000xf32, #tpu.memory_space<hbm>> -> memref<64x128xf32, #tpu.memory_space<hbm>>
        %dma_wait3A_1211 = tpu.memref_slice %arg14[%dma_wait3A_1203] : memref<8x!tpu.dma_semaphore, #tpu.memory_space<semaphore_mem>> -> memref<1x!tpu.dma_semaphore, #tpu.memory_space<semaphore_mem>>
        %dma_wait3A_1212 = tpu.memref_squeeze %dma_wait3A_1211 : memref<1x!tpu.dma_semaphore, #tpu.memory_space<semaphore_mem>> -> memref<!tpu.dma_semaphore, #tpu.memory_space<semaphore_mem>>
        %dma_wait3A_1213 = arith.constant 0 : i32
        %dma_wait3A_1214 = arith.constant 0 : i32
        %dma_wait3A_1215 = tpu.memref_slice %arg12[%dma_wait3A_1202, %dma_wait3A_1213, %dma_wait3A_1214] : memref<8x64x128xf32, #tpu.memory_space<vmem>> -> memref<1x64x128xf32, #tpu.memory_space<vmem>>
        %dma_wait3A_1216 = tpu.memref_squeeze %dma_wait3A_1215 : memref<1x64x128xf32, #tpu.memory_space<vmem>> -> memref<64x128xf32, #tpu.memory_space<vmem>>
        %dma_wait3A_1217 = arith.constant 0 : i32
        %dma_wait3A_1218 = arith.constant 0 : i32
        %dma_wait3A_1219 = tpu.memref_slice %arg2[%dma_wait3A_1217, %dma_wait3A_1218] : memref<64x1000000xf32, #tpu.memory_space<hbm>> -> memref<64x128xf32, #tpu.memory_space<hbm>>
        tpu.wait_dma2 semaphore(%dma_wait3A_1212 : memref<!tpu.dma_semaphore, #tpu.memory_space<semaphore_mem>>) src(%dma_wait3A_1219 : memref<64x128xf32, #tpu.memory_space<hbm>>) dst(%dma_wait3A_1216 : memref<64x128xf32, #tpu.memory_space<vmem>>)
      } else {
      }
      %and3A_1127 = arith.constant 1 : i32
      %and3A_1128 = arith.andi %add3A_1121, %and3A_1127 : i32
      %eq3A_1129 = arith.constant 1 : i32
      %eq3A_1130 = arith.cmpi eq, %and3A_1128, %eq3A_1129 : i32
      %convert_element_type3A_1131 = arith.extui %eq3A_1130 : i1 to i32
      %cond3A_1132 = arith.constant 0 : i32
      %cond3A_1133 = arith.cmpi ne, %convert_element_type3A_1131, %cond3A_1132 : i32
      scf.if %cond3A_1133 {
        %dma_wait3A = arith.constant 4 : i32
        %dma_wait3A_1149 = arith.constant 4 : i32
        %dma_wait3A_1150 = arith.constant 0 : i32
        %dma_wait3A_1151 = arith.constant 0 : i32
        %dma_wait3A_1152 = tpu.memref_slice %arg12[%dma_wait3A, %dma_wait3A_1150, %dma_wait3A_1151] : memref<8x64x128xf32, #tpu.memory_space<vmem>> -> memref<1x64x128xf32, #tpu.memory_space<vmem>>
        %dma_wait3A_1153 = tpu.memref_squeeze %dma_wait3A_1152 : memref<1x64x128xf32, #tpu.memory_space<vmem>> -> memref<64x128xf32, #tpu.memory_space<vmem>>
        %dma_wait3A_1154 = arith.constant 0 : i32
        %dma_wait3A_1155 = arith.constant 0 : i32
        %dma_wait3A_1156 = tpu.memref_slice %arg2[%dma_wait3A_1154, %dma_wait3A_1155] : memref<64x1000000xf32, #tpu.memory_space<hbm>> -> memref<64x128xf32, #tpu.memory_space<hbm>>
        %dma_wait3A_1157 = tpu.memref_slice %arg14[%dma_wait3A_1149] : memref<8x!tpu.dma_semaphore, #tpu.memory_space<semaphore_mem>> -> memref<1x!tpu.dma_semaphore, #tpu.memory_space<semaphore_mem>>
        %dma_wait3A_1158 = tpu.memref_squeeze %dma_wait3A_1157 : memref<1x!tpu.dma_semaphore, #tpu.memory_space<semaphore_mem>> -> memref<!tpu.dma_semaphore, #tpu.memory_space<semaphore_mem>>
        %dma_wait3A_1159 = arith.constant 0 : i32
        %dma_wait3A_1160 = arith.constant 0 : i32
        %dma_wait3A_1161 = tpu.memref_slice %arg12[%dma_wait3A, %dma_wait3A_1159, %dma_wait3A_1160] : memref<8x64x128xf32, #tpu.memory_space<vmem>> -> memref<1x64x128xf32, #tpu.memory_space<vmem>>
        %dma_wait3A_1162 = tpu.memref_squeeze %dma_wait3A_1161 : memref<1x64x128xf32, #tpu.memory_space<vmem>> -> memref<64x128xf32, #tpu.memory_space<vmem>>
        %dma_wait3A_1163 = arith.constant 0 : i32
        %dma_wait3A_1164 = arith.constant 0 : i32
        %dma_wait3A_1165 = tpu.memref_slice %arg2[%dma_wait3A_1163, %dma_wait3A_1164] : memref<64x1000000xf32, #tpu.memory_space<hbm>> -> memref<64x128xf32, #tpu.memory_space<hbm>>
        tpu.wait_dma2 semaphore(%dma_wait3A_1158 : memref<!tpu.dma_semaphore, #tpu.memory_space<semaphore_mem>>) src(%dma_wait3A_1165 : memref<64x128xf32, #tpu.memory_space<hbm>>) dst(%dma_wait3A_1162 : memref<64x128xf32, #tpu.memory_space<vmem>>)
        %dma_wait3A_1166 = arith.constant 5 : i32
        %dma_wait3A_1167 = arith.constant 5 : i32
        %dma_wait3A_1168 = arith.constant 0 : i32
        %dma_wait3A_1169 = arith.constant 0 : i32
        %dma_wait3A_1170 = tpu.memref_slice %arg12[%dma_wait3A_1166, %dma_wait3A_1168, %dma_wait3A_1169] : memref<8x64x128xf32, #tpu.memory_space<vmem>> -> memref<1x64x128xf32, #tpu.memory_space<vmem>>
        %dma_wait3A_1171 = tpu.memref_squeeze %dma_wait3A_1170 : memref<1x64x128xf32, #tpu.memory_space<vmem>> -> memref<64x128xf32, #tpu.memory_space<vmem>>
        %dma_wait3A_1172 = arith.constant 0 : i32
        %dma_wait3A_1173 = arith.constant 0 : i32
        %dma_wait3A_1174 = tpu.memref_slice %arg2[%dma_wait3A_1172, %dma_wait3A_1173] : memref<64x1000000xf32, #tpu.memory_space<hbm>> -> memref<64x128xf32, #tpu.memory_space<hbm>>
        %dma_wait3A_1175 = tpu.memref_slice %arg14[%dma_wait3A_1167] : memref<8x!tpu.dma_semaphore, #tpu.memory_space<semaphore_mem>> -> memref<1x!tpu.dma_semaphore, #tpu.memory_space<semaphore_mem>>
        %dma_wait3A_1176 = tpu.memref_squeeze %dma_wait3A_1175 : memref<1x!tpu.dma_semaphore, #tpu.memory_space<semaphore_mem>> -> memref<!tpu.dma_semaphore, #tpu.memory_space<semaphore_mem>>
        %dma_wait3A_1177 = arith.constant 0 : i32
        %dma_wait3A_1178 = arith.constant 0 : i32
        %dma_wait3A_1179 = tpu.memref_slice %arg12[%dma_wait3A_1166, %dma_wait3A_1177, %dma_wait3A_1178] : memref<8x64x128xf32, #tpu.memory_space<vmem>> -> memref<1x64x128xf32, #tpu.memory_space<vmem>>
        %dma_wait3A_1180 = tpu.memref_squeeze %dma_wait3A_1179 : memref<1x64x128xf32, #tpu.memory_space<vmem>> -> memref<64x128xf32, #tpu.memory_space<vmem>>
        %dma_wait3A_1181 = arith.constant 0 : i32
        %dma_wait3A_1182 = arith.constant 0 : i32
        %dma_wait3A_1183 = tpu.memref_slice %arg2[%dma_wait3A_1181, %dma_wait3A_1182] : memref<64x1000000xf32, #tpu.memory_space<hbm>> -> memref<64x128xf32, #tpu.memory_space<hbm>>
        tpu.wait_dma2 semaphore(%dma_wait3A_1176 : memref<!tpu.dma_semaphore, #tpu.memory_space<semaphore_mem>>) src(%dma_wait3A_1183 : memref<64x128xf32, #tpu.memory_space<hbm>>) dst(%dma_wait3A_1180 : memref<64x128xf32, #tpu.memory_space<vmem>>)
        %dma_wait3A_1184 = arith.constant 6 : i32
        %dma_wait3A_1185 = arith.constant 6 : i32
        %dma_wait3A_1186 = arith.constant 0 : i32
        %dma_wait3A_1187 = arith.constant 0 : i32
        %dma_wait3A_1188 = tpu.memref_slice %arg12[%dma_wait3A_1184, %dma_wait3A_1186, %dma_wait3A_1187] : memref<8x64x128xf32, #tpu.memory_space<vmem>> -> memref<1x64x128xf32, #tpu.memory_space<vmem>>
        %dma_wait3A_1189 = tpu.memref_squeeze %dma_wait3A_1188 : memref<1x64x128xf32, #tpu.memory_space<vmem>> -> memref<64x128xf32, #tpu.memory_space<vmem>>
        %dma_wait3A_1190 = arith.constant 0 : i32
        %dma_wait3A_1191 = arith.constant 0 : i32
        %dma_wait3A_1192 = tpu.memref_slice %arg2[%dma_wait3A_1190, %dma_wait3A_1191] : memref<64x1000000xf32, #tpu.memory_space<hbm>> -> memref<64x128xf32, #tpu.memory_space<hbm>>
        %dma_wait3A_1193 = tpu.memref_slice %arg14[%dma_wait3A_1185] : memref<8x!tpu.dma_semaphore, #tpu.memory_space<semaphore_mem>> -> memref<1x!tpu.dma_semaphore, #tpu.memory_space<semaphore_mem>>
        %dma_wait3A_1194 = tpu.memref_squeeze %dma_wait3A_1193 : memref<1x!tpu.dma_semaphore, #tpu.memory_space<semaphore_mem>> -> memref<!tpu.dma_semaphore, #tpu.memory_space<semaphore_mem>>
        %dma_wait3A_1195 = arith.constant 0 : i32
        %dma_wait3A_1196 = arith.constant 0 : i32
        %dma_wait3A_1197 = tpu.memref_slice %arg12[%dma_wait3A_1184, %dma_wait3A_1195, %dma_wait3A_1196] : memref<8x64x128xf32, #tpu.memory_space<vmem>> -> memref<1x64x128xf32, #tpu.memory_space<vmem>>
        %dma_wait3A_1198 = tpu.memref_squeeze %dma_wait3A_1197 : memref<1x64x128xf32, #tpu.memory_space<vmem>> -> memref<64x128xf32, #tpu.memory_space<vmem>>
        %dma_wait3A_1199 = arith.constant 0 : i32
        %dma_wait3A_1200 = arith.constant 0 : i32
        %dma_wait3A_1201 = tpu.memref_slice %arg2[%dma_wait3A_1199, %dma_wait3A_1200] : memref<64x1000000xf32, #tpu.memory_space<hbm>> -> memref<64x128xf32, #tpu.memory_space<hbm>>
        tpu.wait_dma2 semaphore(%dma_wait3A_1194 : memref<!tpu.dma_semaphore, #tpu.memory_space<semaphore_mem>>) src(%dma_wait3A_1201 : memref<64x128xf32, #tpu.memory_space<hbm>>) dst(%dma_wait3A_1198 : memref<64x128xf32, #tpu.memory_space<vmem>>)
        %dma_wait3A_1202 = arith.constant 7 : i32
        %dma_wait3A_1203 = arith.constant 7 : i32
        %dma_wait3A_1204 = arith.constant 0 : i32
        %dma_wait3A_1205 = arith.constant 0 : i32
        %dma_wait3A_1206 = tpu.memref_slice %arg12[%dma_wait3A_1202, %dma_wait3A_1204, %dma_wait3A_1205] : memref<8x64x128xf32, #tpu.memory_space<vmem>> -> memref<1x64x128xf32, #tpu.memory_space<vmem>>
        %dma_wait3A_1207 = tpu.memref_squeeze %dma_wait3A_1206 : memref<1x64x128xf32, #tpu.memory_space<vmem>> -> memref<64x128xf32, #tpu.memory_space<vmem>>
        %dma_wait3A_1208 = arith.constant 0 : i32
        %dma_wait3A_1209 = arith.constant 0 : i32
        %dma_wait3A_1210 = tpu.memref_slice %arg2[%dma_wait3A_1208, %dma_wait3A_1209] : memref<64x1000000xf32, #tpu.memory_space<hbm>> -> memref<64x128xf32, #tpu.memory_space<hbm>>
        %dma_wait3A_1211 = tpu.memref_slice %arg14[%dma_wait3A_1203] : memref<8x!tpu.dma_semaphore, #tpu.memory_space<semaphore_mem>> -> memref<1x!tpu.dma_semaphore, #tpu.memory_space<semaphore_mem>>
        %dma_wait3A_1212 = tpu.memref_squeeze %dma_wait3A_1211 : memref<1x!tpu.dma_semaphore, #tpu.memory_space<semaphore_mem>> -> memref<!tpu.dma_semaphore, #tpu.memory_space<semaphore_mem>>
        %dma_wait3A_1213 = arith.constant 0 : i32
        %dma_wait3A_1214 = arith.constant 0 : i32
        %dma_wait3A_1215 = tpu.memref_slice %arg12[%dma_wait3A_1202, %dma_wait3A_1213, %dma_wait3A_1214] : memref<8x64x128xf32, #tpu.memory_space<vmem>> -> memref<1x64x128xf32, #tpu.memory_space<vmem>>
        %dma_wait3A_1216 = tpu.memref_squeeze %dma_wait3A_1215 : memref<1x64x128xf32, #tpu.memory_space<vmem>> -> memref<64x128xf32, #tpu.memory_space<vmem>>
        %dma_wait3A_1217 = arith.constant 0 : i32
        %dma_wait3A_1218 = arith.constant 0 : i32
        %dma_wait3A_1219 = tpu.memref_slice %arg2[%dma_wait3A_1217, %dma_wait3A_1218] : memref<64x1000000xf32, #tpu.memory_space<hbm>> -> memref<64x128xf32, #tpu.memory_space<hbm>>
        tpu.wait_dma2 semaphore(%dma_wait3A_1212 : memref<!tpu.dma_semaphore, #tpu.memory_space<semaphore_mem>>) src(%dma_wait3A_1219 : memref<64x128xf32, #tpu.memory_space<hbm>>) dst(%dma_wait3A_1216 : memref<64x128xf32, #tpu.memory_space<vmem>>)
      } else {
      }
      %and3A_1134 = arith.constant 1 : i32
      %and3A_1135 = arith.andi %add3A_1121, %and3A_1134 : i32
      %mul3A_1136 = arith.constant 4 : i32
      %mul3A_1137 = arith.muli %and3A_1135, %mul3A_1136 : i32
      %scan3A_1138 = arith.constant 0 : i32
      %scan3A_1139 = arith.constant 22 : i32
      %scan3A_1140 = arith.addi %scan3A_1138, %scan3A_1139 : i32
      %scan3A_1141 = arith.constant 1 : i32
      scf.for %scan3A_1149 = %scan3A_1138 to %scan3A_1140 step %scan3A_1141  : i32 {
        %mul3A_1150 = arith.constant 1 : i32
        %mul3A_1151 = arith.muli %scan3A_1149, %mul3A_1150 : i32
        %add3A_1152 = arith.constant 0 : i32
        %add3A_1153 = arith.addi %add3A_1152, %mul3A_1151 : i32
        %mul3A_1154 = arith.constant 16 : i32
        %mul3A_1155 = arith.muli %add3A_1153, %mul3A_1154 : i32
        %get3A_1156 = arith.index_cast %mul3A_1155 : i32 to index
        %get3A_1157 = tpu.vector_load %arg10[%get3A_1156] {strides = array<i32>} : memref<352xi32, #tpu.memory_space<vmem>>, vector<16xi32>,
        %shift_right_arithmetic3A_1158 = arith.constant 2 : i32
        %shift_right_arithmetic3A_1159 = vector.broadcast %shift_right_arithmetic3A_1158 : i32 to vector<16xi32>
        %shift_right_arithmetic3A_1160 = arith.shrsi %get3A_1157, %shift_right_arithmetic3A_1159 : vector<16xi32>
        %eq3A_1161 = vector.broadcast %add3A_1121 : i32 to vector<16xi32>
        %eq3A_1162 = arith.cmpi eq, %shift_right_arithmetic3A_1160, %eq3A_1161 : vector<16xi32>
        %mul3A_1163 = arith.constant 16 : i32
        %mul3A_1164 = arith.muli %add3A_1153, %mul3A_1163 : i32
        %get3A_1165 = arith.index_cast %mul3A_1164 : i32 to index
        %get3A_1166 = tpu.vector_load %arg6[%get3A_1165] {strides = array<i32>} : memref<352xi32, #tpu.memory_space<vmem>>, vector<16xi32>,
        %while3A_1167 = scf.while (%while3A_1168 = %eq3A_1162) : (vector<16xi1>) -> vector<16xi1> {
          %reduce_or3A = arith.constant 1.000000e+00 : f32
          %reduce_or3A_1169 = arith.constant 0.000000e+00 : f32
          %reduce_or3A_1170 = vector.broadcast %reduce_or3A : f32 to vector<16xf32>
          %reduce_or3A_1171 = vector.broadcast %reduce_or3A_1169 : f32 to vector<16xf32>
          %reduce_or3A_1172 = arith.select %while3A_1168, %reduce_or3A_1170, %reduce_or3A_1171 : vector<16xi1>, vector<16xf32>
          %reduce_or3A_1173 = arith.constant true
          %reduce_or3A_1174 = vector.broadcast %reduce_or3A_1173 : i1 to vector<16xi1>
          %reduce_or3A_1175 = tpu.scan <max>, %reduce_or3A_1172 masked %reduce_or3A_1174 : vector<16xf32>, vector<16xi1> -> vector<16xf32>
          %reduce_or3A_1176 = vector.extract %reduce_or3A_1175[15] : f32 from vector<16xf32>
          %reduce_or3A_1177 = arith.constant 0.000000e+00 : f32
          %reduce_or3A_1178 = arith.cmpf ogt, %reduce_or3A_1176, %reduce_or3A_1177 : f32
          scf.condition(%reduce_or3A_1178) %while3A_1168 : vector<16xi1>
        } do {
        ^bb0(%while3A_1168: vector<16xi1>):
          %all_reduce_ffs3A = tpu.all_reduce %while3A_1168 {dim = 0 : i64, kind = #tpu.reduction_kind<find_first_set>} : vector<16xi1> -> vector<16xi32>
          %slice3A_1169 = vector.extract_strided_slice %all_reduce_ffs3A {offsets = [0], sizes = [1], strides = [1]} : vector<16xi32> to vector<1xi32>
          %squeeze3A_1170 = vector.extract %slice3A_1169[0] : i32 from vector<1xi32>
          %broadcast_in_dim3A_1171 = vector.broadcast %squeeze3A_1170 : i32 to vector<16xi32>
          %lt3A_1172 = arith.constant 0 : i32
          %lt3A_1173 = vector.broadcast %lt3A_1172 : i32 to vector<16xi32>
          %lt3A_1174 = arith.cmpi slt, %broadcast_in_dim3A_1171, %lt3A_1173 : vector<16xi32>
          %add3A_1175 = arith.constant 16 : i32
          %add3A_1176 = vector.broadcast %add3A_1175 : i32 to vector<16xi32>
          %add3A_1177 = arith.addi %broadcast_in_dim3A_1171, %add3A_1176 : vector<16xi32>
          %select_n3A_1178 = arith.select %lt3A_1174, %add3A_1177, %broadcast_in_dim3A_1171 : vector<16xi1>, vector<16xi32>
          %broadcast_in_dim3A_1179 = vector.shape_cast %select_n3A_1178 : vector<16xi32> to vector<16x1xi32>
          %gather3A_1180 = vector.shape_cast %broadcast_in_dim3A_1179 : vector<16x1xi32> to vector<16xi32>
          %gather3A_1181 = tpu.dynamic_gather %get3A_1166[%gather3A_1180] in [0] : vector<16xi32>, vector<16xi32> -> vector<16xi32>
          %slice3A_1182 = vector.extract_strided_slice %gather3A_1181 {offsets = [0], sizes = [1], strides = [1]} : vector<16xi32> to vector<1xi32>
          %squeeze3A_1183 = vector.extract %slice3A_1182[0] : i32 from vector<1xi32>
          %lt3A_1184 = arith.constant 0 : i32
          %lt3A_1185 = vector.broadcast %lt3A_1184 : i32 to vector<16xi32>
          %lt3A_1186 = arith.cmpi slt, %broadcast_in_dim3A_1171, %lt3A_1185 : vector<16xi32>
          %add3A_1187 = arith.constant 16 : i32
          %add3A_1188 = vector.broadcast %add3A_1187 : i32 to vector<16xi32>
          %add3A_1189 = arith.addi %broadcast_in_dim3A_1171, %add3A_1188 : vector<16xi32>
          %select_n3A_1190 = arith.select %lt3A_1186, %add3A_1189, %broadcast_in_dim3A_1171 : vector<16xi1>, vector<16xi32>
          %broadcast_in_dim3A_1191 = vector.shape_cast %select_n3A_1190 : vector<16xi32> to vector<16x1xi32>
          %gather3A_1192 = vector.shape_cast %broadcast_in_dim3A_1191 : vector<16x1xi32> to vector<16xi32>
          %gather3A_1193 = tpu.dynamic_gather %get3A_1157[%gather3A_1192] in [0] : vector<16xi32>, vector<16xi32> -> vector<16xi32>
          %slice3A_1194 = vector.extract_strided_slice %gather3A_1193 {offsets = [0], sizes = [1], strides = [1]} : vector<16xi32> to vector<1xi32>
          %squeeze3A_1195 = vector.extract %slice3A_1194[0] : i32 from vector<1xi32>
          %and3A_1196 = arith.constant 3 : i32
          %and3A_1197 = arith.andi %squeeze3A_1195, %and3A_1196 : i32
          %add3A_1198 = arith.addi %mul3A_1137, %and3A_1197 : i32
          %mul3A_1199 = arith.constant 16 : i32
          %mul3A_1200 = arith.muli %add3A_1153, %mul3A_1199 : i32
          %add3A_1201 = arith.addi %mul3A_1200, %squeeze3A_1170 : i32
          %and3A_1202 = arith.constant 127 : i32
          %and3A_1203 = arith.andi %squeeze3A_1183, %and3A_1202 : i32
          %broadcast_in_dim3A_1204 = vector.broadcast %and3A_1203 : i32 to vector<16xi32>
          %broadcast_in_dim3A_1205 = vector.broadcast %add3A_1198 : i32 to vector<16xi32>
          %add3A_1206 = arith.constant 0 : i32
          %add3A_1207 = vector.broadcast %add3A_1206 : i32 to vector<16xi32>
          %add3A_1208 = arith.addi %iota3A, %add3A_1207 : vector<16xi32>
          %gather3A_1209 = tpu.vector_load_idx %arg12[%broadcast_in_dim3A_1205, %add3A_1208, %broadcast_in_dim3A_1204] : memref<8x64x128xf32, #tpu.memory_space<vmem>>[vector<16xi32>, vector<16xi32>, vector<16xi32>], vector<16xf32>,
          %swap3A_1210 = arith.index_cast %add3A_1201 : i32 to index
          %swap3A_1211 = arith.constant 0 : index
          %swap3A_1212 = tpu.vector_load %arg13[%swap3A_1210, %swap3A_1211] {strides = array<i32>} : memref<352x64xf32, #tpu.memory_space<vmem>>, vector<16xf32>,
          tpu.vector_store %arg13[%swap3A_1210, %swap3A_1211], %gather3A_1209 {strides = array<i32>} : memref<352x64xf32, #tpu.memory_space<vmem>>, vector<16xf32>,
          %add3A_1213 = arith.constant 16 : i32
          %add3A_1214 = vector.broadcast %add3A_1213 : i32 to vector<16xi32>
          %add3A_1215 = arith.addi %iota3A, %add3A_1214 : vector<16xi32>
          %gather3A_1216 = tpu.vector_load_idx %arg12[%broadcast_in_dim3A_1205, %add3A_1215, %broadcast_in_dim3A_1204] : memref<8x64x128xf32, #tpu.memory_space<vmem>>[vector<16xi32>, vector<16xi32>, vector<16xi32>], vector<16xf32>,
          %swap3A_1217 = arith.index_cast %add3A_1201 : i32 to index
          %swap3A_1218 = arith.constant 16 : index
          %swap3A_1219 = tpu.vector_load %arg13[%swap3A_1217, %swap3A_1218] {strides = array<i32>} : memref<352x64xf32, #tpu.memory_space<vmem>>, vector<16xf32>,
          tpu.vector_store %arg13[%swap3A_1217, %swap3A_1218], %gather3A_1216 {strides = array<i32>} : memref<352x64xf32, #tpu.memory_space<vmem>>, vector<16xf32>,
          %add3A_1220 = arith.constant 32 : i32
          %add3A_1221 = vector.broadcast %add3A_1220 : i32 to vector<16xi32>
          %add3A_1222 = arith.addi %iota3A, %add3A_1221 : vector<16xi32>
          %gather3A_1223 = tpu.vector_load_idx %arg12[%broadcast_in_dim3A_1205, %add3A_1222, %broadcast_in_dim3A_1204] : memref<8x64x128xf32, #tpu.memory_space<vmem>>[vector<16xi32>, vector<16xi32>, vector<16xi32>], vector<16xf32>,
          %swap3A_1224 = arith.index_cast %add3A_1201 : i32 to index
          %swap3A_1225 = arith.constant 32 : index
          %swap3A_1226 = tpu.vector_load %arg13[%swap3A_1224, %swap3A_1225] {strides = array<i32>} : memref<352x64xf32, #tpu.memory_space<vmem>>, vector<16xf32>,
          tpu.vector_store %arg13[%swap3A_1224, %swap3A_1225], %gather3A_1223 {strides = array<i32>} : memref<352x64xf32, #tpu.memory_space<vmem>>, vector<16xf32>,
          %add3A_1227 = arith.constant 48 : i32
          %add3A_1228 = vector.broadcast %add3A_1227 : i32 to vector<16xi32>
          %add3A_1229 = arith.addi %iota3A, %add3A_1228 : vector<16xi32>
          %gather3A_1230 = tpu.vector_load_idx %arg12[%broadcast_in_dim3A_1205, %add3A_1229, %broadcast_in_dim3A_1204] : memref<8x64x128xf32, #tpu.memory_space<vmem>>[vector<16xi32>, vector<16xi32>, vector<16xi32>], vector<16xf32>,
          %swap3A_1231 = arith.index_cast %add3A_1201 : i32 to index
          %swap3A_1232 = arith.constant 48 : index
          %swap3A_1233 = tpu.vector_load %arg13[%swap3A_1231, %swap3A_1232] {strides = array<i32>} : memref<352x64xf32, #tpu.memory_space<vmem>>, vector<16xf32>,
          tpu.vector_store %arg13[%swap3A_1231, %swap3A_1232], %gather3A_1230 {strides = array<i32>} : memref<352x64xf32, #tpu.memory_space<vmem>>, vector<16xf32>,
          %ne3A = vector.broadcast %squeeze3A_1170 : i32 to vector<16xi32>
          %ne3A_1234 = arith.cmpi ne, %iota3A, %ne3A : vector<16xi32>
          %and3A_1235 = arith.andi %while3A_1168, %ne3A_1234 : vector<16xi1>
          scf.yield %and3A_1235 : vector<16xi1>
        }
      }
      %scan3A_1142 = arith.constant 22 : i32
      %add3A_1143 = arith.constant 2 : i32
      %add3A_1144 = arith.addi %add3A_1121, %add3A_1143 : i32
      %lt3A = arith.cmpi slt, %add3A_1144, %shift_right_arithmetic3A_565 : i32
      %convert_element_type3A_1145 = arith.extui %lt3A : i1 to i32
      %cond3A_1146 = arith.constant 0 : i32
      %cond3A_1147 = arith.cmpi ne, %convert_element_type3A_1145, %cond3A_1146 : i32
      scf.if %cond3A_1147 {
        %add3A_1149 = arith.constant 2 : i32
        %add3A_1150 = arith.addi %add3A_1121, %add3A_1149 : i32
        %mul3A_1151 = arith.constant 4 : i32
        %mul3A_1152 = arith.muli %add3A_1150, %mul3A_1151 : i32
        %get3A_1153 = arith.index_cast %mul3A_1152 : i32 to index
        %get3A_1154 = tpu.vector_load %arg11[%get3A_1153] {strides = array<i32>} : memref<272xi32, #tpu.memory_space<vmem>>, vector<16xi32>,
        %and3A_1155 = arith.constant 1 : i32
        %and3A_1156 = arith.andi %add3A_1150, %and3A_1155 : i32
        %eq3A_1157 = arith.constant 0 : i32
        %eq3A_1158 = arith.cmpi eq, %and3A_1156, %eq3A_1157 : i32
        %convert_element_type3A_1159 = arith.extui %eq3A_1158 : i1 to i32
        %cond3A_1160 = arith.constant 0 : i32
        %cond3A_1161 = arith.cmpi ne, %convert_element_type3A_1159, %cond3A_1160 : i32
        scf.if %cond3A_1161 {
          %slice3A_1169 = vector.extract_strided_slice %get3A_1154 {offsets = [0], sizes = [1], strides = [1]} : vector<16xi32> to vector<1xi32>
          %squeeze3A_1170 = vector.extract %slice3A_1169[0] : i32 from vector<1xi32>
          %max3A_1171 = arith.constant 0 : i32
          %max3A_1172 = arith.maxsi %squeeze3A_1170, %max3A_1171 : i32
          %add3A_1173 = arith.addi %mul3A_2, %max3A_1172 : i32
          %mul3A_1174 = arith.constant 128 : i32
          %mul3A_1175 = arith.muli %add3A_1173, %mul3A_1174 : i32
          %multiple_of3A = tpu.assume_multiple %mul3A_1175, 128 : i32
          %dma_start3A = arith.constant 0 : i32
          %dma_start3A_1176 = arith.constant 0 : i32
          %dma_start3A_1177 = arith.constant 0 : i32
          %dma_start3A_1178 = arith.constant 0 : i32
          %dma_start3A_1179 = tpu.memref_slice %arg12[%dma_start3A, %dma_start3A_1177, %dma_start3A_1178] : memref<8x64x128xf32, #tpu.memory_space<vmem>> -> memref<1x64x128xf32, #tpu.memory_space<vmem>>
          %dma_start3A_1180 = tpu.memref_squeeze %dma_start3A_1179 : memref<1x64x128xf32, #tpu.memory_space<vmem>> -> memref<64x128xf32, #tpu.memory_space<vmem>>
          %dma_start3A_1181 = arith.constant 0 : i32
          %dma_start3A_1182 = tpu.memref_slice %arg2[%dma_start3A_1181, %multiple_of3A] : memref<64x1000000xf32, #tpu.memory_space<hbm>> -> memref<64x128xf32, #tpu.memory_space<hbm>>
          %dma_start3A_1183 = tpu.memref_slice %arg14[%dma_start3A_1176] : memref<8x!tpu.dma_semaphore, #tpu.memory_space<semaphore_mem>> -> memref<1x!tpu.dma_semaphore, #tpu.memory_space<semaphore_mem>>
          %dma_start3A_1184 = tpu.memref_squeeze %dma_start3A_1183 : memref<1x!tpu.dma_semaphore, #tpu.memory_space<semaphore_mem>> -> memref<!tpu.dma_semaphore, #tpu.memory_space<semaphore_mem>>
          %dma_start3A_1185 = arith.constant 0 : i32
          %dma_start3A_1186 = arith.constant 0 : i32
          %dma_start3A_1187 = tpu.memref_slice %arg12[%dma_start3A, %dma_start3A_1185, %dma_start3A_1186] : memref<8x64x128xf32, #tpu.memory_space<vmem>> -> memref<1x64x128xf32, #tpu.memory_space<vmem>>
          %dma_start3A_1188 = tpu.memref_squeeze %dma_start3A_1187 : memref<1x64x128xf32, #tpu.memory_space<vmem>> -> memref<64x128xf32, #tpu.memory_space<vmem>>
          %dma_start3A_1189 = arith.constant 0 : i32
          %dma_start3A_1190 = tpu.memref_slice %arg2[%dma_start3A_1189, %multiple_of3A] : memref<64x1000000xf32, #tpu.memory_space<hbm>> -> memref<64x128xf32, #tpu.memory_space<hbm>>
          tpu.enqueue_dma source(%dma_start3A_1190 : memref<64x128xf32, #tpu.memory_space<hbm>>) target(%dma_start3A_1188 : memref<64x128xf32, #tpu.memory_space<vmem>>) target_semaphore(%dma_start3A_1184 : memref<!tpu.dma_semaphore, #tpu.memory_space<semaphore_mem>>)
          %slice3A_1191 = vector.extract_strided_slice %get3A_1154 {offsets = [1], sizes = [1], strides = [1]} : vector<16xi32> to vector<1xi32>
          %squeeze3A_1192 = vector.extract %slice3A_1191[0] : i32 from vector<1xi32>
          %max3A_1193 = arith.constant 0 : i32
          %max3A_1194 = arith.maxsi %squeeze3A_1192, %max3A_1193 : i32
          %add3A_1195 = arith.addi %mul3A_2, %max3A_1194 : i32
          %mul3A_1196 = arith.constant 128 : i32
          %mul3A_1197 = arith.muli %add3A_1195, %mul3A_1196 : i32
          %multiple_of3A_1198 = tpu.assume_multiple %mul3A_1197, 128 : i32
          %dma_start3A_1199 = arith.constant 1 : i32
          %dma_start3A_1200 = arith.constant 1 : i32
          %dma_start3A_1201 = arith.constant 0 : i32
          %dma_start3A_1202 = arith.constant 0 : i32
          %dma_start3A_1203 = tpu.memref_slice %arg12[%dma_start3A_1199, %dma_start3A_1201, %dma_start3A_1202] : memref<8x64x128xf32, #tpu.memory_space<vmem>> -> memref<1x64x128xf32, #tpu.memory_space<vmem>>
          %dma_start3A_1204 = tpu.memref_squeeze %dma_start3A_1203 : memref<1x64x128xf32, #tpu.memory_space<vmem>> -> memref<64x128xf32, #tpu.memory_space<vmem>>
          %dma_start3A_1205 = arith.constant 0 : i32
          %dma_start3A_1206 = tpu.memref_slice %arg2[%dma_start3A_1205, %multiple_of3A_1198] : memref<64x1000000xf32, #tpu.memory_space<hbm>> -> memref<64x128xf32, #tpu.memory_space<hbm>>
          %dma_start3A_1207 = tpu.memref_slice %arg14[%dma_start3A_1200] : memref<8x!tpu.dma_semaphore, #tpu.memory_space<semaphore_mem>> -> memref<1x!tpu.dma_semaphore, #tpu.memory_space<semaphore_mem>>
          %dma_start3A_1208 = tpu.memref_squeeze %dma_start3A_1207 : memref<1x!tpu.dma_semaphore, #tpu.memory_space<semaphore_mem>> -> memref<!tpu.dma_semaphore, #tpu.memory_space<semaphore_mem>>
          %dma_start3A_1209 = arith.constant 0 : i32
          %dma_start3A_1210 = arith.constant 0 : i32
          %dma_start3A_1211 = tpu.memref_slice %arg12[%dma_start3A_1199, %dma_start3A_1209, %dma_start3A_1210] : memref<8x64x128xf32, #tpu.memory_space<vmem>> -> memref<1x64x128xf32, #tpu.memory_space<vmem>>
          %dma_start3A_1212 = tpu.memref_squeeze %dma_start3A_1211 : memref<1x64x128xf32, #tpu.memory_space<vmem>> -> memref<64x128xf32, #tpu.memory_space<vmem>>
          %dma_start3A_1213 = arith.constant 0 : i32
          %dma_start3A_1214 = tpu.memref_slice %arg2[%dma_start3A_1213, %multiple_of3A_1198] : memref<64x1000000xf32, #tpu.memory_space<hbm>> -> memref<64x128xf32, #tpu.memory_space<hbm>>
          tpu.enqueue_dma source(%dma_start3A_1214 : memref<64x128xf32, #tpu.memory_space<hbm>>) target(%dma_start3A_1212 : memref<64x128xf32, #tpu.memory_space<vmem>>) target_semaphore(%dma_start3A_1208 : memref<!tpu.dma_semaphore, #tpu.memory_space<semaphore_mem>>)
          %slice3A_1215 = vector.extract_strided_slice %get3A_1154 {offsets = [2], sizes = [1], strides = [1]} : vector<16xi32> to vector<1xi32>
          %squeeze3A_1216 = vector.extract %slice3A_1215[0] : i32 from vector<1xi32>
          %max3A_1217 = arith.constant 0 : i32
          %max3A_1218 = arith.maxsi %squeeze3A_1216, %max3A_1217 : i32
          %add3A_1219 = arith.addi %mul3A_2, %max3A_1218 : i32
          %mul3A_1220 = arith.constant 128 : i32
          %mul3A_1221 = arith.muli %add3A_1219, %mul3A_1220 : i32
          %multiple_of3A_1222 = tpu.assume_multiple %mul3A_1221, 128 : i32
          %dma_start3A_1223 = arith.constant 2 : i32
          %dma_start3A_1224 = arith.constant 2 : i32
          %dma_start3A_1225 = arith.constant 0 : i32
          %dma_start3A_1226 = arith.constant 0 : i32
          %dma_start3A_1227 = tpu.memref_slice %arg12[%dma_start3A_1223, %dma_start3A_1225, %dma_start3A_1226] : memref<8x64x128xf32, #tpu.memory_space<vmem>> -> memref<1x64x128xf32, #tpu.memory_space<vmem>>
          %dma_start3A_1228 = tpu.memref_squeeze %dma_start3A_1227 : memref<1x64x128xf32, #tpu.memory_space<vmem>> -> memref<64x128xf32, #tpu.memory_space<vmem>>
          %dma_start3A_1229 = arith.constant 0 : i32
          %dma_start3A_1230 = tpu.memref_slice %arg2[%dma_start3A_1229, %multiple_of3A_1222] : memref<64x1000000xf32, #tpu.memory_space<hbm>> -> memref<64x128xf32, #tpu.memory_space<hbm>>
          %dma_start3A_1231 = tpu.memref_slice %arg14[%dma_start3A_1224] : memref<8x!tpu.dma_semaphore, #tpu.memory_space<semaphore_mem>> -> memref<1x!tpu.dma_semaphore, #tpu.memory_space<semaphore_mem>>
          %dma_start3A_1232 = tpu.memref_squeeze %dma_start3A_1231 : memref<1x!tpu.dma_semaphore, #tpu.memory_space<semaphore_mem>> -> memref<!tpu.dma_semaphore, #tpu.memory_space<semaphore_mem>>
          %dma_start3A_1233 = arith.constant 0 : i32
          %dma_start3A_1234 = arith.constant 0 : i32
          %dma_start3A_1235 = tpu.memref_slice %arg12[%dma_start3A_1223, %dma_start3A_1233, %dma_start3A_1234] : memref<8x64x128xf32, #tpu.memory_space<vmem>> -> memref<1x64x128xf32, #tpu.memory_space<vmem>>
          %dma_start3A_1236 = tpu.memref_squeeze %dma_start3A_1235 : memref<1x64x128xf32, #tpu.memory_space<vmem>> -> memref<64x128xf32, #tpu.memory_space<vmem>>
          %dma_start3A_1237 = arith.constant 0 : i32
          %dma_start3A_1238 = tpu.memref_slice %arg2[%dma_start3A_1237, %multiple_of3A_1222] : memref<64x1000000xf32, #tpu.memory_space<hbm>> -> memref<64x128xf32, #tpu.memory_space<hbm>>
          tpu.enqueue_dma source(%dma_start3A_1238 : memref<64x128xf32, #tpu.memory_space<hbm>>) target(%dma_start3A_1236 : memref<64x128xf32, #tpu.memory_space<vmem>>) target_semaphore(%dma_start3A_1232 : memref<!tpu.dma_semaphore, #tpu.memory_space<semaphore_mem>>)
          %slice3A_1239 = vector.extract_strided_slice %get3A_1154 {offsets = [3], sizes = [1], strides = [1]} : vector<16xi32> to vector<1xi32>
          %squeeze3A_1240 = vector.extract %slice3A_1239[0] : i32 from vector<1xi32>
          %max3A_1241 = arith.constant 0 : i32
          %max3A_1242 = arith.maxsi %squeeze3A_1240, %max3A_1241 : i32
          %add3A_1243 = arith.addi %mul3A_2, %max3A_1242 : i32
          %mul3A_1244 = arith.constant 128 : i32
          %mul3A_1245 = arith.muli %add3A_1243, %mul3A_1244 : i32
          %multiple_of3A_1246 = tpu.assume_multiple %mul3A_1245, 128 : i32
          %dma_start3A_1247 = arith.constant 3 : i32
          %dma_start3A_1248 = arith.constant 3 : i32
          %dma_start3A_1249 = arith.constant 0 : i32
          %dma_start3A_1250 = arith.constant 0 : i32
          %dma_start3A_1251 = tpu.memref_slice %arg12[%dma_start3A_1247, %dma_start3A_1249, %dma_start3A_1250] : memref<8x64x128xf32, #tpu.memory_space<vmem>> -> memref<1x64x128xf32, #tpu.memory_space<vmem>>
          %dma_start3A_1252 = tpu.memref_squeeze %dma_start3A_1251 : memref<1x64x128xf32, #tpu.memory_space<vmem>> -> memref<64x128xf32, #tpu.memory_space<vmem>>
          %dma_start3A_1253 = arith.constant 0 : i32
          %dma_start3A_1254 = tpu.memref_slice %arg2[%dma_start3A_1253, %multiple_of3A_1246] : memref<64x1000000xf32, #tpu.memory_space<hbm>> -> memref<64x128xf32, #tpu.memory_space<hbm>>
          %dma_start3A_1255 = tpu.memref_slice %arg14[%dma_start3A_1248] : memref<8x!tpu.dma_semaphore, #tpu.memory_space<semaphore_mem>> -> memref<1x!tpu.dma_semaphore, #tpu.memory_space<semaphore_mem>>
          %dma_start3A_1256 = tpu.memref_squeeze %dma_start3A_1255 : memref<1x!tpu.dma_semaphore, #tpu.memory_space<semaphore_mem>> -> memref<!tpu.dma_semaphore, #tpu.memory_space<semaphore_mem>>
          %dma_start3A_1257 = arith.constant 0 : i32
          %dma_start3A_1258 = arith.constant 0 : i32
          %dma_start3A_1259 = tpu.memref_slice %arg12[%dma_start3A_1247, %dma_start3A_1257, %dma_start3A_1258] : memref<8x64x128xf32, #tpu.memory_space<vmem>> -> memref<1x64x128xf32, #tpu.memory_space<vmem>>
          %dma_start3A_1260 = tpu.memref_squeeze %dma_start3A_1259 : memref<1x64x128xf32, #tpu.memory_space<vmem>> -> memref<64x128xf32, #tpu.memory_space<vmem>>
          %dma_start3A_1261 = arith.constant 0 : i32
          %dma_start3A_1262 = tpu.memref_slice %arg2[%dma_start3A_1261, %multiple_of3A_1246] : memref<64x1000000xf32, #tpu.memory_space<hbm>> -> memref<64x128xf32, #tpu.memory_space<hbm>>
          tpu.enqueue_dma source(%dma_start3A_1262 : memref<64x128xf32, #tpu.memory_space<hbm>>) target(%dma_start3A_1260 : memref<64x128xf32, #tpu.memory_space<vmem>>) target_semaphore(%dma_start3A_1256 : memref<!tpu.dma_semaphore, #tpu.memory_space<semaphore_mem>>)
        } else {
        }
        %and3A_1162 = arith.constant 1 : i32
        %and3A_1163 = arith.andi %add3A_1150, %and3A_1162 : i32
        %eq3A_1164 = arith.constant 1 : i32
        %eq3A_1165 = arith.cmpi eq, %and3A_1163, %eq3A_1164 : i32
        %convert_element_type3A_1166 = arith.extui %eq3A_1165 : i1 to i32
        %cond3A_1167 = arith.constant 0 : i32
        %cond3A_1168 = arith.cmpi ne, %convert_element_type3A_1166, %cond3A_1167 : i32
        scf.if %cond3A_1168 {
          %slice3A_1169 = vector.extract_strided_slice %get3A_1154 {offsets = [0], sizes = [1], strides = [1]} : vector<16xi32> to vector<1xi32>
          %squeeze3A_1170 = vector.extract %slice3A_1169[0] : i32 from vector<1xi32>
          %max3A_1171 = arith.constant 0 : i32
          %max3A_1172 = arith.maxsi %squeeze3A_1170, %max3A_1171 : i32
          %add3A_1173 = arith.addi %mul3A_2, %max3A_1172 : i32
          %mul3A_1174 = arith.constant 128 : i32
          %mul3A_1175 = arith.muli %add3A_1173, %mul3A_1174 : i32
          %multiple_of3A = tpu.assume_multiple %mul3A_1175, 128 : i32
          %dma_start3A = arith.constant 4 : i32
          %dma_start3A_1176 = arith.constant 4 : i32
          %dma_start3A_1177 = arith.constant 0 : i32
          %dma_start3A_1178 = arith.constant 0 : i32
          %dma_start3A_1179 = tpu.memref_slice %arg12[%dma_start3A, %dma_start3A_1177, %dma_start3A_1178] : memref<8x64x128xf32, #tpu.memory_space<vmem>> -> memref<1x64x128xf32, #tpu.memory_space<vmem>>
          %dma_start3A_1180 = tpu.memref_squeeze %dma_start3A_1179 : memref<1x64x128xf32, #tpu.memory_space<vmem>> -> memref<64x128xf32, #tpu.memory_space<vmem>>
          %dma_start3A_1181 = arith.constant 0 : i32
          %dma_start3A_1182 = tpu.memref_slice %arg2[%dma_start3A_1181, %multiple_of3A] : memref<64x1000000xf32, #tpu.memory_space<hbm>> -> memref<64x128xf32, #tpu.memory_space<hbm>>
          %dma_start3A_1183 = tpu.memref_slice %arg14[%dma_start3A_1176] : memref<8x!tpu.dma_semaphore, #tpu.memory_space<semaphore_mem>> -> memref<1x!tpu.dma_semaphore, #tpu.memory_space<semaphore_mem>>
          %dma_start3A_1184 = tpu.memref_squeeze %dma_start3A_1183 : memref<1x!tpu.dma_semaphore, #tpu.memory_space<semaphore_mem>> -> memref<!tpu.dma_semaphore, #tpu.memory_space<semaphore_mem>>
          %dma_start3A_1185 = arith.constant 0 : i32
          %dma_start3A_1186 = arith.constant 0 : i32
          %dma_start3A_1187 = tpu.memref_slice %arg12[%dma_start3A, %dma_start3A_1185, %dma_start3A_1186] : memref<8x64x128xf32, #tpu.memory_space<vmem>> -> memref<1x64x128xf32, #tpu.memory_space<vmem>>
          %dma_start3A_1188 = tpu.memref_squeeze %dma_start3A_1187 : memref<1x64x128xf32, #tpu.memory_space<vmem>> -> memref<64x128xf32, #tpu.memory_space<vmem>>
          %dma_start3A_1189 = arith.constant 0 : i32
          %dma_start3A_1190 = tpu.memref_slice %arg2[%dma_start3A_1189, %multiple_of3A] : memref<64x1000000xf32, #tpu.memory_space<hbm>> -> memref<64x128xf32, #tpu.memory_space<hbm>>
          tpu.enqueue_dma source(%dma_start3A_1190 : memref<64x128xf32, #tpu.memory_space<hbm>>) target(%dma_start3A_1188 : memref<64x128xf32, #tpu.memory_space<vmem>>) target_semaphore(%dma_start3A_1184 : memref<!tpu.dma_semaphore, #tpu.memory_space<semaphore_mem>>)
          %slice3A_1191 = vector.extract_strided_slice %get3A_1154 {offsets = [1], sizes = [1], strides = [1]} : vector<16xi32> to vector<1xi32>
          %squeeze3A_1192 = vector.extract %slice3A_1191[0] : i32 from vector<1xi32>
          %max3A_1193 = arith.constant 0 : i32
          %max3A_1194 = arith.maxsi %squeeze3A_1192, %max3A_1193 : i32
          %add3A_1195 = arith.addi %mul3A_2, %max3A_1194 : i32
          %mul3A_1196 = arith.constant 128 : i32
          %mul3A_1197 = arith.muli %add3A_1195, %mul3A_1196 : i32
          %multiple_of3A_1198 = tpu.assume_multiple %mul3A_1197, 128 : i32
          %dma_start3A_1199 = arith.constant 5 : i32
          %dma_start3A_1200 = arith.constant 5 : i32
          %dma_start3A_1201 = arith.constant 0 : i32
          %dma_start3A_1202 = arith.constant 0 : i32
          %dma_start3A_1203 = tpu.memref_slice %arg12[%dma_start3A_1199, %dma_start3A_1201, %dma_start3A_1202] : memref<8x64x128xf32, #tpu.memory_space<vmem>> -> memref<1x64x128xf32, #tpu.memory_space<vmem>>
          %dma_start3A_1204 = tpu.memref_squeeze %dma_start3A_1203 : memref<1x64x128xf32, #tpu.memory_space<vmem>> -> memref<64x128xf32, #tpu.memory_space<vmem>>
          %dma_start3A_1205 = arith.constant 0 : i32
          %dma_start3A_1206 = tpu.memref_slice %arg2[%dma_start3A_1205, %multiple_of3A_1198] : memref<64x1000000xf32, #tpu.memory_space<hbm>> -> memref<64x128xf32, #tpu.memory_space<hbm>>
          %dma_start3A_1207 = tpu.memref_slice %arg14[%dma_start3A_1200] : memref<8x!tpu.dma_semaphore, #tpu.memory_space<semaphore_mem>> -> memref<1x!tpu.dma_semaphore, #tpu.memory_space<semaphore_mem>>
          %dma_start3A_1208 = tpu.memref_squeeze %dma_start3A_1207 : memref<1x!tpu.dma_semaphore, #tpu.memory_space<semaphore_mem>> -> memref<!tpu.dma_semaphore, #tpu.memory_space<semaphore_mem>>
          %dma_start3A_1209 = arith.constant 0 : i32
          %dma_start3A_1210 = arith.constant 0 : i32
          %dma_start3A_1211 = tpu.memref_slice %arg12[%dma_start3A_1199, %dma_start3A_1209, %dma_start3A_1210] : memref<8x64x128xf32, #tpu.memory_space<vmem>> -> memref<1x64x128xf32, #tpu.memory_space<vmem>>
          %dma_start3A_1212 = tpu.memref_squeeze %dma_start3A_1211 : memref<1x64x128xf32, #tpu.memory_space<vmem>> -> memref<64x128xf32, #tpu.memory_space<vmem>>
          %dma_start3A_1213 = arith.constant 0 : i32
          %dma_start3A_1214 = tpu.memref_slice %arg2[%dma_start3A_1213, %multiple_of3A_1198] : memref<64x1000000xf32, #tpu.memory_space<hbm>> -> memref<64x128xf32, #tpu.memory_space<hbm>>
          tpu.enqueue_dma source(%dma_start3A_1214 : memref<64x128xf32, #tpu.memory_space<hbm>>) target(%dma_start3A_1212 : memref<64x128xf32, #tpu.memory_space<vmem>>) target_semaphore(%dma_start3A_1208 : memref<!tpu.dma_semaphore, #tpu.memory_space<semaphore_mem>>)
          %slice3A_1215 = vector.extract_strided_slice %get3A_1154 {offsets = [2], sizes = [1], strides = [1]} : vector<16xi32> to vector<1xi32>
          %squeeze3A_1216 = vector.extract %slice3A_1215[0] : i32 from vector<1xi32>
          %max3A_1217 = arith.constant 0 : i32
          %max3A_1218 = arith.maxsi %squeeze3A_1216, %max3A_1217 : i32
          %add3A_1219 = arith.addi %mul3A_2, %max3A_1218 : i32
          %mul3A_1220 = arith.constant 128 : i32
          %mul3A_1221 = arith.muli %add3A_1219, %mul3A_1220 : i32
          %multiple_of3A_1222 = tpu.assume_multiple %mul3A_1221, 128 : i32
          %dma_start3A_1223 = arith.constant 6 : i32
          %dma_start3A_1224 = arith.constant 6 : i32
          %dma_start3A_1225 = arith.constant 0 : i32
          %dma_start3A_1226 = arith.constant 0 : i32
          %dma_start3A_1227 = tpu.memref_slice %arg12[%dma_start3A_1223, %dma_start3A_1225, %dma_start3A_1226] : memref<8x64x128xf32, #tpu.memory_space<vmem>> -> memref<1x64x128xf32, #tpu.memory_space<vmem>>
          %dma_start3A_1228 = tpu.memref_squeeze %dma_start3A_1227 : memref<1x64x128xf32, #tpu.memory_space<vmem>> -> memref<64x128xf32, #tpu.memory_space<vmem>>
          %dma_start3A_1229 = arith.constant 0 : i32
          %dma_start3A_1230 = tpu.memref_slice %arg2[%dma_start3A_1229, %multiple_of3A_1222] : memref<64x1000000xf32, #tpu.memory_space<hbm>> -> memref<64x128xf32, #tpu.memory_space<hbm>>
          %dma_start3A_1231 = tpu.memref_slice %arg14[%dma_start3A_1224] : memref<8x!tpu.dma_semaphore, #tpu.memory_space<semaphore_mem>> -> memref<1x!tpu.dma_semaphore, #tpu.memory_space<semaphore_mem>>
          %dma_start3A_1232 = tpu.memref_squeeze %dma_start3A_1231 : memref<1x!tpu.dma_semaphore, #tpu.memory_space<semaphore_mem>> -> memref<!tpu.dma_semaphore, #tpu.memory_space<semaphore_mem>>
          %dma_start3A_1233 = arith.constant 0 : i32
          %dma_start3A_1234 = arith.constant 0 : i32
          %dma_start3A_1235 = tpu.memref_slice %arg12[%dma_start3A_1223, %dma_start3A_1233, %dma_start3A_1234] : memref<8x64x128xf32, #tpu.memory_space<vmem>> -> memref<1x64x128xf32, #tpu.memory_space<vmem>>
          %dma_start3A_1236 = tpu.memref_squeeze %dma_start3A_1235 : memref<1x64x128xf32, #tpu.memory_space<vmem>> -> memref<64x128xf32, #tpu.memory_space<vmem>>
          %dma_start3A_1237 = arith.constant 0 : i32
          %dma_start3A_1238 = tpu.memref_slice %arg2[%dma_start3A_1237, %multiple_of3A_1222] : memref<64x1000000xf32, #tpu.memory_space<hbm>> -> memref<64x128xf32, #tpu.memory_space<hbm>>
          tpu.enqueue_dma source(%dma_start3A_1238 : memref<64x128xf32, #tpu.memory_space<hbm>>) target(%dma_start3A_1236 : memref<64x128xf32, #tpu.memory_space<vmem>>) target_semaphore(%dma_start3A_1232 : memref<!tpu.dma_semaphore, #tpu.memory_space<semaphore_mem>>)
          %slice3A_1239 = vector.extract_strided_slice %get3A_1154 {offsets = [3], sizes = [1], strides = [1]} : vector<16xi32> to vector<1xi32>
          %squeeze3A_1240 = vector.extract %slice3A_1239[0] : i32 from vector<1xi32>
          %max3A_1241 = arith.constant 0 : i32
          %max3A_1242 = arith.maxsi %squeeze3A_1240, %max3A_1241 : i32
          %add3A_1243 = arith.addi %mul3A_2, %max3A_1242 : i32
          %mul3A_1244 = arith.constant 128 : i32
          %mul3A_1245 = arith.muli %add3A_1243, %mul3A_1244 : i32
          %multiple_of3A_1246 = tpu.assume_multiple %mul3A_1245, 128 : i32
          %dma_start3A_1247 = arith.constant 7 : i32
          %dma_start3A_1248 = arith.constant 7 : i32
          %dma_start3A_1249 = arith.constant 0 : i32
          %dma_start3A_1250 = arith.constant 0 : i32
          %dma_start3A_1251 = tpu.memref_slice %arg12[%dma_start3A_1247, %dma_start3A_1249, %dma_start3A_1250] : memref<8x64x128xf32, #tpu.memory_space<vmem>> -> memref<1x64x128xf32, #tpu.memory_space<vmem>>
          %dma_start3A_1252 = tpu.memref_squeeze %dma_start3A_1251 : memref<1x64x128xf32, #tpu.memory_space<vmem>> -> memref<64x128xf32, #tpu.memory_space<vmem>>
          %dma_start3A_1253 = arith.constant 0 : i32
          %dma_start3A_1254 = tpu.memref_slice %arg2[%dma_start3A_1253, %multiple_of3A_1246] : memref<64x1000000xf32, #tpu.memory_space<hbm>> -> memref<64x128xf32, #tpu.memory_space<hbm>>
          %dma_start3A_1255 = tpu.memref_slice %arg14[%dma_start3A_1248] : memref<8x!tpu.dma_semaphore, #tpu.memory_space<semaphore_mem>> -> memref<1x!tpu.dma_semaphore, #tpu.memory_space<semaphore_mem>>
          %dma_start3A_1256 = tpu.memref_squeeze %dma_start3A_1255 : memref<1x!tpu.dma_semaphore, #tpu.memory_space<semaphore_mem>> -> memref<!tpu.dma_semaphore, #tpu.memory_space<semaphore_mem>>
          %dma_start3A_1257 = arith.constant 0 : i32
          %dma_start3A_1258 = arith.constant 0 : i32
          %dma_start3A_1259 = tpu.memref_slice %arg12[%dma_start3A_1247, %dma_start3A_1257, %dma_start3A_1258] : memref<8x64x128xf32, #tpu.memory_space<vmem>> -> memref<1x64x128xf32, #tpu.memory_space<vmem>>
          %dma_start3A_1260 = tpu.memref_squeeze %dma_start3A_1259 : memref<1x64x128xf32, #tpu.memory_space<vmem>> -> memref<64x128xf32, #tpu.memory_space<vmem>>
          %dma_start3A_1261 = arith.constant 0 : i32
          %dma_start3A_1262 = tpu.memref_slice %arg2[%dma_start3A_1261, %multiple_of3A_1246] : memref<64x1000000xf32, #tpu.memory_space<hbm>> -> memref<64x128xf32, #tpu.memory_space<hbm>>
          tpu.enqueue_dma source(%dma_start3A_1262 : memref<64x128xf32, #tpu.memory_space<hbm>>) target(%dma_start3A_1260 : memref<64x128xf32, #tpu.memory_space<vmem>>) target_semaphore(%dma_start3A_1256 : memref<!tpu.dma_semaphore, #tpu.memory_space<semaphore_mem>>)
        } else {
        }
      } else {
      }
      %while3A_1148 = arith.constant 0 : i32
      scf.yield %while3A_1148 : i32
    }
    %sub3A_1072 = arith.constant 0 : i32
    %sub3A_1073 = arith.subi %min3A_229, %sub3A_1072 : i32
    %sub3A_1074 = arith.constant 1 : i32
    %sub3A_1075 = arith.constant 1 : i32
    %sub3A_1076 = arith.subi %sub3A_1074, %sub3A_1075 : i32
    %add3A_1077 = arith.addi %sub3A_1073, %sub3A_1076 : i32
    %div3A_1078 = arith.constant 1 : i32
    %div3A_1079 = arith.divsi %add3A_1077, %div3A_1078 : i32
    %while3A_1080 = arith.constant 1 : i32
    %while3A_1081 = arith.constant 0 : i32
    %while3A_1082 = arith.constant 0 : i32
    %while3A_1083 = arith.constant 0 : i32
    %while3A_1084 = arith.subi %div3A_1079, %while3A_1082 : i32
    %while3A_1085 = arith.addi %while3A_1082, %while3A_1084 : i32
    %while3A_1086 = arith.constant 1 : i32
    %while3A_1087 = arith.divsi %while3A_1084, %while3A_1086 : i32
    %while3A_1088 = arith.muli %while3A_1087, %while3A_1086 : i32
    %while3A_1089 = arith.addi %while3A_1082, %while3A_1088 : i32
    %while3A_1090 = arith.constant 1 : i32
    %while3A_1091 = scf.for %while3A_1118 = %while3A_1082 to %while3A_1089 step %while3A_1090 iter_args(%while3A_1119 = %while3A_1083) -> (i32)  : i32 {
      %mul3A_1120 = arith.muli %while3A_1118, %while3A_1080 : i32
      %add3A_1121 = arith.addi %while3A_1081, %mul3A_1120 : i32
      %shift_right_arithmetic3A_1122 = arith.constant 4 : i32
      %shift_right_arithmetic3A_1123 = arith.shrsi %add3A_1121, %shift_right_arithmetic3A_1122 : i32
      %shift_left3A = arith.constant 4 : i32
      %shift_left3A_1124 = arith.shli %shift_right_arithmetic3A_1123, %shift_left3A : i32
      %get3A_1125 = arith.index_cast %shift_left3A_1124 : i32 to index
      %get3A_1126 = tpu.vector_load %arg7[%get3A_1125] {strides = array<i32>} : memref<352xi32, #tpu.memory_space<vmem>>, vector<16xi32>,
      %and3A = arith.constant 15 : i32
      %and3A_1127 = arith.andi %add3A_1121, %and3A : i32
      %broadcast_in_dim3A_1128 = vector.broadcast %and3A_1127 : i32 to vector<16xi32>
      %lt3A = arith.constant 0 : i32
      %lt3A_1129 = vector.broadcast %lt3A : i32 to vector<16xi32>
      %lt3A_1130 = arith.cmpi slt, %broadcast_in_dim3A_1128, %lt3A_1129 : vector<16xi32>
      %add3A_1131 = arith.constant 16 : i32
      %add3A_1132 = vector.broadcast %add3A_1131 : i32 to vector<16xi32>
      %add3A_1133 = arith.addi %broadcast_in_dim3A_1128, %add3A_1132 : vector<16xi32>
      %select_n3A_1134 = arith.select %lt3A_1130, %add3A_1133, %broadcast_in_dim3A_1128 : vector<16xi1>, vector<16xi32>
      %broadcast_in_dim3A_1135 = vector.shape_cast %select_n3A_1134 : vector<16xi32> to vector<16x1xi32>
      %gather3A_1136 = vector.shape_cast %broadcast_in_dim3A_1135 : vector<16x1xi32> to vector<16xi32>
      %gather3A_1137 = tpu.dynamic_gather %get3A_1126[%gather3A_1136] in [0] : vector<16xi32>, vector<16xi32> -> vector<16xi32>
      %slice3A_1138 = vector.extract_strided_slice %gather3A_1137 {offsets = [0], sizes = [1], strides = [1]} : vector<16xi32> to vector<1xi32>
      %squeeze3A_1139 = vector.extract %slice3A_1138[0] : i32 from vector<1xi32>
      %dma_start3A = arith.constant 0 : i32
      %dma_start3A_1140 = tpu.memref_slice %arg13[%add3A_1121, %dma_start3A] : memref<352x64xf32, #tpu.memory_space<vmem>> -> memref<1x64xf32, #tpu.memory_space<vmem>>
      %dma_start3A_1141 = arith.constant 0 : i32
      %dma_start3A_1142 = tpu.memref_slice %arg4[%squeeze3A_1139, %dma_start3A_1141] : memref<8192x64xf32, #tpu.memory_space<hbm>> -> memref<1x64xf32, #tpu.memory_space<hbm>>
      %dma_start3A_1143 = arith.constant 0 : i32
      %dma_start3A_1144 = tpu.memref_slice %arg4[%squeeze3A_1139, %dma_start3A_1143] : memref<8192x64xf32, #tpu.memory_space<hbm>> -> memref<1x64xf32, #tpu.memory_space<hbm>>
      %dma_start3A_1145 = arith.constant 0 : i32
      %dma_start3A_1146 = tpu.memref_slice %arg13[%add3A_1121, %dma_start3A_1145] : memref<352x64xf32, #tpu.memory_space<vmem>> -> memref<1x64xf32, #tpu.memory_space<vmem>>
      tpu.enqueue_dma source(%dma_start3A_1146 : memref<1x64xf32, #tpu.memory_space<vmem>>) target(%dma_start3A_1144 : memref<1x64xf32, #tpu.memory_space<hbm>>) target_semaphore(%arg15 : memref<!tpu.dma_semaphore, #tpu.memory_space<semaphore_mem>>)
      %ge3A_1147 = arith.constant 32 : i32
      %ge3A_1148 = arith.cmpi sge, %add3A_1121, %ge3A_1147 : i32
      %convert_element_type3A_1149 = arith.extui %ge3A_1148 : i1 to i32
      %cond3A_1150 = arith.constant 0 : i32
      %cond3A_1151 = arith.cmpi ne, %convert_element_type3A_1149, %cond3A_1150 : i32
      scf.if %cond3A_1151 {
        %dma_wait3A = arith.constant 0 : i32
        %dma_wait3A_1153 = arith.constant 0 : i32
        %dma_wait3A_1154 = tpu.memref_slice %arg13[%dma_wait3A, %dma_wait3A_1153] : memref<352x64xf32, #tpu.memory_space<vmem>> -> memref<1x64xf32, #tpu.memory_space<vmem>>
        %dma_wait3A_1155 = arith.constant 0 : i32
        %dma_wait3A_1156 = arith.constant 0 : i32
        %dma_wait3A_1157 = tpu.memref_slice %arg4[%dma_wait3A_1155, %dma_wait3A_1156] : memref<8192x64xf32, #tpu.memory_space<hbm>> -> memref<1x64xf32, #tpu.memory_space<hbm>>
        %dma_wait3A_1158 = arith.constant 0 : i32
        %dma_wait3A_1159 = arith.constant 0 : i32
        %dma_wait3A_1160 = tpu.memref_slice %arg4[%dma_wait3A_1158, %dma_wait3A_1159] : memref<8192x64xf32, #tpu.memory_space<hbm>> -> memref<1x64xf32, #tpu.memory_space<hbm>>
        %dma_wait3A_1161 = arith.constant 0 : i32
        %dma_wait3A_1162 = arith.constant 0 : i32
        %dma_wait3A_1163 = tpu.memref_slice %arg13[%dma_wait3A_1161, %dma_wait3A_1162] : memref<352x64xf32, #tpu.memory_space<vmem>> -> memref<1x64xf32, #tpu.memory_space<vmem>>
        tpu.wait_dma2 semaphore(%arg15 : memref<!tpu.dma_semaphore, #tpu.memory_space<semaphore_mem>>) src(%dma_wait3A_1163 : memref<1x64xf32, #tpu.memory_space<vmem>>) dst(%dma_wait3A_1160 : memref<1x64xf32, #tpu.memory_space<hbm>>)
      } else {
      }
      %while3A_1152 = arith.constant 0 : i32
      scf.yield %while3A_1152 : i32
    }
    %while3A_1092 = arith.constant 1 : i32
    %while3A_1093 = scf.for %while3A_1118 = %while3A_1089 to %while3A_1085 step %while3A_1092 iter_args(%while3A_1119 = %while3A_1091) -> (i32)  : i32 {
      %mul3A_1120 = arith.muli %while3A_1118, %while3A_1080 : i32
      %add3A_1121 = arith.addi %while3A_1081, %mul3A_1120 : i32
      %shift_right_arithmetic3A_1122 = arith.constant 4 : i32
      %shift_right_arithmetic3A_1123 = arith.shrsi %add3A_1121, %shift_right_arithmetic3A_1122 : i32
      %shift_left3A = arith.constant 4 : i32
      %shift_left3A_1124 = arith.shli %shift_right_arithmetic3A_1123, %shift_left3A : i32
      %get3A_1125 = arith.index_cast %shift_left3A_1124 : i32 to index
      %get3A_1126 = tpu.vector_load %arg7[%get3A_1125] {strides = array<i32>} : memref<352xi32, #tpu.memory_space<vmem>>, vector<16xi32>,
      %and3A = arith.constant 15 : i32
      %and3A_1127 = arith.andi %add3A_1121, %and3A : i32
      %broadcast_in_dim3A_1128 = vector.broadcast %and3A_1127 : i32 to vector<16xi32>
      %lt3A = arith.constant 0 : i32
      %lt3A_1129 = vector.broadcast %lt3A : i32 to vector<16xi32>
      %lt3A_1130 = arith.cmpi slt, %broadcast_in_dim3A_1128, %lt3A_1129 : vector<16xi32>
      %add3A_1131 = arith.constant 16 : i32
      %add3A_1132 = vector.broadcast %add3A_1131 : i32 to vector<16xi32>
      %add3A_1133 = arith.addi %broadcast_in_dim3A_1128, %add3A_1132 : vector<16xi32>
      %select_n3A_1134 = arith.select %lt3A_1130, %add3A_1133, %broadcast_in_dim3A_1128 : vector<16xi1>, vector<16xi32>
      %broadcast_in_dim3A_1135 = vector.shape_cast %select_n3A_1134 : vector<16xi32> to vector<16x1xi32>
      %gather3A_1136 = vector.shape_cast %broadcast_in_dim3A_1135 : vector<16x1xi32> to vector<16xi32>
      %gather3A_1137 = tpu.dynamic_gather %get3A_1126[%gather3A_1136] in [0] : vector<16xi32>, vector<16xi32> -> vector<16xi32>
      %slice3A_1138 = vector.extract_strided_slice %gather3A_1137 {offsets = [0], sizes = [1], strides = [1]} : vector<16xi32> to vector<1xi32>
      %squeeze3A_1139 = vector.extract %slice3A_1138[0] : i32 from vector<1xi32>
      %dma_start3A = arith.constant 0 : i32
      %dma_start3A_1140 = tpu.memref_slice %arg13[%add3A_1121, %dma_start3A] : memref<352x64xf32, #tpu.memory_space<vmem>> -> memref<1x64xf32, #tpu.memory_space<vmem>>
      %dma_start3A_1141 = arith.constant 0 : i32
      %dma_start3A_1142 = tpu.memref_slice %arg4[%squeeze3A_1139, %dma_start3A_1141] : memref<8192x64xf32, #tpu.memory_space<hbm>> -> memref<1x64xf32, #tpu.memory_space<hbm>>
      %dma_start3A_1143 = arith.constant 0 : i32
      %dma_start3A_1144 = tpu.memref_slice %arg4[%squeeze3A_1139, %dma_start3A_1143] : memref<8192x64xf32, #tpu.memory_space<hbm>> -> memref<1x64xf32, #tpu.memory_space<hbm>>
      %dma_start3A_1145 = arith.constant 0 : i32
      %dma_start3A_1146 = tpu.memref_slice %arg13[%add3A_1121, %dma_start3A_1145] : memref<352x64xf32, #tpu.memory_space<vmem>> -> memref<1x64xf32, #tpu.memory_space<vmem>>
      tpu.enqueue_dma source(%dma_start3A_1146 : memref<1x64xf32, #tpu.memory_space<vmem>>) target(%dma_start3A_1144 : memref<1x64xf32, #tpu.memory_space<hbm>>) target_semaphore(%arg15 : memref<!tpu.dma_semaphore, #tpu.memory_space<semaphore_mem>>)
      %ge3A_1147 = arith.constant 32 : i32
      %ge3A_1148 = arith.cmpi sge, %add3A_1121, %ge3A_1147 : i32
      %convert_element_type3A_1149 = arith.extui %ge3A_1148 : i1 to i32
      %cond3A_1150 = arith.constant 0 : i32
      %cond3A_1151 = arith.cmpi ne, %convert_element_type3A_1149, %cond3A_1150 : i32
      scf.if %cond3A_1151 {
        %dma_wait3A = arith.constant 0 : i32
        %dma_wait3A_1153 = arith.constant 0 : i32
        %dma_wait3A_1154 = tpu.memref_slice %arg13[%dma_wait3A, %dma_wait3A_1153] : memref<352x64xf32, #tpu.memory_space<vmem>> -> memref<1x64xf32, #tpu.memory_space<vmem>>
        %dma_wait3A_1155 = arith.constant 0 : i32
        %dma_wait3A_1156 = arith.constant 0 : i32
        %dma_wait3A_1157 = tpu.memref_slice %arg4[%dma_wait3A_1155, %dma_wait3A_1156] : memref<8192x64xf32, #tpu.memory_space<hbm>> -> memref<1x64xf32, #tpu.memory_space<hbm>>
        %dma_wait3A_1158 = arith.constant 0 : i32
        %dma_wait3A_1159 = arith.constant 0 : i32
        %dma_wait3A_1160 = tpu.memref_slice %arg4[%dma_wait3A_1158, %dma_wait3A_1159] : memref<8192x64xf32, #tpu.memory_space<hbm>> -> memref<1x64xf32, #tpu.memory_space<hbm>>
        %dma_wait3A_1161 = arith.constant 0 : i32
        %dma_wait3A_1162 = arith.constant 0 : i32
        %dma_wait3A_1163 = tpu.memref_slice %arg13[%dma_wait3A_1161, %dma_wait3A_1162] : memref<352x64xf32, #tpu.memory_space<vmem>> -> memref<1x64xf32, #tpu.memory_space<vmem>>
        tpu.wait_dma2 semaphore(%arg15 : memref<!tpu.dma_semaphore, #tpu.memory_space<semaphore_mem>>) src(%dma_wait3A_1163 : memref<1x64xf32, #tpu.memory_space<vmem>>) dst(%dma_wait3A_1160 : memref<1x64xf32, #tpu.memory_space<hbm>>)
      } else {
      }
      %while3A_1152 = arith.constant 0 : i32
      scf.yield %while3A_1152 : i32
    }
    %min3A_1094 = arith.constant 32 : i32
    %min3A_1095 = arith.minsi %min3A_229, %min3A_1094 : i32
    %sub3A_1096 = arith.constant 0 : i32
    %sub3A_1097 = arith.subi %min3A_1095, %sub3A_1096 : i32
    %sub3A_1098 = arith.constant 1 : i32
    %sub3A_1099 = arith.constant 1 : i32
    %sub3A_1100 = arith.subi %sub3A_1098, %sub3A_1099 : i32
    %add3A_1101 = arith.addi %sub3A_1097, %sub3A_1100 : i32
    %div3A_1102 = arith.constant 1 : i32
    %div3A_1103 = arith.divsi %add3A_1101, %div3A_1102 : i32
    %while3A_1104 = arith.constant 1 : i32
    %while3A_1105 = arith.constant 0 : i32
    %while3A_1106 = arith.constant 0 : i32
    %while3A_1107 = arith.constant 0 : i32
    %while3A_1108 = arith.subi %div3A_1103, %while3A_1106 : i32
    %while3A_1109 = arith.addi %while3A_1106, %while3A_1108 : i32
    %while3A_1110 = arith.constant 1 : i32
    %while3A_1111 = arith.divsi %while3A_1108, %while3A_1110 : i32
    %while3A_1112 = arith.muli %while3A_1111, %while3A_1110 : i32
    %while3A_1113 = arith.addi %while3A_1106, %while3A_1112 : i32
    %while3A_1114 = arith.constant 1 : i32
    %while3A_1115 = scf.for %while3A_1118 = %while3A_1106 to %while3A_1113 step %while3A_1114 iter_args(%while3A_1119 = %while3A_1107) -> (i32)  : i32 {
      %mul3A_1120 = arith.muli %while3A_1118, %while3A_1104 : i32
      %add3A_1121 = arith.addi %while3A_1105, %mul3A_1120 : i32
      %dma_wait3A = arith.constant 0 : i32
      %dma_wait3A_1122 = arith.constant 0 : i32
      %dma_wait3A_1123 = tpu.memref_slice %arg13[%dma_wait3A, %dma_wait3A_1122] : memref<352x64xf32, #tpu.memory_space<vmem>> -> memref<1x64xf32, #tpu.memory_space<vmem>>
      %dma_wait3A_1124 = arith.constant 0 : i32
      %dma_wait3A_1125 = arith.constant 0 : i32
      %dma_wait3A_1126 = tpu.memref_slice %arg4[%dma_wait3A_1124, %dma_wait3A_1125] : memref<8192x64xf32, #tpu.memory_space<hbm>> -> memref<1x64xf32, #tpu.memory_space<hbm>>
      %dma_wait3A_1127 = arith.constant 0 : i32
      %dma_wait3A_1128 = arith.constant 0 : i32
      %dma_wait3A_1129 = tpu.memref_slice %arg4[%dma_wait3A_1127, %dma_wait3A_1128] : memref<8192x64xf32, #tpu.memory_space<hbm>> -> memref<1x64xf32, #tpu.memory_space<hbm>>
      %dma_wait3A_1130 = arith.constant 0 : i32
      %dma_wait3A_1131 = arith.constant 0 : i32
      %dma_wait3A_1132 = tpu.memref_slice %arg13[%dma_wait3A_1130, %dma_wait3A_1131] : memref<352x64xf32, #tpu.memory_space<vmem>> -> memref<1x64xf32, #tpu.memory_space<vmem>>
      tpu.wait_dma2 semaphore(%arg15 : memref<!tpu.dma_semaphore, #tpu.memory_space<semaphore_mem>>) src(%dma_wait3A_1132 : memref<1x64xf32, #tpu.memory_space<vmem>>) dst(%dma_wait3A_1129 : memref<1x64xf32, #tpu.memory_space<hbm>>)
      %while3A_1133 = arith.constant 0 : i32
      scf.yield %while3A_1133 : i32
    }
    %while3A_1116 = arith.constant 1 : i32
    %while3A_1117 = scf.for %while3A_1118 = %while3A_1113 to %while3A_1109 step %while3A_1116 iter_args(%while3A_1119 = %while3A_1115) -> (i32)  : i32 {
      %mul3A_1120 = arith.muli %while3A_1118, %while3A_1104 : i32
      %add3A_1121 = arith.addi %while3A_1105, %mul3A_1120 : i32
      %dma_wait3A = arith.constant 0 : i32
      %dma_wait3A_1122 = arith.constant 0 : i32
      %dma_wait3A_1123 = tpu.memref_slice %arg13[%dma_wait3A, %dma_wait3A_1122] : memref<352x64xf32, #tpu.memory_space<vmem>> -> memref<1x64xf32, #tpu.memory_space<vmem>>
      %dma_wait3A_1124 = arith.constant 0 : i32
      %dma_wait3A_1125 = arith.constant 0 : i32
      %dma_wait3A_1126 = tpu.memref_slice %arg4[%dma_wait3A_1124, %dma_wait3A_1125] : memref<8192x64xf32, #tpu.memory_space<hbm>> -> memref<1x64xf32, #tpu.memory_space<hbm>>
      %dma_wait3A_1127 = arith.constant 0 : i32
      %dma_wait3A_1128 = arith.constant 0 : i32
      %dma_wait3A_1129 = tpu.memref_slice %arg4[%dma_wait3A_1127, %dma_wait3A_1128] : memref<8192x64xf32, #tpu.memory_space<hbm>> -> memref<1x64xf32, #tpu.memory_space<hbm>>
      %dma_wait3A_1130 = arith.constant 0 : i32
      %dma_wait3A_1131 = arith.constant 0 : i32
      %dma_wait3A_1132 = tpu.memref_slice %arg13[%dma_wait3A_1130, %dma_wait3A_1131] : memref<352x64xf32, #tpu.memory_space<vmem>> -> memref<1x64xf32, #tpu.memory_space<vmem>>
      tpu.wait_dma2 semaphore(%arg15 : memref<!tpu.dma_semaphore, #tpu.memory_space<semaphore_mem>>) src(%dma_wait3A_1132 : memref<1x64xf32, #tpu.memory_space<vmem>>) dst(%dma_wait3A_1129 : memref<1x64xf32, #tpu.memory_space<hbm>>)
      %while3A_1133 = arith.constant 0 : i32
      scf.yield %while3A_1133 : i32
    }
    return
  }
}

module attributes {stable_mosaic.version = 14 : i64} {
  func.func @_tok_body(%arg0: i32, %arg1: memref<4x2112x2048xf32, #tpu.memory_space<any>>, %arg2: memref<2048x64xf32, #tpu.memory_space<vmem>>, %arg3: memref<1x64x2048xf32, #tpu.memory_space<vmem>>) attributes {dimension_semantics = [#tpu.dimension_semantics<arbitrary>], iteration_bounds = array<i64: 4>, scalar_prefetch = 0 : i64, scratch_operands = 0 : i64, tpu.core_type = #tpu.core_type<tc>, window_params = [{}, {transform_indices = @transform_1, window_bounds = array<i64: 2048, 64>}, {transform_indices = @transform_2, window_bounds = array<i64: 1, 64, 2048>}]} {
    %iota3A = tpu.iota {dimensions = array<i32: 0>} : vector<64x64xi32>
    %iota3A_0 = tpu.iota {dimensions = array<i32: 1>} : vector<64x64xi32>
    %eq3A = arith.cmpi eq, %iota3A, %iota3A_0 : vector<64x64xi32>
    %convert_element_type3A = arith.extui %eq3A : vector<64x64xi1> to vector<64x64xi32>
    %convert_element_type3A_1 = arith.sitofp %convert_element_type3A : vector<64x64xi32> to vector<64x64xf32>
    %get3A = arith.constant 0 : index
    %get3A_2 = arith.constant 0 : index
    %get3A_3 = vector.load %arg2[%get3A, %get3A_2] : memref<2048x64xf32, #tpu.memory_space<vmem>>, vector<2048x64xf32>
    %dot_general3A = arith.constant dense<0.000000e+00> : vector<64x2048xf32>
    %dot_general3A_4 = tpu.matmul %convert_element_type3A_1, %get3A_3, %dot_general3A {dimension_numbers = #tpu.dot_dimension_numbers<[1], [1], [0], [0], [0, 0, 1, 0], [], []>, transpose_lhs_hint = false} : vector<64x64xf32>, vector<2048x64xf32>, vector<64x2048xf32> -> vector<64x2048xf32>
    %swap3A = arith.constant 0 : index
    %swap3A_5 = arith.constant 0 : index
    %swap3A_6 = arith.constant 0 : index
    %swap3A_7 = vector.load %arg3[%swap3A, %swap3A_5, %swap3A_6] : memref<1x64x2048xf32, #tpu.memory_space<vmem>>, vector<1x64x2048xf32>
    %swap3A_8 = vector.shape_cast %swap3A_7 : vector<1x64x2048xf32> to vector<64x2048xf32>
    %swap3A_9 = vector.shape_cast %dot_general3A_4 : vector<64x2048xf32> to vector<1x64x2048xf32>
    tpu.vector_store %arg3[%swap3A, %swap3A_5, %swap3A_6], %swap3A_9 {strides = array<i32>} : memref<1x64x2048xf32, #tpu.memory_space<vmem>>, vector<1x64x2048xf32>,
    return
  }
  func.func @transform_1(%arg0: i32) -> (i32, i32) {
    %c0_i32 = arith.constant 0 : i32
    %c0_i32_0 = arith.constant 0 : i32
    return %arg0, %c0_i32 : i32, i32
  }
  func.func @transform_2(%arg0: i32) -> (i32, i32, i32) {
    %c0_i32 = arith.constant 0 : i32
    %c0_i32_0 = arith.constant 0 : i32
    %c0_i32_1 = arith.constant 0 : i32
    return %arg0, %c0_i32, %c0_i32_0 : i32, i32, i32
  }
}

module attributes {stable_mosaic.version = 14 : i64} {
  func.func @_pe_body(%arg0: i32, %arg1: i32, %arg2: memref<1x1x2048xi32, #tpu.memory_space<vmem>>, %arg3: memref<1x528x2048xf32, #tpu.memory_space<vmem>>) attributes {dimension_semantics = [#tpu.dimension_semantics<arbitrary>, #tpu.dimension_semantics<arbitrary>], iteration_bounds = array<i64: 4, 4>, scalar_prefetch = 0 : i64, scratch_operands = 0 : i64, tpu.core_type = #tpu.core_type<tc>, window_params = [{transform_indices = @transform_0, window_bounds = array<i64: 1, 1, 2048>}, {transform_indices = @transform_1, window_bounds = array<i64: 1, 528, 2048>}]} {
    %iota3A = tpu.iota {dimensions = array<i32: 0>} : vector<528x2048xi32>
    %mul3A = arith.constant 528 : i32
    %mul3A_0 = arith.muli %arg1, %mul3A : i32
    %sub3A = arith.constant 64 : i32
    %sub3A_1 = arith.subi %mul3A_0, %sub3A : i32
    %add3A = vector.broadcast %sub3A_1 : i32 to vector<528x2048xi32>
    %add3A_2 = arith.addi %iota3A, %add3A : vector<528x2048xi32>
    %get3A = arith.constant 0 : index
    %get3A_3 = arith.constant 0 : index
    %get3A_4 = arith.constant 0 : index
    %get3A_5 = vector.load %arg2[%get3A, %get3A_3, %get3A_4] : memref<1x1x2048xi32, #tpu.memory_space<vmem>>, vector<1x1x2048xi32>
    %get3A_6 = vector.shape_cast %get3A_5 : vector<1x1x2048xi32> to vector<1x2048xi32>
    %eq3A = vector.broadcast %get3A_6 : vector<1x2048xi32> to vector<528x2048xi32>
    %eq3A_7 = arith.cmpi eq, %add3A_2, %eq3A : vector<528x2048xi32>
    %convert_element_type3A = arith.extui %eq3A_7 : vector<528x2048xi1> to vector<528x2048xi32>
    %convert_element_type3A_8 = arith.sitofp %convert_element_type3A : vector<528x2048xi32> to vector<528x2048xf32>
    %swap3A = arith.constant 0 : index
    %swap3A_9 = arith.constant 0 : index
    %swap3A_10 = arith.constant 0 : index
    %swap3A_11 = vector.load %arg3[%swap3A, %swap3A_9, %swap3A_10] : memref<1x528x2048xf32, #tpu.memory_space<vmem>>, vector<1x528x2048xf32>
    %swap3A_12 = vector.shape_cast %swap3A_11 : vector<1x528x2048xf32> to vector<528x2048xf32>
    %swap3A_13 = vector.shape_cast %convert_element_type3A_8 : vector<528x2048xf32> to vector<1x528x2048xf32>
    tpu.vector_store %arg3[%swap3A, %swap3A_9, %swap3A_10], %swap3A_13 {strides = array<i32>} : memref<1x528x2048xf32, #tpu.memory_space<vmem>>, vector<1x528x2048xf32>,
    return
  }
  func.func @transform_0(%arg0: i32, %arg1: i32) -> (i32, i32, i32) {
    %c0_i32 = arith.constant 0 : i32
    %c0_i32_0 = arith.constant 0 : i32
    %c0_i32_1 = arith.constant 0 : i32
    return %arg0, %c0_i32, %c0_i32_0 : i32, i32, i32
  }
  func.func @transform_1(%arg0: i32, %arg1: i32) -> (i32, i32, i32) {
    %c0_i32 = arith.constant 0 : i32
    %c0_i32_0 = arith.constant 0 : i32
    return %arg0, %arg1, %c0_i32 : i32, i32, i32
  }
}

</mosaic_0001>

<sc_bundles>
// kernel: kernel.5.cloned.1.call-start
scs
__scs_entry_jumppad:
0x0: {  	(pc) =	sbr.rel $0x88, $3  }
0x1: {  	(tag) =	ssettag $0x0;
	lr =	simm.s32 $0x1  }
0x2: {  	[smem:$0x3F9E] =	sst lr;
	_ =	strace $0xD0000000  }
0x3: {  	_ = 	snop  }
0x4: {  	_ = 	snop  }
0x5: {  	_ = 	snop  }
0x6: {  	_ = 	snop  }
0x7: {  	_ = 	snop  }
__scs_overlays_trampoline_lowered:
0x8: {  	[smem:$0x3FAD] =	sst s0  }
0x9: {  	[smem:$0x3FAE] =	sst s1  }
0xa: {  	[smem:$0x3FAF] =	sst s2  }
0xb: {  	[smem:$0x3FB0] =	sst s3  }
0xc: {  	[smem:$0x3FB1] =	sst s4  }
0xd: {  	[smem:$0x3FB2] =	sst s5  }
0xe: {  	[smem:$0x3FB3] =	sst s6  }
0xf: {  	[smem:$0x3FB4] =	sst s7  }
0x10: {  	[smem:$0x3FB5] =	sst s8  }
0x11: {  	[smem:$0x3FB6] =	sst s9;
	s0 =	simm.s32 @!p0 $0x0  }
0x12: {  	s1 =	sld [smem:$0x3F9C];
	s0 =	simm.s32 @p0 $0x1  }
0x13: {  	[smem:$0x3FB7] =	sst s0;
	s0 =	simm.s32 @!p1 $0x0  }
0x14: {  	s2 =	sld [smem:$0x3F9B];
	s0 =	simm.s32 @p1 $0x1  }
0x15: {  	[smem:$0x3FB8] =	sst s0;
	s0 =	simm.s32 @!p2 $0x0  }
0x16: {  	s3 =	sld [smem:$0x3FDB];
	s0 =	simm.s32 @p2 $0x1  }
0x17: {  	s4 =	simm.s32 $0x1BF5;
	[smem:$0x3FBA] =	sst s0  }
0x18: {  	s0 =	sld [smem:$0x3F9D];
	_ =	swait.ge [sflag:s4], $0x0  }
0x19: {  	s7 =	sld [smem:$0x3F9E]  }
0x1a: {  	s8 =	sadd.s32 $0xFFFFE003, lr  }
0x1b: {  	s9 =	sadd.s32 $0xFFFFFEF7, lr;
	s5 =	simm.s32 $0xFFFFFFFF;
	p2 =	slt.u32 s8, $0xFFFFF086  }
0x1c: {  	p1 =	slt.u32 s9, $0xF7A;
	s5 =	simm.s32 @!p2 $0x0  }
0x1d: {  	s5 =	simm.s32 @p1 $0x1;
	p0 =	seq.s32 s7, s2  }
0x1e: {  	s7 =	smul.u32 @!p0 $0xF7A, s2;
	p2 =	seq.s32 @!p0 s5, $0x0  }
0x1f: {  	s9 =	smul.u32 $0xF7A, s1;
	s8 =	simm.s32 @!p0 $0x1BF5;
	p2 =	por !p2, p0  }
0x20: {  	[sflag:s8] =	ssyncset.s32 @!p0 $0xFFFFF086;
	s6 =	sadd.s32 @!p0 s3, s7;
	s7 =	simm.s32 @!p0 $0x108  }
0x21: {  	s3 =	sadd.s32 s3, s9;
	s6 =	sadd.s32 @!p0 $0x88, s6;
	s7 =	simm.s32 @p2 $0x1082  }
0x22: {  	[simem:s7], [sflag:s8] =	dma.local @!p0 [hbm:s6], $0xF7A  }
0x23: {  	s9 =	sor.u32 $0xD0000000, s2;
	s6 =	simm.s32 $0x108;
	_ =	swait.ge @!p0 [sflag:s8], $0x0  }
0x24: {  	s3 =	sadd.s32 $0x88, s3;
	s6 =	simm.s32 @!p1 $0x1082;
	[sflag:s4] =	ssyncset.s32 $0xFFFFF086  }
0x25: {  	[simem:s6], [sflag:s4] =	dma.local [hbm:s3], $0xF7A  }
0x26: {  	[smem:$0x3F9E] =	sst s1;
	(tag) =	ssettag s2;
	_ =	strace s9  }
0x27: {  	s1 =	sld [smem:$0x3FAE]  }
0x28: {  	s2 =	sld [smem:$0x3FAF]  }
0x29: {  	s4 =	sld [smem:$0x3FB1]  }
0x2a: {  	p0 =	seq.s32 s5, $0x0;
	s5 =	sld [smem:$0x3FB2]  }
0x2b: {  	s6 =	sld [smem:$0x3FB3]  }
0x2c: {  	s7 =	sld [smem:$0x3FB4]  }
0x2d: {  	s3 =	simm.s32 $0x108;
	s8 =	sld [smem:$0x3FB5]  }
0x2e: {  	s3 =	simm.s32 @!p0 $0x1082;
	s9 =	sld [smem:$0x3FB6]  }
0x2f: {  	lr =	sadd.s32 s0, s3;
	s0 =	sld [smem:$0x3FAD]  }
0x30: {  	s3 =	sld [smem:$0x3FB0]  }
0x31: {  	[smem:$0x3FB9] =	sst s10  }
0x32: {  	s10 =	sld [smem:$0x3FB7];
	_ =	sdelay $0x3  }
0x33: {  	p0 =	seq.s32 s10, $0x1;
	s10 =	sld [smem:$0x3FB9];
	_ =	sdelay $0x3  }
0x34: {  	[smem:$0x3FB9] =	sst s10  }
0x35: {  	s10 =	sld [smem:$0x3FB8];
	_ =	sdelay $0x3  }
0x36: {  	p1 =	seq.s32 s10, $0x1;
	s10 =	sld [smem:$0x3FB9];
	_ =	sdelay $0x3  }
0x37: {  	[smem:$0x3FB9] =	sst s10  }
0x38: {  	s10 =	sld [smem:$0x3FBA]  }
0x39: {  	_ = 	snop;
	(pc) =	sbr.ind lr, $3  }
0x3a: {  	_ = 	snop  }
0x3b: {  	_ = 	snop  }
0x3c: {  	p2 =	seq.s32 s10, $0x1;
	s10 =	sld [smem:$0x3FB9]  }
0x3d: {  	_ =	shalt  }
0x3e: {  	_ =	shalt  }
0x3f: {  	_ =	shalt  }
0x40: {  	_ =	shalt  }
0x41: {  	_ =	shalt  }
0x42: {  	_ =	shalt  }
0x43: {  	_ =	shalt  }
0x44: {  	_ =	shalt  }
0x45: {  	_ =	shalt  }
0x46: {  	_ =	shalt  }
0x47: {  	_ =	shalt  }
0x48: {  	_ =	shalt  }
0x49: {  	_ =	shalt  }
0x4a: {  	_ =	shalt  }
0x4b: {  	_ =	shalt  }
0x4c: {  	_ =	shalt  }
0x4d: {  	_ =	shalt  }
0x4e: {  	_ =	shalt  }
0x4f: {  	_ =	shalt  }
0x50: {  	_ =	shalt  }
0x51: {  	_ =	shalt  }
0x52: {  	_ =	shalt  }
0x53: {  	_ =	shalt  }
0x54: {  	_ =	shalt  }
0x55: {  	_ =	shalt  }
0x56: {  	_ =	shalt  }
0x57: {  	_ =	shalt  }
0x58: {  	_ =	shalt  }
0x59: {  	_ =	shalt  }
0x5a: {  	_ =	shalt  }
0x5b: {  	_ =	shalt  }
0x5c: {  	_ =	shalt  }
0x5d: {  	_ =	shalt  }
0x5e: {  	_ =	shalt  }
0x5f: {  	_ =	shalt  }
0x60: {  	_ =	shalt  }
0x61: {  	_ =	shalt  }
0x62: {  	_ =	shalt  }
0x63: {  	_ =	shalt  }
0x64: {  	_ =	shalt  }
0x65: {  	_ =	shalt  }
0x66: {  	_ =	shalt  }
0x67: {  	_ =	shalt  }
0x68: {  	_ =	shalt  }
0x69: {  	_ =	shalt  }
0x6a: {  	_ =	shalt  }
0x6b: {  	_ =	shalt  }
0x6c: {  	_ =	shalt  }
0x6d: {  	_ =	shalt  }
0x6e: {  	_ =	shalt  }
0x6f: {  	_ =	shalt  }
0x70: {  	_ =	shalt  }
0x71: {  	_ =	shalt  }
0x72: {  	_ =	shalt  }
0x73: {  	_ =	shalt  }
0x74: {  	_ =	shalt  }
0x75: {  	_ =	shalt  }
0x76: {  	_ =	shalt  }
0x77: {  	_ =	shalt  }
0x78: {  	_ =	shalt  }
0x79: {  	_ =	shalt  }
0x7a: {  	_ =	shalt  }
0x7b: {  	_ =	shalt  }
0x7c: {  	_ =	shalt  }
0x7d: {  	_ =	shalt  }
0x7e: {  	_ =	shalt  }
0x7f: {  	_ =	shalt  }
0x80: {  	_ =	shalt  }
0x81: {  	_ =	shalt  }
0x82: {  	_ =	shalt  }
0x83: {  	_ =	shalt  }
0x84: {  	_ =	shalt  }
0x85: {  	_ =	shalt  }
0x86: {  	_ =	shalt  }
0x87: {  	_ =	shalt  }
.Lfunc_end0:
.L_simem_size_0:
called_computation_lowered:
.L_overlay_start_0:
0x88: {  	s2 =	sld [smem:$0x3FD9]  }
0x89: {  	s3 =	sld [smem:$0x3FFE];
	_ =	sdelay $0x1  }
0x8a: {  	s1 =	srdreg.scid  }
0x8b: {  	s0 =	sand.u32 $0x1, s1  }
0x8c: {  	s17 =	sshll.u32 s0, $0xA;
	s2 =	sadd.s32 s3, s2  }
0x8d: {  	s2 =	sadd.s32 s2, s17  }
0x8e: {  	[smem:$0x3FC5] =	sst s2  }
0x8f: {  	_ = 	snop  }
0x90: {  	s2 =	sld [smem:$0x3FC7];
	(tm) =	ssettm $0x1  }
0x91: {  	s18 =	sld [smem:$0x3FFB];
	_ =	sdelay $0x3  }
0x92: {  	_ =	strace s18  }
0x93: {  	s3 =	sld [smem:$0x3FFC];
	_ =	sdelay $0x3  }
0x94: {  	_ =	strace s3  }
0x95: {  	s3 =	sld [smem:$0x3FFD];
	_ =	sdelay $0x3  }
0x96: {  	_ =	strace s3  }
0x97: {  	_ =	strace $0x8FFFFFFF  }
0x98: {  	s19 =	sld [smem:$0x3FDB];
	_ =	sdelay $0x1  }
0x99: {  	s4 =	simm.s32 $_scs_section_size  }
0x9a: {  	s5 =	simm.s32 $_size__tile_overlayer_lowered;
	s6 =	simm.s32 $_tile_overlayer_lowered  }
0x9b: {  	s22 =	simm.s32 $0x1BFF;
	s21 =	sshll.u32 s6, $0x1;
	s3 =	sadd.s32 s4, s19  }
0x9c: {  	s7 =	simm.s32 $0x0;
	s20 =	sshll.u32 s5, $0x1;
	s5 =	sadd.s32 s21, s3  }
0x9d: {  	[timem:s7], [sflag:s22] =	dma.local [hbm:s5], s20  }
0x9e: {  	_ =	swait.ge [sflag:s22], s20  }
0x9f: {  	s4 =	ssub.s32 $0x0, s20;
	[sflag:s22] =	ssyncset.done $0x0  }
0xa0: {  	[sflag:s22] =	ssyncadd.s32 s4;
	_ =	sdelay $0x1  }
0xa1: {  	s23 =	simm.s32 $0x1B8B  }
0xa2: {  	_ =	swait.ge [sflag:s23], $0x1  }
0xa3: {  	[sflag:s23] =	ssyncset.done $0x0  }
0xa4: {  	s25 =	simm.s32 $0x1B8E;
	s24 =	sld [smem:$0x3FFE];
	[sflag:s23] =	ssyncadd.s32 $0xFFFFFFFF  }
0xa5: {  	s26 =	simm.s32 $execute0_lowered;
	[smem:$0x3FD2] =	sst s25  }
0xa6: {  	s5 =	sshll.u32 s26, $0x1;
	_ =	strace $0x80000046;
	[dreg:$0x1] =	wrdreg $0xFFFFFFFF  }
0xa7: {  	s28 =	simm.s32 $_size_execute0_lowered;
	s3 =	sadd.s32 s3, s5;
	[dreg:$0x0] =	wrdreg $0x0  }
0xa8: {  	s5 =	sshll.u32 s28, $0x1;
	[dreg:$0x2] =	wrdreg s3  }
0xa9: {  	[dreg:$0x3] =	wrdreg s5  }
0xaa: {  	[dreg:$0x4] =	wrdreg $0xC0  }
0xab: {  	_ =	task [dreg:s7], $0x5FFFF  }
0xac: {  	[dreg:$0x1] =	wrdreg $0xFFFFFFFF  }
0xad: {  	[dreg:$0x0] =	wrdreg $0x60  }
0xae: {  	[dreg:$0x2] =	wrdreg s2  }
0xaf: {  	[dreg:$0x3] =	wrdreg s24  }
0xb0: {  	[dreg:$0x4] =	wrdreg $0x9  }
0xb1: {  	_ =	task.clear_ibuf [dreg:s7], $0x5FFFF;
	_ =	strace $0x90000046  }
0xb2: {  	s29 =	simm.s32 $0x9;
	_ =	strace $0x80000048  }
0xb3: {  	_ =	swait.ge [sflag:s29], $0x1  }
0xb4: {  	[sflag:s29] =	ssyncadd.s32 $0xFFFFFFFF  }
0xb5: {  	_ =	strace $0x90000048  }
0xb6: {  	_ =	sfence  }
0xb7: {  	s30 =	sld [smem:$0x0];
	_ =	sdelay $0x2  }
0xb8: {  	s31 =	sshll.u32 s1, $0xD;
	s1 =	sshrl.u32 s1, $0x2  }
0xb9: {  	s3 =	sand.u32 $0x4000, s31;
	s1 =	sadd.s32 s1, s30  }
0xba: {  	s0 =	sor.u32 s3, s0;
	s1 =	sshll.u32 s1, $0x11  }
0xbb: {  	s0 =	sor.u32 s1, s0  }
0xbc: {  	s0 =	sadd.s32 $0x8F2B, s0  }
0xbd: {  	[sflag:s0] =	ssyncadd.remote.s32 $0x1  }
0xbe: {  	_ =	sfence.sel $0xFFFF  }
0xbf: {  	[dreg:$0x0] =	wrdreg $0xFFFFFFFF;
	(pc) =	sbr.abs _section_cstart, $3  }
0xc0: {  	[dreg:$0x1] =	wrdreg $0xFFFFFFFF  }
0xc1: {  	_ =	task.clear_ibuf [dreg:s7], $0x2FFFF;
	_ =	strace $0x9FFFFFFF  }
0xc2: {  	(tm) =	ssettm $0x7FFFFFFF  }
0xc3: {  	_ =	shalt  }
tec
execute0_lowered:
.L_overlay_start_1:
0x0: {  	(tag) =	ssettag $0x1  }
0x1: {  	s1 =	srdreg.scid;
	s2 =	rddreg [dreg:$0x0]  }
0x2: {  	s0 =	stileid.u32;
	s6 =	rddreg [dreg:$0x1]  }
0x3: {  	s4 =	simm.s32 $0x0;
	s8 =	simm.s32 $0xA;
	s9 =	simm.s32 $0x2300  }
0x4: {  	v1 =	vimm.s32 $0xFFFFFFFF;
	s10 =	simm.s32 $0x2680;
	s11 =	simm.s32 $0x2400;
	s12 =	simm.s32 $0x400  }
0x5: {  	v2 =	vimm.s32 $0x0;
	v3 =	vlaneseq.u32;
	v4 =	vimm.s32 $0xFFFFFFFD;
	s13 =	simm.s32 $0x7A1400;
	s14 =	simm.s32 $0x2800;
	s15 =	simm.s32 $0x4800  }
0x6: {  	v13 =	vimm.s32 $0x1;
	s16 =	simm.s32 $0x6800;
	s17 =	simm.s32 $0x8800;
	v21 =	vimm.f32 $0.0e+00;
	s18 =	simm.s32 $0x9;
	v5 =	vor.u32 $0x10, v3  }
.Ltmp0:
0x7: {  	s5 =	sand.u32 $0x1, s1;
	s31 =	sshll.u32 s0, $0x1;
	v6 =	vor.u32 $0x20, v3;
	v7 =	vor.u32 $0x30, v3;
	v8 =	vor.u32 $0x40, v3;
	(pc) =	sbr.rel .LBB2_1-.Ltmp0, $4  }
0x8: {  	s19 =	simm.s32 $0x0;
	v9 =	vor.u32 $0x50, v3;
	v10 =	vor.u32 $0x60, v3;
	v11 =	vor.u32 $0x70, v3;
	s1 =	sor.u32 s5, s31;
	s5 =	ssub.s32 $0x2, s5  }
0x9: {  	[smem:$0x7FF] =	sst s4;
	v12 =	vor.u32 $0x80, v3;
	v14 =	vor.u32 $0x90, v3;
	v15 =	vor.u32 $0xA0, v3;
	s3 =	smul.u32 $0xF5, s1;
	s7 =	sshrl.u32 s5, $0x1  }
0xa: {  	v16 =	vor.u32 $0xB0, v3;
	v17 =	vor.u32 $0xC0, v3;
	v18 =	vor.u32 $0xD0, v3;
	s1 =	rddreg [dreg:$0x2];
	_ =	strace $0x80000047;
	s7 =	ssub.s32 s5, s7  }
0xb: {  	v19 =	vor.u32 $0xE0, v3;
	v20 =	vor.u32 $0xF0, v3;
	s5 =	sadd.s32 $0x800, s6;
	s6 =	sadd.s32 $0xC00, s6;
	v0 =	vmov s3;
	s7 =	smax.u32 s7, $0x1  }
.LBB2_21:
0xc: {  	[sflag:s18] =	ssyncadd.s32 $0xFFFFFF80  }
.LBB2_22:
0xd: {  	s19 =	sadd.s32 $0x1, s19  }
0xe: {  	p0 =	sne.s32 s19, s7  }
.Ltmp1:
0xf: {  	_ = 	snop;
	(pc) =	sbr.rel @!p0 .LBB2_23-.Ltmp1, $1  }
0x10: {  	_ =	sdelay $0x3  }
.LBB2_1:
0x11: {  	[tilespmem:s4], [sflag:$0xA] =	stream.linear.gather [hbm4b:s5+s4], $0x2000, $0x38;
	[tilespmem:$0x1D800] =	vst v63  }
0x12: {  	_ =	swait.ge [sflag:s8], $0x2000  }
0x13: {  	[sflag:s8] =	ssyncset.done $0x0  }
0x14: {  	[sflag:s8] =	ssyncadd.s32 $0xFFFFE000  }
0x15: {  	[tilespmem:$0x2000] =	vst v1  }
0x16: {  	[tilespmem:$0x2010] =	vst v1  }
0x17: {  	[tilespmem:$0x2020] =	vst v1  }
0x18: {  	[tilespmem:$0x2030] =	vst v1  }
0x19: {  	[tilespmem:$0x2040] =	vst v1  }
0x1a: {  	[tilespmem:$0x2050] =	vst v1  }
0x1b: {  	[tilespmem:$0x2060] =	vst v1  }
0x1c: {  	[tilespmem:$0x2070] =	vst v1  }
0x1d: {  	[tilespmem:$0x2080] =	vst v1  }
0x1e: {  	[tilespmem:$0x2090] =	vst v1  }
0x1f: {  	[tilespmem:$0x20A0] =	vst v1  }
0x20: {  	[tilespmem:$0x20B0] =	vst v1  }
0x21: {  	[tilespmem:$0x20C0] =	vst v1  }
0x22: {  	[tilespmem:$0x20D0] =	vst v1  }
0x23: {  	[tilespmem:$0x20E0] =	vst v1  }
0x24: {  	[tilespmem:$0x20F0] =	vst v1  }
0x25: {  	[tilespmem:$0x2100] =	vst v1  }
0x26: {  	[tilespmem:$0x2110] =	vst v1  }
0x27: {  	[tilespmem:$0x2120] =	vst v1  }
0x28: {  	[tilespmem:$0x2130] =	vst v1  }
0x29: {  	[tilespmem:$0x2140] =	vst v1  }
0x2a: {  	[tilespmem:$0x2150] =	vst v1  }
0x2b: {  	[tilespmem:$0x2300] =	vst v2  }
0x2c: {  	[tilespmem:$0x2310] =	vst v2  }
0x2d: {  	[tilespmem:$0x2320] =	vst v2  }
0x2e: {  	[tilespmem:$0x2330] =	vst v2  }
0x2f: {  	[tilespmem:$0x2340] =	vst v2  }
0x30: {  	[tilespmem:$0x2350] =	vst v2  }
0x31: {  	[tilespmem:$0x2360] =	vst v2  }
0x32: {  	[tilespmem:$0x2370] =	vst v2  }
0x33: {  	[tilespmem:$0x2380] =	vst v2  }
0x34: {  	[tilespmem:$0x2390] =	vst v2  }
0x35: {  	[tilespmem:$0x23A0] =	vst v2  }
0x36: {  	[tilespmem:$0x23B0] =	vst v2  }
0x37: {  	[tilespmem:$0x23C0] =	vst v2  }
0x38: {  	[tilespmem:$0x23D0] =	vst v2  }
0x39: {  	[tilespmem:$0x23E0] =	vst v2  }
0x3a: {  	[tilespmem:$0x23F0] =	vst v2  }
0x3b: {  	[tilespmem:$0x2680] =	vst v4  }
0x3c: {  	[tilespmem:$0x2690] =	vst v4  }
0x3d: {  	[tilespmem:$0x26A0] =	vst v4  }
0x3e: {  	[tilespmem:$0x26B0] =	vst v4  }
0x3f: {  	[tilespmem:$0x26C0] =	vst v4  }
0x40: {  	[tilespmem:$0x26D0] =	vst v4  }
0x41: {  	[tilespmem:$0x26E0] =	vst v4  }
0x42: {  	[tilespmem:$0x26F0] =	vst v4  }
0x43: {  	[tilespmem:$0x2700] =	vst v4  }
0x44: {  	[tilespmem:$0x2710] =	vst v4  }
0x45: {  	[tilespmem:$0x2720] =	vst v4  }
0x46: {  	[tilespmem:$0x2730] =	vst v4  }
0x47: {  	[tilespmem:$0x2740] =	vst v4  }
0x48: {  	[tilespmem:$0x2750] =	vst v4  }
0x49: {  	[tilespmem:$0x2760] =	vst v4  }
0x4a: {  	[tilespmem:$0x2770] =	vst v4  }
0x4b: {  	s20 =	simm.s32 $0x10;
	[tilespmem:$0x2780] =	vst v4  }
0x4c: {  	v22 =	vld [tilespmem:s20+$0xFFFFFFF0];
	_ =	sdelay $0x4  }
0x4d: {  	v23 =	vshra.s32 v22, $0x7  }
0x4e: {  	v23 =	vsub.s32 v23, v0  }
0x4f: {  	vm0 =	vlt.u32 v23, $0xF5  }
0x50: {  	v24 =	vmpcnt.ones.xlane vm0  }
0x51: {  	p0 =	por $0x1, $0x1;
	s21 =	simm.s32 $0x0  }
0x52: {  	s21 =	simm.s32 @!p0 $0x150;
	(v2sf) =	vpush v24, $0x0  }
0x53: {  	[tilespmem:s21+$0x2000] =	vst.msk vm0, v22;
	v22 =	vor.u32 s4, v3  }
0x54: {  	[tilespmem:s21+$0x2180] =	vst.msk vm0, v22  }
0x55: {  	[tilespmem:v23+s9+$0x0] =	vst.idx.msk vm0, v13  }
0x56: {  	v22 =	vld [tilespmem:s20+$0x0];
	_ =	sdelay $0x4  }
0x57: {  	v23 =	vshra.s32 v22, $0x7  }
0x58: {  	v23 =	vsub.s32 v23, v0  }
0x59: {  	vm0 =	vlt.u32 v23, $0xF5  }
0x5a: {  	v63 =	vmpcnt.ones.xlane vm0;
	_ =	sdelay $0x1  }
0x5b: {  	(v2sf) =	vpush v63, $0x0  }
0x5c: {  	s30 =	spop (v2sf)  }
0x5d: {  	s23 =	sadd.s32 $0x0, s30  }
0x5e: {  	p0 =	slt.s32 s23, $0x150;
	s20 =	smov.u32 s23  }
0x5f: {  	s31 =	simm.s32 $0x10;
	s20 =	simm.s32 @!p0 $0x150  }
0x60: {  	[tilespmem:s20+$0x2000] =	vst.msk vm0, v22;
	v22 =	vor.u32 s31, v3  }
0x61: {  	[tilespmem:s20+$0x2180] =	vst.msk vm0, v22  }
0x62: {  	s20 =	simm.s32 $0x30;
	[tilespmem:v23+s9+$0x0] =	vst.idx.msk vm0, v13  }
0x63: {  	v22 =	vld [tilespmem:s20+$0xFFFFFFF0];
	_ =	sdelay $0x4  }
0x64: {  	v23 =	vshra.s32 v22, $0x7  }
0x65: {  	v23 =	vsub.s32 v23, v0  }
0x66: {  	s22 =	simm.s32 $0x40;
	s21 =	simm.s32 $0x20;
	vm0 =	vlt.u32 v23, $0xF5;
	s24 =	spop (v2sf)  }
.LBB2_2:
0x67: {  	p0 =	sne.s32 s22, $0x1FE0  }
0x68: {  	v24 =	vmpcnt.ones.xlane vm0;
	s23 =	sadd.s32 s23, s24;
	s24 =	smov.u32 s22;
	s22 =	sadd.s32 $0x20, s22  }
0x69: {  	p1 =	slt.s32 s23, $0x150;
	s25 =	smov.u32 s23  }
0x6a: {  	s25 =	simm.s32 @!p1 $0x150;
	(v2sf) =	vpush v24, $0x0  }
0x6b: {  	[tilespmem:s25+$0x2000] =	vst.msk vm0, v22;
	v22 =	vor.u32 s21, v3  }
0x6c: {  	[tilespmem:s25+$0x2180] =	vst.msk vm0, v22  }
0x6d: {  	[tilespmem:v23+s9+$0x0] =	vst.idx.msk vm0, v13  }
0x6e: {  	v22 =	vld [tilespmem:s20+$0x0];
	_ =	sdelay $0x4  }
0x6f: {  	v23 =	vshra.s32 v22, $0x7  }
0x70: {  	v23 =	vsub.s32 v23, v0  }
0x71: {  	vm0 =	vlt.u32 v23, $0xF5  }
0x72: {  	v24 =	vmpcnt.ones.xlane vm0;
	_ =	sdelay $0x1  }
0x73: {  	(v2sf) =	vpush v24, $0x0  }
0x74: {  	s25 =	spop (v2sf)  }
0x75: {  	s23 =	sadd.s32 s23, s25  }
0x76: {  	p1 =	slt.s32 s23, $0x150;
	s26 =	smov.u32 s23  }
0x77: {  	s25 =	sadd.s32 $0x10, s21;
	s21 =	smov.u32 s24;
	s26 =	simm.s32 @!p1 $0x150  }
0x78: {  	[tilespmem:s26+$0x2000] =	vst.msk vm0, v22;
	v22 =	vor.u32 s25, v3  }
0x79: {  	[tilespmem:s26+$0x2180] =	vst.msk vm0, v22  }
0x7a: {  	s20 =	sadd.s32 $0x20, s20;
	[tilespmem:v23+s9+$0x0] =	vst.idx.msk vm0, v13  }
0x7b: {  	v22 =	vld [tilespmem:s20+$0xFFFFFFF0];
	_ =	sdelay $0x2  }
.Ltmp2:
0x7c: {  	(pc) =	sbr.rel @p0 .LBB2_2-.Ltmp2, $4  }
0x7d: {  	_ = 	snop  }
0x7e: {  	v23 =	vshra.s32 v22, $0x7  }
0x7f: {  	v23 =	vsub.s32 v23, v0  }
0x80: {  	vm0 =	vlt.u32 v23, $0xF5;
	s24 =	spop (v2sf)  }
0x81: {  	v24 =	vmpcnt.ones.xlane vm0;
	_ =	sdelay $0x1  }
0x82: {  	(v2sf) =	vpush v24, $0x0;
	_ =	sdelay $0x1  }
0x83: {  	s22 =	sadd.s32 s23, s24  }
0x84: {  	p0 =	slt.s32 s22, $0x150;
	s23 =	smov.u32 s22  }
0x85: {  	s23 =	simm.s32 @!p0 $0x150  }
0x86: {  	[tilespmem:s23+$0x2000] =	vst.msk vm0, v22;
	v22 =	vor.u32 s21, v3  }
0x87: {  	[tilespmem:s23+$0x2180] =	vst.msk vm0, v22  }
0x88: {  	[tilespmem:v23+s9+$0x0] =	vst.idx.msk vm0, v13  }
0x89: {  	v22 =	vld [tilespmem:s20+$0x0];
	_ =	sdelay $0x4  }
0x8a: {  	v23 =	vshra.s32 v22, $0x7  }
0x8b: {  	v23 =	vsub.s32 v23, v0  }
0x8c: {  	vm15 =	vlt.u32 v23, $0xF5;
	s28 =	spop (v2sf)  }
0x8d: {  	s20 =	sadd.s32 s22, s28  }
0x8e: {  	p0 =	slt.s32 s20, $0x150;
	s22 =	smov.u32 s20  }
0x8f: {  	s29 =	sadd.s32 $0x10, s21;
	s22 =	simm.s32 @!p0 $0x150  }
0x90: {  	[tilespmem:s22+$0x2000] =	vst.msk vm15, v22;
	v22 =	vor.u32 s29, v3  }
0x91: {  	[tilespmem:s22+$0x2180] =	vst.msk vm15, v22  }
0x92: {  	[tilespmem:v23+s9+$0x0] =	vst.idx.msk vm15, v13  }
0x93: {  	v22 =	vld [tilespmem:$0x2300];
	_ =	sdelay $0x4  }
0x94: {  	v23 =	vmpcnt.ones.xlane vm15;
	vm4 =	vgt.s32 v22, $0x0  }
0x95: {  	v40 =	vmpcnt.ones.xlane vm4  }
0x96: {  	(v2sf) =	vpush v23, $0x0  }
0x97: {  	(v2sf) =	vpush v40, $0x0;
	_ =	sdelay $0x7  }
0x98: {  	(xrf0) =	vadd.scan.msk.s32 $0xffff, v22  }
0x99: {  	[tilespmem:s10+$0x0] =	vst.msk vm4, v3  }
0x9a: {  	v22 =	vld [tilespmem:$0x2310];
	_ =	sdelay $0x3  }
0x9b: {  	v23, _, _ =	vpop (xrf0);
	s21 =	spop (v2sf)  }
0x9c: {  	[tilespmem:$0x2400] =	vst v23;
	vm5 =	vgt.s32 v22, $0x0;
	s30 =	spop (v2sf)  }
0x9d: {  	v23 =	vmpcnt.ones.xlane vm5;
	[tilespmem:s30+$0x2680] =	vst.msk vm5, v5  }
0x9e: {  	v25 =	vld [tilespmem:$0x2320]  }
0x9f: {  	(v2sf) =	vpush v23, $0x0;
	_ =	sdelay $0x3  }
0xa0: {  	vm6 =	vgt.s32 v25, $0x0  }
0xa1: {  	v23 =	vmpcnt.ones.xlane vm6;
	_ =	sdelay $0x1  }
0xa2: {  	(v2sf) =	vpush v23, $0x0  }
0xa3: {  	(xrf0) =	vadd.scan.msk.s32 $0xffff, v22;
	_ =	sdelay $0x4  }
0xa4: {  	v22 =	vbroadcast v40, $0x0  }
0xa5: {  	v23, _, _ =	vpop (xrf0)  }
0xa6: {  	s31 =	spop (v2sf);
	(xrf0) =	vadd.scan.msk.s32 $0xffff, v25;
	v22 =	vadd.s32 v22, v23  }
0xa7: {  	s22 =	sadd.s32 s30, s31;
	[tilespmem:$0x2410] =	vst v22  }
0xa8: {  	[tilespmem:s22+$0x2680] =	vst.msk vm6, v6  }
0xa9: {  	v22 =	vld [tilespmem:$0x2330];
	_ =	sdelay $0x2  }
0xaa: {  	v23, _, _ =	vpop (xrf0)  }
0xab: {  	v23 =	vadd.s32 s22, v23;
	s24 =	spop (v2sf)  }
0xac: {  	[tilespmem:$0x2420] =	vst v23;
	vm7 =	vgt.s32 v22, $0x0;
	s22 =	sadd.s32 s22, s24  }
0xad: {  	v23 =	vmpcnt.ones.xlane vm7;
	[tilespmem:s22+$0x2680] =	vst.msk vm7, v7  }
0xae: {  	v41 =	vld [tilespmem:$0x2340]  }
0xaf: {  	(v2sf) =	vpush v23, $0x0;
	_ =	sdelay $0x3  }
0xb0: {  	vm8 =	vgt.s32 v41, $0x0  }
0xb1: {  	v23 =	vmpcnt.ones.xlane vm8;
	_ =	sdelay $0x1  }
0xb2: {  	(v2sf) =	vpush v23, $0x0  }
0xb3: {  	(xrf0) =	vadd.scan.msk.s32 $0xffff, v22;
	_ =	sdelay $0x5  }
0xb4: {  	v22, _, _ =	vpop (xrf0)  }
0xb5: {  	v22 =	vadd.s32 s22, v22;
	(xrf0) =	vadd.scan.msk.s32 $0xffff, v41;
	s25 =	spop (v2sf)  }
0xb6: {  	[tilespmem:$0x2430] =	vst v22;
	s22 =	sadd.s32 s22, s25  }
0xb7: {  	[tilespmem:s22+$0x2680] =	vst.msk vm8, v8  }
0xb8: {  	v22 =	vld [tilespmem:$0x2350];
	_ =	sdelay $0x2  }
0xb9: {  	v23, _, _ =	vpop (xrf0)  }
0xba: {  	v23 =	vadd.s32 s22, v23;
	s26 =	spop (v2sf)  }
0xbb: {  	[tilespmem:$0x2440] =	vst v23;
	vm9 =	vgt.s32 v22, $0x0;
	s22 =	sadd.s32 s22, s26  }
0xbc: {  	v23 =	vmpcnt.ones.xlane vm9;
	[tilespmem:s22+$0x2680] =	vst.msk vm9, v9  }
0xbd: {  	v42 =	vld [tilespmem:$0x2360]  }
0xbe: {  	(v2sf) =	vpush v23, $0x0;
	_ =	sdelay $0x3  }
0xbf: {  	vm10 =	vgt.s32 v42, $0x0  }
0xc0: {  	v23 =	vmpcnt.ones.xlane vm10;
	_ =	sdelay $0x1  }
0xc1: {  	(v2sf) =	vpush v23, $0x0  }
0xc2: {  	(xrf0) =	vadd.scan.msk.s32 $0xffff, v22;
	_ =	sdelay $0x5  }
0xc3: {  	v22, _, _ =	vpop (xrf0)  }
0xc4: {  	v22 =	vadd.s32 s22, v22;
	(xrf0) =	vadd.scan.msk.s32 $0xffff, v42;
	s28 =	spop (v2sf)  }
0xc5: {  	[tilespmem:$0x2450] =	vst v22;
	s22 =	sadd.s32 s22, s28  }
0xc6: {  	[tilespmem:s22+$0x2680] =	vst.msk vm10, v10  }
0xc7: {  	v22 =	vld [tilespmem:$0x2370];
	_ =	sdelay $0x2  }
0xc8: {  	v23, _, _ =	vpop (xrf0)  }
0xc9: {  	v23 =	vadd.s32 s22, v23;
	s29 =	spop (v2sf)  }
0xca: {  	[tilespmem:$0x2460] =	vst v23;
	vm11 =	vgt.s32 v22, $0x0;
	s22 =	sadd.s32 s22, s29  }
0xcb: {  	v23 =	vmpcnt.ones.xlane vm11;
	[tilespmem:s22+$0x2680] =	vst.msk vm11, v11  }
0xcc: {  	v43 =	vld [tilespmem:$0x2380]  }
0xcd: {  	(v2sf) =	vpush v23, $0x0;
	_ =	sdelay $0x3  }
0xce: {  	vm12 =	vgt.s32 v43, $0x0  }
0xcf: {  	v23 =	vmpcnt.ones.xlane vm12;
	_ =	sdelay $0x1  }
0xd0: {  	(v2sf) =	vpush v23, $0x0  }
0xd1: {  	(xrf0) =	vadd.scan.msk.s32 $0xffff, v22;
	_ =	sdelay $0x5  }
0xd2: {  	v22, _, _ =	vpop (xrf0)  }
0xd3: {  	v22 =	vadd.s32 s22, v22;
	(xrf0) =	vadd.scan.msk.s32 $0xffff, v43;
	s30 =	spop (v2sf)  }
0xd4: {  	[tilespmem:$0x2470] =	vst v22;
	s22 =	sadd.s32 s22, s30  }
0xd5: {  	[tilespmem:s22+$0x2680] =	vst.msk vm12, v12  }
0xd6: {  	v22 =	vld [tilespmem:$0x2390];
	_ =	sdelay $0x2  }
0xd7: {  	v23, _, _ =	vpop (xrf0)  }
0xd8: {  	v23 =	vadd.s32 s22, v23;
	s31 =	spop (v2sf)  }
0xd9: {  	[tilespmem:$0x2480] =	vst v23;
	vm13 =	vgt.s32 v22, $0x0;
	s22 =	sadd.s32 s22, s31  }
0xda: {  	v23 =	vmpcnt.ones.xlane vm13;
	[tilespmem:s22+$0x2680] =	vst.msk vm13, v14  }
0xdb: {  	v44 =	vld [tilespmem:$0x23A0]  }
0xdc: {  	(v2sf) =	vpush v23, $0x0;
	_ =	sdelay $0x3  }
0xdd: {  	vm14 =	vgt.s32 v44, $0x0  }
0xde: {  	v23 =	vmpcnt.ones.xlane vm14;
	_ =	sdelay $0x1  }
0xdf: {  	(v2sf) =	vpush v23, $0x0  }
0xe0: {  	(xrf0) =	vadd.scan.msk.s32 $0xffff, v22;
	_ =	sdelay $0x5  }
0xe1: {  	v22, _, _ =	vpop (xrf0)  }
0xe2: {  	v22 =	vadd.s32 s22, v22;
	(xrf0) =	vadd.scan.msk.s32 $0xffff, v44;
	s24 =	spop (v2sf)  }
0xe3: {  	[tilespmem:$0x2490] =	vst v22;
	s22 =	sadd.s32 s22, s24  }
0xe4: {  	[tilespmem:s22+$0x2680] =	vst.msk vm14, v15  }
0xe5: {  	v22 =	vld [tilespmem:$0x23B0];
	_ =	sdelay $0x2  }
0xe6: {  	v23, _, _ =	vpop (xrf0)  }
0xe7: {  	v23 =	vadd.s32 s22, v23;
	s25 =	spop (v2sf)  }
0xe8: {  	[tilespmem:$0x24A0] =	vst v23;
	vm15 =	vgt.s32 v22, $0x0;
	s22 =	sadd.s32 s22, s25  }
0xe9: {  	v23 =	vmpcnt.ones.xlane vm15;
	[tilespmem:s22+$0x2680] =	vst.msk vm15, v16  }
0xea: {  	v45 =	vld [tilespmem:$0x23C0]  }
0xeb: {  	(v2sf) =	vpush v23, $0x0;
	_ =	sdelay $0x3  }
0xec: {  	vm4 =	vgt.s32 v45, $0x0  }
0xed: {  	v23 =	vmpcnt.ones.xlane vm4;
	_ =	sdelay $0x1  }
0xee: {  	(v2sf) =	vpush v23, $0x0  }
0xef: {  	(xrf0) =	vadd.scan.msk.s32 $0xffff, v22;
	_ =	sdelay $0x5  }
0xf0: {  	v22, _, _ =	vpop (xrf0)  }
0xf1: {  	v22 =	vadd.s32 s22, v22;
	(xrf0) =	vadd.scan.msk.s32 $0xffff, v45;
	s26 =	spop (v2sf)  }
0xf2: {  	[tilespmem:$0x24B0] =	vst v22;
	s22 =	sadd.s32 s22, s26  }
0xf3: {  	[tilespmem:s22+$0x2680] =	vst.msk vm4, v17  }
0xf4: {  	v22 =	vld [tilespmem:$0x23D0];
	_ =	sdelay $0x2  }
0xf5: {  	v23, _, _ =	vpop (xrf0)  }
0xf6: {  	v23 =	vadd.s32 s22, v23;
	s28 =	spop (v2sf)  }
0xf7: {  	[tilespmem:$0x24C0] =	vst v23;
	vm5 =	vgt.s32 v22, $0x0;
	s22 =	sadd.s32 s22, s28  }
0xf8: {  	v23 =	vmpcnt.ones.xlane vm5;
	[tilespmem:s22+$0x2680] =	vst.msk vm5, v18  }
0xf9: {  	v46 =	vld [tilespmem:$0x23E0]  }
0xfa: {  	(v2sf) =	vpush v23, $0x0;
	_ =	sdelay $0x3  }
0xfb: {  	vm6 =	vgt.s32 v46, $0x0  }
0xfc: {  	v23 =	vmpcnt.ones.xlane vm6;
	_ =	sdelay $0x1  }
0xfd: {  	(v2sf) =	vpush v23, $0x0  }
0xfe: {  	(xrf0) =	vadd.scan.msk.s32 $0xffff, v22;
	_ =	sdelay $0x5  }
0xff: {  	v22, _, _ =	vpop (xrf0)  }
0x100: {  	v22 =	vadd.s32 s22, v22;
	(xrf0) =	vadd.scan.msk.s32 $0xffff, v46;
	s29 =	spop (v2sf)  }
0x101: {  	[tilespmem:$0x24D0] =	vst v22;
	s22 =	sadd.s32 s22, s29  }
0x102: {  	[tilespmem:s22+$0x2680] =	vst.msk vm6, v19  }
0x103: {  	v22 =	vld [tilespmem:$0x23F0];
	_ =	sdelay $0x2  }
0x104: {  	v23, _, _ =	vpop (xrf0)  }
0x105: {  	v23 =	vadd.s32 s22, v23;
	s30 =	spop (v2sf)  }
0x106: {  	[tilespmem:$0x24E0] =	vst v23;
	vm0 =	vgt.s32 v22, $0x0;
	s22 =	sadd.s32 s22, s30  }
0x107: {  	[tilespmem:s22+$0x2680] =	vst.msk vm0, v20  }
0x108: {  	v23 =	vld [tilespmem:$0x2000];
	_ =	sdelay $0x3  }
0x109: {  	(xrf0) =	vadd.scan.msk.s32 $0xffff, v22  }
0x10a: {  	v22 =	vshra.s32 v23, $0x7  }
0x10b: {  	v22 =	vsub.s32 v22, v0  }
0x10c: {  	vm1 =	vgt.s32 v22, $0x0  }
0x10d: {  	v47 =	vld [tilespmem:$0x2010];
	v23 =	vnsel vm1, $0x0, v22;
	_ =	sdelay $0x1  }
0x10e: {  	v48, _, _ =	vpop (xrf0)  }
0x10f: {  	v25 =	vadd.s32 s22, v48  }
0x110: {  	[tilespmem:$0x24F0] =	vst v25  }
0x111: {  	v24 =	vshra.s32 v47, $0x7;
	v23 =	vld.idx.msk [tilespmem:v23+s11+$0x0], $0xffff  }
0x112: {  	v24 =	vsub.s32 v24, v0  }
0x113: {  	vm7 =	vgt.s32 v24, $0x0  }
0x114: {  	v26 =	vld [tilespmem:$0x2020];
	v49 =	vnsel vm7, $0x0, v24;
	_ =	sdelay $0x1  }
0x115: {  	v22 =	vshra.s32 v22, $0x1F;
	v23 =	vadd.s32 $0xFFFFFFFF, v23  }
0x116: {  	v22 =	vor.u32 v23, v22  }
0x117: {  	[tilespmem:$0x2500] =	vst v22  }
0x118: {  	v23 =	vshra.s32 v26, $0x7;
	v22 =	vld.idx.msk [tilespmem:v49+s11+$0x0], $0xffff  }
0x119: {  	v23 =	vsub.s32 v23, v0  }
0x11a: {  	vm8 =	vgt.s32 v23, $0x0  }
0x11b: {  	v51 =	vld [tilespmem:$0x2030];
	v50 =	vnsel vm8, $0x0, v23;
	_ =	sdelay $0x1  }
0x11c: {  	v24 =	vshra.s32 v24, $0x1F;
	v22 =	vadd.s32 $0xFFFFFFFF, v22  }
0x11d: {  	v22 =	vor.u32 v22, v24  }
0x11e: {  	[tilespmem:$0x2510] =	vst v22  }
0x11f: {  	v52 =	vshra.s32 v51, $0x7;
	v22 =	vld.idx.msk [tilespmem:v50+s11+$0x0], $0xffff  }
0x120: {  	v24 =	vsub.s32 v52, v0  }
0x121: {  	vm9 =	vgt.s32 v24, $0x0  }
0x122: {  	v54 =	vld [tilespmem:$0x2040];
	v53 =	vnsel vm9, $0x0, v24;
	_ =	sdelay $0x1  }
0x123: {  	v23 =	vshra.s32 v23, $0x1F;
	v22 =	vadd.s32 $0xFFFFFFFF, v22  }
0x124: {  	v22 =	vor.u32 v22, v23  }
0x125: {  	[tilespmem:$0x2520] =	vst v22  }
0x126: {  	v23 =	vshra.s32 v54, $0x7;
	v22 =	vld.idx.msk [tilespmem:v53+s11+$0x0], $0xffff  }
0x127: {  	v23 =	vsub.s32 v23, v0  }
0x128: {  	vm10 =	vgt.s32 v23, $0x0  }
0x129: {  	v56 =	vld [tilespmem:$0x2050];
	v55 =	vnsel vm10, $0x0, v23;
	_ =	sdelay $0x1  }
0x12a: {  	v24 =	vshra.s32 v24, $0x1F;
	v22 =	vadd.s32 $0xFFFFFFFF, v22  }
0x12b: {  	v22 =	vor.u32 v22, v24  }
0x12c: {  	[tilespmem:$0x2530] =	vst v22  }
0x12d: {  	v57 =	vshra.s32 v56, $0x7;
	v22 =	vld.idx.msk [tilespmem:v55+s11+$0x0], $0xffff  }
0x12e: {  	v24 =	vsub.s32 v57, v0  }
0x12f: {  	vm11 =	vgt.s32 v24, $0x0  }
0x130: {  	v59 =	vld [tilespmem:$0x2060];
	v58 =	vnsel vm11, $0x0, v24;
	_ =	sdelay $0x1  }
0x131: {  	v23 =	vshra.s32 v23, $0x1F;
	v22 =	vadd.s32 $0xFFFFFFFF, v22  }
0x132: {  	v22 =	vor.u32 v22, v23  }
0x133: {  	[tilespmem:$0x2540] =	vst v22  }
0x134: {  	v23 =	vshra.s32 v59, $0x7;
	v22 =	vld.idx.msk [tilespmem:v58+s11+$0x0], $0xffff  }
0x135: {  	v23 =	vsub.s32 v23, v0  }
0x136: {  	vm12 =	vgt.s32 v23, $0x0  }
0x137: {  	v61 =	vld [tilespmem:$0x2070];
	v60 =	vnsel vm12, $0x0, v23;
	_ =	sdelay $0x1  }
0x138: {  	v24 =	vshra.s32 v24, $0x1F;
	v22 =	vadd.s32 $0xFFFFFFFF, v22  }
0x139: {  	v22 =	vor.u32 v22, v24  }
0x13a: {  	[tilespmem:$0x2550] =	vst v22  }
0x13b: {  	v62 =	vshra.s32 v61, $0x7;
	v22 =	vld.idx.msk [tilespmem:v60+s11+$0x0], $0xffff  }
0x13c: {  	v24 =	vsub.s32 v62, v0  }
0x13d: {  	vm13 =	vgt.s32 v24, $0x0  }
0x13e: {  	v28 =	vld [tilespmem:$0x2080];
	v63 =	vnsel vm13, $0x0, v24;
	_ =	sdelay $0x1  }
0x13f: {  	v23 =	vshra.s32 v23, $0x1F;
	v22 =	vadd.s32 $0xFFFFFFFF, v22  }
0x140: {  	v22 =	vor.u32 v22, v23  }
0x141: {  	[tilespmem:$0x2560] =	vst v22  }
0x142: {  	v23 =	vshra.s32 v28, $0x7;
	v22 =	vld.idx.msk [tilespmem:v63+s11+$0x0], $0xffff  }
0x143: {  	v23 =	vsub.s32 v23, v0  }
0x144: {  	vm14 =	vgt.s32 v23, $0x0  }
0x145: {  	v30 =	vld [tilespmem:$0x2090];
	v29 =	vnsel vm14, $0x0, v23;
	_ =	sdelay $0x1  }
0x146: {  	v24 =	vshra.s32 v24, $0x1F;
	v22 =	vadd.s32 $0xFFFFFFFF, v22  }
0x147: {  	v22 =	vor.u32 v22, v24  }
0x148: {  	[tilespmem:$0x2570] =	vst v22  }
0x149: {  	v31 =	vshra.s32 v30, $0x7;
	v22 =	vld.idx.msk [tilespmem:v29+s11+$0x0], $0xffff  }
0x14a: {  	v24 =	vsub.s32 v31, v0  }
0x14b: {  	vm15 =	vgt.s32 v24, $0x0  }
0x14c: {  	v33 =	vld [tilespmem:$0x20A0];
	v32 =	vnsel vm15, $0x0, v24;
	_ =	sdelay $0x1  }
0x14d: {  	v23 =	vshra.s32 v23, $0x1F;
	v22 =	vadd.s32 $0xFFFFFFFF, v22  }
0x14e: {  	v22 =	vor.u32 v22, v23  }
0x14f: {  	[tilespmem:$0x2580] =	vst v22  }
0x150: {  	v23 =	vshra.s32 v33, $0x7;
	v22 =	vld.idx.msk [tilespmem:v32+s11+$0x0], $0xffff  }
0x151: {  	v23 =	vsub.s32 v23, v0  }
0x152: {  	vm4 =	vgt.s32 v23, $0x0  }
0x153: {  	v35 =	vld [tilespmem:$0x20B0];
	v34 =	vnsel vm4, $0x0, v23;
	_ =	sdelay $0x1  }
0x154: {  	v24 =	vshra.s32 v24, $0x1F;
	v22 =	vadd.s32 $0xFFFFFFFF, v22  }
0x155: {  	v22 =	vor.u32 v22, v24  }
0x156: {  	[tilespmem:$0x2590] =	vst v22  }
0x157: {  	v36 =	vshra.s32 v35, $0x7;
	v22 =	vld.idx.msk [tilespmem:v34+s11+$0x0], $0xffff  }
0x158: {  	v24 =	vsub.s32 v36, v0  }
0x159: {  	vm5 =	vgt.s32 v24, $0x0  }
0x15a: {  	v38 =	vld [tilespmem:$0x20C0];
	v37 =	vnsel vm5, $0x0, v24;
	_ =	sdelay $0x1  }
0x15b: {  	v23 =	vshra.s32 v23, $0x1F;
	v22 =	vadd.s32 $0xFFFFFFFF, v22  }
0x15c: {  	v22 =	vor.u32 v22, v23  }
0x15d: {  	[tilespmem:$0x25A0] =	vst v22  }
0x15e: {  	v23 =	vshra.s32 v38, $0x7;
	v22 =	vld.idx.msk [tilespmem:v37+s11+$0x0], $0xffff  }
0x15f: {  	v23 =	vsub.s32 v23, v0  }
0x160: {  	vm6 =	vgt.s32 v23, $0x0  }
0x161: {  	v40 =	vld [tilespmem:$0x20D0];
	v39 =	vnsel vm6, $0x0, v23;
	_ =	sdelay $0x1  }
0x162: {  	v24 =	vshra.s32 v24, $0x1F;
	v22 =	vadd.s32 $0xFFFFFFFF, v22  }
0x163: {  	v22 =	vor.u32 v22, v24  }
0x164: {  	[tilespmem:$0x25B0] =	vst v22  }
0x165: {  	v41 =	vshra.s32 v40, $0x7;
	v22 =	vld.idx.msk [tilespmem:v39+s11+$0x0], $0xffff  }
0x166: {  	v24 =	vsub.s32 v41, v0  }
0x167: {  	vm7 =	vgt.s32 v24, $0x0  }
0x168: {  	v43 =	vld [tilespmem:$0x20E0];
	v42 =	vnsel vm7, $0x0, v24;
	_ =	sdelay $0x1  }
0x169: {  	v23 =	vshra.s32 v23, $0x1F;
	v22 =	vadd.s32 $0xFFFFFFFF, v22  }
0x16a: {  	v22 =	vor.u32 v22, v23  }
0x16b: {  	[tilespmem:$0x25C0] =	vst v22  }
0x16c: {  	v23 =	vshra.s32 v43, $0x7;
	v22 =	vld.idx.msk [tilespmem:v42+s11+$0x0], $0xffff  }
0x16d: {  	v23 =	vsub.s32 v23, v0  }
0x16e: {  	vm8 =	vgt.s32 v23, $0x0  }
0x16f: {  	v45 =	vld [tilespmem:$0x20F0];
	v44 =	vnsel vm8, $0x0, v23;
	_ =	sdelay $0x1  }
0x170: {  	v24 =	vshra.s32 v24, $0x1F;
	v22 =	vadd.s32 $0xFFFFFFFF, v22  }
0x171: {  	v22 =	vor.u32 v22, v24  }
0x172: {  	[tilespmem:$0x25D0] =	vst v22  }
0x173: {  	v46 =	vshra.s32 v45, $0x7;
	v22 =	vld.idx.msk [tilespmem:v44+s11+$0x0], $0xffff  }
0x174: {  	v24 =	vsub.s32 v46, v0  }
0x175: {  	vm9 =	vgt.s32 v24, $0x0  }
0x176: {  	v48 =	vld [tilespmem:$0x2100];
	v47 =	vnsel vm9, $0x0, v24;
	_ =	sdelay $0x1  }
0x177: {  	v23 =	vshra.s32 v23, $0x1F;
	v22 =	vadd.s32 $0xFFFFFFFF, v22  }
0x178: {  	v22 =	vor.u32 v22, v23  }
0x179: {  	[tilespmem:$0x25E0] =	vst v22  }
0x17a: {  	v23 =	vshra.s32 v48, $0x7;
	v22 =	vld.idx.msk [tilespmem:v47+s11+$0x0], $0xffff  }
0x17b: {  	v23 =	vsub.s32 v23, v0  }
0x17c: {  	vm10 =	vgt.s32 v23, $0x0  }
0x17d: {  	v50 =	vld [tilespmem:$0x2110];
	v49 =	vnsel vm10, $0x0, v23;
	_ =	sdelay $0x1  }
0x17e: {  	v24 =	vshra.s32 v24, $0x1F;
	v22 =	vadd.s32 $0xFFFFFFFF, v22  }
0x17f: {  	v22 =	vor.u32 v22, v24  }
0x180: {  	[tilespmem:$0x25F0] =	vst v22  }
0x181: {  	v51 =	vshra.s32 v50, $0x7;
	v22 =	vld.idx.msk [tilespmem:v49+s11+$0x0], $0xffff  }
0x182: {  	v24 =	vsub.s32 v51, v0  }
0x183: {  	vm11 =	vgt.s32 v24, $0x0  }
0x184: {  	v53 =	vld [tilespmem:$0x2120];
	v52 =	vnsel vm11, $0x0, v24;
	_ =	sdelay $0x1  }
0x185: {  	v23 =	vshra.s32 v23, $0x1F;
	v22 =	vadd.s32 $0xFFFFFFFF, v22  }
0x186: {  	v22 =	vor.u32 v22, v23  }
0x187: {  	[tilespmem:$0x2600] =	vst v22  }
0x188: {  	v23 =	vshra.s32 v53, $0x7;
	v22 =	vld.idx.msk [tilespmem:v52+s11+$0x0], $0xffff  }
0x189: {  	v23 =	vsub.s32 v23, v0  }
0x18a: {  	vm12 =	vgt.s32 v23, $0x0  }
0x18b: {  	v55 =	vld [tilespmem:$0x2130];
	v54 =	vnsel vm12, $0x0, v23;
	_ =	sdelay $0x1  }
0x18c: {  	v24 =	vshra.s32 v24, $0x1F;
	v22 =	vadd.s32 $0xFFFFFFFF, v22  }
0x18d: {  	v22 =	vor.u32 v22, v24  }
0x18e: {  	[tilespmem:$0x2610] =	vst v22  }
0x18f: {  	v56 =	vshra.s32 v55, $0x7;
	v22 =	vld.idx.msk [tilespmem:v54+s11+$0x0], $0xffff  }
0x190: {  	v24 =	vsub.s32 v56, v0  }
0x191: {  	vm13 =	vgt.s32 v24, $0x0  }
0x192: {  	v58 =	vld [tilespmem:$0x2140];
	v57 =	vnsel vm13, $0x0, v24;
	_ =	sdelay $0x1  }
0x193: {  	v59 =	vmpcnt.ones.xlane vm0;
	v23 =	vshra.s32 v23, $0x1F;
	v22 =	vadd.s32 $0xFFFFFFFF, v22  }
0x194: {  	v22 =	vor.u32 v22, v23  }
0x195: {  	(v2sf) =	vpush v59, $0x0;
	[tilespmem:$0x2620] =	vst v22  }
0x196: {  	v23 =	vshra.s32 v58, $0x7;
	v22 =	vld.idx.msk [tilespmem:v57+s11+$0x0], $0xffff  }
0x197: {  	v23 =	vsub.s32 v23, v0  }
0x198: {  	vm14 =	vgt.s32 v23, $0x0  }
0x199: {  	v61 =	vld [tilespmem:$0x2150];
	v60 =	vnsel vm14, $0x0, v23;
	_ =	sdelay $0x1  }
0x19a: {  	v24 =	vshra.s32 v24, $0x1F;
	v22 =	vadd.s32 $0xFFFFFFFF, v22  }
0x19b: {  	v22 =	vor.u32 v22, v24  }
0x19c: {  	[tilespmem:$0x2630] =	vst v22  }
0x19d: {  	v62 =	vshra.s32 v61, $0x7;
	v22 =	vld.idx.msk [tilespmem:v60+s11+$0x0], $0xffff  }
0x19e: {  	v24 =	vsub.s32 v62, v0  }
0x19f: {  	vm15 =	vgt.s32 v24, $0x0  }
0x1a0: {  	v63 =	vnsel vm15, $0x0, v24;
	_ =	sdelay $0x1  }
0x1a1: {  	v23 =	vshra.s32 v23, $0x1F;
	v22 =	vadd.s32 $0xFFFFFFFF, v22  }
0x1a2: {  	s31 =	spop (v2sf);
	v22 =	vor.u32 v22, v23  }
0x1a3: {  	s22 =	sadd.s32 s31, s22;
	[tilespmem:$0x2640] =	vst v22  }
0x1a4: {  	s22 =	sadd.s32 $0x3, s22;
	v22 =	vld.idx.msk [tilespmem:v63+s11+$0x0], $0xffff  }
0x1a5: {  	s22 =	sshra.s32 s22, $0x2  }
0x1a6: {  	p0 =	slt.s32 s22, $0x1  }
.Ltmp3:
0x1a7: {  	_ = 	snop;
	(pc) =	sbr.rel @p0 .LBB2_12-.Ltmp3, $4  }
0x1a8: {  	_ = 	snop  }
0x1a9: {  	v23 =	vshra.s32 v24, $0x1F;
	v22 =	vadd.s32 $0xFFFFFFFF, v22  }
0x1aa: {  	v22 =	vor.u32 v22, v23  }
0x1ab: {  	s20 =	sadd.s32 s20, s21;
	[tilespmem:$0x2650] =	vst v22  }
0x1ac: {  	v22 =	vld [tilespmem:$0x2680];
	_ =	sdelay $0x4  }
0x1ad: {  	(v2sf) =	vpush v22, $0x0;
	_ =	sdelay $0x7  }
0x1ae: {  	(v2sf) =	vpush v22, $0x1;
	_ =	sdelay $0x6  }
0x1af: {  	s21 =	spop (v2sf)  }
0x1b0: {  	(v2sf) =	vpush v22, $0x2;
	p0 =	sgt.s32 s21, $0x0  }
0x1b1: {  	s21 =	simm.s32 @!p0 $0x0  }
0x1b2: {  	s21 =	sadd.s32 s3, s21  }
0x1b3: {  	s21 =	sshll.u32 s21, $0x7  }
0x1b4: {  	s21 =	sand.u32 $0x1FFFFF80, s21  }
0x1b5: {  	s21 =	sadd.s32 s2, s21  }
0x1b6: {  	[tilespmem:s14], [sflag:$0x1] =	stream.strided.gather [hbm4b:s21+s12], $0x2000, s13, s12, $0x38;
	[tilespmem:$0x1D800] =	vst v63  }
0x1b7: {  	s21 =	spop (v2sf)  }
0x1b8: {  	(v2sf) =	vpush v22, $0x3;
	p0 =	sgt.s32 s21, $0x0  }
0x1b9: {  	s21 =	simm.s32 @!p0 $0x0  }
0x1ba: {  	s21 =	sadd.s32 s3, s21  }
0x1bb: {  	s21 =	sshll.u32 s21, $0x7  }
0x1bc: {  	s21 =	sand.u32 $0x1FFFFF80, s21  }
0x1bd: {  	s21 =	sadd.s32 s2, s21  }
0x1be: {  	[tilespmem:s15], [sflag:$0x2] =	stream.strided.gather [hbm4b:s21+s12], $0x2000, s13, s12, $0x38;
	[tilespmem:$0x1D800] =	vst v63  }
0x1bf: {  	s21 =	spop (v2sf)  }
0x1c0: {  	p0 =	sgt.s32 s21, $0x0  }
0x1c1: {  	s21 =	simm.s32 @!p0 $0x0  }
0x1c2: {  	s21 =	sadd.s32 s3, s21  }
0x1c3: {  	s21 =	sshll.u32 s21, $0x7  }
0x1c4: {  	s21 =	sand.u32 $0x1FFFFF80, s21  }
0x1c5: {  	s21 =	sadd.s32 s2, s21  }
0x1c6: {  	[tilespmem:s16], [sflag:$0x3] =	stream.strided.gather [hbm4b:s21+s12], $0x2000, s13, s12, $0x38;
	[tilespmem:$0x1D800] =	vst v63  }
0x1c7: {  	s21 =	spop (v2sf)  }
0x1c8: {  	p0 =	sgt.s32 s21, $0x0  }
0x1c9: {  	s21 =	simm.s32 @!p0 $0x0  }
0x1ca: {  	s21 =	sadd.s32 s3, s21  }
0x1cb: {  	s21 =	sshll.u32 s21, $0x7  }
0x1cc: {  	s21 =	sand.u32 $0x1FFFFF80, s21  }
0x1cd: {  	p0 =	sne.s32 s22, $0x1;
	s21 =	sadd.s32 s2, s21  }
0x1ce: {  	[tilespmem:s17], [sflag:$0x4] =	stream.strided.gather [hbm4b:s21+s12], $0x2000, s13, s12, $0x38;
	[tilespmem:$0x1D800] =	vst v63  }
0x1cf: {  	v22 =	vld @p0 [tilespmem:$0x2684];
	_ =	sdelay $0x4  }
0x1d0: {  	(v2sf) =	vpush @p0 v22, $0x0;
	_ =	sdelay $0x8  }
0x1d1: {  	(v2sf) =	vpush @p0 v22, $0x1;
	_ =	sdelay $0x5  }
0x1d2: {  	s21 =	spop @p0 (v2sf)  }
0x1d3: {  	p1 =	sgt.s32 @p0 s21, $0x0  }
0x1d4: {  	p1 =	por !p1, !p0  }
0x1d5: {  	(v2sf) =	vpush @p0 v22, $0x2;
	s21 =	simm.s32 @p1 $0x0  }
0x1d6: {  	s21 =	sadd.s32 @p0 s3, s21  }
0x1d7: {  	s21 =	sshll.u32 @p0 s21, $0x7  }
0x1d8: {  	s23 =	simm.s32 @p0 $0x400;
	s21 =	sand.u32 @p0 $0x1FFFFF80, s21  }
0x1d9: {  	s24 =	simm.s32 @p0 $0x7A1400;
	s25 =	simm.s32 @p0 $0xA800;
	s21 =	sadd.s32 @p0 s2, s21  }
0x1da: {  	[tilespmem:s25], [sflag:$0x5] =	stream.strided.gather @p0 [hbm4b:s21+s23], $0x2000, s24, s23, $0x38;
	[tilespmem:$0x1D800] =	vst v63  }
0x1db: {  	s21 =	spop @p0 (v2sf)  }
0x1dc: {  	p1 =	sgt.s32 @p0 s21, $0x0  }
0x1dd: {  	p1 =	por !p1, !p0  }
0x1de: {  	(v2sf) =	vpush @p0 v22, $0x3;
	s21 =	simm.s32 @p1 $0x0  }
0x1df: {  	s21 =	sadd.s32 @p0 s3, s21  }
0x1e0: {  	s21 =	sshll.u32 @p0 s21, $0x7  }
0x1e1: {  	s21 =	sand.u32 @p0 $0x1FFFFF80, s21  }
0x1e2: {  	s25 =	simm.s32 @p0 $0xC800;
	s21 =	sadd.s32 @p0 s2, s21  }
0x1e3: {  	[tilespmem:s25], [sflag:$0x6] =	stream.strided.gather @p0 [hbm4b:s21+s23], $0x2000, s24, s23, $0x38;
	[tilespmem:$0x1D800] =	vst v63  }
0x1e4: {  	s21 =	spop @p0 (v2sf)  }
0x1e5: {  	p1 =	sgt.s32 @p0 s21, $0x0  }
0x1e6: {  	p1 =	por !p1, !p0  }
0x1e7: {  	s21 =	simm.s32 @p1 $0x0  }
0x1e8: {  	s21 =	sadd.s32 @p0 s3, s21  }
0x1e9: {  	s21 =	sshll.u32 @p0 s21, $0x7  }
0x1ea: {  	s21 =	sand.u32 @p0 $0x1FFFFF80, s21  }
0x1eb: {  	s25 =	simm.s32 @p0 $0xE800;
	s21 =	sadd.s32 @p0 s2, s21  }
0x1ec: {  	[tilespmem:s25], [sflag:$0x7] =	stream.strided.gather @p0 [hbm4b:s21+s23], $0x2000, s24, s23, $0x38;
	[tilespmem:$0x1D800] =	vst v63  }
0x1ed: {  	s21 =	spop @p0 (v2sf)  }
0x1ee: {  	p1 =	sgt.s32 @p0 s21, $0x0  }
0x1ef: {  	p1 =	por !p1, !p0  }
0x1f0: {  	s21 =	simm.s32 @p1 $0x0  }
0x1f1: {  	s21 =	sadd.s32 @p0 s3, s21  }
.Ltmp4:
0x1f2: {  	s21 =	sshll.u32 @p0 s21, $0x7;
	(pc) =	sbr.rel .LBB2_5-.Ltmp4, $4  }
0x1f3: {  	s21 =	sand.u32 @p0 $0x1FFFFF80, s21  }
0x1f4: {  	s25 =	simm.s32 @p0 $0x10800;
	s21 =	sadd.s32 @p0 s2, s21  }
0x1f5: {  	[tilespmem:s25], [sflag:$0x8] =	stream.strided.gather @p0 [hbm4b:s21+s23], $0x2000, s24, s23, $0x38;
	[tilespmem:$0x1D800] =	vst v63  }
0x1f6: {  	s21 =	simm.s32 $0x0  }
.LBB2_11:
0x1f7: {  	s21 =	sadd.s32 $0x1, s21  }
0x1f8: {  	p0 =	seq.s32 s21, s22  }
.Ltmp5:
0x1f9: {  	_ = 	snop;
	(pc) =	sbr.rel @p0 .LBB2_12-.Ltmp5, $1  }
0x1fa: {  	_ =	sdelay $0x3  }
.LBB2_5:
0x1fb: {  	s23 =	sand.u32 $0x1, s21  }
0x1fc: {  	p0 =	seq.s32 s23, $0x1;
	s23 =	simm.s32 $0x5  }
0x1fd: {  	s23 =	simm.s32 @!p0 $0x1  }
0x1fe: {  	_ =	swait.ge [sflag:s23], $0x2000  }
0x1ff: {  	s24 =	simm.s32 $0x6;
	[sflag:s23] =	ssyncset.done $0x0  }
0x200: {  	s24 =	simm.s32 @!p0 $0x2;
	[sflag:s23] =	ssyncadd.s32 $0xFFFFE000  }
0x201: {  	_ =	swait.ge [sflag:s24], $0x2000  }
0x202: {  	s23 =	simm.s32 $0x7;
	[sflag:s24] =	ssyncset.done $0x0  }
0x203: {  	s23 =	simm.s32 @!p0 $0x3;
	[sflag:s24] =	ssyncadd.s32 $0xFFFFE000  }
0x204: {  	_ =	swait.ge [sflag:s23], $0x2000  }
.Ltmp6:
0x205: {  	s24 =	simm.s32 $0x8;
	[sflag:s23] =	ssyncset.done $0x0;
	(pc) =	sbr.rel .LBB2_6-.Ltmp6, $4  }
0x206: {  	s24 =	simm.s32 @!p0 $0x4;
	[sflag:s23] =	ssyncadd.s32 $0xFFFFE000  }
0x207: {  	_ =	swait.ge [sflag:s24], $0x2000  }
0x208: {  	s31 =	sshll.u32 s21, $0x2;
	[sflag:s24] =	ssyncset.done $0x0  }
0x209: {  	v22 =	vmov s21;
	s23 =	sand.u32 $0x4, s31;
	[sflag:s24] =	ssyncadd.s32 $0xFFFFE000;
	s24 =	simm.s32 $0x0  }
.LBB2_8:
0x20a: {  	s24 =	sadd.s32 $0x1, s24  }
0x20b: {  	p1 =	sne.s32 s24, $0x16  }
.Ltmp7:
0x20c: {  	_ = 	snop;
	(pc) =	sbr.rel @!p1 .LBB2_9-.Ltmp7, $1  }
0x20d: {  	_ =	sdelay $0x3  }
.LBB2_6:
0x20e: {  	s25 =	sshll.u32 s24, $0x4  }
0x20f: {  	v23 =	vld [tilespmem:s25+$0x2500];
	_ =	sdelay $0x4  }
0x210: {  	v24 =	vshra.s32 v23, $0x2  }
0x211: {  	vm0 =	veq.s32 v24, v22  }
0x212: {  	v24 =	vsel vm0, $0x3F800000, v21  }
0x213: {  	(xrf0) =	vmax.scan.msk.f32 $0xffff, v24;
	_ =	sdelay $0x5  }
0x214: {  	v24, _, _ =	vpop (xrf0)  }
0x215: {  	(v2sf) =	vpush v24, $0xF;
	_ =	sdelay $0xe  }
0x216: {  	s26 =	spop (v2sf)  }
0x217: {  	p1 =	sgt.f32 s26, $0.0e+00  }
.Ltmp8:
0x218: {  	_ = 	snop;
	(pc) =	sbr.rel @!p1 .LBB2_8-.Ltmp8, $2  }
0x219: {  	_ =	sdelay $0x2  }
0x21a: {  	v24 =	vld [tilespmem:s25+$0x2000]  }
.LBB2_7:
0x21b: {  	v25 =	vmctz.xlane vm0;
	_ =	sdelay $0x1  }
0x21c: {  	v26 =	vbroadcast v25, $0x0;
	_ =	sdelay $0x1  }
0x21d: {  	v27 =	vshrl.u32 v26, $0x1B  }
0x21e: {  	v27 =	vand.u32 $0x10, v27  }
0x21f: {  	v27 =	vadd.s32 v26, v27  }
0x220: {  	v28 =	vperm.xlane v24, v27  }
0x221: {  	(v2sf) =	vpush v25, $0x0;
	v25 =	vperm.xlane v23, v27  }
0x222: {  	(v2sf) =	vpush v28, $0x0  }
0x223: {  	(v2sf) =	vpush v25, $0x0;
	_ =	sdelay $0xc  }
0x224: {  	s26 =	spop (v2sf)  }
0x225: {  	s28 =	spop (v2sf)  }
0x226: {  	s29 =	spop (v2sf)  }
0x227: {  	s29 =	sand.u32 $0x3, s29  }
0x228: {  	vm1 =	vne.s32 v26, v3;
	s29 =	sor.u32 s23, s29  }
0x229: {  	vm0 =	vmand vm0, vm1;
	v25 =	vmul.u32 $0x80, v3;
	s28 =	sand.u32 $0x7F, s28;
	s29 =	sshll.u32 s29, $0xD  }
0x22a: {  	v26 =	vsel vm0, $0x3F800000, v21;
	s28 =	sor.u32 s28, s29  }
0x22b: {  	(xrf0) =	vmax.scan.msk.f32 $0xffff, v26;
	v27 =	vor.u32 s28, v25;
	_ =	sdelay $0x4  }
0x22c: {  	v26 =	vld.idx.msk [tilespmem:v27+s14+$0x0], $0xffff;
	v27 =	vor.u32 $0x800, v25  }
0x22d: {  	v63, _, _ =	vpop (xrf0);
	v27 =	vor.u32 s28, v27  }
0x22e: {  	(v2sf) =	vpush v63, $0xF;
	s26 =	sadd.s32 s25, s26  }
0x22f: {  	s26 =	sshll.u32 s26, $0x9  }
0x230: {  	s26 =	sshra.s32 s26, $0x2  }
0x231: {  	[tilespmem:s26+$0x12800] =	vst v26  }
0x232: {  	v26 =	vld.idx.msk [tilespmem:v27+s14+$0x0], $0xffff;
	v27 =	vor.u32 $0x1000, v25  }
0x233: {  	v27 =	vor.u32 s28, v27;
	_ =	sdelay $0x3  }
0x234: {  	[tilespmem:s26+$0x12810] =	vst v26  }
0x235: {  	v25 =	vor.u32 $0x1800, v25;
	v26 =	vld.idx.msk [tilespmem:v27+s14+$0x0], $0xffff  }
0x236: {  	v25 =	vor.u32 s28, v25;
	_ =	sdelay $0x3  }
0x237: {  	s31 =	spop (v2sf);
	[tilespmem:s26+$0x12820] =	vst v26  }
0x238: {  	p1 =	sgt.f32 s31, $0.0e+00;
	v25 =	vld.idx.msk [tilespmem:v25+s14+$0x0], $0xffff  }
.Ltmp9:
0x239: {  	_ = 	snop;
	(pc) =	sbr.rel @p1 .LBB2_7-.Ltmp9, $2  }
0x23a: {  	_ =	sdelay $0x2  }
0x23b: {  	[tilespmem:s26+$0x12830] =	vst v25  }
.Ltmp10:
0x23c: {  	_ = 	snop;
	(pc) =	sbr.rel .LBB2_8-.Ltmp10, $1  }
0x23d: {  	_ =	sdelay $0x3  }
.LBB2_9:
0x23e: {  	s23 =	sadd.s32 $0x2, s21  }
0x23f: {  	p1 =	sge.s32 s23, s22  }
.Ltmp11:
0x240: {  	_ = 	snop;
	(pc) =	sbr.rel @p1 .LBB2_11-.Ltmp11, $1  }
0x241: {  	_ =	sdelay $0x3  }
0x242: {  	s23 =	sshll.u32 s23, $0x4  }
0x243: {  	s23 =	sshra.s32 s23, $0x2  }
0x244: {  	v22 =	vld [tilespmem:s23+$0x2680];
	_ =	sdelay $0x4  }
0x245: {  	(v2sf) =	vpush @p0 v22, $0x3  }
0x246: {  	(v2sf) =	vpush @p0 v22, $0x2  }
0x247: {  	(v2sf) =	vpush @p0 v22, $0x1  }
0x248: {  	(v2sf) =	vpush @p0 v22, $0x0;
	_ =	sdelay $0xb  }
0x249: {  	s23 =	spop @p0 (v2sf)  }
0x24a: {  	s28 =	simm.s32 @p0 $0x400;
	s24 =	spop @p0 (v2sf)  }
0x24b: {  	s29 =	simm.s32 @p0 $0x7A1400;
	p1 =	sgt.s32 @p0 s23, $0x0;
	s25 =	spop @p0 (v2sf)  }
0x24c: {  	s30 =	simm.s32 @p0 $0xA800;
	(v2sf) =	vpush @!p0 v22, $0x0;
	p1 =	por !p1, !p0;
	s26 =	spop @p0 (v2sf)  }
0x24d: {  	p2 =	sgt.s32 @p0 s25, $0x0;
	s23 =	simm.s32 @p1 $0x0;
	p3 =	sgt.s32 @p0 s26, $0x0  }
0x24e: {  	p2 =	por !p2, !p0;
	s23 =	sadd.s32 @p0 s3, s23;
	p1 =	por !p3, !p0  }
0x24f: {  	s25 =	simm.s32 @p2 $0x0;
	s26 =	simm.s32 @p1 $0x0;
	p1 =	sgt.s32 @p0 s24, $0x0  }
0x250: {  	s23 =	sshll.u32 @p0 s23, $0x7;
	p1 =	por !p1, !p0;
	s26 =	sadd.s32 @p0 s3, s26  }
0x251: {  	s25 =	sadd.s32 @p0 s3, s25;
	s24 =	simm.s32 @p1 $0x0;
	s26 =	sshll.u32 @p0 s26, $0x7  }
0x252: {  	s25 =	sshll.u32 @p0 s25, $0x7;
	s24 =	sadd.s32 @p0 s3, s24;
	s26 =	sand.u32 @p0 $0x1FFFFF80, s26  }
0x253: {  	s25 =	sand.u32 @p0 $0x1FFFFF80, s25;
	s24 =	sshll.u32 @p0 s24, $0x7;
	s26 =	sadd.s32 @p0 s2, s26  }
0x254: {  	[tilespmem:s30], [sflag:$0x5] =	stream.strided.gather @p0 [hbm4b:s26+s28], $0x2000, s29, s28, $0x38;
	[tilespmem:$0x1D800] =	vst v63  }
0x255: {  	(v2sf) =	vpush @!p0 v22, $0x1;
	s25 =	sadd.s32 @p0 s2, s25;
	s24 =	sand.u32 @p0 $0x1FFFFF80, s24;
	s26 =	simm.s32 @p0 $0xC800  }
0x256: {  	[tilespmem:s26], [sflag:$0x6] =	stream.strided.gather @p0 [hbm4b:s25+s28], $0x2000, s29, s28, $0x38;
	[tilespmem:$0x1D800] =	vst v63  }
0x257: {  	s23 =	sand.u32 @p0 $0x1FFFFF80, s23;
	s24 =	sadd.s32 @p0 s2, s24;
	s25 =	simm.s32 @p0 $0xE800  }
0x258: {  	[tilespmem:s25], [sflag:$0x7] =	stream.strided.gather @p0 [hbm4b:s24+s28], $0x2000, s29, s28, $0x38;
	[tilespmem:$0x1D800] =	vst v63  }
0x259: {  	s23 =	sadd.s32 @p0 s2, s23;
	s24 =	simm.s32 @p0 $0x10800  }
0x25a: {  	[tilespmem:s24], [sflag:$0x8] =	stream.strided.gather @p0 [hbm4b:s23+s28], $0x2000, s29, s28, $0x38;
	[tilespmem:$0x1D800] =	vst v63  }
0x25b: {  	s23 =	spop @!p0 (v2sf)  }
0x25c: {  	(v2sf) =	vpush @!p0 v22, $0x2;
	p1 =	sgt.s32 @!p0 s23, $0x0  }
0x25d: {  	p1 =	por !p1, p0  }
0x25e: {  	s23 =	simm.s32 @p1 $0x0  }
0x25f: {  	s23 =	sadd.s32 @!p0 s3, s23  }
0x260: {  	s23 =	sshll.u32 @!p0 s23, $0x7  }
0x261: {  	s26 =	simm.s32 @!p0 $0x2800;
	s23 =	sand.u32 @!p0 $0x1FFFFF80, s23  }
0x262: {  	s25 =	simm.s32 @!p0 $0x7A1400;
	s24 =	simm.s32 @!p0 $0x400;
	s23 =	sadd.s32 @!p0 s2, s23  }
0x263: {  	[tilespmem:s26], [sflag:$0x1] =	stream.strided.gather @!p0 [hbm4b:s23+s24], $0x2000, s25, s24, $0x38;
	[tilespmem:$0x1D800] =	vst v63  }
0x264: {  	s23 =	spop @!p0 (v2sf)  }
0x265: {  	p1 =	sgt.s32 @!p0 s23, $0x0  }
0x266: {  	(v2sf) =	vpush @!p0 v22, $0x3;
	p1 =	por !p1, p0  }
0x267: {  	s23 =	simm.s32 @p1 $0x0  }
0x268: {  	s23 =	sadd.s32 @!p0 s3, s23  }
0x269: {  	s23 =	sshll.u32 @!p0 s23, $0x7  }
0x26a: {  	s23 =	sand.u32 @!p0 $0x1FFFFF80, s23  }
0x26b: {  	s28 =	simm.s32 @!p0 $0x4800;
	s26 =	spop @!p0 (v2sf);
	s23 =	sadd.s32 @!p0 s2, s23  }
0x26c: {  	[tilespmem:s28], [sflag:$0x2] =	stream.strided.gather @!p0 [hbm4b:s23+s24], $0x2000, s25, s24, $0x38;
	[tilespmem:$0x1D800] =	vst v63  }
0x26d: {  	p1 =	sgt.s32 @!p0 s26, $0x0  }
0x26e: {  	p1 =	por !p1, p0  }
0x26f: {  	s26 =	simm.s32 @p1 $0x0  }
0x270: {  	s23 =	sadd.s32 @!p0 s3, s26  }
0x271: {  	s23 =	sshll.u32 @!p0 s23, $0x7  }
0x272: {  	s23 =	sand.u32 @!p0 $0x1FFFFF80, s23  }
0x273: {  	s26 =	simm.s32 @!p0 $0x6800;
	s23 =	sadd.s32 @!p0 s2, s23  }
0x274: {  	[tilespmem:s26], [sflag:$0x3] =	stream.strided.gather @!p0 [hbm4b:s23+s24], $0x2000, s25, s24, $0x38;
	[tilespmem:$0x1D800] =	vst v63  }
0x275: {  	s23 =	spop @!p0 (v2sf)  }
0x276: {  	p1 =	sgt.s32 @!p0 s23, $0x0  }
0x277: {  	p1 =	por !p1, p0  }
0x278: {  	s23 =	simm.s32 @p1 $0x0  }
.Ltmp12:
0x279: {  	s23 =	sadd.s32 @!p0 s3, s23;
	(pc) =	sbr.rel .LBB2_11-.Ltmp12, $4  }
0x27a: {  	s23 =	sshll.u32 @!p0 s23, $0x7  }
0x27b: {  	s23 =	sand.u32 @!p0 $0x1FFFFF80, s23  }
0x27c: {  	s26 =	simm.s32 @!p0 $0x8800;
	s23 =	sadd.s32 @!p0 s2, s23  }
0x27d: {  	[tilespmem:s26], [sflag:$0x4] =	stream.strided.gather @!p0 [hbm4b:s23+s24], $0x2000, s25, s24, $0x38;
	[tilespmem:$0x1D800] =	vst v63  }
.LBB2_12:
0x27e: {  	p0 =	sgt.s32 s20, $0x0  }
.Ltmp13:
0x27f: {  	_ = 	snop;
	(pc) =	sbr.rel @!p0 .LBB2_22-.Ltmp13, $1  }
0x280: {  	_ =	sdelay $0x3  }
0x281: {  	p0 =	slt.s32 s20, $0x160;
	s22 =	smov.u32 s20  }
0x282: {  	s22 =	simm.s32 @!p0 $0x160  }
0x283: {  	p1 =	sne.s32 s22, $0x1  }
.Ltmp14:
0x284: {  	_ = 	snop;
	(pc) =	sbr.rel @!p1 .LBB2_14-.Ltmp14, $3  }
0x285: {  	_ =	sdelay $0x1  }
0x286: {  	s24 =	simm.s32 $0x0  }
0x287: {  	s21 =	simm.s32 $0x12800;
	s23 =	simm.s32 $0x1;
	p0 =	por $0x0, $0x0  }
0x288: {  	s25 =	sand.u32 $0x7FFFFFF0, s24  }
0x289: {  	v22 =	vld [tilespmem:s25+$0x2180];
	_ =	sdelay $0x3  }
0x28a: {  	v23 =	vmov s24  }
0x28b: {  	v22 =	vperm.xlane v22, v23;
	_ =	sdelay $0x1  }
0x28c: {  	(v2sf) =	vpush v22, $0x0;
	_ =	sdelay $0xe  }
0x28d: {  	p1 =	sne.s32 s22, $0x2;
	s31 =	spop (v2sf)  }
.Ltmp15:
0x28e: {  	s24 =	sshll.u32 s31, $0x4;
	(pc) =	sbr.rel @!p1 .LBB2_16-.Ltmp15, $4  }
0x28f: {  	p2 =	por $0x1, $0x1;
	s24 =	sand.u32 $0x1FFFFFF0, s24  }
0x290: {  	p0 =	por $0x1, $0x1;
	s25 =	simm.s32 @!p2 $0x9;
	s24 =	sadd.s32 s6, s24  }
0x291: {  	[hbm4b:s24+s4] =	stream.linear.scatter [tilespmem:s21], [sflag:$0x9], $0x80, $0x38;
	[tilespmem:$0x1D800] =	vst v63  }
0x292: {  	s24 =	simm.s32 $0x2;
	s21 =	simm.s32 $0x12880;
	_ =	swait.ge @!p2 [sflag:s25], $0x80  }
.LBB2_17:
0x293: {  	s26 =	sand.u32 $0x7FFFFFF0, s23  }
0x294: {  	[sflag:s25] =	ssyncset.done @!p2 $0x0;
	s28 =	smov.u32 s24;
	s24 =	sadd.s32 $0x1, s24  }
0x295: {  	p1 =	sne.s32 s22, s24;
	[sflag:s25] =	ssyncadd.s32 @!p2 $0xFFFFFF80  }
0x296: {  	v22 =	vld [tilespmem:s26+$0x2180];
	_ =	sdelay $0x2  }
0x297: {  	v23 =	vmov s23;
	_ =	sdelay $0x1  }
0x298: {  	v22 =	vperm.xlane v22, v23;
	_ =	sdelay $0x1  }
0x299: {  	(v2sf) =	vpush v22, $0x0;
	_ =	sdelay $0xe  }
0x29a: {  	s25 =	spop (v2sf)  }
.Ltmp16:
0x29b: {  	s25 =	sshll.u32 s25, $0x4;
	(pc) =	sbr.rel @p1 .LBB2_17-.Ltmp16, $4  }
0x29c: {  	p2 =	slt.u32 s23, $0x20;
	s23 =	smov.u32 s28;
	s25 =	sand.u32 $0x1FFFFFF0, s25  }
0x29d: {  	s26 =	sadd.s32 s6, s25;
	s25 =	simm.s32 @!p2 $0x9  }
0x29e: {  	[hbm4b:s26+s4] =	stream.linear.scatter [tilespmem:s21], [sflag:$0x9], $0x80, $0x38;
	[tilespmem:$0x1D800] =	vst v63  }
0x29f: {  	s21 =	sadd.s32 $0x80, s21;
	_ =	swait.ge @!p2 [sflag:s25], $0x80  }
0x2a0: {  	s24 =	smov.u32 s23  }
.LBB2_19:
0x2a1: {  	p0 =	por p2, !p0  }
0x2a2: {  	[sflag:s25] =	ssyncset.done @!p0 $0x0  }
0x2a3: {  	s22 =	sand.u32 $0x7FFFFFF0, s24;
	[sflag:s25] =	ssyncadd.s32 @!p0 $0xFFFFFF80  }
0x2a4: {  	v22 =	vld [tilespmem:s22+$0x2180];
	_ =	sdelay $0x3  }
0x2a5: {  	v23 =	vmov s24  }
0x2a6: {  	v22 =	vperm.xlane v22, v23;
	_ =	sdelay $0x1  }
0x2a7: {  	(v2sf) =	vpush v22, $0x0;
	_ =	sdelay $0xe  }
0x2a8: {  	s31 =	spop (v2sf)  }
0x2a9: {  	s22 =	sshll.u32 s31, $0x4  }
0x2aa: {  	p0 =	slt.u32 s24, $0x20;
	s22 =	sand.u32 $0x1FFFFFF0, s22  }
0x2ab: {  	s23 =	simm.s32 @!p0 $0x9;
	s22 =	sadd.s32 s6, s22  }
0x2ac: {  	[hbm4b:s22+s4] =	stream.linear.scatter [tilespmem:s21], [sflag:$0x9], $0x80, $0x38;
	[tilespmem:$0x1D800] =	vst v63  }
0x2ad: {  	_ =	swait.ge @!p0 [sflag:s23], $0x80  }
0x2ae: {  	s20 =	smin.u32 s20, $0x20;
	[sflag:s23] =	ssyncset.done @!p0 $0x0  }
0x2af: {  	[sflag:s23] =	ssyncadd.s32 @!p0 $0xFFFFFF80;
	p0 =	sne.s32 s20, $0x1  }
.Ltmp17:
0x2b0: {  	_ = 	snop;
	(pc) =	sbr.rel @!p0 .LBB2_21-.Ltmp17, $3  }
0x2b1: {  	_ =	sdelay $0x1  }
0x2b2: {  	_ =	swait.ge [sflag:s18], $0x80  }
0x2b3: {  	s20 =	sadd.s32 $0xFFFFFFFF, s20;
	[sflag:s18] =	ssyncset.done $0x0  }
.LBB2_20:
0x2b4: {  	p0 =	sne.s32 s20, $0x1;
	s20 =	sadd.s32 $0xFFFFFFFF, s20;
	[sflag:s18] =	ssyncadd.s32 $0xFFFFFF80  }
.Ltmp18:
0x2b5: {  	(pc) =	sbr.rel @p0 .LBB2_20-.Ltmp18, $3  }
0x2b6: {  	_ =	sdelay $0x1  }
0x2b7: {  	_ =	swait.ge [sflag:s18], $0x80  }
0x2b8: {  	[sflag:s18] =	ssyncset.done $0x0  }
.Ltmp19:
0x2b9: {  	_ = 	snop;
	(pc) =	sbr.rel .LBB2_21-.Ltmp19, $1  }
0x2ba: {  	_ =	sdelay $0x3  }
.LBB2_14:
.Ltmp20:
0x2bb: {  	(pc) =	sbr.rel .LBB2_19-.Ltmp20, $2  }
0x2bc: {  	_ =	sdelay $0x2  }
0x2bd: {  	_ = 	snop  }
.LBB2_16:
.Ltmp21:
0x2be: {  	(pc) =	sbr.rel .LBB2_19-.Ltmp21, $2  }
0x2bf: {  	_ =	sdelay $0x2  }
0x2c0: {  	s24 =	simm.s32 $0x1  }
.LBB2_23:
0x2c1: {  	_ =	sfence.sel $0x180000  }
0x2c2: {  	[bflag:$0x0] =	sbarrier.arrive $0xFFFF  }
0x2c3: {  	p0 =	sne.s32 s0, $0x0;
	_ =	strace $0x90000047  }
0x2c4: {  	s0 =	sadd.s32 @!p0 $0x100000, s1;
	[bflag:$0x2] =	sbarrier.arrive $0xFFFF  }
0x2c5: {  	[sflag:s0] =	ssyncadd.tile.s32 @!p0 $0x1;
	_ =	shalt  }
.Lfunc_end2:
_tile_overlayer_lowered:
.L_overlay_start_2:
0x2c6: {  	(tag) =	ssettag $0x2  }
0x2c7: {  	s0 =	rddreg [dreg:$0x0];
	s2 =	stileid.u32  }
0x2c8: {  	s1 =	rddreg [dreg:$0x1];
	p0 =	sne.s32 s2, $0x0  }
0x2c9: {  	s3 =	rddreg [dreg:$0x2];
	[bflag:$0x3] =	sbarrier.arrive $0xFFFF;
	s2 =	simm.s32 @!p0 $0x1C0A  }
0x2ca: {  	[timem:s3], [sflag:s2] =	dma.local @!p0 [hbm:s0], s1  }
0x2cb: {  	s0 =	simm.s32 @!p0 $0xA  }
0x2cc: {  	_ =	swait.ge @!p0 [sflag:s0], s1  }
0x2cd: {  	s1 =	ssub.s32 @!p0 $0x0, s1;
	[sflag:s0] =	ssyncset.done @!p0 $0x0  }
0x2ce: {  	[sflag:s0] =	ssyncadd.s32 @!p0 s1  }
0x2cf: {  	[bflag:$0x3] =	sbarrier.arrive $0xFFFF  }
0x2d0: {  	_ =	shalt  }

</sc_bundles>
